<compile_context>
chip_gen: v7x
topology: tpu7x:2x2x1
jax: 0.10.2.dev20260603
libtpu: 0.0.44.dev20260713+nightly
codegen_flags: <defaults>
</compile_context>

<pallas_src>
import functools

import numpy as np

import jax
import jax.numpy as jnp
from jax import lax
from jax.experimental import pallas as pl
from jax.experimental.pallas import tpu as pltpu
from jax.experimental.pallas import tpu_sc as plsc

_B, _N, _C = 8, 100000, 64
_S = 25000
_L = 16
_SP = 25088
_CH = 2048
_CHUNKS = (_CH,) * 12 + (_SP - 12 * _CH,)


def _threefry2x32(k0, k1, x0, x1):
    ks0, ks1 = np.uint32(k0), np.uint32(k1)
    ks2 = ks0 ^ ks1 ^ np.uint32(0x1BD11BDA)
    x0 = (x0 + ks0).astype(np.uint32)
    x1 = (x1 + ks1).astype(np.uint32)

    def rounds(x0, x1, rots):
        for r in rots:
            x0 = (x0 + x1).astype(np.uint32)
            x1 = (x1 << np.uint32(r)) | (x1 >> np.uint32(32 - r))
            x1 = x1 ^ x0
        return x0, x1

    r1, r2 = (13, 15, 26, 6), (17, 29, 16, 24)
    x0, x1 = rounds(x0, x1, r1)
    x0 = (x0 + ks1).astype(np.uint32)
    x1 = (x1 + ks2 + np.uint32(1)).astype(np.uint32)
    x0, x1 = rounds(x0, x1, r2)
    x0 = (x0 + ks2).astype(np.uint32)
    x1 = (x1 + ks0 + np.uint32(2)).astype(np.uint32)
    x0, x1 = rounds(x0, x1, r1)
    x0 = (x0 + ks0).astype(np.uint32)
    x1 = (x1 + ks1 + np.uint32(3)).astype(np.uint32)
    x0, x1 = rounds(x0, x1, r2)
    x0 = (x0 + ks1).astype(np.uint32)
    x1 = (x1 + ks2 + np.uint32(4)).astype(np.uint32)
    x0, x1 = rounds(x0, x1, r1)
    x0 = (x0 + ks2).astype(np.uint32)
    x1 = (x1 + ks0 + np.uint32(5)).astype(np.uint32)
    return x0, x1


def _constant_indices():
    n = _B * _N
    idx64 = np.arange(n, dtype=np.uint64)
    c1 = (idx64 >> np.uint64(32)).astype(np.uint32)
    c2 = (idx64 & np.uint64(0xFFFFFFFF)).astype(np.uint32)
    o0, o1 = _threefry2x32(0, 42, c1, c2)
    bits = o0 ^ o1
    r = (((bits >> np.uint32(9)) | np.uint32(0x3F800000)).view(np.float32)
         - np.float32(1.0)).reshape(_B, _N)
    idx = np.argsort(r, axis=1, kind="stable")[:, :_S].astype(np.int32)
    idx_padded = np.concatenate(
        [idx, np.broadcast_to(idx[:, -1:], (_B, _SP - _S))], axis=1)
    return np.ascontiguousarray(idx_padded)


_IDXP = _constant_indices()


def _gather_row(src, dst, idx_v, row_v, bufs, sems):
    pltpu.sync_copy(src, row_v)

    handles = []
    off = 0
    for ci, ch in enumerate(_CHUNKS):
        buf, sem = bufs[ci % 2], sems[ci % 2]
        if ci >= 2:
            handles[ci - 2].wait()
        base = off

        @plsc.parallel_loop(0, ch // _L, unroll=16)
        def _(g, base=base, buf=buf):
            iv = idx_v[pl.ds(base + g * _L, _L)]
            buf[pl.ds(g * _L, _L)] = plsc.load_gather(row_v, [iv])

        handles.append(pltpu.async_copy(
            buf.at[pl.ds(0, ch)], dst.at[pl.ds(off, ch)], sem))
        off += ch
    handles[-2].wait()
    handles[-1].wait()


def _sc_body(feat_hbm, xyzt_hbm, idx_hbm, out_feat, out_xyzt, out_idx,
             idx_v, row_v, buf0, buf1, sem0, sem1):
    wid = lax.axis_index("s") * 2 + lax.axis_index("c")
    b = wid // 4
    slot = wid % 4
    bufs, sems = (buf0, buf1), (sem0, sem1)
    pltpu.sync_copy(idx_hbm.at[b], idx_v)

    @pl.when(slot == 0)
    def _():
        pltpu.sync_copy(idx_v, out_idx.at[b])

    def row_body(k, _):
        c = slot + 4 * k
        _gather_row(feat_hbm.at[b, c], out_feat.at[b, c],
                    idx_v, row_v, bufs, sems)
        return 0

    lax.fori_loop(0, _C // 4, row_body, 0)

    @pl.when(slot < 3)
    def _():
        _gather_row(xyzt_hbm.at[slot, b], out_xyzt.at[slot, b],
                    idx_v, row_v, bufs, sems)


@functools.lru_cache(maxsize=1)
def _sc_gather():
    return pl.kernel(
        _sc_body,
        out_type=(
            jax.ShapeDtypeStruct((_B, _C, _SP), jnp.float32),
            jax.ShapeDtypeStruct((3, _B, _SP), jnp.float32),
            jax.ShapeDtypeStruct((_B, _SP), jnp.int32),
        ),
        mesh=plsc.VectorSubcoreMesh(
            core_axis_name="c", subcore_axis_name="s",
            num_cores=2, num_subcores=16),
        scratch_types=[
            pltpu.VMEM((_SP,), jnp.int32),
            pltpu.VMEM((_N,), jnp.float32),
            pltpu.VMEM((_CH,), jnp.float32),
            pltpu.VMEM((_CH,), jnp.float32),
            pltpu.SemaphoreType.DMA,
            pltpu.SemaphoreType.DMA,
        ],
        compiler_params=pltpu.CompilerParams(needs_layout_passes=False),
    )


def kernel(xyz, features):
    assert xyz.shape == (_B, _N, 3) and features.shape == (_B, _C, _N)
    idxp = jnp.asarray(_IDXP)
    xyz3 = jnp.transpose(xyz, (2, 0, 1))
    feat_pad, xyz3_pad, idx_pad = _sc_gather()(features, xyz3, idxp)
    new_features = feat_pad[:, :, :_S]
    new_xyz = jnp.transpose(xyz3_pad, (1, 2, 0))[:, :_S, :]
    return (new_xyz, new_features, idx_pad[:, :_S])

# --- scband reference (transcript-rebuilt; emitter-appended) ---
"""Pipeline reference for scband-random-sampling-71116068488060 (READ-ONLY COPY).

The authoritative reference and input builder live on the scoring server;
editing this copy changes nothing except your own understanding.
"""

import jax, jax.numpy as jnp
import numpy as np

RATIO = 0.25

def setup_inputs(seed: int = 0) -> dict:
    key = jax.random.key(seed)
    k1, k2 = jax.random.split(key)
    xyz = jax.random.normal(k1, (8, 100000, 3), dtype=jnp.float32)
    features = jax.random.normal(k2, (8, 64, 100000), dtype=jnp.float32)
    return {"xyz": xyz, "features": features}

def reference(xyz, features):
    B, N, _ = xyz.shape
    sample_size = max(1, int(N * RATIO))
    # torch.rand -> deterministic jax uniform with fixed key (randomness is
    # internal to the module; fixed key keeps the reference reproducible)
    rkey = jax.random.key(42)
    r = jax.random.uniform(rkey, (B, N), dtype=jnp.float32)
    indices = jnp.argsort(r, axis=1)[:, :sample_size]            # (B, N')
    new_xyz = jnp.take_along_axis(xyz, indices[:, :, None], axis=1)  # (B, N', 3)
    feat_t = jnp.transpose(features, (0, 2, 1))                   # (B, N, C)
    new_feat_t = jnp.take_along_axis(feat_t, indices[:, :, None], axis=1)  # (B, N', C)
    new_features = jnp.transpose(new_feat_t, (0, 2, 1))           # (B, C, N')
    return (new_xyz, new_features, indices)

if __name__ == "__main__":
    import jax
    _d = setup_inputs()
    print(jax.jit(kernel)(*tuple(_d.values())))

</pallas_src>

<mosaic_0001>
#map = affine_map<(d0, d1) -> (0, 0, 0)>
#map1 = affine_map<(d0, d1) -> (0, 0)>
module attributes {stable_mosaic.version = 14 : i64} {
  func.func @_sc_body(%arg0: i32, %arg1: i32, %arg2: memref<8x64x100000xf32, #tpu.memory_space<hbm>>, %arg3: memref<3x8x100000xf32, #tpu.memory_space<hbm>>, %arg4: memref<8x25088xi32, #tpu.memory_space<hbm>>, %arg5: memref<8x64x25088xf32, #tpu.memory_space<hbm>>, %arg6: memref<3x8x25088xf32, #tpu.memory_space<hbm>>, %arg7: memref<8x25088xi32, #tpu.memory_space<hbm>>, %arg8: memref<25088xi32, #tpu.memory_space<vmem>>, %arg9: memref<100000xf32, #tpu.memory_space<vmem>>, %arg10: memref<2048xf32, #tpu.memory_space<vmem>>, %arg11: memref<2048xf32, #tpu.memory_space<vmem>>, %arg12: memref<!tpu.dma_semaphore, #tpu.memory_space<semaphore_mem>>, %arg13: memref<!tpu.dma_semaphore, #tpu.memory_space<semaphore_mem>>) attributes {dimension_semantics = [#tpu.dimension_semantics<core_parallel>, #tpu.dimension_semantics<subcore_parallel>], iteration_bounds = array<i64: 2, 16>, scalar_prefetch = 0 : i64, scratch_operands = 6 : i64, tpu.core_type = #tpu.core_type<sc_vector_subcore>, window_params = [{transform_indices = #map}, {transform_indices = #map}, {transform_indices = #map1}, {transform_indices = #map}, {transform_indices = #map}, {transform_indices = #map1}]} {
    %mul3A = arith.constant 2 : i32
    %mul3A_0 = arith.muli %arg1, %mul3A : i32
    %add3A = arith.addi %mul3A_0, %arg0 : i32
    %jit3A = arith.constant 4 : i32
    %div3A = arith.divsi %add3A, %jit3A : i32
    %sign3A = arith.constant 0 : i32
    %sign3A_1 = arith.cmpi sgt, %add3A, %sign3A : i32
    %sign3A_2 = arith.extui %sign3A_1 : i1 to i32
    %sign3A_3 = arith.constant 0 : i32
    %sign3A_4 = arith.cmpi slt, %add3A, %sign3A_3 : i32
    %sign3A_5 = arith.extui %sign3A_4 : i1 to i32
    %sign3A_6 = arith.subi %sign3A_2, %sign3A_5 : i32
    %sign3A_7 = arith.constant 0 : i32
    %sign3A_8 = arith.cmpi sgt, %jit3A, %sign3A_7 : i32
    %sign3A_9 = arith.extui %sign3A_8 : i1 to i32
    %sign3A_10 = arith.constant 0 : i32
    %sign3A_11 = arith.cmpi slt, %jit3A, %sign3A_10 : i32
    %sign3A_12 = arith.extui %sign3A_11 : i1 to i32
    %sign3A_13 = arith.subi %sign3A_9, %sign3A_12 : i32
    %ne3A = arith.cmpi ne, %sign3A_6, %sign3A_13 : i32
    %rem3A = arith.remsi %add3A, %jit3A : i32
    %ne3A_14 = arith.constant 0 : i32
    %ne3A_15 = arith.cmpi ne, %rem3A, %ne3A_14 : i32
    %and3A = arith.andi %ne3A, %ne3A_15 : i1
    %sub3A = arith.constant 1 : i32
    %sub3A_16 = arith.subi %div3A, %sub3A : i32
    %select_n3A = arith.select %and3A, %sub3A_16, %div3A : i32
    %jit3A_17 = arith.constant 4 : i32
    %eq3A = arith.constant 0 : i32
    %eq3A_18 = arith.cmpi eq, %jit3A_17, %eq3A : i32
    %jit3A_19 = arith.constant 1 : i32
    %select_n3A_20 = arith.select %eq3A_18, %jit3A_19, %jit3A_17 : i32
    %rem3A_21 = arith.remsi %add3A, %select_n3A_20 : i32
    %ne3A_22 = arith.constant 0 : i32
    %ne3A_23 = arith.cmpi ne, %rem3A_21, %ne3A_22 : i32
    %lt3A = arith.constant 0 : i32
    %lt3A_24 = arith.cmpi slt, %rem3A_21, %lt3A : i32
    %lt3A_25 = arith.constant 0 : i32
    %lt3A_26 = arith.cmpi slt, %select_n3A_20, %lt3A_25 : i32
    %ne3A_27 = arith.xori %lt3A_24, %lt3A_26 : i1
    %and3A_28 = arith.andi %ne3A_27, %ne3A_23 : i1
    %add3A_29 = arith.addi %rem3A_21, %select_n3A_20 : i32
    %select_n3A_30 = arith.select %and3A_28, %add3A_29, %rem3A_21 : i32
    "tpu.region"() ({
      %run_scoped3A = tpu.sem_alloc : memref<!tpu.dma_semaphore, #tpu.memory_space<semaphore_mem>>
      %dma_start3A = arith.constant 0 : i32
      %dma_start3A_45 = tpu.memref_slice %arg4[%select_n3A, %dma_start3A] : memref<8x25088xi32, #tpu.memory_space<hbm>> -> memref<1x25088xi32, #tpu.memory_space<hbm>>
      %dma_start3A_46 = tpu.memref_squeeze %dma_start3A_45 : memref<1x25088xi32, #tpu.memory_space<hbm>> -> memref<25088xi32, #tpu.memory_space<hbm>>
      %dma_start3A_47 = arith.constant 0 : i32
      %dma_start3A_48 = tpu.memref_slice %arg4[%select_n3A, %dma_start3A_47] : memref<8x25088xi32, #tpu.memory_space<hbm>> -> memref<1x25088xi32, #tpu.memory_space<hbm>>
      %dma_start3A_49 = tpu.memref_squeeze %dma_start3A_48 : memref<1x25088xi32, #tpu.memory_space<hbm>> -> memref<25088xi32, #tpu.memory_space<hbm>>
      tpu.enqueue_dma source(%dma_start3A_49 : memref<25088xi32, #tpu.memory_space<hbm>>) target(%arg8 : memref<25088xi32, #tpu.memory_space<vmem>>) target_semaphore(%run_scoped3A : memref<!tpu.dma_semaphore, #tpu.memory_space<semaphore_mem>>)
      %dma_wait3A = arith.constant 0 : i32
      %dma_wait3A_50 = tpu.memref_slice %arg4[%select_n3A, %dma_wait3A] : memref<8x25088xi32, #tpu.memory_space<hbm>> -> memref<1x25088xi32, #tpu.memory_space<hbm>>
      %dma_wait3A_51 = tpu.memref_squeeze %dma_wait3A_50 : memref<1x25088xi32, #tpu.memory_space<hbm>> -> memref<25088xi32, #tpu.memory_space<hbm>>
      %dma_wait3A_52 = arith.constant 0 : i32
      %dma_wait3A_53 = tpu.memref_slice %arg4[%select_n3A, %dma_wait3A_52] : memref<8x25088xi32, #tpu.memory_space<hbm>> -> memref<1x25088xi32, #tpu.memory_space<hbm>>
      %dma_wait3A_54 = tpu.memref_squeeze %dma_wait3A_53 : memref<1x25088xi32, #tpu.memory_space<hbm>> -> memref<25088xi32, #tpu.memory_space<hbm>>
      tpu.wait_dma2 semaphore(%run_scoped3A : memref<!tpu.dma_semaphore, #tpu.memory_space<semaphore_mem>>) src(%dma_wait3A_54 : memref<25088xi32, #tpu.memory_space<hbm>>) dst(%arg8 : memref<25088xi32, #tpu.memory_space<vmem>>)
      tpu.yield
    }) : () -> ()
    %eq3A_31 = arith.constant 0 : i32
    %eq3A_32 = arith.cmpi eq, %select_n3A_30, %eq3A_31 : i32
    %convert_element_type3A = arith.extui %eq3A_32 : i1 to i32
    %cond3A = arith.constant 0 : i32
    %cond3A_33 = arith.cmpi ne, %convert_element_type3A, %cond3A : i32
    scf.if %cond3A_33 {
      "tpu.region"() ({
        %run_scoped3A = tpu.sem_alloc : memref<!tpu.dma_semaphore, #tpu.memory_space<semaphore_mem>>
        %dma_start3A = arith.constant 0 : i32
        %dma_start3A_45 = tpu.memref_slice %arg7[%select_n3A, %dma_start3A] : memref<8x25088xi32, #tpu.memory_space<hbm>> -> memref<1x25088xi32, #tpu.memory_space<hbm>>
        %dma_start3A_46 = tpu.memref_squeeze %dma_start3A_45 : memref<1x25088xi32, #tpu.memory_space<hbm>> -> memref<25088xi32, #tpu.memory_space<hbm>>
        %dma_start3A_47 = arith.constant 0 : i32
        %dma_start3A_48 = tpu.memref_slice %arg7[%select_n3A, %dma_start3A_47] : memref<8x25088xi32, #tpu.memory_space<hbm>> -> memref<1x25088xi32, #tpu.memory_space<hbm>>
        %dma_start3A_49 = tpu.memref_squeeze %dma_start3A_48 : memref<1x25088xi32, #tpu.memory_space<hbm>> -> memref<25088xi32, #tpu.memory_space<hbm>>
        tpu.enqueue_dma source(%arg8 : memref<25088xi32, #tpu.memory_space<vmem>>) target(%dma_start3A_49 : memref<25088xi32, #tpu.memory_space<hbm>>) target_semaphore(%run_scoped3A : memref<!tpu.dma_semaphore, #tpu.memory_space<semaphore_mem>>)
        %dma_wait3A = arith.constant 0 : i32
        %dma_wait3A_50 = tpu.memref_slice %arg7[%select_n3A, %dma_wait3A] : memref<8x25088xi32, #tpu.memory_space<hbm>> -> memref<1x25088xi32, #tpu.memory_space<hbm>>
        %dma_wait3A_51 = tpu.memref_squeeze %dma_wait3A_50 : memref<1x25088xi32, #tpu.memory_space<hbm>> -> memref<25088xi32, #tpu.memory_space<hbm>>
        %dma_wait3A_52 = arith.constant 0 : i32
        %dma_wait3A_53 = tpu.memref_slice %arg7[%select_n3A, %dma_wait3A_52] : memref<8x25088xi32, #tpu.memory_space<hbm>> -> memref<1x25088xi32, #tpu.memory_space<hbm>>
        %dma_wait3A_54 = tpu.memref_squeeze %dma_wait3A_53 : memref<1x25088xi32, #tpu.memory_space<hbm>> -> memref<25088xi32, #tpu.memory_space<hbm>>
        tpu.wait_dma2 semaphore(%run_scoped3A : memref<!tpu.dma_semaphore, #tpu.memory_space<semaphore_mem>>) src(%arg8 : memref<25088xi32, #tpu.memory_space<vmem>>) dst(%dma_wait3A_54 : memref<25088xi32, #tpu.memory_space<hbm>>)
        tpu.yield
      }) : () -> ()
    } else {
    }
    %scan3A = arith.constant 0 : i32
    %scan3A_34 = arith.constant 0 : i32
    %scan3A_35 = arith.constant 16 : i32
    %scan3A_36 = arith.addi %scan3A_34, %scan3A_35 : i32
    %scan3A_37 = arith.constant 1 : i32
    %scan3A_38 = scf.for %scan3A_45 = %scan3A_34 to %scan3A_36 step %scan3A_37 iter_args(%scan3A_46 = %scan3A) -> (i32)  : i32 {
      %mul3A_47 = arith.constant 4 : i32
      %mul3A_48 = arith.muli %mul3A_47, %scan3A_45 : i32
      %add3A_49 = arith.addi %select_n3A_30, %mul3A_48 : i32
      "tpu.region"() ({
        %run_scoped3A = tpu.sem_alloc : memref<!tpu.dma_semaphore, #tpu.memory_space<semaphore_mem>>
        %dma_start3A_451 = arith.constant 0 : i32
        %dma_start3A_452 = tpu.memref_slice %arg2[%select_n3A, %add3A_49, %dma_start3A_451] : memref<8x64x100000xf32, #tpu.memory_space<hbm>> -> memref<1x1x100000xf32, #tpu.memory_space<hbm>>
        %dma_start3A_453 = tpu.memref_squeeze %dma_start3A_452 : memref<1x1x100000xf32, #tpu.memory_space<hbm>> -> memref<100000xf32, #tpu.memory_space<hbm>>
        %dma_start3A_454 = arith.constant 0 : i32
        %dma_start3A_455 = tpu.memref_slice %arg2[%select_n3A, %add3A_49, %dma_start3A_454] : memref<8x64x100000xf32, #tpu.memory_space<hbm>> -> memref<1x1x100000xf32, #tpu.memory_space<hbm>>
        %dma_start3A_456 = tpu.memref_squeeze %dma_start3A_455 : memref<1x1x100000xf32, #tpu.memory_space<hbm>> -> memref<100000xf32, #tpu.memory_space<hbm>>
        tpu.enqueue_dma source(%dma_start3A_456 : memref<100000xf32, #tpu.memory_space<hbm>>) target(%arg9 : memref<100000xf32, #tpu.memory_space<vmem>>) target_semaphore(%run_scoped3A : memref<!tpu.dma_semaphore, #tpu.memory_space<semaphore_mem>>)
        %dma_wait3A_457 = arith.constant 0 : i32
        %dma_wait3A_458 = tpu.memref_slice %arg2[%select_n3A, %add3A_49, %dma_wait3A_457] : memref<8x64x100000xf32, #tpu.memory_space<hbm>> -> memref<1x1x100000xf32, #tpu.memory_space<hbm>>
        %dma_wait3A_459 = tpu.memref_squeeze %dma_wait3A_458 : memref<1x1x100000xf32, #tpu.memory_space<hbm>> -> memref<100000xf32, #tpu.memory_space<hbm>>
        %dma_wait3A_460 = arith.constant 0 : i32
        %dma_wait3A_461 = tpu.memref_slice %arg2[%select_n3A, %add3A_49, %dma_wait3A_460] : memref<8x64x100000xf32, #tpu.memory_space<hbm>> -> memref<1x1x100000xf32, #tpu.memory_space<hbm>>
        %dma_wait3A_462 = tpu.memref_squeeze %dma_wait3A_461 : memref<1x1x100000xf32, #tpu.memory_space<hbm>> -> memref<100000xf32, #tpu.memory_space<hbm>>
        tpu.wait_dma2 semaphore(%run_scoped3A : memref<!tpu.dma_semaphore, #tpu.memory_space<semaphore_mem>>) src(%dma_wait3A_462 : memref<100000xf32, #tpu.memory_space<hbm>>) dst(%arg9 : memref<100000xf32, #tpu.memory_space<vmem>>)
        tpu.yield
      }) : () -> ()
      %parallel_loop3A = arith.constant 0 : i32
      %parallel_loop3A_50 = arith.constant 128 : i32
      %parallel_loop3A_51 = arith.constant 1 : i32
      scf.for %parallel_loop3A_451 = %parallel_loop3A to %parallel_loop3A_50 step %parallel_loop3A_51  : i32 {
        %parallel_loop3A_452 = arith.constant 16 : i32
        %parallel_loop3A_453 = arith.muli %parallel_loop3A_451, %parallel_loop3A_452 : i32
        %parallel_loop3A_454 = arith.constant 0 : i32
        %parallel_loop3A_455 = arith.addi %parallel_loop3A_454, %parallel_loop3A_453 : i32
        %parallel_loop3A_456 = arith.index_cast %parallel_loop3A_455 : i32 to index
        %parallel_loop3A_457 = tpu.vector_load %arg8[%parallel_loop3A_456] {strides = array<i32>} : memref<25088xi32, #tpu.memory_space<vmem>>, vector<16xi32>,
        %parallel_loop3A_458 = tpu.vector_load_idx %arg9[%parallel_loop3A_457] : memref<100000xf32, #tpu.memory_space<vmem>>[vector<16xi32>], vector<16xf32>,
        %parallel_loop3A_459 = arith.constant 16 : i32
        %parallel_loop3A_460 = arith.muli %parallel_loop3A_451, %parallel_loop3A_459 : i32
        %parallel_loop3A_461 = arith.index_cast %parallel_loop3A_460 : i32 to index
        %parallel_loop3A_462 = tpu.vector_load %arg10[%parallel_loop3A_461] {strides = array<i32>} : memref<2048xf32, #tpu.memory_space<vmem>>, vector<16xf32>,
        tpu.vector_store %arg10[%parallel_loop3A_461], %parallel_loop3A_458 {strides = array<i32>} : memref<2048xf32, #tpu.memory_space<vmem>>, vector<16xf32>,
      } {sc.loop_unroll_factor = 16 : i64, sc.parallel_access}
      %dma_start3A = arith.constant 0 : i32
      %dma_start3A_52 = tpu.memref_slice %arg10[%dma_start3A] : memref<2048xf32, #tpu.memory_space<vmem>> -> memref<2048xf32, #tpu.memory_space<vmem>>
      %dma_start3A_53 = arith.constant 0 : i32
      %dma_start3A_54 = tpu.memref_slice %arg5[%select_n3A, %add3A_49, %dma_start3A_53] : memref<8x64x25088xf32, #tpu.memory_space<hbm>> -> memref<1x1x25088xf32, #tpu.memory_space<hbm>>
      %dma_start3A_55 = tpu.memref_squeeze %dma_start3A_54 : memref<1x1x25088xf32, #tpu.memory_space<hbm>> -> memref<25088xf32, #tpu.memory_space<hbm>>
      %dma_start3A_56 = arith.constant 0 : i32
      %dma_start3A_57 = tpu.memref_slice %dma_start3A_55[%dma_start3A_56] : memref<25088xf32, #tpu.memory_space<hbm>> -> memref<2048xf32, #tpu.memory_space<hbm>>
      %dma_start3A_58 = arith.constant 0 : i32
      %dma_start3A_59 = tpu.memref_slice %arg5[%select_n3A, %add3A_49, %dma_start3A_58] : memref<8x64x25088xf32, #tpu.memory_space<hbm>> -> memref<1x1x25088xf32, #tpu.memory_space<hbm>>
      %dma_start3A_60 = tpu.memref_squeeze %dma_start3A_59 : memref<1x1x25088xf32, #tpu.memory_space<hbm>> -> memref<25088xf32, #tpu.memory_space<hbm>>
      %dma_start3A_61 = arith.constant 0 : i32
      %dma_start3A_62 = tpu.memref_slice %dma_start3A_60[%dma_start3A_61] : memref<25088xf32, #tpu.memory_space<hbm>> -> memref<2048xf32, #tpu.memory_space<hbm>>
      %dma_start3A_63 = arith.constant 0 : i32
      %dma_start3A_64 = tpu.memref_slice %arg10[%dma_start3A_63] : memref<2048xf32, #tpu.memory_space<vmem>> -> memref<2048xf32, #tpu.memory_space<vmem>>
      tpu.enqueue_dma source(%dma_start3A_64 : memref<2048xf32, #tpu.memory_space<vmem>>) target(%dma_start3A_62 : memref<2048xf32, #tpu.memory_space<hbm>>) target_semaphore(%arg12 : memref<!tpu.dma_semaphore, #tpu.memory_space<semaphore_mem>>)
      %parallel_loop3A_65 = arith.constant 0 : i32
      %parallel_loop3A_66 = arith.constant 128 : i32
      %parallel_loop3A_67 = arith.constant 1 : i32
      scf.for %parallel_loop3A_451 = %parallel_loop3A_65 to %parallel_loop3A_66 step %parallel_loop3A_67  : i32 {
        %parallel_loop3A_452 = arith.constant 16 : i32
        %parallel_loop3A_453 = arith.muli %parallel_loop3A_451, %parallel_loop3A_452 : i32
        %parallel_loop3A_454 = arith.constant 2048 : i32
        %parallel_loop3A_455 = arith.addi %parallel_loop3A_454, %parallel_loop3A_453 : i32
        %parallel_loop3A_456 = arith.index_cast %parallel_loop3A_455 : i32 to index
        %parallel_loop3A_457 = tpu.vector_load %arg8[%parallel_loop3A_456] {strides = array<i32>} : memref<25088xi32, #tpu.memory_space<vmem>>, vector<16xi32>,
        %parallel_loop3A_458 = tpu.vector_load_idx %arg9[%parallel_loop3A_457] : memref<100000xf32, #tpu.memory_space<vmem>>[vector<16xi32>], vector<16xf32>,
        %parallel_loop3A_459 = arith.constant 16 : i32
        %parallel_loop3A_460 = arith.muli %parallel_loop3A_451, %parallel_loop3A_459 : i32
        %parallel_loop3A_461 = arith.index_cast %parallel_loop3A_460 : i32 to index
        %parallel_loop3A_462 = tpu.vector_load %arg11[%parallel_loop3A_461] {strides = array<i32>} : memref<2048xf32, #tpu.memory_space<vmem>>, vector<16xf32>,
        tpu.vector_store %arg11[%parallel_loop3A_461], %parallel_loop3A_458 {strides = array<i32>} : memref<2048xf32, #tpu.memory_space<vmem>>, vector<16xf32>,
      } {sc.loop_unroll_factor = 16 : i64, sc.parallel_access}
      %dma_start3A_68 = arith.constant 0 : i32
      %dma_start3A_69 = tpu.memref_slice %arg11[%dma_start3A_68] : memref<2048xf32, #tpu.memory_space<vmem>> -> memref<2048xf32, #tpu.memory_space<vmem>>
      %dma_start3A_70 = arith.constant 0 : i32
      %dma_start3A_71 = tpu.memref_slice %arg5[%select_n3A, %add3A_49, %dma_start3A_70] : memref<8x64x25088xf32, #tpu.memory_space<hbm>> -> memref<1x1x25088xf32, #tpu.memory_space<hbm>>
      %dma_start3A_72 = tpu.memref_squeeze %dma_start3A_71 : memref<1x1x25088xf32, #tpu.memory_space<hbm>> -> memref<25088xf32, #tpu.memory_space<hbm>>
      %dma_start3A_73 = arith.constant 2048 : i32
      %dma_start3A_74 = tpu.memref_slice %dma_start3A_72[%dma_start3A_73] : memref<25088xf32, #tpu.memory_space<hbm>> -> memref<2048xf32, #tpu.memory_space<hbm>>
      %dma_start3A_75 = arith.constant 0 : i32
      %dma_start3A_76 = tpu.memref_slice %arg5[%select_n3A, %add3A_49, %dma_start3A_75] : memref<8x64x25088xf32, #tpu.memory_space<hbm>> -> memref<1x1x25088xf32, #tpu.memory_space<hbm>>
      %dma_start3A_77 = tpu.memref_squeeze %dma_start3A_76 : memref<1x1x25088xf32, #tpu.memory_space<hbm>> -> memref<25088xf32, #tpu.memory_space<hbm>>
      %dma_start3A_78 = arith.constant 2048 : i32
      %dma_start3A_79 = tpu.memref_slice %dma_start3A_77[%dma_start3A_78] : memref<25088xf32, #tpu.memory_space<hbm>> -> memref<2048xf32, #tpu.memory_space<hbm>>
      %dma_start3A_80 = arith.constant 0 : i32
      %dma_start3A_81 = tpu.memref_slice %arg11[%dma_start3A_80] : memref<2048xf32, #tpu.memory_space<vmem>> -> memref<2048xf32, #tpu.memory_space<vmem>>
      tpu.enqueue_dma source(%dma_start3A_81 : memref<2048xf32, #tpu.memory_space<vmem>>) target(%dma_start3A_79 : memref<2048xf32, #tpu.memory_space<hbm>>) target_semaphore(%arg13 : memref<!tpu.dma_semaphore, #tpu.memory_space<semaphore_mem>>)
      %dma_wait3A = arith.constant 0 : i32
      %dma_wait3A_82 = tpu.memref_slice %arg10[%dma_wait3A] : memref<2048xf32, #tpu.memory_space<vmem>> -> memref<2048xf32, #tpu.memory_space<vmem>>
      %dma_wait3A_83 = arith.constant 0 : i32
      %dma_wait3A_84 = tpu.memref_slice %arg5[%select_n3A, %add3A_49, %dma_wait3A_83] : memref<8x64x25088xf32, #tpu.memory_space<hbm>> -> memref<1x1x25088xf32, #tpu.memory_space<hbm>>
      %dma_wait3A_85 = tpu.memref_squeeze %dma_wait3A_84 : memref<1x1x25088xf32, #tpu.memory_space<hbm>> -> memref<25088xf32, #tpu.memory_space<hbm>>
      %dma_wait3A_86 = arith.constant 0 : i32
      %dma_wait3A_87 = tpu.memref_slice %dma_wait3A_85[%dma_wait3A_86] : memref<25088xf32, #tpu.memory_space<hbm>> -> memref<2048xf32, #tpu.memory_space<hbm>>
      %dma_wait3A_88 = arith.constant 0 : i32
      %dma_wait3A_89 = tpu.memref_slice %arg5[%select_n3A, %add3A_49, %dma_wait3A_88] : memref<8x64x25088xf32, #tpu.memory_space<hbm>> -> memref<1x1x25088xf32, #tpu.memory_space<hbm>>
      %dma_wait3A_90 = tpu.memref_squeeze %dma_wait3A_89 : memref<1x1x25088xf32, #tpu.memory_space<hbm>> -> memref<25088xf32, #tpu.memory_space<hbm>>
      %dma_wait3A_91 = arith.constant 0 : i32
      %dma_wait3A_92 = tpu.memref_slice %dma_wait3A_90[%dma_wait3A_91] : memref<25088xf32, #tpu.memory_space<hbm>> -> memref<2048xf32, #tpu.memory_space<hbm>>
      %dma_wait3A_93 = arith.constant 0 : i32
      %dma_wait3A_94 = tpu.memref_slice %arg10[%dma_wait3A_93] : memref<2048xf32, #tpu.memory_space<vmem>> -> memref<2048xf32, #tpu.memory_space<vmem>>
      tpu.wait_dma2 semaphore(%arg12 : memref<!tpu.dma_semaphore, #tpu.memory_space<semaphore_mem>>) src(%dma_wait3A_94 : memref<2048xf32, #tpu.memory_space<vmem>>) dst(%dma_wait3A_92 : memref<2048xf32, #tpu.memory_space<hbm>>)
      %parallel_loop3A_95 = arith.constant 0 : i32
      %parallel_loop3A_96 = arith.constant 128 : i32
      %parallel_loop3A_97 = arith.constant 1 : i32
      scf.for %parallel_loop3A_451 = %parallel_loop3A_95 to %parallel_loop3A_96 step %parallel_loop3A_97  : i32 {
        %parallel_loop3A_452 = arith.constant 16 : i32
        %parallel_loop3A_453 = arith.muli %parallel_loop3A_451, %parallel_loop3A_452 : i32
        %parallel_loop3A_454 = arith.constant 4096 : i32
        %parallel_loop3A_455 = arith.addi %parallel_loop3A_454, %parallel_loop3A_453 : i32
        %parallel_loop3A_456 = arith.index_cast %parallel_loop3A_455 : i32 to index
        %parallel_loop3A_457 = tpu.vector_load %arg8[%parallel_loop3A_456] {strides = array<i32>} : memref<25088xi32, #tpu.memory_space<vmem>>, vector<16xi32>,
        %parallel_loop3A_458 = tpu.vector_load_idx %arg9[%parallel_loop3A_457] : memref<100000xf32, #tpu.memory_space<vmem>>[vector<16xi32>], vector<16xf32>,
        %parallel_loop3A_459 = arith.constant 16 : i32
        %parallel_loop3A_460 = arith.muli %parallel_loop3A_451, %parallel_loop3A_459 : i32
        %parallel_loop3A_461 = arith.index_cast %parallel_loop3A_460 : i32 to index
        %parallel_loop3A_462 = tpu.vector_load %arg10[%parallel_loop3A_461] {strides = array<i32>} : memref<2048xf32, #tpu.memory_space<vmem>>, vector<16xf32>,
        tpu.vector_store %arg10[%parallel_loop3A_461], %parallel_loop3A_458 {strides = array<i32>} : memref<2048xf32, #tpu.memory_space<vmem>>, vector<16xf32>,
      } {sc.loop_unroll_factor = 16 : i64, sc.parallel_access}
      %dma_start3A_98 = arith.constant 0 : i32
      %dma_start3A_99 = tpu.memref_slice %arg10[%dma_start3A_98] : memref<2048xf32, #tpu.memory_space<vmem>> -> memref<2048xf32, #tpu.memory_space<vmem>>
      %dma_start3A_100 = arith.constant 0 : i32
      %dma_start3A_101 = tpu.memref_slice %arg5[%select_n3A, %add3A_49, %dma_start3A_100] : memref<8x64x25088xf32, #tpu.memory_space<hbm>> -> memref<1x1x25088xf32, #tpu.memory_space<hbm>>
      %dma_start3A_102 = tpu.memref_squeeze %dma_start3A_101 : memref<1x1x25088xf32, #tpu.memory_space<hbm>> -> memref<25088xf32, #tpu.memory_space<hbm>>
      %dma_start3A_103 = arith.constant 4096 : i32
      %dma_start3A_104 = tpu.memref_slice %dma_start3A_102[%dma_start3A_103] : memref<25088xf32, #tpu.memory_space<hbm>> -> memref<2048xf32, #tpu.memory_space<hbm>>
      %dma_start3A_105 = arith.constant 0 : i32
      %dma_start3A_106 = tpu.memref_slice %arg5[%select_n3A, %add3A_49, %dma_start3A_105] : memref<8x64x25088xf32, #tpu.memory_space<hbm>> -> memref<1x1x25088xf32, #tpu.memory_space<hbm>>
      %dma_start3A_107 = tpu.memref_squeeze %dma_start3A_106 : memref<1x1x25088xf32, #tpu.memory_space<hbm>> -> memref<25088xf32, #tpu.memory_space<hbm>>
      %dma_start3A_108 = arith.constant 4096 : i32
      %dma_start3A_109 = tpu.memref_slice %dma_start3A_107[%dma_start3A_108] : memref<25088xf32, #tpu.memory_space<hbm>> -> memref<2048xf32, #tpu.memory_space<hbm>>
      %dma_start3A_110 = arith.constant 0 : i32
      %dma_start3A_111 = tpu.memref_slice %arg10[%dma_start3A_110] : memref<2048xf32, #tpu.memory_space<vmem>> -> memref<2048xf32, #tpu.memory_space<vmem>>
      tpu.enqueue_dma source(%dma_start3A_111 : memref<2048xf32, #tpu.memory_space<vmem>>) target(%dma_start3A_109 : memref<2048xf32, #tpu.memory_space<hbm>>) target_semaphore(%arg12 : memref<!tpu.dma_semaphore, #tpu.memory_space<semaphore_mem>>)
      %dma_wait3A_112 = arith.constant 0 : i32
      %dma_wait3A_113 = tpu.memref_slice %arg11[%dma_wait3A_112] : memref<2048xf32, #tpu.memory_space<vmem>> -> memref<2048xf32, #tpu.memory_space<vmem>>
      %dma_wait3A_114 = arith.constant 0 : i32
      %dma_wait3A_115 = tpu.memref_slice %arg5[%select_n3A, %add3A_49, %dma_wait3A_114] : memref<8x64x25088xf32, #tpu.memory_space<hbm>> -> memref<1x1x25088xf32, #tpu.memory_space<hbm>>
      %dma_wait3A_116 = tpu.memref_squeeze %dma_wait3A_115 : memref<1x1x25088xf32, #tpu.memory_space<hbm>> -> memref<25088xf32, #tpu.memory_space<hbm>>
      %dma_wait3A_117 = arith.constant 2048 : i32
      %dma_wait3A_118 = tpu.memref_slice %dma_wait3A_116[%dma_wait3A_117] : memref<25088xf32, #tpu.memory_space<hbm>> -> memref<2048xf32, #tpu.memory_space<hbm>>
      %dma_wait3A_119 = arith.constant 0 : i32
      %dma_wait3A_120 = tpu.memref_slice %arg5[%select_n3A, %add3A_49, %dma_wait3A_119] : memref<8x64x25088xf32, #tpu.memory_space<hbm>> -> memref<1x1x25088xf32, #tpu.memory_space<hbm>>
      %dma_wait3A_121 = tpu.memref_squeeze %dma_wait3A_120 : memref<1x1x25088xf32, #tpu.memory_space<hbm>> -> memref<25088xf32, #tpu.memory_space<hbm>>
      %dma_wait3A_122 = arith.constant 2048 : i32
      %dma_wait3A_123 = tpu.memref_slice %dma_wait3A_121[%dma_wait3A_122] : memref<25088xf32, #tpu.memory_space<hbm>> -> memref<2048xf32, #tpu.memory_space<hbm>>
      %dma_wait3A_124 = arith.constant 0 : i32
      %dma_wait3A_125 = tpu.memref_slice %arg11[%dma_wait3A_124] : memref<2048xf32, #tpu.memory_space<vmem>> -> memref<2048xf32, #tpu.memory_space<vmem>>
      tpu.wait_dma2 semaphore(%arg13 : memref<!tpu.dma_semaphore, #tpu.memory_space<semaphore_mem>>) src(%dma_wait3A_125 : memref<2048xf32, #tpu.memory_space<vmem>>) dst(%dma_wait3A_123 : memref<2048xf32, #tpu.memory_space<hbm>>)
      %parallel_loop3A_126 = arith.constant 0 : i32
      %parallel_loop3A_127 = arith.constant 128 : i32
      %parallel_loop3A_128 = arith.constant 1 : i32
      scf.for %parallel_loop3A_451 = %parallel_loop3A_126 to %parallel_loop3A_127 step %parallel_loop3A_128  : i32 {
        %parallel_loop3A_452 = arith.constant 16 : i32
        %parallel_loop3A_453 = arith.muli %parallel_loop3A_451, %parallel_loop3A_452 : i32
        %parallel_loop3A_454 = arith.constant 6144 : i32
        %parallel_loop3A_455 = arith.addi %parallel_loop3A_454, %parallel_loop3A_453 : i32
        %parallel_loop3A_456 = arith.index_cast %parallel_loop3A_455 : i32 to index
        %parallel_loop3A_457 = tpu.vector_load %arg8[%parallel_loop3A_456] {strides = array<i32>} : memref<25088xi32, #tpu.memory_space<vmem>>, vector<16xi32>,
        %parallel_loop3A_458 = tpu.vector_load_idx %arg9[%parallel_loop3A_457] : memref<100000xf32, #tpu.memory_space<vmem>>[vector<16xi32>], vector<16xf32>,
        %parallel_loop3A_459 = arith.constant 16 : i32
        %parallel_loop3A_460 = arith.muli %parallel_loop3A_451, %parallel_loop3A_459 : i32
        %parallel_loop3A_461 = arith.index_cast %parallel_loop3A_460 : i32 to index
        %parallel_loop3A_462 = tpu.vector_load %arg11[%parallel_loop3A_461] {strides = array<i32>} : memref<2048xf32, #tpu.memory_space<vmem>>, vector<16xf32>,
        tpu.vector_store %arg11[%parallel_loop3A_461], %parallel_loop3A_458 {strides = array<i32>} : memref<2048xf32, #tpu.memory_space<vmem>>, vector<16xf32>,
      } {sc.loop_unroll_factor = 16 : i64, sc.parallel_access}
      %dma_start3A_129 = arith.constant 0 : i32
      %dma_start3A_130 = tpu.memref_slice %arg11[%dma_start3A_129] : memref<2048xf32, #tpu.memory_space<vmem>> -> memref<2048xf32, #tpu.memory_space<vmem>>
      %dma_start3A_131 = arith.constant 0 : i32
      %dma_start3A_132 = tpu.memref_slice %arg5[%select_n3A, %add3A_49, %dma_start3A_131] : memref<8x64x25088xf32, #tpu.memory_space<hbm>> -> memref<1x1x25088xf32, #tpu.memory_space<hbm>>
      %dma_start3A_133 = tpu.memref_squeeze %dma_start3A_132 : memref<1x1x25088xf32, #tpu.memory_space<hbm>> -> memref<25088xf32, #tpu.memory_space<hbm>>
      %dma_start3A_134 = arith.constant 6144 : i32
      %dma_start3A_135 = tpu.memref_slice %dma_start3A_133[%dma_start3A_134] : memref<25088xf32, #tpu.memory_space<hbm>> -> memref<2048xf32, #tpu.memory_space<hbm>>
      %dma_start3A_136 = arith.constant 0 : i32
      %dma_start3A_137 = tpu.memref_slice %arg5[%select_n3A, %add3A_49, %dma_start3A_136] : memref<8x64x25088xf32, #tpu.memory_space<hbm>> -> memref<1x1x25088xf32, #tpu.memory_space<hbm>>
      %dma_start3A_138 = tpu.memref_squeeze %dma_start3A_137 : memref<1x1x25088xf32, #tpu.memory_space<hbm>> -> memref<25088xf32, #tpu.memory_space<hbm>>
      %dma_start3A_139 = arith.constant 6144 : i32
      %dma_start3A_140 = tpu.memref_slice %dma_start3A_138[%dma_start3A_139] : memref<25088xf32, #tpu.memory_space<hbm>> -> memref<2048xf32, #tpu.memory_space<hbm>>
      %dma_start3A_141 = arith.constant 0 : i32
      %dma_start3A_142 = tpu.memref_slice %arg11[%dma_start3A_141] : memref<2048xf32, #tpu.memory_space<vmem>> -> memref<2048xf32, #tpu.memory_space<vmem>>
      tpu.enqueue_dma source(%dma_start3A_142 : memref<2048xf32, #tpu.memory_space<vmem>>) target(%dma_start3A_140 : memref<2048xf32, #tpu.memory_space<hbm>>) target_semaphore(%arg13 : memref<!tpu.dma_semaphore, #tpu.memory_space<semaphore_mem>>)
      %dma_wait3A_143 = arith.constant 0 : i32
      %dma_wait3A_144 = tpu.memref_slice %arg10[%dma_wait3A_143] : memref<2048xf32, #tpu.memory_space<vmem>> -> memref<2048xf32, #tpu.memory_space<vmem>>
      %dma_wait3A_145 = arith.constant 0 : i32
      %dma_wait3A_146 = tpu.memref_slice %arg5[%select_n3A, %add3A_49, %dma_wait3A_145] : memref<8x64x25088xf32, #tpu.memory_space<hbm>> -> memref<1x1x25088xf32, #tpu.memory_space<hbm>>
      %dma_wait3A_147 = tpu.memref_squeeze %dma_wait3A_146 : memref<1x1x25088xf32, #tpu.memory_space<hbm>> -> memref<25088xf32, #tpu.memory_space<hbm>>
      %dma_wait3A_148 = arith.constant 4096 : i32
      %dma_wait3A_149 = tpu.memref_slice %dma_wait3A_147[%dma_wait3A_148] : memref<25088xf32, #tpu.memory_space<hbm>> -> memref<2048xf32, #tpu.memory_space<hbm>>
      %dma_wait3A_150 = arith.constant 0 : i32
      %dma_wait3A_151 = tpu.memref_slice %arg5[%select_n3A, %add3A_49, %dma_wait3A_150] : memref<8x64x25088xf32, #tpu.memory_space<hbm>> -> memref<1x1x25088xf32, #tpu.memory_space<hbm>>
      %dma_wait3A_152 = tpu.memref_squeeze %dma_wait3A_151 : memref<1x1x25088xf32, #tpu.memory_space<hbm>> -> memref<25088xf32, #tpu.memory_space<hbm>>
      %dma_wait3A_153 = arith.constant 4096 : i32
      %dma_wait3A_154 = tpu.memref_slice %dma_wait3A_152[%dma_wait3A_153] : memref<25088xf32, #tpu.memory_space<hbm>> -> memref<2048xf32, #tpu.memory_space<hbm>>
      %dma_wait3A_155 = arith.constant 0 : i32
      %dma_wait3A_156 = tpu.memref_slice %arg10[%dma_wait3A_155] : memref<2048xf32, #tpu.memory_space<vmem>> -> memref<2048xf32, #tpu.memory_space<vmem>>
      tpu.wait_dma2 semaphore(%arg12 : memref<!tpu.dma_semaphore, #tpu.memory_space<semaphore_mem>>) src(%dma_wait3A_156 : memref<2048xf32, #tpu.memory_space<vmem>>) dst(%dma_wait3A_154 : memref<2048xf32, #tpu.memory_space<hbm>>)
      %parallel_loop3A_157 = arith.constant 0 : i32
      %parallel_loop3A_158 = arith.constant 128 : i32
      %parallel_loop3A_159 = arith.constant 1 : i32
      scf.for %parallel_loop3A_451 = %parallel_loop3A_157 to %parallel_loop3A_158 step %parallel_loop3A_159  : i32 {
        %parallel_loop3A_452 = arith.constant 16 : i32
        %parallel_loop3A_453 = arith.muli %parallel_loop3A_451, %parallel_loop3A_452 : i32
        %parallel_loop3A_454 = arith.constant 8192 : i32
        %parallel_loop3A_455 = arith.addi %parallel_loop3A_454, %parallel_loop3A_453 : i32
        %parallel_loop3A_456 = arith.index_cast %parallel_loop3A_455 : i32 to index
        %parallel_loop3A_457 = tpu.vector_load %arg8[%parallel_loop3A_456] {strides = array<i32>} : memref<25088xi32, #tpu.memory_space<vmem>>, vector<16xi32>,
        %parallel_loop3A_458 = tpu.vector_load_idx %arg9[%parallel_loop3A_457] : memref<100000xf32, #tpu.memory_space<vmem>>[vector<16xi32>], vector<16xf32>,
        %parallel_loop3A_459 = arith.constant 16 : i32
        %parallel_loop3A_460 = arith.muli %parallel_loop3A_451, %parallel_loop3A_459 : i32
        %parallel_loop3A_461 = arith.index_cast %parallel_loop3A_460 : i32 to index
        %parallel_loop3A_462 = tpu.vector_load %arg10[%parallel_loop3A_461] {strides = array<i32>} : memref<2048xf32, #tpu.memory_space<vmem>>, vector<16xf32>,
        tpu.vector_store %arg10[%parallel_loop3A_461], %parallel_loop3A_458 {strides = array<i32>} : memref<2048xf32, #tpu.memory_space<vmem>>, vector<16xf32>,
      } {sc.loop_unroll_factor = 16 : i64, sc.parallel_access}
      %dma_start3A_160 = arith.constant 0 : i32
      %dma_start3A_161 = tpu.memref_slice %arg10[%dma_start3A_160] : memref<2048xf32, #tpu.memory_space<vmem>> -> memref<2048xf32, #tpu.memory_space<vmem>>
      %dma_start3A_162 = arith.constant 0 : i32
      %dma_start3A_163 = tpu.memref_slice %arg5[%select_n3A, %add3A_49, %dma_start3A_162] : memref<8x64x25088xf32, #tpu.memory_space<hbm>> -> memref<1x1x25088xf32, #tpu.memory_space<hbm>>
      %dma_start3A_164 = tpu.memref_squeeze %dma_start3A_163 : memref<1x1x25088xf32, #tpu.memory_space<hbm>> -> memref<25088xf32, #tpu.memory_space<hbm>>
      %dma_start3A_165 = arith.constant 8192 : i32
      %dma_start3A_166 = tpu.memref_slice %dma_start3A_164[%dma_start3A_165] : memref<25088xf32, #tpu.memory_space<hbm>> -> memref<2048xf32, #tpu.memory_space<hbm>>
      %dma_start3A_167 = arith.constant 0 : i32
      %dma_start3A_168 = tpu.memref_slice %arg5[%select_n3A, %add3A_49, %dma_start3A_167] : memref<8x64x25088xf32, #tpu.memory_space<hbm>> -> memref<1x1x25088xf32, #tpu.memory_space<hbm>>
      %dma_start3A_169 = tpu.memref_squeeze %dma_start3A_168 : memref<1x1x25088xf32, #tpu.memory_space<hbm>> -> memref<25088xf32, #tpu.memory_space<hbm>>
      %dma_start3A_170 = arith.constant 8192 : i32
      %dma_start3A_171 = tpu.memref_slice %dma_start3A_169[%dma_start3A_170] : memref<25088xf32, #tpu.memory_space<hbm>> -> memref<2048xf32, #tpu.memory_space<hbm>>
      %dma_start3A_172 = arith.constant 0 : i32
      %dma_start3A_173 = tpu.memref_slice %arg10[%dma_start3A_172] : memref<2048xf32, #tpu.memory_space<vmem>> -> memref<2048xf32, #tpu.memory_space<vmem>>
      tpu.enqueue_dma source(%dma_start3A_173 : memref<2048xf32, #tpu.memory_space<vmem>>) target(%dma_start3A_171 : memref<2048xf32, #tpu.memory_space<hbm>>) target_semaphore(%arg12 : memref<!tpu.dma_semaphore, #tpu.memory_space<semaphore_mem>>)
      %dma_wait3A_174 = arith.constant 0 : i32
      %dma_wait3A_175 = tpu.memref_slice %arg11[%dma_wait3A_174] : memref<2048xf32, #tpu.memory_space<vmem>> -> memref<2048xf32, #tpu.memory_space<vmem>>
      %dma_wait3A_176 = arith.constant 0 : i32
      %dma_wait3A_177 = tpu.memref_slice %arg5[%select_n3A, %add3A_49, %dma_wait3A_176] : memref<8x64x25088xf32, #tpu.memory_space<hbm>> -> memref<1x1x25088xf32, #tpu.memory_space<hbm>>
      %dma_wait3A_178 = tpu.memref_squeeze %dma_wait3A_177 : memref<1x1x25088xf32, #tpu.memory_space<hbm>> -> memref<25088xf32, #tpu.memory_space<hbm>>
      %dma_wait3A_179 = arith.constant 6144 : i32
      %dma_wait3A_180 = tpu.memref_slice %dma_wait3A_178[%dma_wait3A_179] : memref<25088xf32, #tpu.memory_space<hbm>> -> memref<2048xf32, #tpu.memory_space<hbm>>
      %dma_wait3A_181 = arith.constant 0 : i32
      %dma_wait3A_182 = tpu.memref_slice %arg5[%select_n3A, %add3A_49, %dma_wait3A_181] : memref<8x64x25088xf32, #tpu.memory_space<hbm>> -> memref<1x1x25088xf32, #tpu.memory_space<hbm>>
      %dma_wait3A_183 = tpu.memref_squeeze %dma_wait3A_182 : memref<1x1x25088xf32, #tpu.memory_space<hbm>> -> memref<25088xf32, #tpu.memory_space<hbm>>
      %dma_wait3A_184 = arith.constant 6144 : i32
      %dma_wait3A_185 = tpu.memref_slice %dma_wait3A_183[%dma_wait3A_184] : memref<25088xf32, #tpu.memory_space<hbm>> -> memref<2048xf32, #tpu.memory_space<hbm>>
      %dma_wait3A_186 = arith.constant 0 : i32
      %dma_wait3A_187 = tpu.memref_slice %arg11[%dma_wait3A_186] : memref<2048xf32, #tpu.memory_space<vmem>> -> memref<2048xf32, #tpu.memory_space<vmem>>
      tpu.wait_dma2 semaphore(%arg13 : memref<!tpu.dma_semaphore, #tpu.memory_space<semaphore_mem>>) src(%dma_wait3A_187 : memref<2048xf32, #tpu.memory_space<vmem>>) dst(%dma_wait3A_185 : memref<2048xf32, #tpu.memory_space<hbm>>)
      %parallel_loop3A_188 = arith.constant 0 : i32
      %parallel_loop3A_189 = arith.constant 128 : i32
      %parallel_loop3A_190 = arith.constant 1 : i32
      scf.for %parallel_loop3A_451 = %parallel_loop3A_188 to %parallel_loop3A_189 step %parallel_loop3A_190  : i32 {
        %parallel_loop3A_452 = arith.constant 16 : i32
        %parallel_loop3A_453 = arith.muli %parallel_loop3A_451, %parallel_loop3A_452 : i32
        %parallel_loop3A_454 = arith.constant 10240 : i32
        %parallel_loop3A_455 = arith.addi %parallel_loop3A_454, %parallel_loop3A_453 : i32
        %parallel_loop3A_456 = arith.index_cast %parallel_loop3A_455 : i32 to index
        %parallel_loop3A_457 = tpu.vector_load %arg8[%parallel_loop3A_456] {strides = array<i32>} : memref<25088xi32, #tpu.memory_space<vmem>>, vector<16xi32>,
        %parallel_loop3A_458 = tpu.vector_load_idx %arg9[%parallel_loop3A_457] : memref<100000xf32, #tpu.memory_space<vmem>>[vector<16xi32>], vector<16xf32>,
        %parallel_loop3A_459 = arith.constant 16 : i32
        %parallel_loop3A_460 = arith.muli %parallel_loop3A_451, %parallel_loop3A_459 : i32
        %parallel_loop3A_461 = arith.index_cast %parallel_loop3A_460 : i32 to index
        %parallel_loop3A_462 = tpu.vector_load %arg11[%parallel_loop3A_461] {strides = array<i32>} : memref<2048xf32, #tpu.memory_space<vmem>>, vector<16xf32>,
        tpu.vector_store %arg11[%parallel_loop3A_461], %parallel_loop3A_458 {strides = array<i32>} : memref<2048xf32, #tpu.memory_space<vmem>>, vector<16xf32>,
      } {sc.loop_unroll_factor = 16 : i64, sc.parallel_access}
      %dma_start3A_191 = arith.constant 0 : i32
      %dma_start3A_192 = tpu.memref_slice %arg11[%dma_start3A_191] : memref<2048xf32, #tpu.memory_space<vmem>> -> memref<2048xf32, #tpu.memory_space<vmem>>
      %dma_start3A_193 = arith.constant 0 : i32
      %dma_start3A_194 = tpu.memref_slice %arg5[%select_n3A, %add3A_49, %dma_start3A_193] : memref<8x64x25088xf32, #tpu.memory_space<hbm>> -> memref<1x1x25088xf32, #tpu.memory_space<hbm>>
      %dma_start3A_195 = tpu.memref_squeeze %dma_start3A_194 : memref<1x1x25088xf32, #tpu.memory_space<hbm>> -> memref<25088xf32, #tpu.memory_space<hbm>>
      %dma_start3A_196 = arith.constant 10240 : i32
      %dma_start3A_197 = tpu.memref_slice %dma_start3A_195[%dma_start3A_196] : memref<25088xf32, #tpu.memory_space<hbm>> -> memref<2048xf32, #tpu.memory_space<hbm>>
      %dma_start3A_198 = arith.constant 0 : i32
      %dma_start3A_199 = tpu.memref_slice %arg5[%select_n3A, %add3A_49, %dma_start3A_198] : memref<8x64x25088xf32, #tpu.memory_space<hbm>> -> memref<1x1x25088xf32, #tpu.memory_space<hbm>>
      %dma_start3A_200 = tpu.memref_squeeze %dma_start3A_199 : memref<1x1x25088xf32, #tpu.memory_space<hbm>> -> memref<25088xf32, #tpu.memory_space<hbm>>
      %dma_start3A_201 = arith.constant 10240 : i32
      %dma_start3A_202 = tpu.memref_slice %dma_start3A_200[%dma_start3A_201] : memref<25088xf32, #tpu.memory_space<hbm>> -> memref<2048xf32, #tpu.memory_space<hbm>>
      %dma_start3A_203 = arith.constant 0 : i32
      %dma_start3A_204 = tpu.memref_slice %arg11[%dma_start3A_203] : memref<2048xf32, #tpu.memory_space<vmem>> -> memref<2048xf32, #tpu.memory_space<vmem>>
      tpu.enqueue_dma source(%dma_start3A_204 : memref<2048xf32, #tpu.memory_space<vmem>>) target(%dma_start3A_202 : memref<2048xf32, #tpu.memory_space<hbm>>) target_semaphore(%arg13 : memref<!tpu.dma_semaphore, #tpu.memory_space<semaphore_mem>>)
      %dma_wait3A_205 = arith.constant 0 : i32
      %dma_wait3A_206 = tpu.memref_slice %arg10[%dma_wait3A_205] : memref<2048xf32, #tpu.memory_space<vmem>> -> memref<2048xf32, #tpu.memory_space<vmem>>
      %dma_wait3A_207 = arith.constant 0 : i32
      %dma_wait3A_208 = tpu.memref_slice %arg5[%select_n3A, %add3A_49, %dma_wait3A_207] : memref<8x64x25088xf32, #tpu.memory_space<hbm>> -> memref<1x1x25088xf32, #tpu.memory_space<hbm>>
      %dma_wait3A_209 = tpu.memref_squeeze %dma_wait3A_208 : memref<1x1x25088xf32, #tpu.memory_space<hbm>> -> memref<25088xf32, #tpu.memory_space<hbm>>
      %dma_wait3A_210 = arith.constant 8192 : i32
      %dma_wait3A_211 = tpu.memref_slice %dma_wait3A_209[%dma_wait3A_210] : memref<25088xf32, #tpu.memory_space<hbm>> -> memref<2048xf32, #tpu.memory_space<hbm>>
      %dma_wait3A_212 = arith.constant 0 : i32
      %dma_wait3A_213 = tpu.memref_slice %arg5[%select_n3A, %add3A_49, %dma_wait3A_212] : memref<8x64x25088xf32, #tpu.memory_space<hbm>> -> memref<1x1x25088xf32, #tpu.memory_space<hbm>>
      %dma_wait3A_214 = tpu.memref_squeeze %dma_wait3A_213 : memref<1x1x25088xf32, #tpu.memory_space<hbm>> -> memref<25088xf32, #tpu.memory_space<hbm>>
      %dma_wait3A_215 = arith.constant 8192 : i32
      %dma_wait3A_216 = tpu.memref_slice %dma_wait3A_214[%dma_wait3A_215] : memref<25088xf32, #tpu.memory_space<hbm>> -> memref<2048xf32, #tpu.memory_space<hbm>>
      %dma_wait3A_217 = arith.constant 0 : i32
      %dma_wait3A_218 = tpu.memref_slice %arg10[%dma_wait3A_217] : memref<2048xf32, #tpu.memory_space<vmem>> -> memref<2048xf32, #tpu.memory_space<vmem>>
      tpu.wait_dma2 semaphore(%arg12 : memref<!tpu.dma_semaphore, #tpu.memory_space<semaphore_mem>>) src(%dma_wait3A_218 : memref<2048xf32, #tpu.memory_space<vmem>>) dst(%dma_wait3A_216 : memref<2048xf32, #tpu.memory_space<hbm>>)
      %parallel_loop3A_219 = arith.constant 0 : i32
      %parallel_loop3A_220 = arith.constant 128 : i32
      %parallel_loop3A_221 = arith.constant 1 : i32
      scf.for %parallel_loop3A_451 = %parallel_loop3A_219 to %parallel_loop3A_220 step %parallel_loop3A_221  : i32 {
        %parallel_loop3A_452 = arith.constant 16 : i32
        %parallel_loop3A_453 = arith.muli %parallel_loop3A_451, %parallel_loop3A_452 : i32
        %parallel_loop3A_454 = arith.constant 12288 : i32
        %parallel_loop3A_455 = arith.addi %parallel_loop3A_454, %parallel_loop3A_453 : i32
        %parallel_loop3A_456 = arith.index_cast %parallel_loop3A_455 : i32 to index
        %parallel_loop3A_457 = tpu.vector_load %arg8[%parallel_loop3A_456] {strides = array<i32>} : memref<25088xi32, #tpu.memory_space<vmem>>, vector<16xi32>,
        %parallel_loop3A_458 = tpu.vector_load_idx %arg9[%parallel_loop3A_457] : memref<100000xf32, #tpu.memory_space<vmem>>[vector<16xi32>], vector<16xf32>,
        %parallel_loop3A_459 = arith.constant 16 : i32
        %parallel_loop3A_460 = arith.muli %parallel_loop3A_451, %parallel_loop3A_459 : i32
        %parallel_loop3A_461 = arith.index_cast %parallel_loop3A_460 : i32 to index
        %parallel_loop3A_462 = tpu.vector_load %arg10[%parallel_loop3A_461] {strides = array<i32>} : memref<2048xf32, #tpu.memory_space<vmem>>, vector<16xf32>,
        tpu.vector_store %arg10[%parallel_loop3A_461], %parallel_loop3A_458 {strides = array<i32>} : memref<2048xf32, #tpu.memory_space<vmem>>, vector<16xf32>,
      } {sc.loop_unroll_factor = 16 : i64, sc.parallel_access}
      %dma_start3A_222 = arith.constant 0 : i32
      %dma_start3A_223 = tpu.memref_slice %arg10[%dma_start3A_222] : memref<2048xf32, #tpu.memory_space<vmem>> -> memref<2048xf32, #tpu.memory_space<vmem>>
      %dma_start3A_224 = arith.constant 0 : i32
      %dma_start3A_225 = tpu.memref_slice %arg5[%select_n3A, %add3A_49, %dma_start3A_224] : memref<8x64x25088xf32, #tpu.memory_space<hbm>> -> memref<1x1x25088xf32, #tpu.memory_space<hbm>>
      %dma_start3A_226 = tpu.memref_squeeze %dma_start3A_225 : memref<1x1x25088xf32, #tpu.memory_space<hbm>> -> memref<25088xf32, #tpu.memory_space<hbm>>
      %dma_start3A_227 = arith.constant 12288 : i32
      %dma_start3A_228 = tpu.memref_slice %dma_start3A_226[%dma_start3A_227] : memref<25088xf32, #tpu.memory_space<hbm>> -> memref<2048xf32, #tpu.memory_space<hbm>>
      %dma_start3A_229 = arith.constant 0 : i32
      %dma_start3A_230 = tpu.memref_slice %arg5[%select_n3A, %add3A_49, %dma_start3A_229] : memref<8x64x25088xf32, #tpu.memory_space<hbm>> -> memref<1x1x25088xf32, #tpu.memory_space<hbm>>
      %dma_start3A_231 = tpu.memref_squeeze %dma_start3A_230 : memref<1x1x25088xf32, #tpu.memory_space<hbm>> -> memref<25088xf32, #tpu.memory_space<hbm>>
      %dma_start3A_232 = arith.constant 12288 : i32
      %dma_start3A_233 = tpu.memref_slice %dma_start3A_231[%dma_start3A_232] : memref<25088xf32, #tpu.memory_space<hbm>> -> memref<2048xf32, #tpu.memory_space<hbm>>
      %dma_start3A_234 = arith.constant 0 : i32
      %dma_start3A_235 = tpu.memref_slice %arg10[%dma_start3A_234] : memref<2048xf32, #tpu.memory_space<vmem>> -> memref<2048xf32, #tpu.memory_space<vmem>>
      tpu.enqueue_dma source(%dma_start3A_235 : memref<2048xf32, #tpu.memory_space<vmem>>) target(%dma_start3A_233 : memref<2048xf32, #tpu.memory_space<hbm>>) target_semaphore(%arg12 : memref<!tpu.dma_semaphore, #tpu.memory_space<semaphore_mem>>)
      %dma_wait3A_236 = arith.constant 0 : i32
      %dma_wait3A_237 = tpu.memref_slice %arg11[%dma_wait3A_236] : memref<2048xf32, #tpu.memory_space<vmem>> -> memref<2048xf32, #tpu.memory_space<vmem>>
      %dma_wait3A_238 = arith.constant 0 : i32
      %dma_wait3A_239 = tpu.memref_slice %arg5[%select_n3A, %add3A_49, %dma_wait3A_238] : memref<8x64x25088xf32, #tpu.memory_space<hbm>> -> memref<1x1x25088xf32, #tpu.memory_space<hbm>>
      %dma_wait3A_240 = tpu.memref_squeeze %dma_wait3A_239 : memref<1x1x25088xf32, #tpu.memory_space<hbm>> -> memref<25088xf32, #tpu.memory_space<hbm>>
      %dma_wait3A_241 = arith.constant 10240 : i32
      %dma_wait3A_242 = tpu.memref_slice %dma_wait3A_240[%dma_wait3A_241] : memref<25088xf32, #tpu.memory_space<hbm>> -> memref<2048xf32, #tpu.memory_space<hbm>>
      %dma_wait3A_243 = arith.constant 0 : i32
      %dma_wait3A_244 = tpu.memref_slice %arg5[%select_n3A, %add3A_49, %dma_wait3A_243] : memref<8x64x25088xf32, #tpu.memory_space<hbm>> -> memref<1x1x25088xf32, #tpu.memory_space<hbm>>
      %dma_wait3A_245 = tpu.memref_squeeze %dma_wait3A_244 : memref<1x1x25088xf32, #tpu.memory_space<hbm>> -> memref<25088xf32, #tpu.memory_space<hbm>>
      %dma_wait3A_246 = arith.constant 10240 : i32
      %dma_wait3A_247 = tpu.memref_slice %dma_wait3A_245[%dma_wait3A_246] : memref<25088xf32, #tpu.memory_space<hbm>> -> memref<2048xf32, #tpu.memory_space<hbm>>
      %dma_wait3A_248 = arith.constant 0 : i32
      %dma_wait3A_249 = tpu.memref_slice %arg11[%dma_wait3A_248] : memref<2048xf32, #tpu.memory_space<vmem>> -> memref<2048xf32, #tpu.memory_space<vmem>>
      tpu.wait_dma2 semaphore(%arg13 : memref<!tpu.dma_semaphore, #tpu.memory_space<semaphore_mem>>) src(%dma_wait3A_249 : memref<2048xf32, #tpu.memory_space<vmem>>) dst(%dma_wait3A_247 : memref<2048xf32, #tpu.memory_space<hbm>>)
      %parallel_loop3A_250 = arith.constant 0 : i32
      %parallel_loop3A_251 = arith.constant 128 : i32
      %parallel_loop3A_252 = arith.constant 1 : i32
      scf.for %parallel_loop3A_451 = %parallel_loop3A_250 to %parallel_loop3A_251 step %parallel_loop3A_252  : i32 {
        %parallel_loop3A_452 = arith.constant 16 : i32
        %parallel_loop3A_453 = arith.muli %parallel_loop3A_451, %parallel_loop3A_452 : i32
        %parallel_loop3A_454 = arith.constant 14336 : i32
        %parallel_loop3A_455 = arith.addi %parallel_loop3A_454, %parallel_loop3A_453 : i32
        %parallel_loop3A_456 = arith.index_cast %parallel_loop3A_455 : i32 to index
        %parallel_loop3A_457 = tpu.vector_load %arg8[%parallel_loop3A_456] {strides = array<i32>} : memref<25088xi32, #tpu.memory_space<vmem>>, vector<16xi32>,
        %parallel_loop3A_458 = tpu.vector_load_idx %arg9[%parallel_loop3A_457] : memref<100000xf32, #tpu.memory_space<vmem>>[vector<16xi32>], vector<16xf32>,
        %parallel_loop3A_459 = arith.constant 16 : i32
        %parallel_loop3A_460 = arith.muli %parallel_loop3A_451, %parallel_loop3A_459 : i32
        %parallel_loop3A_461 = arith.index_cast %parallel_loop3A_460 : i32 to index
        %parallel_loop3A_462 = tpu.vector_load %arg11[%parallel_loop3A_461] {strides = array<i32>} : memref<2048xf32, #tpu.memory_space<vmem>>, vector<16xf32>,
        tpu.vector_store %arg11[%parallel_loop3A_461], %parallel_loop3A_458 {strides = array<i32>} : memref<2048xf32, #tpu.memory_space<vmem>>, vector<16xf32>,
      } {sc.loop_unroll_factor = 16 : i64, sc.parallel_access}
      %dma_start3A_253 = arith.constant 0 : i32
      %dma_start3A_254 = tpu.memref_slice %arg11[%dma_start3A_253] : memref<2048xf32, #tpu.memory_space<vmem>> -> memref<2048xf32, #tpu.memory_space<vmem>>
      %dma_start3A_255 = arith.constant 0 : i32
      %dma_start3A_256 = tpu.memref_slice %arg5[%select_n3A, %add3A_49, %dma_start3A_255] : memref<8x64x25088xf32, #tpu.memory_space<hbm>> -> memref<1x1x25088xf32, #tpu.memory_space<hbm>>
      %dma_start3A_257 = tpu.memref_squeeze %dma_start3A_256 : memref<1x1x25088xf32, #tpu.memory_space<hbm>> -> memref<25088xf32, #tpu.memory_space<hbm>>
      %dma_start3A_258 = arith.constant 14336 : i32
      %dma_start3A_259 = tpu.memref_slice %dma_start3A_257[%dma_start3A_258] : memref<25088xf32, #tpu.memory_space<hbm>> -> memref<2048xf32, #tpu.memory_space<hbm>>
      %dma_start3A_260 = arith.constant 0 : i32
      %dma_start3A_261 = tpu.memref_slice %arg5[%select_n3A, %add3A_49, %dma_start3A_260] : memref<8x64x25088xf32, #tpu.memory_space<hbm>> -> memref<1x1x25088xf32, #tpu.memory_space<hbm>>
      %dma_start3A_262 = tpu.memref_squeeze %dma_start3A_261 : memref<1x1x25088xf32, #tpu.memory_space<hbm>> -> memref<25088xf32, #tpu.memory_space<hbm>>
      %dma_start3A_263 = arith.constant 14336 : i32
      %dma_start3A_264 = tpu.memref_slice %dma_start3A_262[%dma_start3A_263] : memref<25088xf32, #tpu.memory_space<hbm>> -> memref<2048xf32, #tpu.memory_space<hbm>>
      %dma_start3A_265 = arith.constant 0 : i32
      %dma_start3A_266 = tpu.memref_slice %arg11[%dma_start3A_265] : memref<2048xf32, #tpu.memory_space<vmem>> -> memref<2048xf32, #tpu.memory_space<vmem>>
      tpu.enqueue_dma source(%dma_start3A_266 : memref<2048xf32, #tpu.memory_space<vmem>>) target(%dma_start3A_264 : memref<2048xf32, #tpu.memory_space<hbm>>) target_semaphore(%arg13 : memref<!tpu.dma_semaphore, #tpu.memory_space<semaphore_mem>>)
      %dma_wait3A_267 = arith.constant 0 : i32
      %dma_wait3A_268 = tpu.memref_slice %arg10[%dma_wait3A_267] : memref<2048xf32, #tpu.memory_space<vmem>> -> memref<2048xf32, #tpu.memory_space<vmem>>
      %dma_wait3A_269 = arith.constant 0 : i32
      %dma_wait3A_270 = tpu.memref_slice %arg5[%select_n3A, %add3A_49, %dma_wait3A_269] : memref<8x64x25088xf32, #tpu.memory_space<hbm>> -> memref<1x1x25088xf32, #tpu.memory_space<hbm>>
      %dma_wait3A_271 = tpu.memref_squeeze %dma_wait3A_270 : memref<1x1x25088xf32, #tpu.memory_space<hbm>> -> memref<25088xf32, #tpu.memory_space<hbm>>
      %dma_wait3A_272 = arith.constant 12288 : i32
      %dma_wait3A_273 = tpu.memref_slice %dma_wait3A_271[%dma_wait3A_272] : memref<25088xf32, #tpu.memory_space<hbm>> -> memref<2048xf32, #tpu.memory_space<hbm>>
      %dma_wait3A_274 = arith.constant 0 : i32
      %dma_wait3A_275 = tpu.memref_slice %arg5[%select_n3A, %add3A_49, %dma_wait3A_274] : memref<8x64x25088xf32, #tpu.memory_space<hbm>> -> memref<1x1x25088xf32, #tpu.memory_space<hbm>>
      %dma_wait3A_276 = tpu.memref_squeeze %dma_wait3A_275 : memref<1x1x25088xf32, #tpu.memory_space<hbm>> -> memref<25088xf32, #tpu.memory_space<hbm>>
      %dma_wait3A_277 = arith.constant 12288 : i32
      %dma_wait3A_278 = tpu.memref_slice %dma_wait3A_276[%dma_wait3A_277] : memref<25088xf32, #tpu.memory_space<hbm>> -> memref<2048xf32, #tpu.memory_space<hbm>>
      %dma_wait3A_279 = arith.constant 0 : i32
      %dma_wait3A_280 = tpu.memref_slice %arg10[%dma_wait3A_279] : memref<2048xf32, #tpu.memory_space<vmem>> -> memref<2048xf32, #tpu.memory_space<vmem>>
      tpu.wait_dma2 semaphore(%arg12 : memref<!tpu.dma_semaphore, #tpu.memory_space<semaphore_mem>>) src(%dma_wait3A_280 : memref<2048xf32, #tpu.memory_space<vmem>>) dst(%dma_wait3A_278 : memref<2048xf32, #tpu.memory_space<hbm>>)
      %parallel_loop3A_281 = arith.constant 0 : i32
      %parallel_loop3A_282 = arith.constant 128 : i32
      %parallel_loop3A_283 = arith.constant 1 : i32
      scf.for %parallel_loop3A_451 = %parallel_loop3A_281 to %parallel_loop3A_282 step %parallel_loop3A_283  : i32 {
        %parallel_loop3A_452 = arith.constant 16 : i32
        %parallel_loop3A_453 = arith.muli %parallel_loop3A_451, %parallel_loop3A_452 : i32
        %parallel_loop3A_454 = arith.constant 16384 : i32
        %parallel_loop3A_455 = arith.addi %parallel_loop3A_454, %parallel_loop3A_453 : i32
        %parallel_loop3A_456 = arith.index_cast %parallel_loop3A_455 : i32 to index
        %parallel_loop3A_457 = tpu.vector_load %arg8[%parallel_loop3A_456] {strides = array<i32>} : memref<25088xi32, #tpu.memory_space<vmem>>, vector<16xi32>,
        %parallel_loop3A_458 = tpu.vector_load_idx %arg9[%parallel_loop3A_457] : memref<100000xf32, #tpu.memory_space<vmem>>[vector<16xi32>], vector<16xf32>,
        %parallel_loop3A_459 = arith.constant 16 : i32
        %parallel_loop3A_460 = arith.muli %parallel_loop3A_451, %parallel_loop3A_459 : i32
        %parallel_loop3A_461 = arith.index_cast %parallel_loop3A_460 : i32 to index
        %parallel_loop3A_462 = tpu.vector_load %arg10[%parallel_loop3A_461] {strides = array<i32>} : memref<2048xf32, #tpu.memory_space<vmem>>, vector<16xf32>,
        tpu.vector_store %arg10[%parallel_loop3A_461], %parallel_loop3A_458 {strides = array<i32>} : memref<2048xf32, #tpu.memory_space<vmem>>, vector<16xf32>,
      } {sc.loop_unroll_factor = 16 : i64, sc.parallel_access}
      %dma_start3A_284 = arith.constant 0 : i32
      %dma_start3A_285 = tpu.memref_slice %arg10[%dma_start3A_284] : memref<2048xf32, #tpu.memory_space<vmem>> -> memref<2048xf32, #tpu.memory_space<vmem>>
      %dma_start3A_286 = arith.constant 0 : i32
      %dma_start3A_287 = tpu.memref_slice %arg5[%select_n3A, %add3A_49, %dma_start3A_286] : memref<8x64x25088xf32, #tpu.memory_space<hbm>> -> memref<1x1x25088xf32, #tpu.memory_space<hbm>>
      %dma_start3A_288 = tpu.memref_squeeze %dma_start3A_287 : memref<1x1x25088xf32, #tpu.memory_space<hbm>> -> memref<25088xf32, #tpu.memory_space<hbm>>
      %dma_start3A_289 = arith.constant 16384 : i32
      %dma_start3A_290 = tpu.memref_slice %dma_start3A_288[%dma_start3A_289] : memref<25088xf32, #tpu.memory_space<hbm>> -> memref<2048xf32, #tpu.memory_space<hbm>>
      %dma_start3A_291 = arith.constant 0 : i32
      %dma_start3A_292 = tpu.memref_slice %arg5[%select_n3A, %add3A_49, %dma_start3A_291] : memref<8x64x25088xf32, #tpu.memory_space<hbm>> -> memref<1x1x25088xf32, #tpu.memory_space<hbm>>
      %dma_start3A_293 = tpu.memref_squeeze %dma_start3A_292 : memref<1x1x25088xf32, #tpu.memory_space<hbm>> -> memref<25088xf32, #tpu.memory_space<hbm>>
      %dma_start3A_294 = arith.constant 16384 : i32
      %dma_start3A_295 = tpu.memref_slice %dma_start3A_293[%dma_start3A_294] : memref<25088xf32, #tpu.memory_space<hbm>> -> memref<2048xf32, #tpu.memory_space<hbm>>
      %dma_start3A_296 = arith.constant 0 : i32
      %dma_start3A_297 = tpu.memref_slice %arg10[%dma_start3A_296] : memref<2048xf32, #tpu.memory_space<vmem>> -> memref<2048xf32, #tpu.memory_space<vmem>>
      tpu.enqueue_dma source(%dma_start3A_297 : memref<2048xf32, #tpu.memory_space<vmem>>) target(%dma_start3A_295 : memref<2048xf32, #tpu.memory_space<hbm>>) target_semaphore(%arg12 : memref<!tpu.dma_semaphore, #tpu.memory_space<semaphore_mem>>)
      %dma_wait3A_298 = arith.constant 0 : i32
      %dma_wait3A_299 = tpu.memref_slice %arg11[%dma_wait3A_298] : memref<2048xf32, #tpu.memory_space<vmem>> -> memref<2048xf32, #tpu.memory_space<vmem>>
      %dma_wait3A_300 = arith.constant 0 : i32
      %dma_wait3A_301 = tpu.memref_slice %arg5[%select_n3A, %add3A_49, %dma_wait3A_300] : memref<8x64x25088xf32, #tpu.memory_space<hbm>> -> memref<1x1x25088xf32, #tpu.memory_space<hbm>>
      %dma_wait3A_302 = tpu.memref_squeeze %dma_wait3A_301 : memref<1x1x25088xf32, #tpu.memory_space<hbm>> -> memref<25088xf32, #tpu.memory_space<hbm>>
      %dma_wait3A_303 = arith.constant 14336 : i32
      %dma_wait3A_304 = tpu.memref_slice %dma_wait3A_302[%dma_wait3A_303] : memref<25088xf32, #tpu.memory_space<hbm>> -> memref<2048xf32, #tpu.memory_space<hbm>>
      %dma_wait3A_305 = arith.constant 0 : i32
      %dma_wait3A_306 = tpu.memref_slice %arg5[%select_n3A, %add3A_49, %dma_wait3A_305] : memref<8x64x25088xf32, #tpu.memory_space<hbm>> -> memref<1x1x25088xf32, #tpu.memory_space<hbm>>
      %dma_wait3A_307 = tpu.memref_squeeze %dma_wait3A_306 : memref<1x1x25088xf32, #tpu.memory_space<hbm>> -> memref<25088xf32, #tpu.memory_space<hbm>>
      %dma_wait3A_308 = arith.constant 14336 : i32
      %dma_wait3A_309 = tpu.memref_slice %dma_wait3A_307[%dma_wait3A_308] : memref<25088xf32, #tpu.memory_space<hbm>> -> memref<2048xf32, #tpu.memory_space<hbm>>
      %dma_wait3A_310 = arith.constant 0 : i32
      %dma_wait3A_311 = tpu.memref_slice %arg11[%dma_wait3A_310] : memref<2048xf32, #tpu.memory_space<vmem>> -> memref<2048xf32, #tpu.memory_space<vmem>>
      tpu.wait_dma2 semaphore(%arg13 : memref<!tpu.dma_semaphore, #tpu.memory_space<semaphore_mem>>) src(%dma_wait3A_311 : memref<2048xf32, #tpu.memory_space<vmem>>) dst(%dma_wait3A_309 : memref<2048xf32, #tpu.memory_space<hbm>>)
      %parallel_loop3A_312 = arith.constant 0 : i32
      %parallel_loop3A_313 = arith.constant 128 : i32
      %parallel_loop3A_314 = arith.constant 1 : i32
      scf.for %parallel_loop3A_451 = %parallel_loop3A_312 to %parallel_loop3A_313 step %parallel_loop3A_314  : i32 {
        %parallel_loop3A_452 = arith.constant 16 : i32
        %parallel_loop3A_453 = arith.muli %parallel_loop3A_451, %parallel_loop3A_452 : i32
        %parallel_loop3A_454 = arith.constant 18432 : i32
        %parallel_loop3A_455 = arith.addi %parallel_loop3A_454, %parallel_loop3A_453 : i32
        %parallel_loop3A_456 = arith.index_cast %parallel_loop3A_455 : i32 to index
        %parallel_loop3A_457 = tpu.vector_load %arg8[%parallel_loop3A_456] {strides = array<i32>} : memref<25088xi32, #tpu.memory_space<vmem>>, vector<16xi32>,
        %parallel_loop3A_458 = tpu.vector_load_idx %arg9[%parallel_loop3A_457] : memref<100000xf32, #tpu.memory_space<vmem>>[vector<16xi32>], vector<16xf32>,
        %parallel_loop3A_459 = arith.constant 16 : i32
        %parallel_loop3A_460 = arith.muli %parallel_loop3A_451, %parallel_loop3A_459 : i32
        %parallel_loop3A_461 = arith.index_cast %parallel_loop3A_460 : i32 to index
        %parallel_loop3A_462 = tpu.vector_load %arg11[%parallel_loop3A_461] {strides = array<i32>} : memref<2048xf32, #tpu.memory_space<vmem>>, vector<16xf32>,
        tpu.vector_store %arg11[%parallel_loop3A_461], %parallel_loop3A_458 {strides = array<i32>} : memref<2048xf32, #tpu.memory_space<vmem>>, vector<16xf32>,
      } {sc.loop_unroll_factor = 16 : i64, sc.parallel_access}
      %dma_start3A_315 = arith.constant 0 : i32
      %dma_start3A_316 = tpu.memref_slice %arg11[%dma_start3A_315] : memref<2048xf32, #tpu.memory_space<vmem>> -> memref<2048xf32, #tpu.memory_space<vmem>>
      %dma_start3A_317 = arith.constant 0 : i32
      %dma_start3A_318 = tpu.memref_slice %arg5[%select_n3A, %add3A_49, %dma_start3A_317] : memref<8x64x25088xf32, #tpu.memory_space<hbm>> -> memref<1x1x25088xf32, #tpu.memory_space<hbm>>
      %dma_start3A_319 = tpu.memref_squeeze %dma_start3A_318 : memref<1x1x25088xf32, #tpu.memory_space<hbm>> -> memref<25088xf32, #tpu.memory_space<hbm>>
      %dma_start3A_320 = arith.constant 18432 : i32
      %dma_start3A_321 = tpu.memref_slice %dma_start3A_319[%dma_start3A_320] : memref<25088xf32, #tpu.memory_space<hbm>> -> memref<2048xf32, #tpu.memory_space<hbm>>
      %dma_start3A_322 = arith.constant 0 : i32
      %dma_start3A_323 = tpu.memref_slice %arg5[%select_n3A, %add3A_49, %dma_start3A_322] : memref<8x64x25088xf32, #tpu.memory_space<hbm>> -> memref<1x1x25088xf32, #tpu.memory_space<hbm>>
      %dma_start3A_324 = tpu.memref_squeeze %dma_start3A_323 : memref<1x1x25088xf32, #tpu.memory_space<hbm>> -> memref<25088xf32, #tpu.memory_space<hbm>>
      %dma_start3A_325 = arith.constant 18432 : i32
      %dma_start3A_326 = tpu.memref_slice %dma_start3A_324[%dma_start3A_325] : memref<25088xf32, #tpu.memory_space<hbm>> -> memref<2048xf32, #tpu.memory_space<hbm>>
      %dma_start3A_327 = arith.constant 0 : i32
      %dma_start3A_328 = tpu.memref_slice %arg11[%dma_start3A_327] : memref<2048xf32, #tpu.memory_space<vmem>> -> memref<2048xf32, #tpu.memory_space<vmem>>
      tpu.enqueue_dma source(%dma_start3A_328 : memref<2048xf32, #tpu.memory_space<vmem>>) target(%dma_start3A_326 : memref<2048xf32, #tpu.memory_space<hbm>>) target_semaphore(%arg13 : memref<!tpu.dma_semaphore, #tpu.memory_space<semaphore_mem>>)
      %dma_wait3A_329 = arith.constant 0 : i32
      %dma_wait3A_330 = tpu.memref_slice %arg10[%dma_wait3A_329] : memref<2048xf32, #tpu.memory_space<vmem>> -> memref<2048xf32, #tpu.memory_space<vmem>>
      %dma_wait3A_331 = arith.constant 0 : i32
      %dma_wait3A_332 = tpu.memref_slice %arg5[%select_n3A, %add3A_49, %dma_wait3A_331] : memref<8x64x25088xf32, #tpu.memory_space<hbm>> -> memref<1x1x25088xf32, #tpu.memory_space<hbm>>
      %dma_wait3A_333 = tpu.memref_squeeze %dma_wait3A_332 : memref<1x1x25088xf32, #tpu.memory_space<hbm>> -> memref<25088xf32, #tpu.memory_space<hbm>>
      %dma_wait3A_334 = arith.constant 16384 : i32
      %dma_wait3A_335 = tpu.memref_slice %dma_wait3A_333[%dma_wait3A_334] : memref<25088xf32, #tpu.memory_space<hbm>> -> memref<2048xf32, #tpu.memory_space<hbm>>
      %dma_wait3A_336 = arith.constant 0 : i32
      %dma_wait3A_337 = tpu.memref_slice %arg5[%select_n3A, %add3A_49, %dma_wait3A_336] : memref<8x64x25088xf32, #tpu.memory_space<hbm>> -> memref<1x1x25088xf32, #tpu.memory_space<hbm>>
      %dma_wait3A_338 = tpu.memref_squeeze %dma_wait3A_337 : memref<1x1x25088xf32, #tpu.memory_space<hbm>> -> memref<25088xf32, #tpu.memory_space<hbm>>
      %dma_wait3A_339 = arith.constant 16384 : i32
      %dma_wait3A_340 = tpu.memref_slice %dma_wait3A_338[%dma_wait3A_339] : memref<25088xf32, #tpu.memory_space<hbm>> -> memref<2048xf32, #tpu.memory_space<hbm>>
      %dma_wait3A_341 = arith.constant 0 : i32
      %dma_wait3A_342 = tpu.memref_slice %arg10[%dma_wait3A_341] : memref<2048xf32, #tpu.memory_space<vmem>> -> memref<2048xf32, #tpu.memory_space<vmem>>
      tpu.wait_dma2 semaphore(%arg12 : memref<!tpu.dma_semaphore, #tpu.memory_space<semaphore_mem>>) src(%dma_wait3A_342 : memref<2048xf32, #tpu.memory_space<vmem>>) dst(%dma_wait3A_340 : memref<2048xf32, #tpu.memory_space<hbm>>)
      %parallel_loop3A_343 = arith.constant 0 : i32
      %parallel_loop3A_344 = arith.constant 128 : i32
      %parallel_loop3A_345 = arith.constant 1 : i32
      scf.for %parallel_loop3A_451 = %parallel_loop3A_343 to %parallel_loop3A_344 step %parallel_loop3A_345  : i32 {
        %parallel_loop3A_452 = arith.constant 16 : i32
        %parallel_loop3A_453 = arith.muli %parallel_loop3A_451, %parallel_loop3A_452 : i32
        %parallel_loop3A_454 = arith.constant 20480 : i32
        %parallel_loop3A_455 = arith.addi %parallel_loop3A_454, %parallel_loop3A_453 : i32
        %parallel_loop3A_456 = arith.index_cast %parallel_loop3A_455 : i32 to index
        %parallel_loop3A_457 = tpu.vector_load %arg8[%parallel_loop3A_456] {strides = array<i32>} : memref<25088xi32, #tpu.memory_space<vmem>>, vector<16xi32>,
        %parallel_loop3A_458 = tpu.vector_load_idx %arg9[%parallel_loop3A_457] : memref<100000xf32, #tpu.memory_space<vmem>>[vector<16xi32>], vector<16xf32>,
        %parallel_loop3A_459 = arith.constant 16 : i32
        %parallel_loop3A_460 = arith.muli %parallel_loop3A_451, %parallel_loop3A_459 : i32
        %parallel_loop3A_461 = arith.index_cast %parallel_loop3A_460 : i32 to index
        %parallel_loop3A_462 = tpu.vector_load %arg10[%parallel_loop3A_461] {strides = array<i32>} : memref<2048xf32, #tpu.memory_space<vmem>>, vector<16xf32>,
        tpu.vector_store %arg10[%parallel_loop3A_461], %parallel_loop3A_458 {strides = array<i32>} : memref<2048xf32, #tpu.memory_space<vmem>>, vector<16xf32>,
      } {sc.loop_unroll_factor = 16 : i64, sc.parallel_access}
      %dma_start3A_346 = arith.constant 0 : i32
      %dma_start3A_347 = tpu.memref_slice %arg10[%dma_start3A_346] : memref<2048xf32, #tpu.memory_space<vmem>> -> memref<2048xf32, #tpu.memory_space<vmem>>
      %dma_start3A_348 = arith.constant 0 : i32
      %dma_start3A_349 = tpu.memref_slice %arg5[%select_n3A, %add3A_49, %dma_start3A_348] : memref<8x64x25088xf32, #tpu.memory_space<hbm>> -> memref<1x1x25088xf32, #tpu.memory_space<hbm>>
      %dma_start3A_350 = tpu.memref_squeeze %dma_start3A_349 : memref<1x1x25088xf32, #tpu.memory_space<hbm>> -> memref<25088xf32, #tpu.memory_space<hbm>>
      %dma_start3A_351 = arith.constant 20480 : i32
      %dma_start3A_352 = tpu.memref_slice %dma_start3A_350[%dma_start3A_351] : memref<25088xf32, #tpu.memory_space<hbm>> -> memref<2048xf32, #tpu.memory_space<hbm>>
      %dma_start3A_353 = arith.constant 0 : i32
      %dma_start3A_354 = tpu.memref_slice %arg5[%select_n3A, %add3A_49, %dma_start3A_353] : memref<8x64x25088xf32, #tpu.memory_space<hbm>> -> memref<1x1x25088xf32, #tpu.memory_space<hbm>>
      %dma_start3A_355 = tpu.memref_squeeze %dma_start3A_354 : memref<1x1x25088xf32, #tpu.memory_space<hbm>> -> memref<25088xf32, #tpu.memory_space<hbm>>
      %dma_start3A_356 = arith.constant 20480 : i32
      %dma_start3A_357 = tpu.memref_slice %dma_start3A_355[%dma_start3A_356] : memref<25088xf32, #tpu.memory_space<hbm>> -> memref<2048xf32, #tpu.memory_space<hbm>>
      %dma_start3A_358 = arith.constant 0 : i32
      %dma_start3A_359 = tpu.memref_slice %arg10[%dma_start3A_358] : memref<2048xf32, #tpu.memory_space<vmem>> -> memref<2048xf32, #tpu.memory_space<vmem>>
      tpu.enqueue_dma source(%dma_start3A_359 : memref<2048xf32, #tpu.memory_space<vmem>>) target(%dma_start3A_357 : memref<2048xf32, #tpu.memory_space<hbm>>) target_semaphore(%arg12 : memref<!tpu.dma_semaphore, #tpu.memory_space<semaphore_mem>>)
      %dma_wait3A_360 = arith.constant 0 : i32
      %dma_wait3A_361 = tpu.memref_slice %arg11[%dma_wait3A_360] : memref<2048xf32, #tpu.memory_space<vmem>> -> memref<2048xf32, #tpu.memory_space<vmem>>
      %dma_wait3A_362 = arith.constant 0 : i32
      %dma_wait3A_363 = tpu.memref_slice %arg5[%select_n3A, %add3A_49, %dma_wait3A_362] : memref<8x64x25088xf32, #tpu.memory_space<hbm>> -> memref<1x1x25088xf32, #tpu.memory_space<hbm>>
      %dma_wait3A_364 = tpu.memref_squeeze %dma_wait3A_363 : memref<1x1x25088xf32, #tpu.memory_space<hbm>> -> memref<25088xf32, #tpu.memory_space<hbm>>
      %dma_wait3A_365 = arith.constant 18432 : i32
      %dma_wait3A_366 = tpu.memref_slice %dma_wait3A_364[%dma_wait3A_365] : memref<25088xf32, #tpu.memory_space<hbm>> -> memref<2048xf32, #tpu.memory_space<hbm>>
      %dma_wait3A_367 = arith.constant 0 : i32
      %dma_wait3A_368 = tpu.memref_slice %arg5[%select_n3A, %add3A_49, %dma_wait3A_367] : memref<8x64x25088xf32, #tpu.memory_space<hbm>> -> memref<1x1x25088xf32, #tpu.memory_space<hbm>>
      %dma_wait3A_369 = tpu.memref_squeeze %dma_wait3A_368 : memref<1x1x25088xf32, #tpu.memory_space<hbm>> -> memref<25088xf32, #tpu.memory_space<hbm>>
      %dma_wait3A_370 = arith.constant 18432 : i32
      %dma_wait3A_371 = tpu.memref_slice %dma_wait3A_369[%dma_wait3A_370] : memref<25088xf32, #tpu.memory_space<hbm>> -> memref<2048xf32, #tpu.memory_space<hbm>>
      %dma_wait3A_372 = arith.constant 0 : i32
      %dma_wait3A_373 = tpu.memref_slice %arg11[%dma_wait3A_372] : memref<2048xf32, #tpu.memory_space<vmem>> -> memref<2048xf32, #tpu.memory_space<vmem>>
      tpu.wait_dma2 semaphore(%arg13 : memref<!tpu.dma_semaphore, #tpu.memory_space<semaphore_mem>>) src(%dma_wait3A_373 : memref<2048xf32, #tpu.memory_space<vmem>>) dst(%dma_wait3A_371 : memref<2048xf32, #tpu.memory_space<hbm>>)
      %parallel_loop3A_374 = arith.constant 0 : i32
      %parallel_loop3A_375 = arith.constant 128 : i32
      %parallel_loop3A_376 = arith.constant 1 : i32
      scf.for %parallel_loop3A_451 = %parallel_loop3A_374 to %parallel_loop3A_375 step %parallel_loop3A_376  : i32 {
        %parallel_loop3A_452 = arith.constant 16 : i32
        %parallel_loop3A_453 = arith.muli %parallel_loop3A_451, %parallel_loop3A_452 : i32
        %parallel_loop3A_454 = arith.constant 22528 : i32
        %parallel_loop3A_455 = arith.addi %parallel_loop3A_454, %parallel_loop3A_453 : i32
        %parallel_loop3A_456 = arith.index_cast %parallel_loop3A_455 : i32 to index
        %parallel_loop3A_457 = tpu.vector_load %arg8[%parallel_loop3A_456] {strides = array<i32>} : memref<25088xi32, #tpu.memory_space<vmem>>, vector<16xi32>,
        %parallel_loop3A_458 = tpu.vector_load_idx %arg9[%parallel_loop3A_457] : memref<100000xf32, #tpu.memory_space<vmem>>[vector<16xi32>], vector<16xf32>,
        %parallel_loop3A_459 = arith.constant 16 : i32
        %parallel_loop3A_460 = arith.muli %parallel_loop3A_451, %parallel_loop3A_459 : i32
        %parallel_loop3A_461 = arith.index_cast %parallel_loop3A_460 : i32 to index
        %parallel_loop3A_462 = tpu.vector_load %arg11[%parallel_loop3A_461] {strides = array<i32>} : memref<2048xf32, #tpu.memory_space<vmem>>, vector<16xf32>,
        tpu.vector_store %arg11[%parallel_loop3A_461], %parallel_loop3A_458 {strides = array<i32>} : memref<2048xf32, #tpu.memory_space<vmem>>, vector<16xf32>,
      } {sc.loop_unroll_factor = 16 : i64, sc.parallel_access}
      %dma_start3A_377 = arith.constant 0 : i32
      %dma_start3A_378 = tpu.memref_slice %arg11[%dma_start3A_377] : memref<2048xf32, #tpu.memory_space<vmem>> -> memref<2048xf32, #tpu.memory_space<vmem>>
      %dma_start3A_379 = arith.constant 0 : i32
      %dma_start3A_380 = tpu.memref_slice %arg5[%select_n3A, %add3A_49, %dma_start3A_379] : memref<8x64x25088xf32, #tpu.memory_space<hbm>> -> memref<1x1x25088xf32, #tpu.memory_space<hbm>>
      %dma_start3A_381 = tpu.memref_squeeze %dma_start3A_380 : memref<1x1x25088xf32, #tpu.memory_space<hbm>> -> memref<25088xf32, #tpu.memory_space<hbm>>
      %dma_start3A_382 = arith.constant 22528 : i32
      %dma_start3A_383 = tpu.memref_slice %dma_start3A_381[%dma_start3A_382] : memref<25088xf32, #tpu.memory_space<hbm>> -> memref<2048xf32, #tpu.memory_space<hbm>>
      %dma_start3A_384 = arith.constant 0 : i32
      %dma_start3A_385 = tpu.memref_slice %arg5[%select_n3A, %add3A_49, %dma_start3A_384] : memref<8x64x25088xf32, #tpu.memory_space<hbm>> -> memref<1x1x25088xf32, #tpu.memory_space<hbm>>
      %dma_start3A_386 = tpu.memref_squeeze %dma_start3A_385 : memref<1x1x25088xf32, #tpu.memory_space<hbm>> -> memref<25088xf32, #tpu.memory_space<hbm>>
      %dma_start3A_387 = arith.constant 22528 : i32
      %dma_start3A_388 = tpu.memref_slice %dma_start3A_386[%dma_start3A_387] : memref<25088xf32, #tpu.memory_space<hbm>> -> memref<2048xf32, #tpu.memory_space<hbm>>
      %dma_start3A_389 = arith.constant 0 : i32
      %dma_start3A_390 = tpu.memref_slice %arg11[%dma_start3A_389] : memref<2048xf32, #tpu.memory_space<vmem>> -> memref<2048xf32, #tpu.memory_space<vmem>>
      tpu.enqueue_dma source(%dma_start3A_390 : memref<2048xf32, #tpu.memory_space<vmem>>) target(%dma_start3A_388 : memref<2048xf32, #tpu.memory_space<hbm>>) target_semaphore(%arg13 : memref<!tpu.dma_semaphore, #tpu.memory_space<semaphore_mem>>)
      %dma_wait3A_391 = arith.constant 0 : i32
      %dma_wait3A_392 = tpu.memref_slice %arg10[%dma_wait3A_391] : memref<2048xf32, #tpu.memory_space<vmem>> -> memref<2048xf32, #tpu.memory_space<vmem>>
      %dma_wait3A_393 = arith.constant 0 : i32
      %dma_wait3A_394 = tpu.memref_slice %arg5[%select_n3A, %add3A_49, %dma_wait3A_393] : memref<8x64x25088xf32, #tpu.memory_space<hbm>> -> memref<1x1x25088xf32, #tpu.memory_space<hbm>>
      %dma_wait3A_395 = tpu.memref_squeeze %dma_wait3A_394 : memref<1x1x25088xf32, #tpu.memory_space<hbm>> -> memref<25088xf32, #tpu.memory_space<hbm>>
      %dma_wait3A_396 = arith.constant 20480 : i32
      %dma_wait3A_397 = tpu.memref_slice %dma_wait3A_395[%dma_wait3A_396] : memref<25088xf32, #tpu.memory_space<hbm>> -> memref<2048xf32, #tpu.memory_space<hbm>>
      %dma_wait3A_398 = arith.constant 0 : i32
      %dma_wait3A_399 = tpu.memref_slice %arg5[%select_n3A, %add3A_49, %dma_wait3A_398] : memref<8x64x25088xf32, #tpu.memory_space<hbm>> -> memref<1x1x25088xf32, #tpu.memory_space<hbm>>
      %dma_wait3A_400 = tpu.memref_squeeze %dma_wait3A_399 : memref<1x1x25088xf32, #tpu.memory_space<hbm>> -> memref<25088xf32, #tpu.memory_space<hbm>>
      %dma_wait3A_401 = arith.constant 20480 : i32
      %dma_wait3A_402 = tpu.memref_slice %dma_wait3A_400[%dma_wait3A_401] : memref<25088xf32, #tpu.memory_space<hbm>> -> memref<2048xf32, #tpu.memory_space<hbm>>
      %dma_wait3A_403 = arith.constant 0 : i32
      %dma_wait3A_404 = tpu.memref_slice %arg10[%dma_wait3A_403] : memref<2048xf32, #tpu.memory_space<vmem>> -> memref<2048xf32, #tpu.memory_space<vmem>>
      tpu.wait_dma2 semaphore(%arg12 : memref<!tpu.dma_semaphore, #tpu.memory_space<semaphore_mem>>) src(%dma_wait3A_404 : memref<2048xf32, #tpu.memory_space<vmem>>) dst(%dma_wait3A_402 : memref<2048xf32, #tpu.memory_space<hbm>>)
      %parallel_loop3A_405 = arith.constant 0 : i32
      %parallel_loop3A_406 = arith.constant 32 : i32
      %parallel_loop3A_407 = arith.constant 1 : i32
      scf.for %parallel_loop3A_451 = %parallel_loop3A_405 to %parallel_loop3A_406 step %parallel_loop3A_407  : i32 {
        %parallel_loop3A_452 = arith.constant 16 : i32
        %parallel_loop3A_453 = arith.muli %parallel_loop3A_451, %parallel_loop3A_452 : i32
        %parallel_loop3A_454 = arith.constant 24576 : i32
        %parallel_loop3A_455 = arith.addi %parallel_loop3A_454, %parallel_loop3A_453 : i32
        %parallel_loop3A_456 = arith.index_cast %parallel_loop3A_455 : i32 to index
        %parallel_loop3A_457 = tpu.vector_load %arg8[%parallel_loop3A_456] {strides = array<i32>} : memref<25088xi32, #tpu.memory_space<vmem>>, vector<16xi32>,
        %parallel_loop3A_458 = tpu.vector_load_idx %arg9[%parallel_loop3A_457] : memref<100000xf32, #tpu.memory_space<vmem>>[vector<16xi32>], vector<16xf32>,
        %parallel_loop3A_459 = arith.constant 16 : i32
        %parallel_loop3A_460 = arith.muli %parallel_loop3A_451, %parallel_loop3A_459 : i32
        %parallel_loop3A_461 = arith.index_cast %parallel_loop3A_460 : i32 to index
        %parallel_loop3A_462 = tpu.vector_load %arg10[%parallel_loop3A_461] {strides = array<i32>} : memref<2048xf32, #tpu.memory_space<vmem>>, vector<16xf32>,
        tpu.vector_store %arg10[%parallel_loop3A_461], %parallel_loop3A_458 {strides = array<i32>} : memref<2048xf32, #tpu.memory_space<vmem>>, vector<16xf32>,
      } {sc.loop_unroll_factor = 16 : i64, sc.parallel_access}
      %dma_start3A_408 = arith.constant 0 : i32
      %dma_start3A_409 = tpu.memref_slice %arg10[%dma_start3A_408] : memref<2048xf32, #tpu.memory_space<vmem>> -> memref<512xf32, #tpu.memory_space<vmem>>
      %dma_start3A_410 = arith.constant 0 : i32
      %dma_start3A_411 = tpu.memref_slice %arg5[%select_n3A, %add3A_49, %dma_start3A_410] : memref<8x64x25088xf32, #tpu.memory_space<hbm>> -> memref<1x1x25088xf32, #tpu.memory_space<hbm>>
      %dma_start3A_412 = tpu.memref_squeeze %dma_start3A_411 : memref<1x1x25088xf32, #tpu.memory_space<hbm>> -> memref<25088xf32, #tpu.memory_space<hbm>>
      %dma_start3A_413 = arith.constant 24576 : i32
      %dma_start3A_414 = tpu.memref_slice %dma_start3A_412[%dma_start3A_413] : memref<25088xf32, #tpu.memory_space<hbm>> -> memref<512xf32, #tpu.memory_space<hbm>>
      %dma_start3A_415 = arith.constant 0 : i32
      %dma_start3A_416 = tpu.memref_slice %arg5[%select_n3A, %add3A_49, %dma_start3A_415] : memref<8x64x25088xf32, #tpu.memory_space<hbm>> -> memref<1x1x25088xf32, #tpu.memory_space<hbm>>
      %dma_start3A_417 = tpu.memref_squeeze %dma_start3A_416 : memref<1x1x25088xf32, #tpu.memory_space<hbm>> -> memref<25088xf32, #tpu.memory_space<hbm>>
      %dma_start3A_418 = arith.constant 24576 : i32
      %dma_start3A_419 = tpu.memref_slice %dma_start3A_417[%dma_start3A_418] : memref<25088xf32, #tpu.memory_space<hbm>> -> memref<512xf32, #tpu.memory_space<hbm>>
      %dma_start3A_420 = arith.constant 0 : i32
      %dma_start3A_421 = tpu.memref_slice %arg10[%dma_start3A_420] : memref<2048xf32, #tpu.memory_space<vmem>> -> memref<512xf32, #tpu.memory_space<vmem>>
      tpu.enqueue_dma source(%dma_start3A_421 : memref<512xf32, #tpu.memory_space<vmem>>) target(%dma_start3A_419 : memref<512xf32, #tpu.memory_space<hbm>>) target_semaphore(%arg12 : memref<!tpu.dma_semaphore, #tpu.memory_space<semaphore_mem>>)
      %dma_wait3A_422 = arith.constant 0 : i32
      %dma_wait3A_423 = tpu.memref_slice %arg11[%dma_wait3A_422] : memref<2048xf32, #tpu.memory_space<vmem>> -> memref<2048xf32, #tpu.memory_space<vmem>>
      %dma_wait3A_424 = arith.constant 0 : i32
      %dma_wait3A_425 = tpu.memref_slice %arg5[%select_n3A, %add3A_49, %dma_wait3A_424] : memref<8x64x25088xf32, #tpu.memory_space<hbm>> -> memref<1x1x25088xf32, #tpu.memory_space<hbm>>
      %dma_wait3A_426 = tpu.memref_squeeze %dma_wait3A_425 : memref<1x1x25088xf32, #tpu.memory_space<hbm>> -> memref<25088xf32, #tpu.memory_space<hbm>>
      %dma_wait3A_427 = arith.constant 22528 : i32
      %dma_wait3A_428 = tpu.memref_slice %dma_wait3A_426[%dma_wait3A_427] : memref<25088xf32, #tpu.memory_space<hbm>> -> memref<2048xf32, #tpu.memory_space<hbm>>
      %dma_wait3A_429 = arith.constant 0 : i32
      %dma_wait3A_430 = tpu.memref_slice %arg5[%select_n3A, %add3A_49, %dma_wait3A_429] : memref<8x64x25088xf32, #tpu.memory_space<hbm>> -> memref<1x1x25088xf32, #tpu.memory_space<hbm>>
      %dma_wait3A_431 = tpu.memref_squeeze %dma_wait3A_430 : memref<1x1x25088xf32, #tpu.memory_space<hbm>> -> memref<25088xf32, #tpu.memory_space<hbm>>
      %dma_wait3A_432 = arith.constant 22528 : i32
      %dma_wait3A_433 = tpu.memref_slice %dma_wait3A_431[%dma_wait3A_432] : memref<25088xf32, #tpu.memory_space<hbm>> -> memref<2048xf32, #tpu.memory_space<hbm>>
      %dma_wait3A_434 = arith.constant 0 : i32
      %dma_wait3A_435 = tpu.memref_slice %arg11[%dma_wait3A_434] : memref<2048xf32, #tpu.memory_space<vmem>> -> memref<2048xf32, #tpu.memory_space<vmem>>
      tpu.wait_dma2 semaphore(%arg13 : memref<!tpu.dma_semaphore, #tpu.memory_space<semaphore_mem>>) src(%dma_wait3A_435 : memref<2048xf32, #tpu.memory_space<vmem>>) dst(%dma_wait3A_433 : memref<2048xf32, #tpu.memory_space<hbm>>)
      %dma_wait3A_436 = arith.constant 0 : i32
      %dma_wait3A_437 = tpu.memref_slice %arg10[%dma_wait3A_436] : memref<2048xf32, #tpu.memory_space<vmem>> -> memref<512xf32, #tpu.memory_space<vmem>>
      %dma_wait3A_438 = arith.constant 0 : i32
      %dma_wait3A_439 = tpu.memref_slice %arg5[%select_n3A, %add3A_49, %dma_wait3A_438] : memref<8x64x25088xf32, #tpu.memory_space<hbm>> -> memref<1x1x25088xf32, #tpu.memory_space<hbm>>
      %dma_wait3A_440 = tpu.memref_squeeze %dma_wait3A_439 : memref<1x1x25088xf32, #tpu.memory_space<hbm>> -> memref<25088xf32, #tpu.memory_space<hbm>>
      %dma_wait3A_441 = arith.constant 24576 : i32
      %dma_wait3A_442 = tpu.memref_slice %dma_wait3A_440[%dma_wait3A_441] : memref<25088xf32, #tpu.memory_space<hbm>> -> memref<512xf32, #tpu.memory_space<hbm>>
      %dma_wait3A_443 = arith.constant 0 : i32
      %dma_wait3A_444 = tpu.memref_slice %arg5[%select_n3A, %add3A_49, %dma_wait3A_443] : memref<8x64x25088xf32, #tpu.memory_space<hbm>> -> memref<1x1x25088xf32, #tpu.memory_space<hbm>>
      %dma_wait3A_445 = tpu.memref_squeeze %dma_wait3A_444 : memref<1x1x25088xf32, #tpu.memory_space<hbm>> -> memref<25088xf32, #tpu.memory_space<hbm>>
      %dma_wait3A_446 = arith.constant 24576 : i32
      %dma_wait3A_447 = tpu.memref_slice %dma_wait3A_445[%dma_wait3A_446] : memref<25088xf32, #tpu.memory_space<hbm>> -> memref<512xf32, #tpu.memory_space<hbm>>
      %dma_wait3A_448 = arith.constant 0 : i32
      %dma_wait3A_449 = tpu.memref_slice %arg10[%dma_wait3A_448] : memref<2048xf32, #tpu.memory_space<vmem>> -> memref<512xf32, #tpu.memory_space<vmem>>
      tpu.wait_dma2 semaphore(%arg12 : memref<!tpu.dma_semaphore, #tpu.memory_space<semaphore_mem>>) src(%dma_wait3A_449 : memref<512xf32, #tpu.memory_space<vmem>>) dst(%dma_wait3A_447 : memref<512xf32, #tpu.memory_space<hbm>>)
      %scan3A_450 = arith.constant 0 : i32
      scf.yield %scan3A_450 : i32
    }
    %scan3A_39 = arith.constant 16 : i32
    %lt3A_40 = arith.constant 3 : i32
    %lt3A_41 = arith.cmpi slt, %select_n3A_30, %lt3A_40 : i32
    %convert_element_type3A_42 = arith.extui %lt3A_41 : i1 to i32
    %cond3A_43 = arith.constant 0 : i32
    %cond3A_44 = arith.cmpi ne, %convert_element_type3A_42, %cond3A_43 : i32
    scf.if %cond3A_44 {
      "tpu.region"() ({
        %run_scoped3A = tpu.sem_alloc : memref<!tpu.dma_semaphore, #tpu.memory_space<semaphore_mem>>
        %dma_start3A_445 = arith.constant 0 : i32
        %dma_start3A_446 = tpu.memref_slice %arg3[%select_n3A_30, %select_n3A, %dma_start3A_445] : memref<3x8x100000xf32, #tpu.memory_space<hbm>> -> memref<1x1x100000xf32, #tpu.memory_space<hbm>>
        %dma_start3A_447 = tpu.memref_squeeze %dma_start3A_446 : memref<1x1x100000xf32, #tpu.memory_space<hbm>> -> memref<100000xf32, #tpu.memory_space<hbm>>
        %dma_start3A_448 = arith.constant 0 : i32
        %dma_start3A_449 = tpu.memref_slice %arg3[%select_n3A_30, %select_n3A, %dma_start3A_448] : memref<3x8x100000xf32, #tpu.memory_space<hbm>> -> memref<1x1x100000xf32, #tpu.memory_space<hbm>>
        %dma_start3A_450 = tpu.memref_squeeze %dma_start3A_449 : memref<1x1x100000xf32, #tpu.memory_space<hbm>> -> memref<100000xf32, #tpu.memory_space<hbm>>
        tpu.enqueue_dma source(%dma_start3A_450 : memref<100000xf32, #tpu.memory_space<hbm>>) target(%arg9 : memref<100000xf32, #tpu.memory_space<vmem>>) target_semaphore(%run_scoped3A : memref<!tpu.dma_semaphore, #tpu.memory_space<semaphore_mem>>)
        %dma_wait3A_451 = arith.constant 0 : i32
        %dma_wait3A_452 = tpu.memref_slice %arg3[%select_n3A_30, %select_n3A, %dma_wait3A_451] : memref<3x8x100000xf32, #tpu.memory_space<hbm>> -> memref<1x1x100000xf32, #tpu.memory_space<hbm>>
        %dma_wait3A_453 = tpu.memref_squeeze %dma_wait3A_452 : memref<1x1x100000xf32, #tpu.memory_space<hbm>> -> memref<100000xf32, #tpu.memory_space<hbm>>
        %dma_wait3A_454 = arith.constant 0 : i32
        %dma_wait3A_455 = tpu.memref_slice %arg3[%select_n3A_30, %select_n3A, %dma_wait3A_454] : memref<3x8x100000xf32, #tpu.memory_space<hbm>> -> memref<1x1x100000xf32, #tpu.memory_space<hbm>>
        %dma_wait3A_456 = tpu.memref_squeeze %dma_wait3A_455 : memref<1x1x100000xf32, #tpu.memory_space<hbm>> -> memref<100000xf32, #tpu.memory_space<hbm>>
        tpu.wait_dma2 semaphore(%run_scoped3A : memref<!tpu.dma_semaphore, #tpu.memory_space<semaphore_mem>>) src(%dma_wait3A_456 : memref<100000xf32, #tpu.memory_space<hbm>>) dst(%arg9 : memref<100000xf32, #tpu.memory_space<vmem>>)
        tpu.yield
      }) : () -> ()
      %parallel_loop3A = arith.constant 0 : i32
      %parallel_loop3A_45 = arith.constant 128 : i32
      %parallel_loop3A_46 = arith.constant 1 : i32
      scf.for %parallel_loop3A_445 = %parallel_loop3A to %parallel_loop3A_45 step %parallel_loop3A_46  : i32 {
        %parallel_loop3A_446 = arith.constant 16 : i32
        %parallel_loop3A_447 = arith.muli %parallel_loop3A_445, %parallel_loop3A_446 : i32
        %parallel_loop3A_448 = arith.constant 0 : i32
        %parallel_loop3A_449 = arith.addi %parallel_loop3A_448, %parallel_loop3A_447 : i32
        %parallel_loop3A_450 = arith.index_cast %parallel_loop3A_449 : i32 to index
        %parallel_loop3A_451 = tpu.vector_load %arg8[%parallel_loop3A_450] {strides = array<i32>} : memref<25088xi32, #tpu.memory_space<vmem>>, vector<16xi32>,
        %parallel_loop3A_452 = tpu.vector_load_idx %arg9[%parallel_loop3A_451] : memref<100000xf32, #tpu.memory_space<vmem>>[vector<16xi32>], vector<16xf32>,
        %parallel_loop3A_453 = arith.constant 16 : i32
        %parallel_loop3A_454 = arith.muli %parallel_loop3A_445, %parallel_loop3A_453 : i32
        %parallel_loop3A_455 = arith.index_cast %parallel_loop3A_454 : i32 to index
        %parallel_loop3A_456 = tpu.vector_load %arg10[%parallel_loop3A_455] {strides = array<i32>} : memref<2048xf32, #tpu.memory_space<vmem>>, vector<16xf32>,
        tpu.vector_store %arg10[%parallel_loop3A_455], %parallel_loop3A_452 {strides = array<i32>} : memref<2048xf32, #tpu.memory_space<vmem>>, vector<16xf32>,
      } {sc.loop_unroll_factor = 16 : i64, sc.parallel_access}
      %dma_start3A = arith.constant 0 : i32
      %dma_start3A_47 = tpu.memref_slice %arg10[%dma_start3A] : memref<2048xf32, #tpu.memory_space<vmem>> -> memref<2048xf32, #tpu.memory_space<vmem>>
      %dma_start3A_48 = arith.constant 0 : i32
      %dma_start3A_49 = tpu.memref_slice %arg6[%select_n3A_30, %select_n3A, %dma_start3A_48] : memref<3x8x25088xf32, #tpu.memory_space<hbm>> -> memref<1x1x25088xf32, #tpu.memory_space<hbm>>
      %dma_start3A_50 = tpu.memref_squeeze %dma_start3A_49 : memref<1x1x25088xf32, #tpu.memory_space<hbm>> -> memref<25088xf32, #tpu.memory_space<hbm>>
      %dma_start3A_51 = arith.constant 0 : i32
      %dma_start3A_52 = tpu.memref_slice %dma_start3A_50[%dma_start3A_51] : memref<25088xf32, #tpu.memory_space<hbm>> -> memref<2048xf32, #tpu.memory_space<hbm>>
      %dma_start3A_53 = arith.constant 0 : i32
      %dma_start3A_54 = tpu.memref_slice %arg6[%select_n3A_30, %select_n3A, %dma_start3A_53] : memref<3x8x25088xf32, #tpu.memory_space<hbm>> -> memref<1x1x25088xf32, #tpu.memory_space<hbm>>
      %dma_start3A_55 = tpu.memref_squeeze %dma_start3A_54 : memref<1x1x25088xf32, #tpu.memory_space<hbm>> -> memref<25088xf32, #tpu.memory_space<hbm>>
      %dma_start3A_56 = arith.constant 0 : i32
      %dma_start3A_57 = tpu.memref_slice %dma_start3A_55[%dma_start3A_56] : memref<25088xf32, #tpu.memory_space<hbm>> -> memref<2048xf32, #tpu.memory_space<hbm>>
      %dma_start3A_58 = arith.constant 0 : i32
      %dma_start3A_59 = tpu.memref_slice %arg10[%dma_start3A_58] : memref<2048xf32, #tpu.memory_space<vmem>> -> memref<2048xf32, #tpu.memory_space<vmem>>
      tpu.enqueue_dma source(%dma_start3A_59 : memref<2048xf32, #tpu.memory_space<vmem>>) target(%dma_start3A_57 : memref<2048xf32, #tpu.memory_space<hbm>>) target_semaphore(%arg12 : memref<!tpu.dma_semaphore, #tpu.memory_space<semaphore_mem>>)
      %parallel_loop3A_60 = arith.constant 0 : i32
      %parallel_loop3A_61 = arith.constant 128 : i32
      %parallel_loop3A_62 = arith.constant 1 : i32
      scf.for %parallel_loop3A_445 = %parallel_loop3A_60 to %parallel_loop3A_61 step %parallel_loop3A_62  : i32 {
        %parallel_loop3A_446 = arith.constant 16 : i32
        %parallel_loop3A_447 = arith.muli %parallel_loop3A_445, %parallel_loop3A_446 : i32
        %parallel_loop3A_448 = arith.constant 2048 : i32
        %parallel_loop3A_449 = arith.addi %parallel_loop3A_448, %parallel_loop3A_447 : i32
        %parallel_loop3A_450 = arith.index_cast %parallel_loop3A_449 : i32 to index
        %parallel_loop3A_451 = tpu.vector_load %arg8[%parallel_loop3A_450] {strides = array<i32>} : memref<25088xi32, #tpu.memory_space<vmem>>, vector<16xi32>,
        %parallel_loop3A_452 = tpu.vector_load_idx %arg9[%parallel_loop3A_451] : memref<100000xf32, #tpu.memory_space<vmem>>[vector<16xi32>], vector<16xf32>,
        %parallel_loop3A_453 = arith.constant 16 : i32
        %parallel_loop3A_454 = arith.muli %parallel_loop3A_445, %parallel_loop3A_453 : i32
        %parallel_loop3A_455 = arith.index_cast %parallel_loop3A_454 : i32 to index
        %parallel_loop3A_456 = tpu.vector_load %arg11[%parallel_loop3A_455] {strides = array<i32>} : memref<2048xf32, #tpu.memory_space<vmem>>, vector<16xf32>,
        tpu.vector_store %arg11[%parallel_loop3A_455], %parallel_loop3A_452 {strides = array<i32>} : memref<2048xf32, #tpu.memory_space<vmem>>, vector<16xf32>,
      } {sc.loop_unroll_factor = 16 : i64, sc.parallel_access}
      %dma_start3A_63 = arith.constant 0 : i32
      %dma_start3A_64 = tpu.memref_slice %arg11[%dma_start3A_63] : memref<2048xf32, #tpu.memory_space<vmem>> -> memref<2048xf32, #tpu.memory_space<vmem>>
      %dma_start3A_65 = arith.constant 0 : i32
      %dma_start3A_66 = tpu.memref_slice %arg6[%select_n3A_30, %select_n3A, %dma_start3A_65] : memref<3x8x25088xf32, #tpu.memory_space<hbm>> -> memref<1x1x25088xf32, #tpu.memory_space<hbm>>
      %dma_start3A_67 = tpu.memref_squeeze %dma_start3A_66 : memref<1x1x25088xf32, #tpu.memory_space<hbm>> -> memref<25088xf32, #tpu.memory_space<hbm>>
      %dma_start3A_68 = arith.constant 2048 : i32
      %dma_start3A_69 = tpu.memref_slice %dma_start3A_67[%dma_start3A_68] : memref<25088xf32, #tpu.memory_space<hbm>> -> memref<2048xf32, #tpu.memory_space<hbm>>
      %dma_start3A_70 = arith.constant 0 : i32
      %dma_start3A_71 = tpu.memref_slice %arg6[%select_n3A_30, %select_n3A, %dma_start3A_70] : memref<3x8x25088xf32, #tpu.memory_space<hbm>> -> memref<1x1x25088xf32, #tpu.memory_space<hbm>>
      %dma_start3A_72 = tpu.memref_squeeze %dma_start3A_71 : memref<1x1x25088xf32, #tpu.memory_space<hbm>> -> memref<25088xf32, #tpu.memory_space<hbm>>
      %dma_start3A_73 = arith.constant 2048 : i32
      %dma_start3A_74 = tpu.memref_slice %dma_start3A_72[%dma_start3A_73] : memref<25088xf32, #tpu.memory_space<hbm>> -> memref<2048xf32, #tpu.memory_space<hbm>>
      %dma_start3A_75 = arith.constant 0 : i32
      %dma_start3A_76 = tpu.memref_slice %arg11[%dma_start3A_75] : memref<2048xf32, #tpu.memory_space<vmem>> -> memref<2048xf32, #tpu.memory_space<vmem>>
      tpu.enqueue_dma source(%dma_start3A_76 : memref<2048xf32, #tpu.memory_space<vmem>>) target(%dma_start3A_74 : memref<2048xf32, #tpu.memory_space<hbm>>) target_semaphore(%arg13 : memref<!tpu.dma_semaphore, #tpu.memory_space<semaphore_mem>>)
      %dma_wait3A = arith.constant 0 : i32
      %dma_wait3A_77 = tpu.memref_slice %arg10[%dma_wait3A] : memref<2048xf32, #tpu.memory_space<vmem>> -> memref<2048xf32, #tpu.memory_space<vmem>>
      %dma_wait3A_78 = arith.constant 0 : i32
      %dma_wait3A_79 = tpu.memref_slice %arg6[%select_n3A_30, %select_n3A, %dma_wait3A_78] : memref<3x8x25088xf32, #tpu.memory_space<hbm>> -> memref<1x1x25088xf32, #tpu.memory_space<hbm>>
      %dma_wait3A_80 = tpu.memref_squeeze %dma_wait3A_79 : memref<1x1x25088xf32, #tpu.memory_space<hbm>> -> memref<25088xf32, #tpu.memory_space<hbm>>
      %dma_wait3A_81 = arith.constant 0 : i32
      %dma_wait3A_82 = tpu.memref_slice %dma_wait3A_80[%dma_wait3A_81] : memref<25088xf32, #tpu.memory_space<hbm>> -> memref<2048xf32, #tpu.memory_space<hbm>>
      %dma_wait3A_83 = arith.constant 0 : i32
      %dma_wait3A_84 = tpu.memref_slice %arg6[%select_n3A_30, %select_n3A, %dma_wait3A_83] : memref<3x8x25088xf32, #tpu.memory_space<hbm>> -> memref<1x1x25088xf32, #tpu.memory_space<hbm>>
      %dma_wait3A_85 = tpu.memref_squeeze %dma_wait3A_84 : memref<1x1x25088xf32, #tpu.memory_space<hbm>> -> memref<25088xf32, #tpu.memory_space<hbm>>
      %dma_wait3A_86 = arith.constant 0 : i32
      %dma_wait3A_87 = tpu.memref_slice %dma_wait3A_85[%dma_wait3A_86] : memref<25088xf32, #tpu.memory_space<hbm>> -> memref<2048xf32, #tpu.memory_space<hbm>>
      %dma_wait3A_88 = arith.constant 0 : i32
      %dma_wait3A_89 = tpu.memref_slice %arg10[%dma_wait3A_88] : memref<2048xf32, #tpu.memory_space<vmem>> -> memref<2048xf32, #tpu.memory_space<vmem>>
      tpu.wait_dma2 semaphore(%arg12 : memref<!tpu.dma_semaphore, #tpu.memory_space<semaphore_mem>>) src(%dma_wait3A_89 : memref<2048xf32, #tpu.memory_space<vmem>>) dst(%dma_wait3A_87 : memref<2048xf32, #tpu.memory_space<hbm>>)
      %parallel_loop3A_90 = arith.constant 0 : i32
      %parallel_loop3A_91 = arith.constant 128 : i32
      %parallel_loop3A_92 = arith.constant 1 : i32
      scf.for %parallel_loop3A_445 = %parallel_loop3A_90 to %parallel_loop3A_91 step %parallel_loop3A_92  : i32 {
        %parallel_loop3A_446 = arith.constant 16 : i32
        %parallel_loop3A_447 = arith.muli %parallel_loop3A_445, %parallel_loop3A_446 : i32
        %parallel_loop3A_448 = arith.constant 4096 : i32
        %parallel_loop3A_449 = arith.addi %parallel_loop3A_448, %parallel_loop3A_447 : i32
        %parallel_loop3A_450 = arith.index_cast %parallel_loop3A_449 : i32 to index
        %parallel_loop3A_451 = tpu.vector_load %arg8[%parallel_loop3A_450] {strides = array<i32>} : memref<25088xi32, #tpu.memory_space<vmem>>, vector<16xi32>,
        %parallel_loop3A_452 = tpu.vector_load_idx %arg9[%parallel_loop3A_451] : memref<100000xf32, #tpu.memory_space<vmem>>[vector<16xi32>], vector<16xf32>,
        %parallel_loop3A_453 = arith.constant 16 : i32
        %parallel_loop3A_454 = arith.muli %parallel_loop3A_445, %parallel_loop3A_453 : i32
        %parallel_loop3A_455 = arith.index_cast %parallel_loop3A_454 : i32 to index
        %parallel_loop3A_456 = tpu.vector_load %arg10[%parallel_loop3A_455] {strides = array<i32>} : memref<2048xf32, #tpu.memory_space<vmem>>, vector<16xf32>,
        tpu.vector_store %arg10[%parallel_loop3A_455], %parallel_loop3A_452 {strides = array<i32>} : memref<2048xf32, #tpu.memory_space<vmem>>, vector<16xf32>,
      } {sc.loop_unroll_factor = 16 : i64, sc.parallel_access}
      %dma_start3A_93 = arith.constant 0 : i32
      %dma_start3A_94 = tpu.memref_slice %arg10[%dma_start3A_93] : memref<2048xf32, #tpu.memory_space<vmem>> -> memref<2048xf32, #tpu.memory_space<vmem>>
      %dma_start3A_95 = arith.constant 0 : i32
      %dma_start3A_96 = tpu.memref_slice %arg6[%select_n3A_30, %select_n3A, %dma_start3A_95] : memref<3x8x25088xf32, #tpu.memory_space<hbm>> -> memref<1x1x25088xf32, #tpu.memory_space<hbm>>
      %dma_start3A_97 = tpu.memref_squeeze %dma_start3A_96 : memref<1x1x25088xf32, #tpu.memory_space<hbm>> -> memref<25088xf32, #tpu.memory_space<hbm>>
      %dma_start3A_98 = arith.constant 4096 : i32
      %dma_start3A_99 = tpu.memref_slice %dma_start3A_97[%dma_start3A_98] : memref<25088xf32, #tpu.memory_space<hbm>> -> memref<2048xf32, #tpu.memory_space<hbm>>
      %dma_start3A_100 = arith.constant 0 : i32
      %dma_start3A_101 = tpu.memref_slice %arg6[%select_n3A_30, %select_n3A, %dma_start3A_100] : memref<3x8x25088xf32, #tpu.memory_space<hbm>> -> memref<1x1x25088xf32, #tpu.memory_space<hbm>>
      %dma_start3A_102 = tpu.memref_squeeze %dma_start3A_101 : memref<1x1x25088xf32, #tpu.memory_space<hbm>> -> memref<25088xf32, #tpu.memory_space<hbm>>
      %dma_start3A_103 = arith.constant 4096 : i32
      %dma_start3A_104 = tpu.memref_slice %dma_start3A_102[%dma_start3A_103] : memref<25088xf32, #tpu.memory_space<hbm>> -> memref<2048xf32, #tpu.memory_space<hbm>>
      %dma_start3A_105 = arith.constant 0 : i32
      %dma_start3A_106 = tpu.memref_slice %arg10[%dma_start3A_105] : memref<2048xf32, #tpu.memory_space<vmem>> -> memref<2048xf32, #tpu.memory_space<vmem>>
      tpu.enqueue_dma source(%dma_start3A_106 : memref<2048xf32, #tpu.memory_space<vmem>>) target(%dma_start3A_104 : memref<2048xf32, #tpu.memory_space<hbm>>) target_semaphore(%arg12 : memref<!tpu.dma_semaphore, #tpu.memory_space<semaphore_mem>>)
      %dma_wait3A_107 = arith.constant 0 : i32
      %dma_wait3A_108 = tpu.memref_slice %arg11[%dma_wait3A_107] : memref<2048xf32, #tpu.memory_space<vmem>> -> memref<2048xf32, #tpu.memory_space<vmem>>
      %dma_wait3A_109 = arith.constant 0 : i32
      %dma_wait3A_110 = tpu.memref_slice %arg6[%select_n3A_30, %select_n3A, %dma_wait3A_109] : memref<3x8x25088xf32, #tpu.memory_space<hbm>> -> memref<1x1x25088xf32, #tpu.memory_space<hbm>>
      %dma_wait3A_111 = tpu.memref_squeeze %dma_wait3A_110 : memref<1x1x25088xf32, #tpu.memory_space<hbm>> -> memref<25088xf32, #tpu.memory_space<hbm>>
      %dma_wait3A_112 = arith.constant 2048 : i32
      %dma_wait3A_113 = tpu.memref_slice %dma_wait3A_111[%dma_wait3A_112] : memref<25088xf32, #tpu.memory_space<hbm>> -> memref<2048xf32, #tpu.memory_space<hbm>>
      %dma_wait3A_114 = arith.constant 0 : i32
      %dma_wait3A_115 = tpu.memref_slice %arg6[%select_n3A_30, %select_n3A, %dma_wait3A_114] : memref<3x8x25088xf32, #tpu.memory_space<hbm>> -> memref<1x1x25088xf32, #tpu.memory_space<hbm>>
      %dma_wait3A_116 = tpu.memref_squeeze %dma_wait3A_115 : memref<1x1x25088xf32, #tpu.memory_space<hbm>> -> memref<25088xf32, #tpu.memory_space<hbm>>
      %dma_wait3A_117 = arith.constant 2048 : i32
      %dma_wait3A_118 = tpu.memref_slice %dma_wait3A_116[%dma_wait3A_117] : memref<25088xf32, #tpu.memory_space<hbm>> -> memref<2048xf32, #tpu.memory_space<hbm>>
      %dma_wait3A_119 = arith.constant 0 : i32
      %dma_wait3A_120 = tpu.memref_slice %arg11[%dma_wait3A_119] : memref<2048xf32, #tpu.memory_space<vmem>> -> memref<2048xf32, #tpu.memory_space<vmem>>
      tpu.wait_dma2 semaphore(%arg13 : memref<!tpu.dma_semaphore, #tpu.memory_space<semaphore_mem>>) src(%dma_wait3A_120 : memref<2048xf32, #tpu.memory_space<vmem>>) dst(%dma_wait3A_118 : memref<2048xf32, #tpu.memory_space<hbm>>)
      %parallel_loop3A_121 = arith.constant 0 : i32
      %parallel_loop3A_122 = arith.constant 128 : i32
      %parallel_loop3A_123 = arith.constant 1 : i32
      scf.for %parallel_loop3A_445 = %parallel_loop3A_121 to %parallel_loop3A_122 step %parallel_loop3A_123  : i32 {
        %parallel_loop3A_446 = arith.constant 16 : i32
        %parallel_loop3A_447 = arith.muli %parallel_loop3A_445, %parallel_loop3A_446 : i32
        %parallel_loop3A_448 = arith.constant 6144 : i32
        %parallel_loop3A_449 = arith.addi %parallel_loop3A_448, %parallel_loop3A_447 : i32
        %parallel_loop3A_450 = arith.index_cast %parallel_loop3A_449 : i32 to index
        %parallel_loop3A_451 = tpu.vector_load %arg8[%parallel_loop3A_450] {strides = array<i32>} : memref<25088xi32, #tpu.memory_space<vmem>>, vector<16xi32>,
        %parallel_loop3A_452 = tpu.vector_load_idx %arg9[%parallel_loop3A_451] : memref<100000xf32, #tpu.memory_space<vmem>>[vector<16xi32>], vector<16xf32>,
        %parallel_loop3A_453 = arith.constant 16 : i32
        %parallel_loop3A_454 = arith.muli %parallel_loop3A_445, %parallel_loop3A_453 : i32
        %parallel_loop3A_455 = arith.index_cast %parallel_loop3A_454 : i32 to index
        %parallel_loop3A_456 = tpu.vector_load %arg11[%parallel_loop3A_455] {strides = array<i32>} : memref<2048xf32, #tpu.memory_space<vmem>>, vector<16xf32>,
        tpu.vector_store %arg11[%parallel_loop3A_455], %parallel_loop3A_452 {strides = array<i32>} : memref<2048xf32, #tpu.memory_space<vmem>>, vector<16xf32>,
      } {sc.loop_unroll_factor = 16 : i64, sc.parallel_access}
      %dma_start3A_124 = arith.constant 0 : i32
      %dma_start3A_125 = tpu.memref_slice %arg11[%dma_start3A_124] : memref<2048xf32, #tpu.memory_space<vmem>> -> memref<2048xf32, #tpu.memory_space<vmem>>
      %dma_start3A_126 = arith.constant 0 : i32
      %dma_start3A_127 = tpu.memref_slice %arg6[%select_n3A_30, %select_n3A, %dma_start3A_126] : memref<3x8x25088xf32, #tpu.memory_space<hbm>> -> memref<1x1x25088xf32, #tpu.memory_space<hbm>>
      %dma_start3A_128 = tpu.memref_squeeze %dma_start3A_127 : memref<1x1x25088xf32, #tpu.memory_space<hbm>> -> memref<25088xf32, #tpu.memory_space<hbm>>
      %dma_start3A_129 = arith.constant 6144 : i32
      %dma_start3A_130 = tpu.memref_slice %dma_start3A_128[%dma_start3A_129] : memref<25088xf32, #tpu.memory_space<hbm>> -> memref<2048xf32, #tpu.memory_space<hbm>>
      %dma_start3A_131 = arith.constant 0 : i32
      %dma_start3A_132 = tpu.memref_slice %arg6[%select_n3A_30, %select_n3A, %dma_start3A_131] : memref<3x8x25088xf32, #tpu.memory_space<hbm>> -> memref<1x1x25088xf32, #tpu.memory_space<hbm>>
      %dma_start3A_133 = tpu.memref_squeeze %dma_start3A_132 : memref<1x1x25088xf32, #tpu.memory_space<hbm>> -> memref<25088xf32, #tpu.memory_space<hbm>>
      %dma_start3A_134 = arith.constant 6144 : i32
      %dma_start3A_135 = tpu.memref_slice %dma_start3A_133[%dma_start3A_134] : memref<25088xf32, #tpu.memory_space<hbm>> -> memref<2048xf32, #tpu.memory_space<hbm>>
      %dma_start3A_136 = arith.constant 0 : i32
      %dma_start3A_137 = tpu.memref_slice %arg11[%dma_start3A_136] : memref<2048xf32, #tpu.memory_space<vmem>> -> memref<2048xf32, #tpu.memory_space<vmem>>
      tpu.enqueue_dma source(%dma_start3A_137 : memref<2048xf32, #tpu.memory_space<vmem>>) target(%dma_start3A_135 : memref<2048xf32, #tpu.memory_space<hbm>>) target_semaphore(%arg13 : memref<!tpu.dma_semaphore, #tpu.memory_space<semaphore_mem>>)
      %dma_wait3A_138 = arith.constant 0 : i32
      %dma_wait3A_139 = tpu.memref_slice %arg10[%dma_wait3A_138] : memref<2048xf32, #tpu.memory_space<vmem>> -> memref<2048xf32, #tpu.memory_space<vmem>>
      %dma_wait3A_140 = arith.constant 0 : i32
      %dma_wait3A_141 = tpu.memref_slice %arg6[%select_n3A_30, %select_n3A, %dma_wait3A_140] : memref<3x8x25088xf32, #tpu.memory_space<hbm>> -> memref<1x1x25088xf32, #tpu.memory_space<hbm>>
      %dma_wait3A_142 = tpu.memref_squeeze %dma_wait3A_141 : memref<1x1x25088xf32, #tpu.memory_space<hbm>> -> memref<25088xf32, #tpu.memory_space<hbm>>
      %dma_wait3A_143 = arith.constant 4096 : i32
      %dma_wait3A_144 = tpu.memref_slice %dma_wait3A_142[%dma_wait3A_143] : memref<25088xf32, #tpu.memory_space<hbm>> -> memref<2048xf32, #tpu.memory_space<hbm>>
      %dma_wait3A_145 = arith.constant 0 : i32
      %dma_wait3A_146 = tpu.memref_slice %arg6[%select_n3A_30, %select_n3A, %dma_wait3A_145] : memref<3x8x25088xf32, #tpu.memory_space<hbm>> -> memref<1x1x25088xf32, #tpu.memory_space<hbm>>
      %dma_wait3A_147 = tpu.memref_squeeze %dma_wait3A_146 : memref<1x1x25088xf32, #tpu.memory_space<hbm>> -> memref<25088xf32, #tpu.memory_space<hbm>>
      %dma_wait3A_148 = arith.constant 4096 : i32
      %dma_wait3A_149 = tpu.memref_slice %dma_wait3A_147[%dma_wait3A_148] : memref<25088xf32, #tpu.memory_space<hbm>> -> memref<2048xf32, #tpu.memory_space<hbm>>
      %dma_wait3A_150 = arith.constant 0 : i32
      %dma_wait3A_151 = tpu.memref_slice %arg10[%dma_wait3A_150] : memref<2048xf32, #tpu.memory_space<vmem>> -> memref<2048xf32, #tpu.memory_space<vmem>>
      tpu.wait_dma2 semaphore(%arg12 : memref<!tpu.dma_semaphore, #tpu.memory_space<semaphore_mem>>) src(%dma_wait3A_151 : memref<2048xf32, #tpu.memory_space<vmem>>) dst(%dma_wait3A_149 : memref<2048xf32, #tpu.memory_space<hbm>>)
      %parallel_loop3A_152 = arith.constant 0 : i32
      %parallel_loop3A_153 = arith.constant 128 : i32
      %parallel_loop3A_154 = arith.constant 1 : i32
      scf.for %parallel_loop3A_445 = %parallel_loop3A_152 to %parallel_loop3A_153 step %parallel_loop3A_154  : i32 {
        %parallel_loop3A_446 = arith.constant 16 : i32
        %parallel_loop3A_447 = arith.muli %parallel_loop3A_445, %parallel_loop3A_446 : i32
        %parallel_loop3A_448 = arith.constant 8192 : i32
        %parallel_loop3A_449 = arith.addi %parallel_loop3A_448, %parallel_loop3A_447 : i32
        %parallel_loop3A_450 = arith.index_cast %parallel_loop3A_449 : i32 to index
        %parallel_loop3A_451 = tpu.vector_load %arg8[%parallel_loop3A_450] {strides = array<i32>} : memref<25088xi32, #tpu.memory_space<vmem>>, vector<16xi32>,
        %parallel_loop3A_452 = tpu.vector_load_idx %arg9[%parallel_loop3A_451] : memref<100000xf32, #tpu.memory_space<vmem>>[vector<16xi32>], vector<16xf32>,
        %parallel_loop3A_453 = arith.constant 16 : i32
        %parallel_loop3A_454 = arith.muli %parallel_loop3A_445, %parallel_loop3A_453 : i32
        %parallel_loop3A_455 = arith.index_cast %parallel_loop3A_454 : i32 to index
        %parallel_loop3A_456 = tpu.vector_load %arg10[%parallel_loop3A_455] {strides = array<i32>} : memref<2048xf32, #tpu.memory_space<vmem>>, vector<16xf32>,
        tpu.vector_store %arg10[%parallel_loop3A_455], %parallel_loop3A_452 {strides = array<i32>} : memref<2048xf32, #tpu.memory_space<vmem>>, vector<16xf32>,
      } {sc.loop_unroll_factor = 16 : i64, sc.parallel_access}
      %dma_start3A_155 = arith.constant 0 : i32
      %dma_start3A_156 = tpu.memref_slice %arg10[%dma_start3A_155] : memref<2048xf32, #tpu.memory_space<vmem>> -> memref<2048xf32, #tpu.memory_space<vmem>>
      %dma_start3A_157 = arith.constant 0 : i32
      %dma_start3A_158 = tpu.memref_slice %arg6[%select_n3A_30, %select_n3A, %dma_start3A_157] : memref<3x8x25088xf32, #tpu.memory_space<hbm>> -> memref<1x1x25088xf32, #tpu.memory_space<hbm>>
      %dma_start3A_159 = tpu.memref_squeeze %dma_start3A_158 : memref<1x1x25088xf32, #tpu.memory_space<hbm>> -> memref<25088xf32, #tpu.memory_space<hbm>>
      %dma_start3A_160 = arith.constant 8192 : i32
      %dma_start3A_161 = tpu.memref_slice %dma_start3A_159[%dma_start3A_160] : memref<25088xf32, #tpu.memory_space<hbm>> -> memref<2048xf32, #tpu.memory_space<hbm>>
      %dma_start3A_162 = arith.constant 0 : i32
      %dma_start3A_163 = tpu.memref_slice %arg6[%select_n3A_30, %select_n3A, %dma_start3A_162] : memref<3x8x25088xf32, #tpu.memory_space<hbm>> -> memref<1x1x25088xf32, #tpu.memory_space<hbm>>
      %dma_start3A_164 = tpu.memref_squeeze %dma_start3A_163 : memref<1x1x25088xf32, #tpu.memory_space<hbm>> -> memref<25088xf32, #tpu.memory_space<hbm>>
      %dma_start3A_165 = arith.constant 8192 : i32
      %dma_start3A_166 = tpu.memref_slice %dma_start3A_164[%dma_start3A_165] : memref<25088xf32, #tpu.memory_space<hbm>> -> memref<2048xf32, #tpu.memory_space<hbm>>
      %dma_start3A_167 = arith.constant 0 : i32
      %dma_start3A_168 = tpu.memref_slice %arg10[%dma_start3A_167] : memref<2048xf32, #tpu.memory_space<vmem>> -> memref<2048xf32, #tpu.memory_space<vmem>>
      tpu.enqueue_dma source(%dma_start3A_168 : memref<2048xf32, #tpu.memory_space<vmem>>) target(%dma_start3A_166 : memref<2048xf32, #tpu.memory_space<hbm>>) target_semaphore(%arg12 : memref<!tpu.dma_semaphore, #tpu.memory_space<semaphore_mem>>)
      %dma_wait3A_169 = arith.constant 0 : i32
      %dma_wait3A_170 = tpu.memref_slice %arg11[%dma_wait3A_169] : memref<2048xf32, #tpu.memory_space<vmem>> -> memref<2048xf32, #tpu.memory_space<vmem>>
      %dma_wait3A_171 = arith.constant 0 : i32
      %dma_wait3A_172 = tpu.memref_slice %arg6[%select_n3A_30, %select_n3A, %dma_wait3A_171] : memref<3x8x25088xf32, #tpu.memory_space<hbm>> -> memref<1x1x25088xf32, #tpu.memory_space<hbm>>
      %dma_wait3A_173 = tpu.memref_squeeze %dma_wait3A_172 : memref<1x1x25088xf32, #tpu.memory_space<hbm>> -> memref<25088xf32, #tpu.memory_space<hbm>>
      %dma_wait3A_174 = arith.constant 6144 : i32
      %dma_wait3A_175 = tpu.memref_slice %dma_wait3A_173[%dma_wait3A_174] : memref<25088xf32, #tpu.memory_space<hbm>> -> memref<2048xf32, #tpu.memory_space<hbm>>
      %dma_wait3A_176 = arith.constant 0 : i32
      %dma_wait3A_177 = tpu.memref_slice %arg6[%select_n3A_30, %select_n3A, %dma_wait3A_176] : memref<3x8x25088xf32, #tpu.memory_space<hbm>> -> memref<1x1x25088xf32, #tpu.memory_space<hbm>>
      %dma_wait3A_178 = tpu.memref_squeeze %dma_wait3A_177 : memref<1x1x25088xf32, #tpu.memory_space<hbm>> -> memref<25088xf32, #tpu.memory_space<hbm>>
      %dma_wait3A_179 = arith.constant 6144 : i32
      %dma_wait3A_180 = tpu.memref_slice %dma_wait3A_178[%dma_wait3A_179] : memref<25088xf32, #tpu.memory_space<hbm>> -> memref<2048xf32, #tpu.memory_space<hbm>>
      %dma_wait3A_181 = arith.constant 0 : i32
      %dma_wait3A_182 = tpu.memref_slice %arg11[%dma_wait3A_181] : memref<2048xf32, #tpu.memory_space<vmem>> -> memref<2048xf32, #tpu.memory_space<vmem>>
      tpu.wait_dma2 semaphore(%arg13 : memref<!tpu.dma_semaphore, #tpu.memory_space<semaphore_mem>>) src(%dma_wait3A_182 : memref<2048xf32, #tpu.memory_space<vmem>>) dst(%dma_wait3A_180 : memref<2048xf32, #tpu.memory_space<hbm>>)
      %parallel_loop3A_183 = arith.constant 0 : i32
      %parallel_loop3A_184 = arith.constant 128 : i32
      %parallel_loop3A_185 = arith.constant 1 : i32
      scf.for %parallel_loop3A_445 = %parallel_loop3A_183 to %parallel_loop3A_184 step %parallel_loop3A_185  : i32 {
        %parallel_loop3A_446 = arith.constant 16 : i32
        %parallel_loop3A_447 = arith.muli %parallel_loop3A_445, %parallel_loop3A_446 : i32
        %parallel_loop3A_448 = arith.constant 10240 : i32
        %parallel_loop3A_449 = arith.addi %parallel_loop3A_448, %parallel_loop3A_447 : i32
        %parallel_loop3A_450 = arith.index_cast %parallel_loop3A_449 : i32 to index
        %parallel_loop3A_451 = tpu.vector_load %arg8[%parallel_loop3A_450] {strides = array<i32>} : memref<25088xi32, #tpu.memory_space<vmem>>, vector<16xi32>,
        %parallel_loop3A_452 = tpu.vector_load_idx %arg9[%parallel_loop3A_451] : memref<100000xf32, #tpu.memory_space<vmem>>[vector<16xi32>], vector<16xf32>,
        %parallel_loop3A_453 = arith.constant 16 : i32
        %parallel_loop3A_454 = arith.muli %parallel_loop3A_445, %parallel_loop3A_453 : i32
        %parallel_loop3A_455 = arith.index_cast %parallel_loop3A_454 : i32 to index
        %parallel_loop3A_456 = tpu.vector_load %arg11[%parallel_loop3A_455] {strides = array<i32>} : memref<2048xf32, #tpu.memory_space<vmem>>, vector<16xf32>,
        tpu.vector_store %arg11[%parallel_loop3A_455], %parallel_loop3A_452 {strides = array<i32>} : memref<2048xf32, #tpu.memory_space<vmem>>, vector<16xf32>,
      } {sc.loop_unroll_factor = 16 : i64, sc.parallel_access}
      %dma_start3A_186 = arith.constant 0 : i32
      %dma_start3A_187 = tpu.memref_slice %arg11[%dma_start3A_186] : memref<2048xf32, #tpu.memory_space<vmem>> -> memref<2048xf32, #tpu.memory_space<vmem>>
      %dma_start3A_188 = arith.constant 0 : i32
      %dma_start3A_189 = tpu.memref_slice %arg6[%select_n3A_30, %select_n3A, %dma_start3A_188] : memref<3x8x25088xf32, #tpu.memory_space<hbm>> -> memref<1x1x25088xf32, #tpu.memory_space<hbm>>
      %dma_start3A_190 = tpu.memref_squeeze %dma_start3A_189 : memref<1x1x25088xf32, #tpu.memory_space<hbm>> -> memref<25088xf32, #tpu.memory_space<hbm>>
      %dma_start3A_191 = arith.constant 10240 : i32
      %dma_start3A_192 = tpu.memref_slice %dma_start3A_190[%dma_start3A_191] : memref<25088xf32, #tpu.memory_space<hbm>> -> memref<2048xf32, #tpu.memory_space<hbm>>
      %dma_start3A_193 = arith.constant 0 : i32
      %dma_start3A_194 = tpu.memref_slice %arg6[%select_n3A_30, %select_n3A, %dma_start3A_193] : memref<3x8x25088xf32, #tpu.memory_space<hbm>> -> memref<1x1x25088xf32, #tpu.memory_space<hbm>>
      %dma_start3A_195 = tpu.memref_squeeze %dma_start3A_194 : memref<1x1x25088xf32, #tpu.memory_space<hbm>> -> memref<25088xf32, #tpu.memory_space<hbm>>
      %dma_start3A_196 = arith.constant 10240 : i32
      %dma_start3A_197 = tpu.memref_slice %dma_start3A_195[%dma_start3A_196] : memref<25088xf32, #tpu.memory_space<hbm>> -> memref<2048xf32, #tpu.memory_space<hbm>>
      %dma_start3A_198 = arith.constant 0 : i32
      %dma_start3A_199 = tpu.memref_slice %arg11[%dma_start3A_198] : memref<2048xf32, #tpu.memory_space<vmem>> -> memref<2048xf32, #tpu.memory_space<vmem>>
      tpu.enqueue_dma source(%dma_start3A_199 : memref<2048xf32, #tpu.memory_space<vmem>>) target(%dma_start3A_197 : memref<2048xf32, #tpu.memory_space<hbm>>) target_semaphore(%arg13 : memref<!tpu.dma_semaphore, #tpu.memory_space<semaphore_mem>>)
      %dma_wait3A_200 = arith.constant 0 : i32
      %dma_wait3A_201 = tpu.memref_slice %arg10[%dma_wait3A_200] : memref<2048xf32, #tpu.memory_space<vmem>> -> memref<2048xf32, #tpu.memory_space<vmem>>
      %dma_wait3A_202 = arith.constant 0 : i32
      %dma_wait3A_203 = tpu.memref_slice %arg6[%select_n3A_30, %select_n3A, %dma_wait3A_202] : memref<3x8x25088xf32, #tpu.memory_space<hbm>> -> memref<1x1x25088xf32, #tpu.memory_space<hbm>>
      %dma_wait3A_204 = tpu.memref_squeeze %dma_wait3A_203 : memref<1x1x25088xf32, #tpu.memory_space<hbm>> -> memref<25088xf32, #tpu.memory_space<hbm>>
      %dma_wait3A_205 = arith.constant 8192 : i32
      %dma_wait3A_206 = tpu.memref_slice %dma_wait3A_204[%dma_wait3A_205] : memref<25088xf32, #tpu.memory_space<hbm>> -> memref<2048xf32, #tpu.memory_space<hbm>>
      %dma_wait3A_207 = arith.constant 0 : i32
      %dma_wait3A_208 = tpu.memref_slice %arg6[%select_n3A_30, %select_n3A, %dma_wait3A_207] : memref<3x8x25088xf32, #tpu.memory_space<hbm>> -> memref<1x1x25088xf32, #tpu.memory_space<hbm>>
      %dma_wait3A_209 = tpu.memref_squeeze %dma_wait3A_208 : memref<1x1x25088xf32, #tpu.memory_space<hbm>> -> memref<25088xf32, #tpu.memory_space<hbm>>
      %dma_wait3A_210 = arith.constant 8192 : i32
      %dma_wait3A_211 = tpu.memref_slice %dma_wait3A_209[%dma_wait3A_210] : memref<25088xf32, #tpu.memory_space<hbm>> -> memref<2048xf32, #tpu.memory_space<hbm>>
      %dma_wait3A_212 = arith.constant 0 : i32
      %dma_wait3A_213 = tpu.memref_slice %arg10[%dma_wait3A_212] : memref<2048xf32, #tpu.memory_space<vmem>> -> memref<2048xf32, #tpu.memory_space<vmem>>
      tpu.wait_dma2 semaphore(%arg12 : memref<!tpu.dma_semaphore, #tpu.memory_space<semaphore_mem>>) src(%dma_wait3A_213 : memref<2048xf32, #tpu.memory_space<vmem>>) dst(%dma_wait3A_211 : memref<2048xf32, #tpu.memory_space<hbm>>)
      %parallel_loop3A_214 = arith.constant 0 : i32
      %parallel_loop3A_215 = arith.constant 128 : i32
      %parallel_loop3A_216 = arith.constant 1 : i32
      scf.for %parallel_loop3A_445 = %parallel_loop3A_214 to %parallel_loop3A_215 step %parallel_loop3A_216  : i32 {
        %parallel_loop3A_446 = arith.constant 16 : i32
        %parallel_loop3A_447 = arith.muli %parallel_loop3A_445, %parallel_loop3A_446 : i32
        %parallel_loop3A_448 = arith.constant 12288 : i32
        %parallel_loop3A_449 = arith.addi %parallel_loop3A_448, %parallel_loop3A_447 : i32
        %parallel_loop3A_450 = arith.index_cast %parallel_loop3A_449 : i32 to index
        %parallel_loop3A_451 = tpu.vector_load %arg8[%parallel_loop3A_450] {strides = array<i32>} : memref<25088xi32, #tpu.memory_space<vmem>>, vector<16xi32>,
        %parallel_loop3A_452 = tpu.vector_load_idx %arg9[%parallel_loop3A_451] : memref<100000xf32, #tpu.memory_space<vmem>>[vector<16xi32>], vector<16xf32>,
        %parallel_loop3A_453 = arith.constant 16 : i32
        %parallel_loop3A_454 = arith.muli %parallel_loop3A_445, %parallel_loop3A_453 : i32
        %parallel_loop3A_455 = arith.index_cast %parallel_loop3A_454 : i32 to index
        %parallel_loop3A_456 = tpu.vector_load %arg10[%parallel_loop3A_455] {strides = array<i32>} : memref<2048xf32, #tpu.memory_space<vmem>>, vector<16xf32>,
        tpu.vector_store %arg10[%parallel_loop3A_455], %parallel_loop3A_452 {strides = array<i32>} : memref<2048xf32, #tpu.memory_space<vmem>>, vector<16xf32>,
      } {sc.loop_unroll_factor = 16 : i64, sc.parallel_access}
      %dma_start3A_217 = arith.constant 0 : i32
      %dma_start3A_218 = tpu.memref_slice %arg10[%dma_start3A_217] : memref<2048xf32, #tpu.memory_space<vmem>> -> memref<2048xf32, #tpu.memory_space<vmem>>
      %dma_start3A_219 = arith.constant 0 : i32
      %dma_start3A_220 = tpu.memref_slice %arg6[%select_n3A_30, %select_n3A, %dma_start3A_219] : memref<3x8x25088xf32, #tpu.memory_space<hbm>> -> memref<1x1x25088xf32, #tpu.memory_space<hbm>>
      %dma_start3A_221 = tpu.memref_squeeze %dma_start3A_220 : memref<1x1x25088xf32, #tpu.memory_space<hbm>> -> memref<25088xf32, #tpu.memory_space<hbm>>
      %dma_start3A_222 = arith.constant 12288 : i32
      %dma_start3A_223 = tpu.memref_slice %dma_start3A_221[%dma_start3A_222] : memref<25088xf32, #tpu.memory_space<hbm>> -> memref<2048xf32, #tpu.memory_space<hbm>>
      %dma_start3A_224 = arith.constant 0 : i32
      %dma_start3A_225 = tpu.memref_slice %arg6[%select_n3A_30, %select_n3A, %dma_start3A_224] : memref<3x8x25088xf32, #tpu.memory_space<hbm>> -> memref<1x1x25088xf32, #tpu.memory_space<hbm>>
      %dma_start3A_226 = tpu.memref_squeeze %dma_start3A_225 : memref<1x1x25088xf32, #tpu.memory_space<hbm>> -> memref<25088xf32, #tpu.memory_space<hbm>>
      %dma_start3A_227 = arith.constant 12288 : i32
      %dma_start3A_228 = tpu.memref_slice %dma_start3A_226[%dma_start3A_227] : memref<25088xf32, #tpu.memory_space<hbm>> -> memref<2048xf32, #tpu.memory_space<hbm>>
      %dma_start3A_229 = arith.constant 0 : i32
      %dma_start3A_230 = tpu.memref_slice %arg10[%dma_start3A_229] : memref<2048xf32, #tpu.memory_space<vmem>> -> memref<2048xf32, #tpu.memory_space<vmem>>
      tpu.enqueue_dma source(%dma_start3A_230 : memref<2048xf32, #tpu.memory_space<vmem>>) target(%dma_start3A_228 : memref<2048xf32, #tpu.memory_space<hbm>>) target_semaphore(%arg12 : memref<!tpu.dma_semaphore, #tpu.memory_space<semaphore_mem>>)
      %dma_wait3A_231 = arith.constant 0 : i32
      %dma_wait3A_232 = tpu.memref_slice %arg11[%dma_wait3A_231] : memref<2048xf32, #tpu.memory_space<vmem>> -> memref<2048xf32, #tpu.memory_space<vmem>>
      %dma_wait3A_233 = arith.constant 0 : i32
      %dma_wait3A_234 = tpu.memref_slice %arg6[%select_n3A_30, %select_n3A, %dma_wait3A_233] : memref<3x8x25088xf32, #tpu.memory_space<hbm>> -> memref<1x1x25088xf32, #tpu.memory_space<hbm>>
      %dma_wait3A_235 = tpu.memref_squeeze %dma_wait3A_234 : memref<1x1x25088xf32, #tpu.memory_space<hbm>> -> memref<25088xf32, #tpu.memory_space<hbm>>
      %dma_wait3A_236 = arith.constant 10240 : i32
      %dma_wait3A_237 = tpu.memref_slice %dma_wait3A_235[%dma_wait3A_236] : memref<25088xf32, #tpu.memory_space<hbm>> -> memref<2048xf32, #tpu.memory_space<hbm>>
      %dma_wait3A_238 = arith.constant 0 : i32
      %dma_wait3A_239 = tpu.memref_slice %arg6[%select_n3A_30, %select_n3A, %dma_wait3A_238] : memref<3x8x25088xf32, #tpu.memory_space<hbm>> -> memref<1x1x25088xf32, #tpu.memory_space<hbm>>
      %dma_wait3A_240 = tpu.memref_squeeze %dma_wait3A_239 : memref<1x1x25088xf32, #tpu.memory_space<hbm>> -> memref<25088xf32, #tpu.memory_space<hbm>>
      %dma_wait3A_241 = arith.constant 10240 : i32
      %dma_wait3A_242 = tpu.memref_slice %dma_wait3A_240[%dma_wait3A_241] : memref<25088xf32, #tpu.memory_space<hbm>> -> memref<2048xf32, #tpu.memory_space<hbm>>
      %dma_wait3A_243 = arith.constant 0 : i32
      %dma_wait3A_244 = tpu.memref_slice %arg11[%dma_wait3A_243] : memref<2048xf32, #tpu.memory_space<vmem>> -> memref<2048xf32, #tpu.memory_space<vmem>>
      tpu.wait_dma2 semaphore(%arg13 : memref<!tpu.dma_semaphore, #tpu.memory_space<semaphore_mem>>) src(%dma_wait3A_244 : memref<2048xf32, #tpu.memory_space<vmem>>) dst(%dma_wait3A_242 : memref<2048xf32, #tpu.memory_space<hbm>>)
      %parallel_loop3A_245 = arith.constant 0 : i32
      %parallel_loop3A_246 = arith.constant 128 : i32
      %parallel_loop3A_247 = arith.constant 1 : i32
      scf.for %parallel_loop3A_445 = %parallel_loop3A_245 to %parallel_loop3A_246 step %parallel_loop3A_247  : i32 {
        %parallel_loop3A_446 = arith.constant 16 : i32
        %parallel_loop3A_447 = arith.muli %parallel_loop3A_445, %parallel_loop3A_446 : i32
        %parallel_loop3A_448 = arith.constant 14336 : i32
        %parallel_loop3A_449 = arith.addi %parallel_loop3A_448, %parallel_loop3A_447 : i32
        %parallel_loop3A_450 = arith.index_cast %parallel_loop3A_449 : i32 to index
        %parallel_loop3A_451 = tpu.vector_load %arg8[%parallel_loop3A_450] {strides = array<i32>} : memref<25088xi32, #tpu.memory_space<vmem>>, vector<16xi32>,
        %parallel_loop3A_452 = tpu.vector_load_idx %arg9[%parallel_loop3A_451] : memref<100000xf32, #tpu.memory_space<vmem>>[vector<16xi32>], vector<16xf32>,
        %parallel_loop3A_453 = arith.constant 16 : i32
        %parallel_loop3A_454 = arith.muli %parallel_loop3A_445, %parallel_loop3A_453 : i32
        %parallel_loop3A_455 = arith.index_cast %parallel_loop3A_454 : i32 to index
        %parallel_loop3A_456 = tpu.vector_load %arg11[%parallel_loop3A_455] {strides = array<i32>} : memref<2048xf32, #tpu.memory_space<vmem>>, vector<16xf32>,
        tpu.vector_store %arg11[%parallel_loop3A_455], %parallel_loop3A_452 {strides = array<i32>} : memref<2048xf32, #tpu.memory_space<vmem>>, vector<16xf32>,
      } {sc.loop_unroll_factor = 16 : i64, sc.parallel_access}
      %dma_start3A_248 = arith.constant 0 : i32
      %dma_start3A_249 = tpu.memref_slice %arg11[%dma_start3A_248] : memref<2048xf32, #tpu.memory_space<vmem>> -> memref<2048xf32, #tpu.memory_space<vmem>>
      %dma_start3A_250 = arith.constant 0 : i32
      %dma_start3A_251 = tpu.memref_slice %arg6[%select_n3A_30, %select_n3A, %dma_start3A_250] : memref<3x8x25088xf32, #tpu.memory_space<hbm>> -> memref<1x1x25088xf32, #tpu.memory_space<hbm>>
      %dma_start3A_252 = tpu.memref_squeeze %dma_start3A_251 : memref<1x1x25088xf32, #tpu.memory_space<hbm>> -> memref<25088xf32, #tpu.memory_space<hbm>>
      %dma_start3A_253 = arith.constant 14336 : i32
      %dma_start3A_254 = tpu.memref_slice %dma_start3A_252[%dma_start3A_253] : memref<25088xf32, #tpu.memory_space<hbm>> -> memref<2048xf32, #tpu.memory_space<hbm>>
      %dma_start3A_255 = arith.constant 0 : i32
      %dma_start3A_256 = tpu.memref_slice %arg6[%select_n3A_30, %select_n3A, %dma_start3A_255] : memref<3x8x25088xf32, #tpu.memory_space<hbm>> -> memref<1x1x25088xf32, #tpu.memory_space<hbm>>
      %dma_start3A_257 = tpu.memref_squeeze %dma_start3A_256 : memref<1x1x25088xf32, #tpu.memory_space<hbm>> -> memref<25088xf32, #tpu.memory_space<hbm>>
      %dma_start3A_258 = arith.constant 14336 : i32
      %dma_start3A_259 = tpu.memref_slice %dma_start3A_257[%dma_start3A_258] : memref<25088xf32, #tpu.memory_space<hbm>> -> memref<2048xf32, #tpu.memory_space<hbm>>
      %dma_start3A_260 = arith.constant 0 : i32
      %dma_start3A_261 = tpu.memref_slice %arg11[%dma_start3A_260] : memref<2048xf32, #tpu.memory_space<vmem>> -> memref<2048xf32, #tpu.memory_space<vmem>>
      tpu.enqueue_dma source(%dma_start3A_261 : memref<2048xf32, #tpu.memory_space<vmem>>) target(%dma_start3A_259 : memref<2048xf32, #tpu.memory_space<hbm>>) target_semaphore(%arg13 : memref<!tpu.dma_semaphore, #tpu.memory_space<semaphore_mem>>)
      %dma_wait3A_262 = arith.constant 0 : i32
      %dma_wait3A_263 = tpu.memref_slice %arg10[%dma_wait3A_262] : memref<2048xf32, #tpu.memory_space<vmem>> -> memref<2048xf32, #tpu.memory_space<vmem>>
      %dma_wait3A_264 = arith.constant 0 : i32
      %dma_wait3A_265 = tpu.memref_slice %arg6[%select_n3A_30, %select_n3A, %dma_wait3A_264] : memref<3x8x25088xf32, #tpu.memory_space<hbm>> -> memref<1x1x25088xf32, #tpu.memory_space<hbm>>
      %dma_wait3A_266 = tpu.memref_squeeze %dma_wait3A_265 : memref<1x1x25088xf32, #tpu.memory_space<hbm>> -> memref<25088xf32, #tpu.memory_space<hbm>>
      %dma_wait3A_267 = arith.constant 12288 : i32
      %dma_wait3A_268 = tpu.memref_slice %dma_wait3A_266[%dma_wait3A_267] : memref<25088xf32, #tpu.memory_space<hbm>> -> memref<2048xf32, #tpu.memory_space<hbm>>
      %dma_wait3A_269 = arith.constant 0 : i32
      %dma_wait3A_270 = tpu.memref_slice %arg6[%select_n3A_30, %select_n3A, %dma_wait3A_269] : memref<3x8x25088xf32, #tpu.memory_space<hbm>> -> memref<1x1x25088xf32, #tpu.memory_space<hbm>>
      %dma_wait3A_271 = tpu.memref_squeeze %dma_wait3A_270 : memref<1x1x25088xf32, #tpu.memory_space<hbm>> -> memref<25088xf32, #tpu.memory_space<hbm>>
      %dma_wait3A_272 = arith.constant 12288 : i32
      %dma_wait3A_273 = tpu.memref_slice %dma_wait3A_271[%dma_wait3A_272] : memref<25088xf32, #tpu.memory_space<hbm>> -> memref<2048xf32, #tpu.memory_space<hbm>>
      %dma_wait3A_274 = arith.constant 0 : i32
      %dma_wait3A_275 = tpu.memref_slice %arg10[%dma_wait3A_274] : memref<2048xf32, #tpu.memory_space<vmem>> -> memref<2048xf32, #tpu.memory_space<vmem>>
      tpu.wait_dma2 semaphore(%arg12 : memref<!tpu.dma_semaphore, #tpu.memory_space<semaphore_mem>>) src(%dma_wait3A_275 : memref<2048xf32, #tpu.memory_space<vmem>>) dst(%dma_wait3A_273 : memref<2048xf32, #tpu.memory_space<hbm>>)
      %parallel_loop3A_276 = arith.constant 0 : i32
      %parallel_loop3A_277 = arith.constant 128 : i32
      %parallel_loop3A_278 = arith.constant 1 : i32
      scf.for %parallel_loop3A_445 = %parallel_loop3A_276 to %parallel_loop3A_277 step %parallel_loop3A_278  : i32 {
        %parallel_loop3A_446 = arith.constant 16 : i32
        %parallel_loop3A_447 = arith.muli %parallel_loop3A_445, %parallel_loop3A_446 : i32
        %parallel_loop3A_448 = arith.constant 16384 : i32
        %parallel_loop3A_449 = arith.addi %parallel_loop3A_448, %parallel_loop3A_447 : i32
        %parallel_loop3A_450 = arith.index_cast %parallel_loop3A_449 : i32 to index
        %parallel_loop3A_451 = tpu.vector_load %arg8[%parallel_loop3A_450] {strides = array<i32>} : memref<25088xi32, #tpu.memory_space<vmem>>, vector<16xi32>,
        %parallel_loop3A_452 = tpu.vector_load_idx %arg9[%parallel_loop3A_451] : memref<100000xf32, #tpu.memory_space<vmem>>[vector<16xi32>], vector<16xf32>,
        %parallel_loop3A_453 = arith.constant 16 : i32
        %parallel_loop3A_454 = arith.muli %parallel_loop3A_445, %parallel_loop3A_453 : i32
        %parallel_loop3A_455 = arith.index_cast %parallel_loop3A_454 : i32 to index
        %parallel_loop3A_456 = tpu.vector_load %arg10[%parallel_loop3A_455] {strides = array<i32>} : memref<2048xf32, #tpu.memory_space<vmem>>, vector<16xf32>,
        tpu.vector_store %arg10[%parallel_loop3A_455], %parallel_loop3A_452 {strides = array<i32>} : memref<2048xf32, #tpu.memory_space<vmem>>, vector<16xf32>,
      } {sc.loop_unroll_factor = 16 : i64, sc.parallel_access}
      %dma_start3A_279 = arith.constant 0 : i32
      %dma_start3A_280 = tpu.memref_slice %arg10[%dma_start3A_279] : memref<2048xf32, #tpu.memory_space<vmem>> -> memref<2048xf32, #tpu.memory_space<vmem>>
      %dma_start3A_281 = arith.constant 0 : i32
      %dma_start3A_282 = tpu.memref_slice %arg6[%select_n3A_30, %select_n3A, %dma_start3A_281] : memref<3x8x25088xf32, #tpu.memory_space<hbm>> -> memref<1x1x25088xf32, #tpu.memory_space<hbm>>
      %dma_start3A_283 = tpu.memref_squeeze %dma_start3A_282 : memref<1x1x25088xf32, #tpu.memory_space<hbm>> -> memref<25088xf32, #tpu.memory_space<hbm>>
      %dma_start3A_284 = arith.constant 16384 : i32
      %dma_start3A_285 = tpu.memref_slice %dma_start3A_283[%dma_start3A_284] : memref<25088xf32, #tpu.memory_space<hbm>> -> memref<2048xf32, #tpu.memory_space<hbm>>
      %dma_start3A_286 = arith.constant 0 : i32
      %dma_start3A_287 = tpu.memref_slice %arg6[%select_n3A_30, %select_n3A, %dma_start3A_286] : memref<3x8x25088xf32, #tpu.memory_space<hbm>> -> memref<1x1x25088xf32, #tpu.memory_space<hbm>>
      %dma_start3A_288 = tpu.memref_squeeze %dma_start3A_287 : memref<1x1x25088xf32, #tpu.memory_space<hbm>> -> memref<25088xf32, #tpu.memory_space<hbm>>
      %dma_start3A_289 = arith.constant 16384 : i32
      %dma_start3A_290 = tpu.memref_slice %dma_start3A_288[%dma_start3A_289] : memref<25088xf32, #tpu.memory_space<hbm>> -> memref<2048xf32, #tpu.memory_space<hbm>>
      %dma_start3A_291 = arith.constant 0 : i32
      %dma_start3A_292 = tpu.memref_slice %arg10[%dma_start3A_291] : memref<2048xf32, #tpu.memory_space<vmem>> -> memref<2048xf32, #tpu.memory_space<vmem>>
      tpu.enqueue_dma source(%dma_start3A_292 : memref<2048xf32, #tpu.memory_space<vmem>>) target(%dma_start3A_290 : memref<2048xf32, #tpu.memory_space<hbm>>) target_semaphore(%arg12 : memref<!tpu.dma_semaphore, #tpu.memory_space<semaphore_mem>>)
      %dma_wait3A_293 = arith.constant 0 : i32
      %dma_wait3A_294 = tpu.memref_slice %arg11[%dma_wait3A_293] : memref<2048xf32, #tpu.memory_space<vmem>> -> memref<2048xf32, #tpu.memory_space<vmem>>
      %dma_wait3A_295 = arith.constant 0 : i32
      %dma_wait3A_296 = tpu.memref_slice %arg6[%select_n3A_30, %select_n3A, %dma_wait3A_295] : memref<3x8x25088xf32, #tpu.memory_space<hbm>> -> memref<1x1x25088xf32, #tpu.memory_space<hbm>>
      %dma_wait3A_297 = tpu.memref_squeeze %dma_wait3A_296 : memref<1x1x25088xf32, #tpu.memory_space<hbm>> -> memref<25088xf32, #tpu.memory_space<hbm>>
      %dma_wait3A_298 = arith.constant 14336 : i32
      %dma_wait3A_299 = tpu.memref_slice %dma_wait3A_297[%dma_wait3A_298] : memref<25088xf32, #tpu.memory_space<hbm>> -> memref<2048xf32, #tpu.memory_space<hbm>>
      %dma_wait3A_300 = arith.constant 0 : i32
      %dma_wait3A_301 = tpu.memref_slice %arg6[%select_n3A_30, %select_n3A, %dma_wait3A_300] : memref<3x8x25088xf32, #tpu.memory_space<hbm>> -> memref<1x1x25088xf32, #tpu.memory_space<hbm>>
      %dma_wait3A_302 = tpu.memref_squeeze %dma_wait3A_301 : memref<1x1x25088xf32, #tpu.memory_space<hbm>> -> memref<25088xf32, #tpu.memory_space<hbm>>
      %dma_wait3A_303 = arith.constant 14336 : i32
      %dma_wait3A_304 = tpu.memref_slice %dma_wait3A_302[%dma_wait3A_303] : memref<25088xf32, #tpu.memory_space<hbm>> -> memref<2048xf32, #tpu.memory_space<hbm>>
      %dma_wait3A_305 = arith.constant 0 : i32
      %dma_wait3A_306 = tpu.memref_slice %arg11[%dma_wait3A_305] : memref<2048xf32, #tpu.memory_space<vmem>> -> memref<2048xf32, #tpu.memory_space<vmem>>
      tpu.wait_dma2 semaphore(%arg13 : memref<!tpu.dma_semaphore, #tpu.memory_space<semaphore_mem>>) src(%dma_wait3A_306 : memref<2048xf32, #tpu.memory_space<vmem>>) dst(%dma_wait3A_304 : memref<2048xf32, #tpu.memory_space<hbm>>)
      %parallel_loop3A_307 = arith.constant 0 : i32
      %parallel_loop3A_308 = arith.constant 128 : i32
      %parallel_loop3A_309 = arith.constant 1 : i32
      scf.for %parallel_loop3A_445 = %parallel_loop3A_307 to %parallel_loop3A_308 step %parallel_loop3A_309  : i32 {
        %parallel_loop3A_446 = arith.constant 16 : i32
        %parallel_loop3A_447 = arith.muli %parallel_loop3A_445, %parallel_loop3A_446 : i32
        %parallel_loop3A_448 = arith.constant 18432 : i32
        %parallel_loop3A_449 = arith.addi %parallel_loop3A_448, %parallel_loop3A_447 : i32
        %parallel_loop3A_450 = arith.index_cast %parallel_loop3A_449 : i32 to index
        %parallel_loop3A_451 = tpu.vector_load %arg8[%parallel_loop3A_450] {strides = array<i32>} : memref<25088xi32, #tpu.memory_space<vmem>>, vector<16xi32>,
        %parallel_loop3A_452 = tpu.vector_load_idx %arg9[%parallel_loop3A_451] : memref<100000xf32, #tpu.memory_space<vmem>>[vector<16xi32>], vector<16xf32>,
        %parallel_loop3A_453 = arith.constant 16 : i32
        %parallel_loop3A_454 = arith.muli %parallel_loop3A_445, %parallel_loop3A_453 : i32
        %parallel_loop3A_455 = arith.index_cast %parallel_loop3A_454 : i32 to index
        %parallel_loop3A_456 = tpu.vector_load %arg11[%parallel_loop3A_455] {strides = array<i32>} : memref<2048xf32, #tpu.memory_space<vmem>>, vector<16xf32>,
        tpu.vector_store %arg11[%parallel_loop3A_455], %parallel_loop3A_452 {strides = array<i32>} : memref<2048xf32, #tpu.memory_space<vmem>>, vector<16xf32>,
      } {sc.loop_unroll_factor = 16 : i64, sc.parallel_access}
      %dma_start3A_310 = arith.constant 0 : i32
      %dma_start3A_311 = tpu.memref_slice %arg11[%dma_start3A_310] : memref<2048xf32, #tpu.memory_space<vmem>> -> memref<2048xf32, #tpu.memory_space<vmem>>
      %dma_start3A_312 = arith.constant 0 : i32
      %dma_start3A_313 = tpu.memref_slice %arg6[%select_n3A_30, %select_n3A, %dma_start3A_312] : memref<3x8x25088xf32, #tpu.memory_space<hbm>> -> memref<1x1x25088xf32, #tpu.memory_space<hbm>>
      %dma_start3A_314 = tpu.memref_squeeze %dma_start3A_313 : memref<1x1x25088xf32, #tpu.memory_space<hbm>> -> memref<25088xf32, #tpu.memory_space<hbm>>
      %dma_start3A_315 = arith.constant 18432 : i32
      %dma_start3A_316 = tpu.memref_slice %dma_start3A_314[%dma_start3A_315] : memref<25088xf32, #tpu.memory_space<hbm>> -> memref<2048xf32, #tpu.memory_space<hbm>>
      %dma_start3A_317 = arith.constant 0 : i32
      %dma_start3A_318 = tpu.memref_slice %arg6[%select_n3A_30, %select_n3A, %dma_start3A_317] : memref<3x8x25088xf32, #tpu.memory_space<hbm>> -> memref<1x1x25088xf32, #tpu.memory_space<hbm>>
      %dma_start3A_319 = tpu.memref_squeeze %dma_start3A_318 : memref<1x1x25088xf32, #tpu.memory_space<hbm>> -> memref<25088xf32, #tpu.memory_space<hbm>>
      %dma_start3A_320 = arith.constant 18432 : i32
      %dma_start3A_321 = tpu.memref_slice %dma_start3A_319[%dma_start3A_320] : memref<25088xf32, #tpu.memory_space<hbm>> -> memref<2048xf32, #tpu.memory_space<hbm>>
      %dma_start3A_322 = arith.constant 0 : i32
      %dma_start3A_323 = tpu.memref_slice %arg11[%dma_start3A_322] : memref<2048xf32, #tpu.memory_space<vmem>> -> memref<2048xf32, #tpu.memory_space<vmem>>
      tpu.enqueue_dma source(%dma_start3A_323 : memref<2048xf32, #tpu.memory_space<vmem>>) target(%dma_start3A_321 : memref<2048xf32, #tpu.memory_space<hbm>>) target_semaphore(%arg13 : memref<!tpu.dma_semaphore, #tpu.memory_space<semaphore_mem>>)
      %dma_wait3A_324 = arith.constant 0 : i32
      %dma_wait3A_325 = tpu.memref_slice %arg10[%dma_wait3A_324] : memref<2048xf32, #tpu.memory_space<vmem>> -> memref<2048xf32, #tpu.memory_space<vmem>>
      %dma_wait3A_326 = arith.constant 0 : i32
      %dma_wait3A_327 = tpu.memref_slice %arg6[%select_n3A_30, %select_n3A, %dma_wait3A_326] : memref<3x8x25088xf32, #tpu.memory_space<hbm>> -> memref<1x1x25088xf32, #tpu.memory_space<hbm>>
      %dma_wait3A_328 = tpu.memref_squeeze %dma_wait3A_327 : memref<1x1x25088xf32, #tpu.memory_space<hbm>> -> memref<25088xf32, #tpu.memory_space<hbm>>
      %dma_wait3A_329 = arith.constant 16384 : i32
      %dma_wait3A_330 = tpu.memref_slice %dma_wait3A_328[%dma_wait3A_329] : memref<25088xf32, #tpu.memory_space<hbm>> -> memref<2048xf32, #tpu.memory_space<hbm>>
      %dma_wait3A_331 = arith.constant 0 : i32
      %dma_wait3A_332 = tpu.memref_slice %arg6[%select_n3A_30, %select_n3A, %dma_wait3A_331] : memref<3x8x25088xf32, #tpu.memory_space<hbm>> -> memref<1x1x25088xf32, #tpu.memory_space<hbm>>
      %dma_wait3A_333 = tpu.memref_squeeze %dma_wait3A_332 : memref<1x1x25088xf32, #tpu.memory_space<hbm>> -> memref<25088xf32, #tpu.memory_space<hbm>>
      %dma_wait3A_334 = arith.constant 16384 : i32
      %dma_wait3A_335 = tpu.memref_slice %dma_wait3A_333[%dma_wait3A_334] : memref<25088xf32, #tpu.memory_space<hbm>> -> memref<2048xf32, #tpu.memory_space<hbm>>
      %dma_wait3A_336 = arith.constant 0 : i32
      %dma_wait3A_337 = tpu.memref_slice %arg10[%dma_wait3A_336] : memref<2048xf32, #tpu.memory_space<vmem>> -> memref<2048xf32, #tpu.memory_space<vmem>>
      tpu.wait_dma2 semaphore(%arg12 : memref<!tpu.dma_semaphore, #tpu.memory_space<semaphore_mem>>) src(%dma_wait3A_337 : memref<2048xf32, #tpu.memory_space<vmem>>) dst(%dma_wait3A_335 : memref<2048xf32, #tpu.memory_space<hbm>>)
      %parallel_loop3A_338 = arith.constant 0 : i32
      %parallel_loop3A_339 = arith.constant 128 : i32
      %parallel_loop3A_340 = arith.constant 1 : i32
      scf.for %parallel_loop3A_445 = %parallel_loop3A_338 to %parallel_loop3A_339 step %parallel_loop3A_340  : i32 {
        %parallel_loop3A_446 = arith.constant 16 : i32
        %parallel_loop3A_447 = arith.muli %parallel_loop3A_445, %parallel_loop3A_446 : i32
        %parallel_loop3A_448 = arith.constant 20480 : i32
        %parallel_loop3A_449 = arith.addi %parallel_loop3A_448, %parallel_loop3A_447 : i32
        %parallel_loop3A_450 = arith.index_cast %parallel_loop3A_449 : i32 to index
        %parallel_loop3A_451 = tpu.vector_load %arg8[%parallel_loop3A_450] {strides = array<i32>} : memref<25088xi32, #tpu.memory_space<vmem>>, vector<16xi32>,
        %parallel_loop3A_452 = tpu.vector_load_idx %arg9[%parallel_loop3A_451] : memref<100000xf32, #tpu.memory_space<vmem>>[vector<16xi32>], vector<16xf32>,
        %parallel_loop3A_453 = arith.constant 16 : i32
        %parallel_loop3A_454 = arith.muli %parallel_loop3A_445, %parallel_loop3A_453 : i32
        %parallel_loop3A_455 = arith.index_cast %parallel_loop3A_454 : i32 to index
        %parallel_loop3A_456 = tpu.vector_load %arg10[%parallel_loop3A_455] {strides = array<i32>} : memref<2048xf32, #tpu.memory_space<vmem>>, vector<16xf32>,
        tpu.vector_store %arg10[%parallel_loop3A_455], %parallel_loop3A_452 {strides = array<i32>} : memref<2048xf32, #tpu.memory_space<vmem>>, vector<16xf32>,
      } {sc.loop_unroll_factor = 16 : i64, sc.parallel_access}
      %dma_start3A_341 = arith.constant 0 : i32
      %dma_start3A_342 = tpu.memref_slice %arg10[%dma_start3A_341] : memref<2048xf32, #tpu.memory_space<vmem>> -> memref<2048xf32, #tpu.memory_space<vmem>>
      %dma_start3A_343 = arith.constant 0 : i32
      %dma_start3A_344 = tpu.memref_slice %arg6[%select_n3A_30, %select_n3A, %dma_start3A_343] : memref<3x8x25088xf32, #tpu.memory_space<hbm>> -> memref<1x1x25088xf32, #tpu.memory_space<hbm>>
      %dma_start3A_345 = tpu.memref_squeeze %dma_start3A_344 : memref<1x1x25088xf32, #tpu.memory_space<hbm>> -> memref<25088xf32, #tpu.memory_space<hbm>>
      %dma_start3A_346 = arith.constant 20480 : i32
      %dma_start3A_347 = tpu.memref_slice %dma_start3A_345[%dma_start3A_346] : memref<25088xf32, #tpu.memory_space<hbm>> -> memref<2048xf32, #tpu.memory_space<hbm>>
      %dma_start3A_348 = arith.constant 0 : i32
      %dma_start3A_349 = tpu.memref_slice %arg6[%select_n3A_30, %select_n3A, %dma_start3A_348] : memref<3x8x25088xf32, #tpu.memory_space<hbm>> -> memref<1x1x25088xf32, #tpu.memory_space<hbm>>
      %dma_start3A_350 = tpu.memref_squeeze %dma_start3A_349 : memref<1x1x25088xf32, #tpu.memory_space<hbm>> -> memref<25088xf32, #tpu.memory_space<hbm>>
      %dma_start3A_351 = arith.constant 20480 : i32
      %dma_start3A_352 = tpu.memref_slice %dma_start3A_350[%dma_start3A_351] : memref<25088xf32, #tpu.memory_space<hbm>> -> memref<2048xf32, #tpu.memory_space<hbm>>
      %dma_start3A_353 = arith.constant 0 : i32
      %dma_start3A_354 = tpu.memref_slice %arg10[%dma_start3A_353] : memref<2048xf32, #tpu.memory_space<vmem>> -> memref<2048xf32, #tpu.memory_space<vmem>>
      tpu.enqueue_dma source(%dma_start3A_354 : memref<2048xf32, #tpu.memory_space<vmem>>) target(%dma_start3A_352 : memref<2048xf32, #tpu.memory_space<hbm>>) target_semaphore(%arg12 : memref<!tpu.dma_semaphore, #tpu.memory_space<semaphore_mem>>)
      %dma_wait3A_355 = arith.constant 0 : i32
      %dma_wait3A_356 = tpu.memref_slice %arg11[%dma_wait3A_355] : memref<2048xf32, #tpu.memory_space<vmem>> -> memref<2048xf32, #tpu.memory_space<vmem>>
      %dma_wait3A_357 = arith.constant 0 : i32
      %dma_wait3A_358 = tpu.memref_slice %arg6[%select_n3A_30, %select_n3A, %dma_wait3A_357] : memref<3x8x25088xf32, #tpu.memory_space<hbm>> -> memref<1x1x25088xf32, #tpu.memory_space<hbm>>
      %dma_wait3A_359 = tpu.memref_squeeze %dma_wait3A_358 : memref<1x1x25088xf32, #tpu.memory_space<hbm>> -> memref<25088xf32, #tpu.memory_space<hbm>>
      %dma_wait3A_360 = arith.constant 18432 : i32
      %dma_wait3A_361 = tpu.memref_slice %dma_wait3A_359[%dma_wait3A_360] : memref<25088xf32, #tpu.memory_space<hbm>> -> memref<2048xf32, #tpu.memory_space<hbm>>
      %dma_wait3A_362 = arith.constant 0 : i32
      %dma_wait3A_363 = tpu.memref_slice %arg6[%select_n3A_30, %select_n3A, %dma_wait3A_362] : memref<3x8x25088xf32, #tpu.memory_space<hbm>> -> memref<1x1x25088xf32, #tpu.memory_space<hbm>>
      %dma_wait3A_364 = tpu.memref_squeeze %dma_wait3A_363 : memref<1x1x25088xf32, #tpu.memory_space<hbm>> -> memref<25088xf32, #tpu.memory_space<hbm>>
      %dma_wait3A_365 = arith.constant 18432 : i32
      %dma_wait3A_366 = tpu.memref_slice %dma_wait3A_364[%dma_wait3A_365] : memref<25088xf32, #tpu.memory_space<hbm>> -> memref<2048xf32, #tpu.memory_space<hbm>>
      %dma_wait3A_367 = arith.constant 0 : i32
      %dma_wait3A_368 = tpu.memref_slice %arg11[%dma_wait3A_367] : memref<2048xf32, #tpu.memory_space<vmem>> -> memref<2048xf32, #tpu.memory_space<vmem>>
      tpu.wait_dma2 semaphore(%arg13 : memref<!tpu.dma_semaphore, #tpu.memory_space<semaphore_mem>>) src(%dma_wait3A_368 : memref<2048xf32, #tpu.memory_space<vmem>>) dst(%dma_wait3A_366 : memref<2048xf32, #tpu.memory_space<hbm>>)
      %parallel_loop3A_369 = arith.constant 0 : i32
      %parallel_loop3A_370 = arith.constant 128 : i32
      %parallel_loop3A_371 = arith.constant 1 : i32
      scf.for %parallel_loop3A_445 = %parallel_loop3A_369 to %parallel_loop3A_370 step %parallel_loop3A_371  : i32 {
        %parallel_loop3A_446 = arith.constant 16 : i32
        %parallel_loop3A_447 = arith.muli %parallel_loop3A_445, %parallel_loop3A_446 : i32
        %parallel_loop3A_448 = arith.constant 22528 : i32
        %parallel_loop3A_449 = arith.addi %parallel_loop3A_448, %parallel_loop3A_447 : i32
        %parallel_loop3A_450 = arith.index_cast %parallel_loop3A_449 : i32 to index
        %parallel_loop3A_451 = tpu.vector_load %arg8[%parallel_loop3A_450] {strides = array<i32>} : memref<25088xi32, #tpu.memory_space<vmem>>, vector<16xi32>,
        %parallel_loop3A_452 = tpu.vector_load_idx %arg9[%parallel_loop3A_451] : memref<100000xf32, #tpu.memory_space<vmem>>[vector<16xi32>], vector<16xf32>,
        %parallel_loop3A_453 = arith.constant 16 : i32
        %parallel_loop3A_454 = arith.muli %parallel_loop3A_445, %parallel_loop3A_453 : i32
        %parallel_loop3A_455 = arith.index_cast %parallel_loop3A_454 : i32 to index
        %parallel_loop3A_456 = tpu.vector_load %arg11[%parallel_loop3A_455] {strides = array<i32>} : memref<2048xf32, #tpu.memory_space<vmem>>, vector<16xf32>,
        tpu.vector_store %arg11[%parallel_loop3A_455], %parallel_loop3A_452 {strides = array<i32>} : memref<2048xf32, #tpu.memory_space<vmem>>, vector<16xf32>,
      } {sc.loop_unroll_factor = 16 : i64, sc.parallel_access}
      %dma_start3A_372 = arith.constant 0 : i32
      %dma_start3A_373 = tpu.memref_slice %arg11[%dma_start3A_372] : memref<2048xf32, #tpu.memory_space<vmem>> -> memref<2048xf32, #tpu.memory_space<vmem>>
      %dma_start3A_374 = arith.constant 0 : i32
      %dma_start3A_375 = tpu.memref_slice %arg6[%select_n3A_30, %select_n3A, %dma_start3A_374] : memref<3x8x25088xf32, #tpu.memory_space<hbm>> -> memref<1x1x25088xf32, #tpu.memory_space<hbm>>
      %dma_start3A_376 = tpu.memref_squeeze %dma_start3A_375 : memref<1x1x25088xf32, #tpu.memory_space<hbm>> -> memref<25088xf32, #tpu.memory_space<hbm>>
      %dma_start3A_377 = arith.constant 22528 : i32
      %dma_start3A_378 = tpu.memref_slice %dma_start3A_376[%dma_start3A_377] : memref<25088xf32, #tpu.memory_space<hbm>> -> memref<2048xf32, #tpu.memory_space<hbm>>
      %dma_start3A_379 = arith.constant 0 : i32
      %dma_start3A_380 = tpu.memref_slice %arg6[%select_n3A_30, %select_n3A, %dma_start3A_379] : memref<3x8x25088xf32, #tpu.memory_space<hbm>> -> memref<1x1x25088xf32, #tpu.memory_space<hbm>>
      %dma_start3A_381 = tpu.memref_squeeze %dma_start3A_380 : memref<1x1x25088xf32, #tpu.memory_space<hbm>> -> memref<25088xf32, #tpu.memory_space<hbm>>
      %dma_start3A_382 = arith.constant 22528 : i32
      %dma_start3A_383 = tpu.memref_slice %dma_start3A_381[%dma_start3A_382] : memref<25088xf32, #tpu.memory_space<hbm>> -> memref<2048xf32, #tpu.memory_space<hbm>>
      %dma_start3A_384 = arith.constant 0 : i32
      %dma_start3A_385 = tpu.memref_slice %arg11[%dma_start3A_384] : memref<2048xf32, #tpu.memory_space<vmem>> -> memref<2048xf32, #tpu.memory_space<vmem>>
      tpu.enqueue_dma source(%dma_start3A_385 : memref<2048xf32, #tpu.memory_space<vmem>>) target(%dma_start3A_383 : memref<2048xf32, #tpu.memory_space<hbm>>) target_semaphore(%arg13 : memref<!tpu.dma_semaphore, #tpu.memory_space<semaphore_mem>>)
      %dma_wait3A_386 = arith.constant 0 : i32
      %dma_wait3A_387 = tpu.memref_slice %arg10[%dma_wait3A_386] : memref<2048xf32, #tpu.memory_space<vmem>> -> memref<2048xf32, #tpu.memory_space<vmem>>
      %dma_wait3A_388 = arith.constant 0 : i32
      %dma_wait3A_389 = tpu.memref_slice %arg6[%select_n3A_30, %select_n3A, %dma_wait3A_388] : memref<3x8x25088xf32, #tpu.memory_space<hbm>> -> memref<1x1x25088xf32, #tpu.memory_space<hbm>>
      %dma_wait3A_390 = tpu.memref_squeeze %dma_wait3A_389 : memref<1x1x25088xf32, #tpu.memory_space<hbm>> -> memref<25088xf32, #tpu.memory_space<hbm>>
      %dma_wait3A_391 = arith.constant 20480 : i32
      %dma_wait3A_392 = tpu.memref_slice %dma_wait3A_390[%dma_wait3A_391] : memref<25088xf32, #tpu.memory_space<hbm>> -> memref<2048xf32, #tpu.memory_space<hbm>>
      %dma_wait3A_393 = arith.constant 0 : i32
      %dma_wait3A_394 = tpu.memref_slice %arg6[%select_n3A_30, %select_n3A, %dma_wait3A_393] : memref<3x8x25088xf32, #tpu.memory_space<hbm>> -> memref<1x1x25088xf32, #tpu.memory_space<hbm>>
      %dma_wait3A_395 = tpu.memref_squeeze %dma_wait3A_394 : memref<1x1x25088xf32, #tpu.memory_space<hbm>> -> memref<25088xf32, #tpu.memory_space<hbm>>
      %dma_wait3A_396 = arith.constant 20480 : i32
      %dma_wait3A_397 = tpu.memref_slice %dma_wait3A_395[%dma_wait3A_396] : memref<25088xf32, #tpu.memory_space<hbm>> -> memref<2048xf32, #tpu.memory_space<hbm>>
      %dma_wait3A_398 = arith.constant 0 : i32
      %dma_wait3A_399 = tpu.memref_slice %arg10[%dma_wait3A_398] : memref<2048xf32, #tpu.memory_space<vmem>> -> memref<2048xf32, #tpu.memory_space<vmem>>
      tpu.wait_dma2 semaphore(%arg12 : memref<!tpu.dma_semaphore, #tpu.memory_space<semaphore_mem>>) src(%dma_wait3A_399 : memref<2048xf32, #tpu.memory_space<vmem>>) dst(%dma_wait3A_397 : memref<2048xf32, #tpu.memory_space<hbm>>)
      %parallel_loop3A_400 = arith.constant 0 : i32
      %parallel_loop3A_401 = arith.constant 32 : i32
      %parallel_loop3A_402 = arith.constant 1 : i32
      scf.for %parallel_loop3A_445 = %parallel_loop3A_400 to %parallel_loop3A_401 step %parallel_loop3A_402  : i32 {
        %parallel_loop3A_446 = arith.constant 16 : i32
        %parallel_loop3A_447 = arith.muli %parallel_loop3A_445, %parallel_loop3A_446 : i32
        %parallel_loop3A_448 = arith.constant 24576 : i32
        %parallel_loop3A_449 = arith.addi %parallel_loop3A_448, %parallel_loop3A_447 : i32
        %parallel_loop3A_450 = arith.index_cast %parallel_loop3A_449 : i32 to index
        %parallel_loop3A_451 = tpu.vector_load %arg8[%parallel_loop3A_450] {strides = array<i32>} : memref<25088xi32, #tpu.memory_space<vmem>>, vector<16xi32>,
        %parallel_loop3A_452 = tpu.vector_load_idx %arg9[%parallel_loop3A_451] : memref<100000xf32, #tpu.memory_space<vmem>>[vector<16xi32>], vector<16xf32>,
        %parallel_loop3A_453 = arith.constant 16 : i32
        %parallel_loop3A_454 = arith.muli %parallel_loop3A_445, %parallel_loop3A_453 : i32
        %parallel_loop3A_455 = arith.index_cast %parallel_loop3A_454 : i32 to index
        %parallel_loop3A_456 = tpu.vector_load %arg10[%parallel_loop3A_455] {strides = array<i32>} : memref<2048xf32, #tpu.memory_space<vmem>>, vector<16xf32>,
        tpu.vector_store %arg10[%parallel_loop3A_455], %parallel_loop3A_452 {strides = array<i32>} : memref<2048xf32, #tpu.memory_space<vmem>>, vector<16xf32>,
      } {sc.loop_unroll_factor = 16 : i64, sc.parallel_access}
      %dma_start3A_403 = arith.constant 0 : i32
      %dma_start3A_404 = tpu.memref_slice %arg10[%dma_start3A_403] : memref<2048xf32, #tpu.memory_space<vmem>> -> memref<512xf32, #tpu.memory_space<vmem>>
      %dma_start3A_405 = arith.constant 0 : i32
      %dma_start3A_406 = tpu.memref_slice %arg6[%select_n3A_30, %select_n3A, %dma_start3A_405] : memref<3x8x25088xf32, #tpu.memory_space<hbm>> -> memref<1x1x25088xf32, #tpu.memory_space<hbm>>
      %dma_start3A_407 = tpu.memref_squeeze %dma_start3A_406 : memref<1x1x25088xf32, #tpu.memory_space<hbm>> -> memref<25088xf32, #tpu.memory_space<hbm>>
      %dma_start3A_408 = arith.constant 24576 : i32
      %dma_start3A_409 = tpu.memref_slice %dma_start3A_407[%dma_start3A_408] : memref<25088xf32, #tpu.memory_space<hbm>> -> memref<512xf32, #tpu.memory_space<hbm>>
      %dma_start3A_410 = arith.constant 0 : i32
      %dma_start3A_411 = tpu.memref_slice %arg6[%select_n3A_30, %select_n3A, %dma_start3A_410] : memref<3x8x25088xf32, #tpu.memory_space<hbm>> -> memref<1x1x25088xf32, #tpu.memory_space<hbm>>
      %dma_start3A_412 = tpu.memref_squeeze %dma_start3A_411 : memref<1x1x25088xf32, #tpu.memory_space<hbm>> -> memref<25088xf32, #tpu.memory_space<hbm>>
      %dma_start3A_413 = arith.constant 24576 : i32
      %dma_start3A_414 = tpu.memref_slice %dma_start3A_412[%dma_start3A_413] : memref<25088xf32, #tpu.memory_space<hbm>> -> memref<512xf32, #tpu.memory_space<hbm>>
      %dma_start3A_415 = arith.constant 0 : i32
      %dma_start3A_416 = tpu.memref_slice %arg10[%dma_start3A_415] : memref<2048xf32, #tpu.memory_space<vmem>> -> memref<512xf32, #tpu.memory_space<vmem>>
      tpu.enqueue_dma source(%dma_start3A_416 : memref<512xf32, #tpu.memory_space<vmem>>) target(%dma_start3A_414 : memref<512xf32, #tpu.memory_space<hbm>>) target_semaphore(%arg12 : memref<!tpu.dma_semaphore, #tpu.memory_space<semaphore_mem>>)
      %dma_wait3A_417 = arith.constant 0 : i32
      %dma_wait3A_418 = tpu.memref_slice %arg11[%dma_wait3A_417] : memref<2048xf32, #tpu.memory_space<vmem>> -> memref<2048xf32, #tpu.memory_space<vmem>>
      %dma_wait3A_419 = arith.constant 0 : i32
      %dma_wait3A_420 = tpu.memref_slice %arg6[%select_n3A_30, %select_n3A, %dma_wait3A_419] : memref<3x8x25088xf32, #tpu.memory_space<hbm>> -> memref<1x1x25088xf32, #tpu.memory_space<hbm>>
      %dma_wait3A_421 = tpu.memref_squeeze %dma_wait3A_420 : memref<1x1x25088xf32, #tpu.memory_space<hbm>> -> memref<25088xf32, #tpu.memory_space<hbm>>
      %dma_wait3A_422 = arith.constant 22528 : i32
      %dma_wait3A_423 = tpu.memref_slice %dma_wait3A_421[%dma_wait3A_422] : memref<25088xf32, #tpu.memory_space<hbm>> -> memref<2048xf32, #tpu.memory_space<hbm>>
      %dma_wait3A_424 = arith.constant 0 : i32
      %dma_wait3A_425 = tpu.memref_slice %arg6[%select_n3A_30, %select_n3A, %dma_wait3A_424] : memref<3x8x25088xf32, #tpu.memory_space<hbm>> -> memref<1x1x25088xf32, #tpu.memory_space<hbm>>
      %dma_wait3A_426 = tpu.memref_squeeze %dma_wait3A_425 : memref<1x1x25088xf32, #tpu.memory_space<hbm>> -> memref<25088xf32, #tpu.memory_space<hbm>>
      %dma_wait3A_427 = arith.constant 22528 : i32
      %dma_wait3A_428 = tpu.memref_slice %dma_wait3A_426[%dma_wait3A_427] : memref<25088xf32, #tpu.memory_space<hbm>> -> memref<2048xf32, #tpu.memory_space<hbm>>
      %dma_wait3A_429 = arith.constant 0 : i32
      %dma_wait3A_430 = tpu.memref_slice %arg11[%dma_wait3A_429] : memref<2048xf32, #tpu.memory_space<vmem>> -> memref<2048xf32, #tpu.memory_space<vmem>>
      tpu.wait_dma2 semaphore(%arg13 : memref<!tpu.dma_semaphore, #tpu.memory_space<semaphore_mem>>) src(%dma_wait3A_430 : memref<2048xf32, #tpu.memory_space<vmem>>) dst(%dma_wait3A_428 : memref<2048xf32, #tpu.memory_space<hbm>>)
      %dma_wait3A_431 = arith.constant 0 : i32
      %dma_wait3A_432 = tpu.memref_slice %arg10[%dma_wait3A_431] : memref<2048xf32, #tpu.memory_space<vmem>> -> memref<512xf32, #tpu.memory_space<vmem>>
      %dma_wait3A_433 = arith.constant 0 : i32
      %dma_wait3A_434 = tpu.memref_slice %arg6[%select_n3A_30, %select_n3A, %dma_wait3A_433] : memref<3x8x25088xf32, #tpu.memory_space<hbm>> -> memref<1x1x25088xf32, #tpu.memory_space<hbm>>
      %dma_wait3A_435 = tpu.memref_squeeze %dma_wait3A_434 : memref<1x1x25088xf32, #tpu.memory_space<hbm>> -> memref<25088xf32, #tpu.memory_space<hbm>>
      %dma_wait3A_436 = arith.constant 24576 : i32
      %dma_wait3A_437 = tpu.memref_slice %dma_wait3A_435[%dma_wait3A_436] : memref<25088xf32, #tpu.memory_space<hbm>> -> memref<512xf32, #tpu.memory_space<hbm>>
      %dma_wait3A_438 = arith.constant 0 : i32
      %dma_wait3A_439 = tpu.memref_slice %arg6[%select_n3A_30, %select_n3A, %dma_wait3A_438] : memref<3x8x25088xf32, #tpu.memory_space<hbm>> -> memref<1x1x25088xf32, #tpu.memory_space<hbm>>
      %dma_wait3A_440 = tpu.memref_squeeze %dma_wait3A_439 : memref<1x1x25088xf32, #tpu.memory_space<hbm>> -> memref<25088xf32, #tpu.memory_space<hbm>>
      %dma_wait3A_441 = arith.constant 24576 : i32
      %dma_wait3A_442 = tpu.memref_slice %dma_wait3A_440[%dma_wait3A_441] : memref<25088xf32, #tpu.memory_space<hbm>> -> memref<512xf32, #tpu.memory_space<hbm>>
      %dma_wait3A_443 = arith.constant 0 : i32
      %dma_wait3A_444 = tpu.memref_slice %arg10[%dma_wait3A_443] : memref<2048xf32, #tpu.memory_space<vmem>> -> memref<512xf32, #tpu.memory_space<vmem>>
      tpu.wait_dma2 semaphore(%arg12 : memref<!tpu.dma_semaphore, #tpu.memory_space<semaphore_mem>>) src(%dma_wait3A_444 : memref<512xf32, #tpu.memory_space<vmem>>) dst(%dma_wait3A_442 : memref<512xf32, #tpu.memory_space<hbm>>)
    } else {
    }
    return
  }
}

</mosaic_0001>

<sc_bundles>
// kernel: kernel.3.cloned.1.call-start
scs
__scs_entry_jumppad:
0x0: {  	(pc) =	sbr.rel $0x88, $3  }
0x1: {  	(tag) =	ssettag $0x0;
	lr =	simm.s32 $0x1  }
0x2: {  	[smem:$0x3F9F] =	sst lr;
	_ =	strace $0xD0000000  }
0x3: {  	_ = 	snop  }
0x4: {  	_ = 	snop  }
0x5: {  	_ = 	snop  }
0x6: {  	_ = 	snop  }
0x7: {  	_ = 	snop  }
__scs_overlays_trampoline_lowered:
0x8: {  	[smem:$0x3FAE] =	sst s0  }
0x9: {  	[smem:$0x3FAF] =	sst s1  }
0xa: {  	[smem:$0x3FB0] =	sst s2  }
0xb: {  	[smem:$0x3FB1] =	sst s3  }
0xc: {  	[smem:$0x3FB2] =	sst s4  }
0xd: {  	[smem:$0x3FB3] =	sst s5  }
0xe: {  	[smem:$0x3FB4] =	sst s6  }
0xf: {  	[smem:$0x3FB5] =	sst s7  }
0x10: {  	[smem:$0x3FB6] =	sst s8  }
0x11: {  	[smem:$0x3FB7] =	sst s9;
	s0 =	simm.s32 @!p0 $0x0  }
0x12: {  	s1 =	sld [smem:$0x3F9D];
	s0 =	simm.s32 @p0 $0x1  }
0x13: {  	[smem:$0x3FB8] =	sst s0;
	s0 =	simm.s32 @!p1 $0x0  }
0x14: {  	s2 =	sld [smem:$0x3F9C];
	s0 =	simm.s32 @p1 $0x1  }
0x15: {  	[smem:$0x3FB9] =	sst s0;
	s0 =	simm.s32 @!p2 $0x0  }
0x16: {  	s3 =	sld [smem:$0x3FDB];
	s0 =	simm.s32 @p2 $0x1  }
0x17: {  	s4 =	simm.s32 $0x1BF5;
	[smem:$0x3FBB] =	sst s0  }
0x18: {  	s0 =	sld [smem:$0x3F9E];
	_ =	swait.ge [sflag:s4], $0x0  }
0x19: {  	s7 =	sld [smem:$0x3F9F]  }
0x1a: {  	s8 =	sadd.s32 $0xFFFFE003, lr  }
0x1b: {  	s9 =	sadd.s32 $0xFFFFFEF7, lr;
	s5 =	simm.s32 $0xFFFFFFFF;
	p2 =	slt.u32 s8, $0xFFFFF086  }
0x1c: {  	p1 =	slt.u32 s9, $0xF7A;
	s5 =	simm.s32 @!p2 $0x0  }
0x1d: {  	s5 =	simm.s32 @p1 $0x1;
	p0 =	seq.s32 s7, s2  }
0x1e: {  	s7 =	smul.u32 @!p0 $0xF7A, s2;
	p2 =	seq.s32 @!p0 s5, $0x0  }
0x1f: {  	s9 =	smul.u32 $0xF7A, s1;
	s8 =	simm.s32 @!p0 $0x1BF5;
	p2 =	por !p2, p0  }
0x20: {  	[sflag:s8] =	ssyncset.s32 @!p0 $0xFFFFF086;
	s6 =	sadd.s32 @!p0 s3, s7;
	s7 =	simm.s32 @!p0 $0x108  }
0x21: {  	s3 =	sadd.s32 s3, s9;
	s6 =	sadd.s32 @!p0 $0x88, s6;
	s7 =	simm.s32 @p2 $0x1082  }
0x22: {  	[simem:s7], [sflag:s8] =	dma.local @!p0 [hbm:s6], $0xF7A  }
0x23: {  	s9 =	sor.u32 $0xD0000000, s2;
	s6 =	simm.s32 $0x108;
	_ =	swait.ge @!p0 [sflag:s8], $0x0  }
0x24: {  	s3 =	sadd.s32 $0x88, s3;
	s6 =	simm.s32 @!p1 $0x1082;
	[sflag:s4] =	ssyncset.s32 $0xFFFFF086  }
0x25: {  	[simem:s6], [sflag:s4] =	dma.local [hbm:s3], $0xF7A  }
0x26: {  	[smem:$0x3F9F] =	sst s1;
	(tag) =	ssettag s2;
	_ =	strace s9  }
0x27: {  	s1 =	sld [smem:$0x3FAF]  }
0x28: {  	s2 =	sld [smem:$0x3FB0]  }
0x29: {  	s4 =	sld [smem:$0x3FB2]  }
0x2a: {  	p0 =	seq.s32 s5, $0x0;
	s5 =	sld [smem:$0x3FB3]  }
0x2b: {  	s6 =	sld [smem:$0x3FB4]  }
0x2c: {  	s7 =	sld [smem:$0x3FB5]  }
0x2d: {  	s3 =	simm.s32 $0x108;
	s8 =	sld [smem:$0x3FB6]  }
0x2e: {  	s3 =	simm.s32 @!p0 $0x1082;
	s9 =	sld [smem:$0x3FB7]  }
0x2f: {  	lr =	sadd.s32 s0, s3;
	s0 =	sld [smem:$0x3FAE]  }
0x30: {  	s3 =	sld [smem:$0x3FB1]  }
0x31: {  	[smem:$0x3FBA] =	sst s10  }
0x32: {  	s10 =	sld [smem:$0x3FB8];
	_ =	sdelay $0x3  }
0x33: {  	p0 =	seq.s32 s10, $0x1;
	s10 =	sld [smem:$0x3FBA];
	_ =	sdelay $0x3  }
0x34: {  	[smem:$0x3FBA] =	sst s10  }
0x35: {  	s10 =	sld [smem:$0x3FB9];
	_ =	sdelay $0x3  }
0x36: {  	p1 =	seq.s32 s10, $0x1;
	s10 =	sld [smem:$0x3FBA];
	_ =	sdelay $0x3  }
0x37: {  	[smem:$0x3FBA] =	sst s10  }
0x38: {  	s10 =	sld [smem:$0x3FBB]  }
0x39: {  	_ = 	snop;
	(pc) =	sbr.ind lr, $3  }
0x3a: {  	_ = 	snop  }
0x3b: {  	_ = 	snop  }
0x3c: {  	p2 =	seq.s32 s10, $0x1;
	s10 =	sld [smem:$0x3FBA]  }
0x3d: {  	_ =	shalt  }
0x3e: {  	_ =	shalt  }
0x3f: {  	_ =	shalt  }
0x40: {  	_ =	shalt  }
0x41: {  	_ =	shalt  }
0x42: {  	_ =	shalt  }
0x43: {  	_ =	shalt  }
0x44: {  	_ =	shalt  }
0x45: {  	_ =	shalt  }
0x46: {  	_ =	shalt  }
0x47: {  	_ =	shalt  }
0x48: {  	_ =	shalt  }
0x49: {  	_ =	shalt  }
0x4a: {  	_ =	shalt  }
0x4b: {  	_ =	shalt  }
0x4c: {  	_ =	shalt  }
0x4d: {  	_ =	shalt  }
0x4e: {  	_ =	shalt  }
0x4f: {  	_ =	shalt  }
0x50: {  	_ =	shalt  }
0x51: {  	_ =	shalt  }
0x52: {  	_ =	shalt  }
0x53: {  	_ =	shalt  }
0x54: {  	_ =	shalt  }
0x55: {  	_ =	shalt  }
0x56: {  	_ =	shalt  }
0x57: {  	_ =	shalt  }
0x58: {  	_ =	shalt  }
0x59: {  	_ =	shalt  }
0x5a: {  	_ =	shalt  }
0x5b: {  	_ =	shalt  }
0x5c: {  	_ =	shalt  }
0x5d: {  	_ =	shalt  }
0x5e: {  	_ =	shalt  }
0x5f: {  	_ =	shalt  }
0x60: {  	_ =	shalt  }
0x61: {  	_ =	shalt  }
0x62: {  	_ =	shalt  }
0x63: {  	_ =	shalt  }
0x64: {  	_ =	shalt  }
0x65: {  	_ =	shalt  }
0x66: {  	_ =	shalt  }
0x67: {  	_ =	shalt  }
0x68: {  	_ =	shalt  }
0x69: {  	_ =	shalt  }
0x6a: {  	_ =	shalt  }
0x6b: {  	_ =	shalt  }
0x6c: {  	_ =	shalt  }
0x6d: {  	_ =	shalt  }
0x6e: {  	_ =	shalt  }
0x6f: {  	_ =	shalt  }
0x70: {  	_ =	shalt  }
0x71: {  	_ =	shalt  }
0x72: {  	_ =	shalt  }
0x73: {  	_ =	shalt  }
0x74: {  	_ =	shalt  }
0x75: {  	_ =	shalt  }
0x76: {  	_ =	shalt  }
0x77: {  	_ =	shalt  }
0x78: {  	_ =	shalt  }
0x79: {  	_ =	shalt  }
0x7a: {  	_ =	shalt  }
0x7b: {  	_ =	shalt  }
0x7c: {  	_ =	shalt  }
0x7d: {  	_ =	shalt  }
0x7e: {  	_ =	shalt  }
0x7f: {  	_ =	shalt  }
0x80: {  	_ =	shalt  }
0x81: {  	_ =	shalt  }
0x82: {  	_ =	shalt  }
0x83: {  	_ =	shalt  }
0x84: {  	_ =	shalt  }
0x85: {  	_ =	shalt  }
0x86: {  	_ =	shalt  }
0x87: {  	_ =	shalt  }
.Lfunc_end0:
.L_simem_size_0:
called_computation_lowered:
.L_overlay_start_0:
0x88: {  	s2 =	sld [smem:$0x3FD9]  }
0x89: {  	s3 =	sld [smem:$0x3FFE];
	_ =	sdelay $0x1  }
0x8a: {  	s1 =	srdreg.scid  }
0x8b: {  	s0 =	sand.u32 $0x1, s1  }
0x8c: {  	s14 =	sshll.u32 s0, $0xA;
	s2 =	sadd.s32 s3, s2  }
0x8d: {  	s2 =	sadd.s32 s2, s14  }
0x8e: {  	[smem:$0x3FC6] =	sst s2  }
0x8f: {  	_ = 	snop  }
0x90: {  	s2 =	sld [smem:$0x3FD0];
	_ =	sdelay $0x1  }
0x91: {  	s15 =	sld [smem:$0x3FC9]  }
0x92: {  	s5 =	simm.s32 $0xA;
	s6 =	simm.s32 $0x10;
	s4 =	sld [smem:$0x3FC8]  }
0x93: {  	[smem:s6], [sflag:s5] =	dma.local [hbm:s2], $0x1  }
0x94: {  	_ =	swait.eq [sflag:s5], $0x1  }
0x95: {  	s16 =	sld [smem:$0x10];
	[sflag:s5] =	ssyncset.done $0x0  }
0x96: {  	s17 =	sld [smem:$0x11];
	[sflag:s5] =	ssyncadd.s32 $0xFFFFFFFF  }
0x97: {  	s18 =	sld [smem:$0x12];
	(tm) =	ssettm $0x1  }
0x98: {  	s7 =	sld [smem:$0x3FFB];
	_ =	sdelay $0x3  }
0x99: {  	_ =	strace s7  }
0x9a: {  	s7 =	sld [smem:$0x3FFC];
	_ =	sdelay $0x3  }
0x9b: {  	_ =	strace s7  }
0x9c: {  	s7 =	sld [smem:$0x3FFD];
	_ =	sdelay $0x3  }
0x9d: {  	_ =	strace s7  }
0x9e: {  	_ =	strace $0x8FFFFFFF  }
0x9f: {  	s19 =	sld [smem:$0x3FDB];
	_ =	sdelay $0x1  }
0xa0: {  	s8 =	simm.s32 $_scs_section_size  }
0xa1: {  	s9 =	simm.s32 $_size__tile_overlayer_lowered;
	s10 =	simm.s32 $_tile_overlayer_lowered  }
0xa2: {  	s22 =	simm.s32 $0x1BFF;
	s21 =	sshll.u32 s10, $0x1;
	s7 =	sadd.s32 s8, s19  }
0xa3: {  	s11 =	simm.s32 $0x0;
	s20 =	sshll.u32 s9, $0x1;
	s9 =	sadd.s32 s21, s7  }
0xa4: {  	[timem:s11], [sflag:s22] =	dma.local [hbm:s9], s20  }
0xa5: {  	_ =	swait.ge [sflag:s22], s20  }
0xa6: {  	s8 =	ssub.s32 $0x0, s20;
	[sflag:s22] =	ssyncset.done $0x0  }
0xa7: {  	[sflag:s22] =	ssyncadd.s32 s8;
	_ =	sdelay $0x1  }
0xa8: {  	s23 =	simm.s32 $0x1B8B  }
0xa9: {  	_ =	swait.ge [sflag:s23], $0x1  }
0xaa: {  	[sflag:s23] =	ssyncset.done $0x0  }
0xab: {  	s25 =	simm.s32 $0x1B8E;
	s24 =	sld [smem:$0x3FFE];
	[sflag:s23] =	ssyncadd.s32 $0xFFFFFFFF  }
0xac: {  	s26 =	simm.s32 $execute0_lowered;
	[smem:$0x3FD2] =	sst s25  }
0xad: {  	s9 =	sshll.u32 s26, $0x1;
	_ =	strace $0x80000046;
	[dreg:$0x1] =	wrdreg $0xFFFFFFFF  }
0xae: {  	s28 =	simm.s32 $_size_execute0_lowered;
	s7 =	sadd.s32 s7, s9;
	[dreg:$0x0] =	wrdreg $0x0  }
0xaf: {  	s9 =	sshll.u32 s28, $0x1;
	[dreg:$0x2] =	wrdreg s7  }
0xb0: {  	[dreg:$0x3] =	wrdreg s9  }
0xb1: {  	[dreg:$0x4] =	wrdreg $0xC0  }
0xb2: {  	_ =	task [dreg:s11], $0x5FFFF  }
0xb3: {  	[dreg:$0x1] =	wrdreg $0xFFFFFFFF  }
0xb4: {  	[dreg:$0x0] =	wrdreg $0x60  }
0xb5: {  	[dreg:$0x2] =	wrdreg s4  }
0xb6: {  	[dreg:$0x3] =	wrdreg s15  }
0xb7: {  	[dreg:$0x4] =	wrdreg s24  }
0xb8: {  	[dreg:$0x5] =	wrdreg s17  }
0xb9: {  	[dreg:$0x6] =	wrdreg s16  }
0xba: {  	[dreg:$0x7] =	wrdreg s18  }
0xbb: {  	[dreg:$0x8] =	wrdreg $0x9  }
0xbc: {  	_ =	task.clear_ibuf [dreg:s11], $0x9FFFF;
	_ =	strace $0x90000046  }
0xbd: {  	s29 =	simm.s32 $0x9;
	_ =	strace $0x80000048  }
0xbe: {  	_ =	swait.ge [sflag:s29], $0x1  }
0xbf: {  	[sflag:s29] =	ssyncadd.s32 $0xFFFFFFFF  }
0xc0: {  	_ =	strace $0x90000048  }
0xc1: {  	_ =	sfence  }
0xc2: {  	s30 =	sld [smem:$0x0];
	_ =	sdelay $0x2  }
0xc3: {  	s31 =	sshll.u32 s1, $0xD;
	s1 =	sshrl.u32 s1, $0x2  }
0xc4: {  	s3 =	sand.u32 $0x4000, s31;
	s1 =	sadd.s32 s1, s30  }
0xc5: {  	s0 =	sor.u32 s3, s0;
	s1 =	sshll.u32 s1, $0x11  }
0xc6: {  	s0 =	sor.u32 s1, s0  }
0xc7: {  	s0 =	sadd.s32 $0x8F2B, s0  }
0xc8: {  	[sflag:s0] =	ssyncadd.remote.s32 $0x1  }
0xc9: {  	_ =	sfence.sel $0xFFFF  }
0xca: {  	[dreg:$0x0] =	wrdreg $0xFFFFFFFF;
	(pc) =	sbr.abs _section_cstart, $3  }
0xcb: {  	[dreg:$0x1] =	wrdreg $0xFFFFFFFF  }
0xcc: {  	_ =	task.clear_ibuf [dreg:s11], $0x2FFFF;
	_ =	strace $0x9FFFFFFF  }
0xcd: {  	(tm) =	ssettm $0x7FFFFFFF  }
tec
execute0_lowered:
.L_overlay_start_1:
0x0: {  	(tag) =	ssettag $0x1  }
0x1: {  	s1 =	rddreg [dreg:$0x0]  }
0x2: {  	s10 =	rddreg [dreg:$0x1]  }
0x3: {  	s6 =	rddreg [dreg:$0x2]  }
0x4: {  	s3 =	rddreg [dreg:$0x3]  }
0x5: {  	s11 =	rddreg [dreg:$0x4]  }
0x6: {  	s7 =	rddreg [dreg:$0x5]  }
0x7: {  	s0 =	rddreg [dreg:$0x6];
	s2 =	stileid.u32;
	s4 =	simm.s32 $0x0  }
0x8: {  	s5 =	srdreg.scid;
	s16 =	simm.s32 $0x6200;
	s17 =	simm.s32 $0x1E900  }
0x9: {  	s18 =	simm.s32 $0x1F100;
	s19 =	simm.s32 $0x1;
	s20 =	simm.s32 $0x2  }
0xa: {  	s21 =	simm.s32 $0x0;
	s8 =	sshll.u32 s2, $0x1;
	[smem:$0x7FF] =	sst s4  }
0xb: {  	s9 =	sand.u32 $0x1, s5;
	s12 =	sshrl.u32 s2, $0x1;
	s29 =	sand.u32 $0x2, s8  }
0xc: {  	_ =	strace $0x80000047;
	s30 =	sshll.u32 s12, $0x4;
	s31 =	sshll.u32 s12, $0x7  }
0xd: {  	s8 =	smul.u32 $0x61C000, s12;
	s5 =	sor.u32 s9, s29;
	s9 =	ssub.s32 $0x2, s9  }
0xe: {  	s6 =	sadd.s32 s30, s6;
	s7 =	sadd.s32 s7, s30;
	s13 =	smul.u32 $0xC3800, s5  }
0xf: {  	s14 =	sshrl.u32 s9, $0x1;
	s15 =	smul.u32 $0x31000, s5;
	s6 =	sadd.s32 $0x800, s6  }
.Ltmp0:
0x10: {  	p0 =	sne.s32 s5, $0x0;
	p1 =	seq.s32 s5, $0x3;
	(pc) =	sbr.rel .LBB2_1-.Ltmp0, $4  }
0x11: {  	s14 =	ssub.s32 s9, s14;
	s13 =	sor.u32 s31, s13;
	s9 =	sor.u32 s31, s15  }
0x12: {  	s13 =	sshrl.u32 s13, $0x3;
	s15 =	sshrl.u32 s9, $0x3;
	s9 =	smul.u32 $0x188000, s12  }
0x13: {  	s12 =	smax.u32 s14, $0x1;
	s14 =	simm.s32 $0x400;
	s10 =	sadd.s32 s10, s13  }
0x14: {  	s11 =	sadd.s32 s11, s15;
	s13 =	simm.s32 $0x80;
	s15 =	simm.s32 $0x3  }
.LBB2_57:
0x15: {  	s21 =	sadd.s32 $0x1, s21  }
0x16: {  	p2 =	sne.s32 s21, s12  }
.Ltmp1:
0x17: {  	_ = 	snop;
	(pc) =	sbr.rel @!p2 .LBB2_58-.Ltmp1, $1  }
0x18: {  	_ =	sdelay $0x3  }
.LBB2_1:
0x19: {  	[tilespmem:s4], [sflag:$0x3] =	stream.strided.gather [hbm4b:s6+s13], $0x6200, s14, s13, $0x38;
	[tilespmem:$0x1F900] =	vst v63  }
0x1a: {  	_ =	swait.ge [sflag:s15], $0x6200  }
0x1b: {  	s22 =	simm.s32 @!p0 $0x80;
	[sflag:s15] =	ssyncset.done $0x0  }
0x1c: {  	s23 =	simm.s32 @!p0 $0x400;
	s24 =	simm.s32 @!p0 $0x0;
	[sflag:s15] =	ssyncadd.s32 $0xFFFF9E00  }
0x1d: {  	[hbm4b:s7+s22] =	stream.strided.scatter @!p0 [tilespmem:s24], [sflag:$0x3], $0x6200, s23, s22, $0x38;
	[tilespmem:$0x1F900] =	vst v63  }
0x1e: {  	s22 =	simm.s32 @!p0 $0x3  }
0x1f: {  	_ =	swait.ge @!p0 [sflag:s22], $0x6200  }
0x20: {  	[sflag:s22] =	ssyncset.done @!p0 $0x0  }
0x21: {  	[sflag:s22] =	ssyncadd.s32 @!p0 $0xFFFF9E00;
	s22 =	simm.s32 $0x0  }
.LBB2_2:
0x22: {  	s23 =	sshll.u32 s22, $0x2;
	s24 =	sshrl.u32 s22, $0x1  }
0x23: {  	s23 =	sand.u32 $0x4, s23;
	s25 =	smul.u32 $0xC3800, s24  }
0x24: {  	s23 =	sor.u32 s5, s23  }
0x25: {  	s23 =	sshll.u32 s23, $0x7;
	s25 =	sadd.s32 s8, s25  }
0x26: {  	s25 =	sor.u32 s25, s23  }
0x27: {  	s25 =	sshrl.u32 s25, $0x3  }
0x28: {  	s26 =	simm.s32 $0x80;
	s25 =	sadd.s32 s1, s25  }
0x29: {  	[tilespmem:s16], [sflag:$0x3] =	stream.strided.gather [hbm4b:s25+s26], $0x18700, s14, s26, $0x38;
	[tilespmem:$0x1F900] =	vst v63  }
0x2a: {  	_ =	swait.ge [sflag:s15], $0x18700  }
0x2b: {  	[sflag:s15] =	ssyncset.done $0x0  }
0x2c: {  	[sflag:s15] =	ssyncadd.s32 $0xFFFE7900  }
0x2d: {  	v0 =	vld [tilespmem:s26+$0x70]  }
0x2e: {  	v1 =	vld [tilespmem:s26+$0xFFFFFF90]  }
0x2f: {  	v2 =	vld [tilespmem:s26+$0xFFFFFFA0]  }
0x30: {  	v3 =	vld [tilespmem:s26+$0xFFFFFFB0]  }
0x31: {  	v4 =	vld [tilespmem:s26+$0xFFFFFFC0]  }
0x32: {  	v5 =	vld [tilespmem:s26+$0xFFFFFFD0]  }
0x33: {  	v6 =	vld [tilespmem:s26+$0xFFFFFFE0]  }
0x34: {  	v7 =	vld [tilespmem:s26+$0xFFFFFFF0]  }
0x35: {  	v8 =	vld [tilespmem:s26+$0x0]  }
0x36: {  	v9 =	vld [tilespmem:s26+$0x10]  }
0x37: {  	v10 =	vld [tilespmem:s26+$0x20]  }
0x38: {  	v11 =	vld [tilespmem:s26+$0x30]  }
0x39: {  	v12 =	vld [tilespmem:s26+$0x40]  }
0x3a: {  	v13 =	vld [tilespmem:s26+$0x50]  }
0x3b: {  	v14 =	vld [tilespmem:s26+$0x60]  }
0x3c: {  	v15 =	vld [tilespmem:s26+$0xFFFFFF80]  }
0x3d: {  	v0 =	vld.idx.msk [tilespmem:v0+s16+$0x0], $0xffff  }
0x3e: {  	v1 =	vld.idx.msk [tilespmem:v1+s16+$0x0], $0xffff  }
0x3f: {  	v2 =	vld.idx.msk [tilespmem:v2+s16+$0x0], $0xffff  }
0x40: {  	v3 =	vld.idx.msk [tilespmem:v3+s16+$0x0], $0xffff  }
0x41: {  	v4 =	vld.idx.msk [tilespmem:v4+s16+$0x0], $0xffff  }
0x42: {  	s25 =	simm.s32 $0x1E980;
	v5 =	vld.idx.msk [tilespmem:v5+s16+$0x0], $0xffff  }
0x43: {  	v6 =	vld.idx.msk [tilespmem:v6+s16+$0x0], $0xffff;
	[tilespmem:s25+$0x70] =	vst v0  }
0x44: {  	v7 =	vld.idx.msk [tilespmem:v7+s16+$0x0], $0xffff;
	[tilespmem:s25+$0xFFFFFF90] =	vst v1  }
0x45: {  	v15 =	vld.idx.msk [tilespmem:v15+s16+$0x0], $0xffff;
	[tilespmem:s25+$0xFFFFFFA0] =	vst v2  }
0x46: {  	v8 =	vld.idx.msk [tilespmem:v8+s16+$0x0], $0xffff;
	[tilespmem:s25+$0xFFFFFFB0] =	vst v3  }
0x47: {  	[tilespmem:s25+$0xFFFFFFC0] =	vst v4;
	v1 =	vld.idx.msk [tilespmem:v9+s16+$0x0], $0xffff  }
0x48: {  	[tilespmem:s25+$0xFFFFFFD0] =	vst v5;
	v0 =	vld.idx.msk [tilespmem:v10+s16+$0x0], $0xffff  }
0x49: {  	[tilespmem:s25+$0xFFFFFFE0] =	vst v6;
	v2 =	vld.idx.msk [tilespmem:v11+s16+$0x0], $0xffff  }
0x4a: {  	[tilespmem:s25+$0xFFFFFFF0] =	vst v7;
	v3 =	vld.idx.msk [tilespmem:v12+s16+$0x0], $0xffff  }
0x4b: {  	[tilespmem:s25+$0xFFFFFF80] =	vst v15;
	v4 =	vld.idx.msk [tilespmem:v13+s16+$0x0], $0xffff  }
0x4c: {  	s28 =	simm.s32 $0x180;
	s26 =	simm.s32 $0x0;
	[tilespmem:s25+$0x0] =	vst v8;
	v5 =	vld.idx.msk [tilespmem:v14+s16+$0x0], $0xffff  }
.LBB2_3:
0x4d: {  	v6 =	vld [tilespmem:s28+$0x70];
	s26 =	sadd.s32 $0x10, s26;
	[tilespmem:s25+$0x10] =	vst v1  }
0x4e: {  	v1 =	vld [tilespmem:s28+$0xFFFFFF90];
	p2 =	slt.u32 s26, $0x70;
	[tilespmem:s25+$0x20] =	vst v0  }
0x4f: {  	v0 =	vld [tilespmem:s28+$0xFFFFFFA0];
	[tilespmem:s25+$0x30] =	vst v2  }
0x50: {  	v2 =	vld [tilespmem:s28+$0xFFFFFFB0];
	[tilespmem:s25+$0x40] =	vst v3  }
0x51: {  	v3 =	vld [tilespmem:s28+$0xFFFFFFC0];
	[tilespmem:s25+$0x50] =	vst v4  }
0x52: {  	v4 =	vld [tilespmem:s28+$0xFFFFFFD0];
	[tilespmem:s25+$0x60] =	vst v5  }
0x53: {  	v5 =	vld [tilespmem:s28+$0xFFFFFFE0]  }
0x54: {  	v7 =	vld [tilespmem:s28+$0xFFFFFFF0]  }
0x55: {  	v6 =	vld.idx.msk [tilespmem:v6+s16+$0x0], $0xffff  }
0x56: {  	v8 =	vld [tilespmem:s28+$0x0]  }
0x57: {  	v9 =	vld [tilespmem:s28+$0x10]  }
0x58: {  	v10 =	vld [tilespmem:s28+$0x20]  }
0x59: {  	v11 =	vld [tilespmem:s28+$0x30]  }
0x5a: {  	s25 =	sadd.s32 $0x100, s25;
	v12 =	vld [tilespmem:s28+$0x40]  }
0x5b: {  	v13 =	vld [tilespmem:s28+$0x50];
	[tilespmem:s25+$0x70] =	vst v6  }
0x5c: {  	v6 =	vld [tilespmem:s28+$0x60]  }
0x5d: {  	v14 =	vld [tilespmem:s28+$0xFFFFFF80]  }
0x5e: {  	v1 =	vld.idx.msk [tilespmem:v1+s16+$0x0], $0xffff  }
0x5f: {  	v0 =	vld.idx.msk [tilespmem:v0+s16+$0x0], $0xffff  }
0x60: {  	v2 =	vld.idx.msk [tilespmem:v2+s16+$0x0], $0xffff  }
0x61: {  	v3 =	vld.idx.msk [tilespmem:v3+s16+$0x0], $0xffff  }
0x62: {  	v4 =	vld.idx.msk [tilespmem:v4+s16+$0x0], $0xffff  }
0x63: {  	v5 =	vld.idx.msk [tilespmem:v5+s16+$0x0], $0xffff  }
0x64: {  	[tilespmem:s25+$0xFFFFFF90] =	vst v1;
	v7 =	vld.idx.msk [tilespmem:v7+s16+$0x0], $0xffff  }
0x65: {  	v14 =	vld.idx.msk [tilespmem:v14+s16+$0x0], $0xffff;
	[tilespmem:s25+$0xFFFFFFA0] =	vst v0  }
0x66: {  	[tilespmem:s25+$0xFFFFFFB0] =	vst v2;
	v8 =	vld.idx.msk [tilespmem:v8+s16+$0x0], $0xffff  }
0x67: {  	[tilespmem:s25+$0xFFFFFFC0] =	vst v3;
	v1 =	vld.idx.msk [tilespmem:v9+s16+$0x0], $0xffff  }
.Ltmp2:
0x68: {  	[tilespmem:s25+$0xFFFFFFD0] =	vst v4;
	v0 =	vld.idx.msk [tilespmem:v10+s16+$0x0], $0xffff;
	(pc) =	sbr.rel @p2 .LBB2_3-.Ltmp2, $4  }
0x69: {  	[tilespmem:s25+$0xFFFFFFE0] =	vst v5;
	v2 =	vld.idx.msk [tilespmem:v11+s16+$0x0], $0xffff  }
0x6a: {  	[tilespmem:s25+$0xFFFFFFF0] =	vst v7;
	v3 =	vld.idx.msk [tilespmem:v12+s16+$0x0], $0xffff  }
0x6b: {  	[tilespmem:s25+$0xFFFFFF80] =	vst v14;
	v4 =	vld.idx.msk [tilespmem:v13+s16+$0x0], $0xffff  }
0x6c: {  	s28 =	sadd.s32 $0x100, s28;
	[tilespmem:s25+$0x0] =	vst v8;
	v5 =	vld.idx.msk [tilespmem:v6+s16+$0x0], $0xffff  }
0x6d: {  	[tilespmem:s25+$0x10] =	vst v1;
	s24 =	smul.u32 $0x31000, s24  }
0x6e: {  	[tilespmem:s25+$0x20] =	vst v0  }
0x6f: {  	[tilespmem:s25+$0x30] =	vst v2;
	s24 =	sadd.s32 s9, s24  }
0x70: {  	[tilespmem:s25+$0x40] =	vst v3;
	s23 =	sor.u32 s24, s23  }
0x71: {  	[tilespmem:s25+$0x50] =	vst v4;
	s23 =	sshrl.u32 s23, $0x3  }
0x72: {  	s31 =	simm.s32 $0x8F0;
	[tilespmem:s25+$0x60] =	vst v5;
	s23 =	sadd.s32 s3, s23  }
0x73: {  	[hbm4b:s23+s13] =	stream.strided.scatter [tilespmem:s17], [sflag:$0x1], $0x800, s14, s13, $0x38;
	[tilespmem:$0x1F900] =	vst v63  }
0x74: {  	v0 =	vld [tilespmem:s31+$0x0]  }
0x75: {  	v1 =	vld [tilespmem:s31+$0xFFFFFF20]  }
0x76: {  	v2 =	vld [tilespmem:s31+$0xFFFFFF30]  }
0x77: {  	v3 =	vld [tilespmem:s31+$0xFFFFFF40]  }
0x78: {  	v4 =	vld [tilespmem:s31+$0xFFFFFF50]  }
0x79: {  	v5 =	vld [tilespmem:s31+$0xFFFFFF60]  }
0x7a: {  	v6 =	vld [tilespmem:s31+$0xFFFFFF70]  }
0x7b: {  	v7 =	vld [tilespmem:s31+$0xFFFFFF80]  }
0x7c: {  	v8 =	vld [tilespmem:s31+$0xFFFFFF90]  }
0x7d: {  	v9 =	vld [tilespmem:s31+$0xFFFFFFA0]  }
0x7e: {  	v10 =	vld [tilespmem:s31+$0xFFFFFFB0]  }
0x7f: {  	v11 =	vld [tilespmem:s31+$0xFFFFFFC0]  }
0x80: {  	v12 =	vld [tilespmem:s31+$0xFFFFFFD0]  }
0x81: {  	v13 =	vld [tilespmem:s31+$0xFFFFFFE0]  }
0x82: {  	v14 =	vld [tilespmem:s31+$0xFFFFFFF0]  }
0x83: {  	v15 =	vld [tilespmem:s31+$0xFFFFFF10]  }
0x84: {  	v0 =	vld.idx.msk [tilespmem:v0+s16+$0x0], $0xffff  }
0x85: {  	v1 =	vld.idx.msk [tilespmem:v1+s16+$0x0], $0xffff  }
0x86: {  	v2 =	vld.idx.msk [tilespmem:v2+s16+$0x0], $0xffff  }
0x87: {  	v3 =	vld.idx.msk [tilespmem:v3+s16+$0x0], $0xffff  }
0x88: {  	v4 =	vld.idx.msk [tilespmem:v4+s16+$0x0], $0xffff  }
0x89: {  	s24 =	simm.s32 $0x1F180;
	v5 =	vld.idx.msk [tilespmem:v5+s16+$0x0], $0xffff  }
0x8a: {  	v6 =	vld.idx.msk [tilespmem:v6+s16+$0x0], $0xffff;
	[tilespmem:s24+$0x70] =	vst v0  }
0x8b: {  	v7 =	vld.idx.msk [tilespmem:v7+s16+$0x0], $0xffff;
	[tilespmem:s24+$0xFFFFFF90] =	vst v1  }
0x8c: {  	v15 =	vld.idx.msk [tilespmem:v15+s16+$0x0], $0xffff;
	[tilespmem:s24+$0xFFFFFFA0] =	vst v2  }
0x8d: {  	v8 =	vld.idx.msk [tilespmem:v8+s16+$0x0], $0xffff;
	[tilespmem:s24+$0xFFFFFFB0] =	vst v3  }
0x8e: {  	[tilespmem:s24+$0xFFFFFFC0] =	vst v4;
	v0 =	vld.idx.msk [tilespmem:v9+s16+$0x0], $0xffff  }
0x8f: {  	[tilespmem:s24+$0xFFFFFFD0] =	vst v5;
	v1 =	vld.idx.msk [tilespmem:v10+s16+$0x0], $0xffff  }
0x90: {  	[tilespmem:s24+$0xFFFFFFE0] =	vst v6;
	v2 =	vld.idx.msk [tilespmem:v11+s16+$0x0], $0xffff  }
0x91: {  	[tilespmem:s24+$0xFFFFFFF0] =	vst v7;
	v3 =	vld.idx.msk [tilespmem:v12+s16+$0x0], $0xffff  }
0x92: {  	[tilespmem:s24+$0xFFFFFF80] =	vst v15;
	v4 =	vld.idx.msk [tilespmem:v13+s16+$0x0], $0xffff  }
0x93: {  	s26 =	simm.s32 $0x9F0;
	s25 =	simm.s32 $0x0;
	[tilespmem:s24+$0x0] =	vst v8;
	v5 =	vld.idx.msk [tilespmem:v14+s16+$0x0], $0xffff  }
.LBB2_5:
0x94: {  	v6 =	vld [tilespmem:s26+$0x0];
	s25 =	sadd.s32 $0x10, s25;
	[tilespmem:s24+$0x10] =	vst v0  }
0x95: {  	v0 =	vld [tilespmem:s26+$0xFFFFFF20];
	p2 =	slt.u32 s25, $0x70;
	[tilespmem:s24+$0x20] =	vst v1  }
0x96: {  	v1 =	vld [tilespmem:s26+$0xFFFFFF30];
	[tilespmem:s24+$0x30] =	vst v2  }
0x97: {  	v2 =	vld [tilespmem:s26+$0xFFFFFF40];
	[tilespmem:s24+$0x40] =	vst v3  }
0x98: {  	v3 =	vld [tilespmem:s26+$0xFFFFFF50];
	[tilespmem:s24+$0x50] =	vst v4  }
0x99: {  	v4 =	vld [tilespmem:s26+$0xFFFFFF60];
	[tilespmem:s24+$0x60] =	vst v5  }
0x9a: {  	v5 =	vld [tilespmem:s26+$0xFFFFFF70]  }
0x9b: {  	v7 =	vld [tilespmem:s26+$0xFFFFFF80]  }
0x9c: {  	v6 =	vld.idx.msk [tilespmem:v6+s16+$0x0], $0xffff  }
0x9d: {  	v8 =	vld [tilespmem:s26+$0xFFFFFF90]  }
0x9e: {  	v9 =	vld [tilespmem:s26+$0xFFFFFFA0]  }
0x9f: {  	v10 =	vld [tilespmem:s26+$0xFFFFFFB0]  }
0xa0: {  	v11 =	vld [tilespmem:s26+$0xFFFFFFC0]  }
0xa1: {  	s24 =	sadd.s32 $0x100, s24;
	v12 =	vld [tilespmem:s26+$0xFFFFFFD0]  }
0xa2: {  	v13 =	vld [tilespmem:s26+$0xFFFFFFE0];
	[tilespmem:s24+$0x70] =	vst v6  }
0xa3: {  	v6 =	vld [tilespmem:s26+$0xFFFFFFF0]  }
0xa4: {  	v14 =	vld [tilespmem:s26+$0xFFFFFF10]  }
0xa5: {  	v0 =	vld.idx.msk [tilespmem:v0+s16+$0x0], $0xffff  }
0xa6: {  	v1 =	vld.idx.msk [tilespmem:v1+s16+$0x0], $0xffff  }
0xa7: {  	v2 =	vld.idx.msk [tilespmem:v2+s16+$0x0], $0xffff  }
0xa8: {  	v3 =	vld.idx.msk [tilespmem:v3+s16+$0x0], $0xffff  }
0xa9: {  	v4 =	vld.idx.msk [tilespmem:v4+s16+$0x0], $0xffff  }
0xaa: {  	v5 =	vld.idx.msk [tilespmem:v5+s16+$0x0], $0xffff  }
0xab: {  	[tilespmem:s24+$0xFFFFFF90] =	vst v0;
	v7 =	vld.idx.msk [tilespmem:v7+s16+$0x0], $0xffff  }
0xac: {  	v14 =	vld.idx.msk [tilespmem:v14+s16+$0x0], $0xffff;
	[tilespmem:s24+$0xFFFFFFA0] =	vst v1  }
0xad: {  	[tilespmem:s24+$0xFFFFFFB0] =	vst v2;
	v8 =	vld.idx.msk [tilespmem:v8+s16+$0x0], $0xffff  }
0xae: {  	[tilespmem:s24+$0xFFFFFFC0] =	vst v3;
	v0 =	vld.idx.msk [tilespmem:v9+s16+$0x0], $0xffff  }
.Ltmp3:
0xaf: {  	[tilespmem:s24+$0xFFFFFFD0] =	vst v4;
	v1 =	vld.idx.msk [tilespmem:v10+s16+$0x0], $0xffff;
	(pc) =	sbr.rel @p2 .LBB2_5-.Ltmp3, $4  }
0xb0: {  	[tilespmem:s24+$0xFFFFFFE0] =	vst v5;
	v2 =	vld.idx.msk [tilespmem:v11+s16+$0x0], $0xffff  }
0xb1: {  	[tilespmem:s24+$0xFFFFFFF0] =	vst v7;
	v3 =	vld.idx.msk [tilespmem:v12+s16+$0x0], $0xffff  }
0xb2: {  	[tilespmem:s24+$0xFFFFFF80] =	vst v14;
	v4 =	vld.idx.msk [tilespmem:v13+s16+$0x0], $0xffff  }
0xb3: {  	s26 =	sadd.s32 $0x100, s26;
	[tilespmem:s24+$0x0] =	vst v8;
	v5 =	vld.idx.msk [tilespmem:v6+s16+$0x0], $0xffff  }
0xb4: {  	[tilespmem:s24+$0x10] =	vst v0  }
0xb5: {  	[tilespmem:s24+$0x20] =	vst v1  }
0xb6: {  	[tilespmem:s24+$0x30] =	vst v2  }
0xb7: {  	[tilespmem:s24+$0x40] =	vst v3  }
0xb8: {  	[tilespmem:s24+$0x50] =	vst v4  }
0xb9: {  	s30 =	sadd.s32 $0x800, s23;
	[tilespmem:s24+$0x60] =	vst v5  }
0xba: {  	[hbm4b:s30+s13] =	stream.strided.scatter [tilespmem:s18], [sflag:$0x2], $0x800, s14, s13, $0x38;
	[tilespmem:$0x1F900] =	vst v63  }
0xbb: {  	_ =	swait.ge [sflag:s19], $0x800  }
0xbc: {  	[sflag:s19] =	ssyncset.done $0x0  }
0xbd: {  	s31 =	simm.s32 $0x10F0;
	[sflag:s19] =	ssyncadd.s32 $0xFFFFF800  }
0xbe: {  	v0 =	vld [tilespmem:s31+$0x0]  }
0xbf: {  	v1 =	vld [tilespmem:s31+$0xFFFFFF20]  }
0xc0: {  	v2 =	vld [tilespmem:s31+$0xFFFFFF30]  }
0xc1: {  	v3 =	vld [tilespmem:s31+$0xFFFFFF40]  }
0xc2: {  	v4 =	vld [tilespmem:s31+$0xFFFFFF50]  }
0xc3: {  	v5 =	vld [tilespmem:s31+$0xFFFFFF60]  }
0xc4: {  	v6 =	vld [tilespmem:s31+$0xFFFFFF70]  }
0xc5: {  	v7 =	vld [tilespmem:s31+$0xFFFFFF80]  }
0xc6: {  	v8 =	vld [tilespmem:s31+$0xFFFFFF90]  }
0xc7: {  	v9 =	vld [tilespmem:s31+$0xFFFFFFA0]  }
0xc8: {  	v10 =	vld [tilespmem:s31+$0xFFFFFFB0]  }
0xc9: {  	v11 =	vld [tilespmem:s31+$0xFFFFFFC0]  }
0xca: {  	v12 =	vld [tilespmem:s31+$0xFFFFFFD0]  }
0xcb: {  	v13 =	vld [tilespmem:s31+$0xFFFFFFE0]  }
0xcc: {  	v14 =	vld [tilespmem:s31+$0xFFFFFFF0]  }
0xcd: {  	v15 =	vld [tilespmem:s31+$0xFFFFFF10]  }
0xce: {  	v0 =	vld.idx.msk [tilespmem:v0+s16+$0x0], $0xffff  }
0xcf: {  	v1 =	vld.idx.msk [tilespmem:v1+s16+$0x0], $0xffff  }
0xd0: {  	v2 =	vld.idx.msk [tilespmem:v2+s16+$0x0], $0xffff  }
0xd1: {  	v3 =	vld.idx.msk [tilespmem:v3+s16+$0x0], $0xffff  }
0xd2: {  	v4 =	vld.idx.msk [tilespmem:v4+s16+$0x0], $0xffff  }
0xd3: {  	s24 =	simm.s32 $0x1E980;
	v5 =	vld.idx.msk [tilespmem:v5+s16+$0x0], $0xffff  }
0xd4: {  	v6 =	vld.idx.msk [tilespmem:v6+s16+$0x0], $0xffff;
	[tilespmem:s24+$0x70] =	vst v0  }
0xd5: {  	v7 =	vld.idx.msk [tilespmem:v7+s16+$0x0], $0xffff;
	[tilespmem:s24+$0xFFFFFF90] =	vst v1  }
0xd6: {  	v15 =	vld.idx.msk [tilespmem:v15+s16+$0x0], $0xffff;
	[tilespmem:s24+$0xFFFFFFA0] =	vst v2  }
0xd7: {  	v8 =	vld.idx.msk [tilespmem:v8+s16+$0x0], $0xffff;
	[tilespmem:s24+$0xFFFFFFB0] =	vst v3  }
0xd8: {  	[tilespmem:s24+$0xFFFFFFC0] =	vst v4;
	v0 =	vld.idx.msk [tilespmem:v9+s16+$0x0], $0xffff  }
0xd9: {  	[tilespmem:s24+$0xFFFFFFD0] =	vst v5;
	v1 =	vld.idx.msk [tilespmem:v10+s16+$0x0], $0xffff  }
0xda: {  	[tilespmem:s24+$0xFFFFFFE0] =	vst v6;
	v2 =	vld.idx.msk [tilespmem:v11+s16+$0x0], $0xffff  }
0xdb: {  	[tilespmem:s24+$0xFFFFFFF0] =	vst v7;
	v3 =	vld.idx.msk [tilespmem:v12+s16+$0x0], $0xffff  }
0xdc: {  	[tilespmem:s24+$0xFFFFFF80] =	vst v15;
	v4 =	vld.idx.msk [tilespmem:v13+s16+$0x0], $0xffff  }
0xdd: {  	s25 =	simm.s32 $0x0;
	s26 =	simm.s32 $0x11F0;
	[tilespmem:s24+$0x0] =	vst v8;
	v5 =	vld.idx.msk [tilespmem:v14+s16+$0x0], $0xffff  }
.LBB2_7:
0xde: {  	v6 =	vld [tilespmem:s26+$0x0];
	s25 =	sadd.s32 $0x10, s25;
	[tilespmem:s24+$0x10] =	vst v0  }
0xdf: {  	v0 =	vld [tilespmem:s26+$0xFFFFFF20];
	p2 =	slt.u32 s25, $0x70;
	[tilespmem:s24+$0x20] =	vst v1  }
0xe0: {  	v1 =	vld [tilespmem:s26+$0xFFFFFF30];
	[tilespmem:s24+$0x30] =	vst v2  }
0xe1: {  	v2 =	vld [tilespmem:s26+$0xFFFFFF40];
	[tilespmem:s24+$0x40] =	vst v3  }
0xe2: {  	v3 =	vld [tilespmem:s26+$0xFFFFFF50];
	[tilespmem:s24+$0x50] =	vst v4  }
0xe3: {  	v4 =	vld [tilespmem:s26+$0xFFFFFF60];
	[tilespmem:s24+$0x60] =	vst v5  }
0xe4: {  	v5 =	vld [tilespmem:s26+$0xFFFFFF70]  }
0xe5: {  	v7 =	vld [tilespmem:s26+$0xFFFFFF80]  }
0xe6: {  	v6 =	vld.idx.msk [tilespmem:v6+s16+$0x0], $0xffff  }
0xe7: {  	v8 =	vld [tilespmem:s26+$0xFFFFFF90]  }
0xe8: {  	v9 =	vld [tilespmem:s26+$0xFFFFFFA0]  }
0xe9: {  	v10 =	vld [tilespmem:s26+$0xFFFFFFB0]  }
0xea: {  	v11 =	vld [tilespmem:s26+$0xFFFFFFC0]  }
0xeb: {  	s24 =	sadd.s32 $0x100, s24;
	v12 =	vld [tilespmem:s26+$0xFFFFFFD0]  }
0xec: {  	v13 =	vld [tilespmem:s26+$0xFFFFFFE0];
	[tilespmem:s24+$0x70] =	vst v6  }
0xed: {  	v6 =	vld [tilespmem:s26+$0xFFFFFFF0]  }
0xee: {  	v14 =	vld [tilespmem:s26+$0xFFFFFF10]  }
0xef: {  	v0 =	vld.idx.msk [tilespmem:v0+s16+$0x0], $0xffff  }
0xf0: {  	v1 =	vld.idx.msk [tilespmem:v1+s16+$0x0], $0xffff  }
0xf1: {  	v2 =	vld.idx.msk [tilespmem:v2+s16+$0x0], $0xffff  }
0xf2: {  	v3 =	vld.idx.msk [tilespmem:v3+s16+$0x0], $0xffff  }
0xf3: {  	v4 =	vld.idx.msk [tilespmem:v4+s16+$0x0], $0xffff  }
0xf4: {  	v5 =	vld.idx.msk [tilespmem:v5+s16+$0x0], $0xffff  }
0xf5: {  	[tilespmem:s24+$0xFFFFFF90] =	vst v0;
	v7 =	vld.idx.msk [tilespmem:v7+s16+$0x0], $0xffff  }
0xf6: {  	v14 =	vld.idx.msk [tilespmem:v14+s16+$0x0], $0xffff;
	[tilespmem:s24+$0xFFFFFFA0] =	vst v1  }
0xf7: {  	[tilespmem:s24+$0xFFFFFFB0] =	vst v2;
	v8 =	vld.idx.msk [tilespmem:v8+s16+$0x0], $0xffff  }
0xf8: {  	[tilespmem:s24+$0xFFFFFFC0] =	vst v3;
	v0 =	vld.idx.msk [tilespmem:v9+s16+$0x0], $0xffff  }
.Ltmp4:
0xf9: {  	[tilespmem:s24+$0xFFFFFFD0] =	vst v4;
	v1 =	vld.idx.msk [tilespmem:v10+s16+$0x0], $0xffff;
	(pc) =	sbr.rel @p2 .LBB2_7-.Ltmp4, $4  }
0xfa: {  	[tilespmem:s24+$0xFFFFFFE0] =	vst v5;
	v2 =	vld.idx.msk [tilespmem:v11+s16+$0x0], $0xffff  }
0xfb: {  	[tilespmem:s24+$0xFFFFFFF0] =	vst v7;
	v3 =	vld.idx.msk [tilespmem:v12+s16+$0x0], $0xffff  }
0xfc: {  	[tilespmem:s24+$0xFFFFFF80] =	vst v14;
	v4 =	vld.idx.msk [tilespmem:v13+s16+$0x0], $0xffff  }
0xfd: {  	s26 =	sadd.s32 $0x100, s26;
	[tilespmem:s24+$0x0] =	vst v8;
	v5 =	vld.idx.msk [tilespmem:v6+s16+$0x0], $0xffff  }
0xfe: {  	[tilespmem:s24+$0x10] =	vst v0  }
0xff: {  	[tilespmem:s24+$0x20] =	vst v1  }
0x100: {  	[tilespmem:s24+$0x30] =	vst v2  }
0x101: {  	[tilespmem:s24+$0x40] =	vst v3  }
0x102: {  	[tilespmem:s24+$0x50] =	vst v4  }
0x103: {  	s30 =	sadd.s32 $0x1000, s23;
	[tilespmem:s24+$0x60] =	vst v5  }
0x104: {  	[hbm4b:s30+s13] =	stream.strided.scatter [tilespmem:s17], [sflag:$0x1], $0x800, s14, s13, $0x38;
	[tilespmem:$0x1F900] =	vst v63  }
0x105: {  	_ =	swait.ge [sflag:s20], $0x800  }
0x106: {  	[sflag:s20] =	ssyncset.done $0x0  }
0x107: {  	s31 =	simm.s32 $0x18F0;
	[sflag:s20] =	ssyncadd.s32 $0xFFFFF800  }
0x108: {  	v0 =	vld [tilespmem:s31+$0x0]  }
0x109: {  	v1 =	vld [tilespmem:s31+$0xFFFFFF20]  }
0x10a: {  	v2 =	vld [tilespmem:s31+$0xFFFFFF30]  }
0x10b: {  	v3 =	vld [tilespmem:s31+$0xFFFFFF40]  }
0x10c: {  	v4 =	vld [tilespmem:s31+$0xFFFFFF50]  }
0x10d: {  	v5 =	vld [tilespmem:s31+$0xFFFFFF60]  }
0x10e: {  	v6 =	vld [tilespmem:s31+$0xFFFFFF70]  }
0x10f: {  	v7 =	vld [tilespmem:s31+$0xFFFFFF80]  }
0x110: {  	v8 =	vld [tilespmem:s31+$0xFFFFFF90]  }
0x111: {  	v9 =	vld [tilespmem:s31+$0xFFFFFFA0]  }
0x112: {  	v10 =	vld [tilespmem:s31+$0xFFFFFFB0]  }
0x113: {  	v11 =	vld [tilespmem:s31+$0xFFFFFFC0]  }
0x114: {  	v12 =	vld [tilespmem:s31+$0xFFFFFFD0]  }
0x115: {  	v13 =	vld [tilespmem:s31+$0xFFFFFFE0]  }
0x116: {  	v14 =	vld [tilespmem:s31+$0xFFFFFFF0]  }
0x117: {  	v15 =	vld [tilespmem:s31+$0xFFFFFF10]  }
0x118: {  	v0 =	vld.idx.msk [tilespmem:v0+s16+$0x0], $0xffff  }
0x119: {  	v1 =	vld.idx.msk [tilespmem:v1+s16+$0x0], $0xffff  }
0x11a: {  	v2 =	vld.idx.msk [tilespmem:v2+s16+$0x0], $0xffff  }
0x11b: {  	v3 =	vld.idx.msk [tilespmem:v3+s16+$0x0], $0xffff  }
0x11c: {  	v4 =	vld.idx.msk [tilespmem:v4+s16+$0x0], $0xffff  }
0x11d: {  	s24 =	simm.s32 $0x1F180;
	v5 =	vld.idx.msk [tilespmem:v5+s16+$0x0], $0xffff  }
0x11e: {  	v6 =	vld.idx.msk [tilespmem:v6+s16+$0x0], $0xffff;
	[tilespmem:s24+$0x70] =	vst v0  }
0x11f: {  	v7 =	vld.idx.msk [tilespmem:v7+s16+$0x0], $0xffff;
	[tilespmem:s24+$0xFFFFFF90] =	vst v1  }
0x120: {  	v15 =	vld.idx.msk [tilespmem:v15+s16+$0x0], $0xffff;
	[tilespmem:s24+$0xFFFFFFA0] =	vst v2  }
0x121: {  	v8 =	vld.idx.msk [tilespmem:v8+s16+$0x0], $0xffff;
	[tilespmem:s24+$0xFFFFFFB0] =	vst v3  }
0x122: {  	[tilespmem:s24+$0xFFFFFFC0] =	vst v4;
	v0 =	vld.idx.msk [tilespmem:v9+s16+$0x0], $0xffff  }
0x123: {  	[tilespmem:s24+$0xFFFFFFD0] =	vst v5;
	v1 =	vld.idx.msk [tilespmem:v10+s16+$0x0], $0xffff  }
0x124: {  	[tilespmem:s24+$0xFFFFFFE0] =	vst v6;
	v2 =	vld.idx.msk [tilespmem:v11+s16+$0x0], $0xffff  }
0x125: {  	[tilespmem:s24+$0xFFFFFFF0] =	vst v7;
	v3 =	vld.idx.msk [tilespmem:v12+s16+$0x0], $0xffff  }
0x126: {  	[tilespmem:s24+$0xFFFFFF80] =	vst v15;
	v4 =	vld.idx.msk [tilespmem:v13+s16+$0x0], $0xffff  }
0x127: {  	s25 =	simm.s32 $0x0;
	s26 =	simm.s32 $0x19F0;
	[tilespmem:s24+$0x0] =	vst v8;
	v5 =	vld.idx.msk [tilespmem:v14+s16+$0x0], $0xffff  }
.LBB2_9:
0x128: {  	v6 =	vld [tilespmem:s26+$0x0];
	s25 =	sadd.s32 $0x10, s25;
	[tilespmem:s24+$0x10] =	vst v0  }
0x129: {  	v0 =	vld [tilespmem:s26+$0xFFFFFF20];
	p2 =	slt.u32 s25, $0x70;
	[tilespmem:s24+$0x20] =	vst v1  }
0x12a: {  	v1 =	vld [tilespmem:s26+$0xFFFFFF30];
	[tilespmem:s24+$0x30] =	vst v2  }
0x12b: {  	v2 =	vld [tilespmem:s26+$0xFFFFFF40];
	[tilespmem:s24+$0x40] =	vst v3  }
0x12c: {  	v3 =	vld [tilespmem:s26+$0xFFFFFF50];
	[tilespmem:s24+$0x50] =	vst v4  }
0x12d: {  	v4 =	vld [tilespmem:s26+$0xFFFFFF60];
	[tilespmem:s24+$0x60] =	vst v5  }
0x12e: {  	v5 =	vld [tilespmem:s26+$0xFFFFFF70]  }
0x12f: {  	v7 =	vld [tilespmem:s26+$0xFFFFFF80]  }
0x130: {  	v6 =	vld.idx.msk [tilespmem:v6+s16+$0x0], $0xffff  }
0x131: {  	v8 =	vld [tilespmem:s26+$0xFFFFFF90]  }
0x132: {  	v9 =	vld [tilespmem:s26+$0xFFFFFFA0]  }
0x133: {  	v10 =	vld [tilespmem:s26+$0xFFFFFFB0]  }
0x134: {  	v11 =	vld [tilespmem:s26+$0xFFFFFFC0]  }
0x135: {  	s24 =	sadd.s32 $0x100, s24;
	v12 =	vld [tilespmem:s26+$0xFFFFFFD0]  }
0x136: {  	v13 =	vld [tilespmem:s26+$0xFFFFFFE0];
	[tilespmem:s24+$0x70] =	vst v6  }
0x137: {  	v6 =	vld [tilespmem:s26+$0xFFFFFFF0]  }
0x138: {  	v14 =	vld [tilespmem:s26+$0xFFFFFF10]  }
0x139: {  	v0 =	vld.idx.msk [tilespmem:v0+s16+$0x0], $0xffff  }
0x13a: {  	v1 =	vld.idx.msk [tilespmem:v1+s16+$0x0], $0xffff  }
0x13b: {  	v2 =	vld.idx.msk [tilespmem:v2+s16+$0x0], $0xffff  }
0x13c: {  	v3 =	vld.idx.msk [tilespmem:v3+s16+$0x0], $0xffff  }
0x13d: {  	v4 =	vld.idx.msk [tilespmem:v4+s16+$0x0], $0xffff  }
0x13e: {  	v5 =	vld.idx.msk [tilespmem:v5+s16+$0x0], $0xffff  }
0x13f: {  	[tilespmem:s24+$0xFFFFFF90] =	vst v0;
	v7 =	vld.idx.msk [tilespmem:v7+s16+$0x0], $0xffff  }
0x140: {  	v14 =	vld.idx.msk [tilespmem:v14+s16+$0x0], $0xffff;
	[tilespmem:s24+$0xFFFFFFA0] =	vst v1  }
0x141: {  	[tilespmem:s24+$0xFFFFFFB0] =	vst v2;
	v8 =	vld.idx.msk [tilespmem:v8+s16+$0x0], $0xffff  }
0x142: {  	[tilespmem:s24+$0xFFFFFFC0] =	vst v3;
	v0 =	vld.idx.msk [tilespmem:v9+s16+$0x0], $0xffff  }
.Ltmp5:
0x143: {  	[tilespmem:s24+$0xFFFFFFD0] =	vst v4;
	v1 =	vld.idx.msk [tilespmem:v10+s16+$0x0], $0xffff;
	(pc) =	sbr.rel @p2 .LBB2_9-.Ltmp5, $4  }
0x144: {  	[tilespmem:s24+$0xFFFFFFE0] =	vst v5;
	v2 =	vld.idx.msk [tilespmem:v11+s16+$0x0], $0xffff  }
0x145: {  	[tilespmem:s24+$0xFFFFFFF0] =	vst v7;
	v3 =	vld.idx.msk [tilespmem:v12+s16+$0x0], $0xffff  }
0x146: {  	[tilespmem:s24+$0xFFFFFF80] =	vst v14;
	v4 =	vld.idx.msk [tilespmem:v13+s16+$0x0], $0xffff  }
0x147: {  	s26 =	sadd.s32 $0x100, s26;
	[tilespmem:s24+$0x0] =	vst v8;
	v5 =	vld.idx.msk [tilespmem:v6+s16+$0x0], $0xffff  }
0x148: {  	[tilespmem:s24+$0x10] =	vst v0  }
0x149: {  	[tilespmem:s24+$0x20] =	vst v1  }
0x14a: {  	[tilespmem:s24+$0x30] =	vst v2  }
0x14b: {  	[tilespmem:s24+$0x40] =	vst v3  }
0x14c: {  	[tilespmem:s24+$0x50] =	vst v4  }
0x14d: {  	s30 =	sadd.s32 $0x1800, s23;
	[tilespmem:s24+$0x60] =	vst v5  }
0x14e: {  	[hbm4b:s30+s13] =	stream.strided.scatter [tilespmem:s18], [sflag:$0x2], $0x800, s14, s13, $0x38;
	[tilespmem:$0x1F900] =	vst v63  }
0x14f: {  	_ =	swait.ge [sflag:s19], $0x800  }
0x150: {  	[sflag:s19] =	ssyncset.done $0x0  }
0x151: {  	s31 =	simm.s32 $0x20F0;
	[sflag:s19] =	ssyncadd.s32 $0xFFFFF800  }
0x152: {  	v0 =	vld [tilespmem:s31+$0x0]  }
0x153: {  	v1 =	vld [tilespmem:s31+$0xFFFFFF20]  }
0x154: {  	v2 =	vld [tilespmem:s31+$0xFFFFFF30]  }
0x155: {  	v3 =	vld [tilespmem:s31+$0xFFFFFF40]  }
0x156: {  	v4 =	vld [tilespmem:s31+$0xFFFFFF50]  }
0x157: {  	v5 =	vld [tilespmem:s31+$0xFFFFFF60]  }
0x158: {  	v6 =	vld [tilespmem:s31+$0xFFFFFF70]  }
0x159: {  	v7 =	vld [tilespmem:s31+$0xFFFFFF80]  }
0x15a: {  	v8 =	vld [tilespmem:s31+$0xFFFFFF90]  }
0x15b: {  	v9 =	vld [tilespmem:s31+$0xFFFFFFA0]  }
0x15c: {  	v10 =	vld [tilespmem:s31+$0xFFFFFFB0]  }
0x15d: {  	v11 =	vld [tilespmem:s31+$0xFFFFFFC0]  }
0x15e: {  	v12 =	vld [tilespmem:s31+$0xFFFFFFD0]  }
0x15f: {  	v13 =	vld [tilespmem:s31+$0xFFFFFFE0]  }
0x160: {  	v14 =	vld [tilespmem:s31+$0xFFFFFFF0]  }
0x161: {  	v15 =	vld [tilespmem:s31+$0xFFFFFF10]  }
0x162: {  	v0 =	vld.idx.msk [tilespmem:v0+s16+$0x0], $0xffff  }
0x163: {  	v1 =	vld.idx.msk [tilespmem:v1+s16+$0x0], $0xffff  }
0x164: {  	v2 =	vld.idx.msk [tilespmem:v2+s16+$0x0], $0xffff  }
0x165: {  	v3 =	vld.idx.msk [tilespmem:v3+s16+$0x0], $0xffff  }
0x166: {  	v4 =	vld.idx.msk [tilespmem:v4+s16+$0x0], $0xffff  }
0x167: {  	s24 =	simm.s32 $0x1E980;
	v5 =	vld.idx.msk [tilespmem:v5+s16+$0x0], $0xffff  }
0x168: {  	v6 =	vld.idx.msk [tilespmem:v6+s16+$0x0], $0xffff;
	[tilespmem:s24+$0x70] =	vst v0  }
0x169: {  	v7 =	vld.idx.msk [tilespmem:v7+s16+$0x0], $0xffff;
	[tilespmem:s24+$0xFFFFFF90] =	vst v1  }
0x16a: {  	v15 =	vld.idx.msk [tilespmem:v15+s16+$0x0], $0xffff;
	[tilespmem:s24+$0xFFFFFFA0] =	vst v2  }
0x16b: {  	v8 =	vld.idx.msk [tilespmem:v8+s16+$0x0], $0xffff;
	[tilespmem:s24+$0xFFFFFFB0] =	vst v3  }
0x16c: {  	[tilespmem:s24+$0xFFFFFFC0] =	vst v4;
	v0 =	vld.idx.msk [tilespmem:v9+s16+$0x0], $0xffff  }
0x16d: {  	[tilespmem:s24+$0xFFFFFFD0] =	vst v5;
	v1 =	vld.idx.msk [tilespmem:v10+s16+$0x0], $0xffff  }
0x16e: {  	[tilespmem:s24+$0xFFFFFFE0] =	vst v6;
	v2 =	vld.idx.msk [tilespmem:v11+s16+$0x0], $0xffff  }
0x16f: {  	[tilespmem:s24+$0xFFFFFFF0] =	vst v7;
	v3 =	vld.idx.msk [tilespmem:v12+s16+$0x0], $0xffff  }
0x170: {  	[tilespmem:s24+$0xFFFFFF80] =	vst v15;
	v4 =	vld.idx.msk [tilespmem:v13+s16+$0x0], $0xffff  }
0x171: {  	s25 =	simm.s32 $0x0;
	s26 =	simm.s32 $0x21F0;
	[tilespmem:s24+$0x0] =	vst v8;
	v5 =	vld.idx.msk [tilespmem:v14+s16+$0x0], $0xffff  }
.LBB2_11:
0x172: {  	v6 =	vld [tilespmem:s26+$0x0];
	s25 =	sadd.s32 $0x10, s25;
	[tilespmem:s24+$0x10] =	vst v0  }
0x173: {  	v0 =	vld [tilespmem:s26+$0xFFFFFF20];
	p2 =	slt.u32 s25, $0x70;
	[tilespmem:s24+$0x20] =	vst v1  }
0x174: {  	v1 =	vld [tilespmem:s26+$0xFFFFFF30];
	[tilespmem:s24+$0x30] =	vst v2  }
0x175: {  	v2 =	vld [tilespmem:s26+$0xFFFFFF40];
	[tilespmem:s24+$0x40] =	vst v3  }
0x176: {  	v3 =	vld [tilespmem:s26+$0xFFFFFF50];
	[tilespmem:s24+$0x50] =	vst v4  }
0x177: {  	v4 =	vld [tilespmem:s26+$0xFFFFFF60];
	[tilespmem:s24+$0x60] =	vst v5  }
0x178: {  	v5 =	vld [tilespmem:s26+$0xFFFFFF70]  }
0x179: {  	v7 =	vld [tilespmem:s26+$0xFFFFFF80]  }
0x17a: {  	v6 =	vld.idx.msk [tilespmem:v6+s16+$0x0], $0xffff  }
0x17b: {  	v8 =	vld [tilespmem:s26+$0xFFFFFF90]  }
0x17c: {  	v9 =	vld [tilespmem:s26+$0xFFFFFFA0]  }
0x17d: {  	v10 =	vld [tilespmem:s26+$0xFFFFFFB0]  }
0x17e: {  	v11 =	vld [tilespmem:s26+$0xFFFFFFC0]  }
0x17f: {  	s24 =	sadd.s32 $0x100, s24;
	v12 =	vld [tilespmem:s26+$0xFFFFFFD0]  }
0x180: {  	v13 =	vld [tilespmem:s26+$0xFFFFFFE0];
	[tilespmem:s24+$0x70] =	vst v6  }
0x181: {  	v6 =	vld [tilespmem:s26+$0xFFFFFFF0]  }
0x182: {  	v14 =	vld [tilespmem:s26+$0xFFFFFF10]  }
0x183: {  	v0 =	vld.idx.msk [tilespmem:v0+s16+$0x0], $0xffff  }
0x184: {  	v1 =	vld.idx.msk [tilespmem:v1+s16+$0x0], $0xffff  }
0x185: {  	v2 =	vld.idx.msk [tilespmem:v2+s16+$0x0], $0xffff  }
0x186: {  	v3 =	vld.idx.msk [tilespmem:v3+s16+$0x0], $0xffff  }
0x187: {  	v4 =	vld.idx.msk [tilespmem:v4+s16+$0x0], $0xffff  }
0x188: {  	v5 =	vld.idx.msk [tilespmem:v5+s16+$0x0], $0xffff  }
0x189: {  	[tilespmem:s24+$0xFFFFFF90] =	vst v0;
	v7 =	vld.idx.msk [tilespmem:v7+s16+$0x0], $0xffff  }
0x18a: {  	v14 =	vld.idx.msk [tilespmem:v14+s16+$0x0], $0xffff;
	[tilespmem:s24+$0xFFFFFFA0] =	vst v1  }
0x18b: {  	[tilespmem:s24+$0xFFFFFFB0] =	vst v2;
	v8 =	vld.idx.msk [tilespmem:v8+s16+$0x0], $0xffff  }
0x18c: {  	[tilespmem:s24+$0xFFFFFFC0] =	vst v3;
	v0 =	vld.idx.msk [tilespmem:v9+s16+$0x0], $0xffff  }
.Ltmp6:
0x18d: {  	[tilespmem:s24+$0xFFFFFFD0] =	vst v4;
	v1 =	vld.idx.msk [tilespmem:v10+s16+$0x0], $0xffff;
	(pc) =	sbr.rel @p2 .LBB2_11-.Ltmp6, $4  }
0x18e: {  	[tilespmem:s24+$0xFFFFFFE0] =	vst v5;
	v2 =	vld.idx.msk [tilespmem:v11+s16+$0x0], $0xffff  }
0x18f: {  	[tilespmem:s24+$0xFFFFFFF0] =	vst v7;
	v3 =	vld.idx.msk [tilespmem:v12+s16+$0x0], $0xffff  }
0x190: {  	[tilespmem:s24+$0xFFFFFF80] =	vst v14;
	v4 =	vld.idx.msk [tilespmem:v13+s16+$0x0], $0xffff  }
0x191: {  	s26 =	sadd.s32 $0x100, s26;
	[tilespmem:s24+$0x0] =	vst v8;
	v5 =	vld.idx.msk [tilespmem:v6+s16+$0x0], $0xffff  }
0x192: {  	[tilespmem:s24+$0x10] =	vst v0  }
0x193: {  	[tilespmem:s24+$0x20] =	vst v1  }
0x194: {  	[tilespmem:s24+$0x30] =	vst v2  }
0x195: {  	[tilespmem:s24+$0x40] =	vst v3  }
0x196: {  	[tilespmem:s24+$0x50] =	vst v4  }
0x197: {  	s30 =	sadd.s32 $0x2000, s23;
	[tilespmem:s24+$0x60] =	vst v5  }
0x198: {  	[hbm4b:s30+s13] =	stream.strided.scatter [tilespmem:s17], [sflag:$0x1], $0x800, s14, s13, $0x38;
	[tilespmem:$0x1F900] =	vst v63  }
0x199: {  	_ =	swait.ge [sflag:s20], $0x800  }
0x19a: {  	[sflag:s20] =	ssyncset.done $0x0  }
0x19b: {  	s31 =	simm.s32 $0x28F0;
	[sflag:s20] =	ssyncadd.s32 $0xFFFFF800  }
0x19c: {  	v0 =	vld [tilespmem:s31+$0x0]  }
0x19d: {  	v1 =	vld [tilespmem:s31+$0xFFFFFF20]  }
0x19e: {  	v2 =	vld [tilespmem:s31+$0xFFFFFF30]  }
0x19f: {  	v3 =	vld [tilespmem:s31+$0xFFFFFF40]  }
0x1a0: {  	v4 =	vld [tilespmem:s31+$0xFFFFFF50]  }
0x1a1: {  	v5 =	vld [tilespmem:s31+$0xFFFFFF60]  }
0x1a2: {  	v6 =	vld [tilespmem:s31+$0xFFFFFF70]  }
0x1a3: {  	v7 =	vld [tilespmem:s31+$0xFFFFFF80]  }
0x1a4: {  	v8 =	vld [tilespmem:s31+$0xFFFFFF90]  }
0x1a5: {  	v9 =	vld [tilespmem:s31+$0xFFFFFFA0]  }
0x1a6: {  	v10 =	vld [tilespmem:s31+$0xFFFFFFB0]  }
0x1a7: {  	v11 =	vld [tilespmem:s31+$0xFFFFFFC0]  }
0x1a8: {  	v12 =	vld [tilespmem:s31+$0xFFFFFFD0]  }
0x1a9: {  	v13 =	vld [tilespmem:s31+$0xFFFFFFE0]  }
0x1aa: {  	v14 =	vld [tilespmem:s31+$0xFFFFFFF0]  }
0x1ab: {  	v15 =	vld [tilespmem:s31+$0xFFFFFF10]  }
0x1ac: {  	v0 =	vld.idx.msk [tilespmem:v0+s16+$0x0], $0xffff  }
0x1ad: {  	v1 =	vld.idx.msk [tilespmem:v1+s16+$0x0], $0xffff  }
0x1ae: {  	v2 =	vld.idx.msk [tilespmem:v2+s16+$0x0], $0xffff  }
0x1af: {  	v3 =	vld.idx.msk [tilespmem:v3+s16+$0x0], $0xffff  }
0x1b0: {  	v4 =	vld.idx.msk [tilespmem:v4+s16+$0x0], $0xffff  }
0x1b1: {  	s24 =	simm.s32 $0x1F180;
	v5 =	vld.idx.msk [tilespmem:v5+s16+$0x0], $0xffff  }
0x1b2: {  	v6 =	vld.idx.msk [tilespmem:v6+s16+$0x0], $0xffff;
	[tilespmem:s24+$0x70] =	vst v0  }
0x1b3: {  	v7 =	vld.idx.msk [tilespmem:v7+s16+$0x0], $0xffff;
	[tilespmem:s24+$0xFFFFFF90] =	vst v1  }
0x1b4: {  	v15 =	vld.idx.msk [tilespmem:v15+s16+$0x0], $0xffff;
	[tilespmem:s24+$0xFFFFFFA0] =	vst v2  }
0x1b5: {  	v8 =	vld.idx.msk [tilespmem:v8+s16+$0x0], $0xffff;
	[tilespmem:s24+$0xFFFFFFB0] =	vst v3  }
0x1b6: {  	[tilespmem:s24+$0xFFFFFFC0] =	vst v4;
	v0 =	vld.idx.msk [tilespmem:v9+s16+$0x0], $0xffff  }
0x1b7: {  	[tilespmem:s24+$0xFFFFFFD0] =	vst v5;
	v1 =	vld.idx.msk [tilespmem:v10+s16+$0x0], $0xffff  }
0x1b8: {  	[tilespmem:s24+$0xFFFFFFE0] =	vst v6;
	v2 =	vld.idx.msk [tilespmem:v11+s16+$0x0], $0xffff  }
0x1b9: {  	[tilespmem:s24+$0xFFFFFFF0] =	vst v7;
	v3 =	vld.idx.msk [tilespmem:v12+s16+$0x0], $0xffff  }
0x1ba: {  	[tilespmem:s24+$0xFFFFFF80] =	vst v15;
	v4 =	vld.idx.msk [tilespmem:v13+s16+$0x0], $0xffff  }
0x1bb: {  	s25 =	simm.s32 $0x0;
	s26 =	simm.s32 $0x29F0;
	[tilespmem:s24+$0x0] =	vst v8;
	v5 =	vld.idx.msk [tilespmem:v14+s16+$0x0], $0xffff  }
.LBB2_13:
0x1bc: {  	v6 =	vld [tilespmem:s26+$0x0];
	s25 =	sadd.s32 $0x10, s25;
	[tilespmem:s24+$0x10] =	vst v0  }
0x1bd: {  	v0 =	vld [tilespmem:s26+$0xFFFFFF20];
	p2 =	slt.u32 s25, $0x70;
	[tilespmem:s24+$0x20] =	vst v1  }
0x1be: {  	v1 =	vld [tilespmem:s26+$0xFFFFFF30];
	[tilespmem:s24+$0x30] =	vst v2  }
0x1bf: {  	v2 =	vld [tilespmem:s26+$0xFFFFFF40];
	[tilespmem:s24+$0x40] =	vst v3  }
0x1c0: {  	v3 =	vld [tilespmem:s26+$0xFFFFFF50];
	[tilespmem:s24+$0x50] =	vst v4  }
0x1c1: {  	v4 =	vld [tilespmem:s26+$0xFFFFFF60];
	[tilespmem:s24+$0x60] =	vst v5  }
0x1c2: {  	v5 =	vld [tilespmem:s26+$0xFFFFFF70]  }
0x1c3: {  	v7 =	vld [tilespmem:s26+$0xFFFFFF80]  }
0x1c4: {  	v6 =	vld.idx.msk [tilespmem:v6+s16+$0x0], $0xffff  }
0x1c5: {  	v8 =	vld [tilespmem:s26+$0xFFFFFF90]  }
0x1c6: {  	v9 =	vld [tilespmem:s26+$0xFFFFFFA0]  }
0x1c7: {  	v10 =	vld [tilespmem:s26+$0xFFFFFFB0]  }
0x1c8: {  	v11 =	vld [tilespmem:s26+$0xFFFFFFC0]  }
0x1c9: {  	s24 =	sadd.s32 $0x100, s24;
	v12 =	vld [tilespmem:s26+$0xFFFFFFD0]  }
0x1ca: {  	v13 =	vld [tilespmem:s26+$0xFFFFFFE0];
	[tilespmem:s24+$0x70] =	vst v6  }
0x1cb: {  	v6 =	vld [tilespmem:s26+$0xFFFFFFF0]  }
0x1cc: {  	v14 =	vld [tilespmem:s26+$0xFFFFFF10]  }
0x1cd: {  	v0 =	vld.idx.msk [tilespmem:v0+s16+$0x0], $0xffff  }
0x1ce: {  	v1 =	vld.idx.msk [tilespmem:v1+s16+$0x0], $0xffff  }
0x1cf: {  	v2 =	vld.idx.msk [tilespmem:v2+s16+$0x0], $0xffff  }
0x1d0: {  	v3 =	vld.idx.msk [tilespmem:v3+s16+$0x0], $0xffff  }
0x1d1: {  	v4 =	vld.idx.msk [tilespmem:v4+s16+$0x0], $0xffff  }
0x1d2: {  	v5 =	vld.idx.msk [tilespmem:v5+s16+$0x0], $0xffff  }
0x1d3: {  	[tilespmem:s24+$0xFFFFFF90] =	vst v0;
	v7 =	vld.idx.msk [tilespmem:v7+s16+$0x0], $0xffff  }
0x1d4: {  	v14 =	vld.idx.msk [tilespmem:v14+s16+$0x0], $0xffff;
	[tilespmem:s24+$0xFFFFFFA0] =	vst v1  }
0x1d5: {  	[tilespmem:s24+$0xFFFFFFB0] =	vst v2;
	v8 =	vld.idx.msk [tilespmem:v8+s16+$0x0], $0xffff  }
0x1d6: {  	[tilespmem:s24+$0xFFFFFFC0] =	vst v3;
	v0 =	vld.idx.msk [tilespmem:v9+s16+$0x0], $0xffff  }
.Ltmp7:
0x1d7: {  	[tilespmem:s24+$0xFFFFFFD0] =	vst v4;
	v1 =	vld.idx.msk [tilespmem:v10+s16+$0x0], $0xffff;
	(pc) =	sbr.rel @p2 .LBB2_13-.Ltmp7, $4  }
0x1d8: {  	[tilespmem:s24+$0xFFFFFFE0] =	vst v5;
	v2 =	vld.idx.msk [tilespmem:v11+s16+$0x0], $0xffff  }
0x1d9: {  	[tilespmem:s24+$0xFFFFFFF0] =	vst v7;
	v3 =	vld.idx.msk [tilespmem:v12+s16+$0x0], $0xffff  }
0x1da: {  	[tilespmem:s24+$0xFFFFFF80] =	vst v14;
	v4 =	vld.idx.msk [tilespmem:v13+s16+$0x0], $0xffff  }
0x1db: {  	s26 =	sadd.s32 $0x100, s26;
	[tilespmem:s24+$0x0] =	vst v8;
	v5 =	vld.idx.msk [tilespmem:v6+s16+$0x0], $0xffff  }
0x1dc: {  	[tilespmem:s24+$0x10] =	vst v0  }
0x1dd: {  	[tilespmem:s24+$0x20] =	vst v1  }
0x1de: {  	[tilespmem:s24+$0x30] =	vst v2  }
0x1df: {  	[tilespmem:s24+$0x40] =	vst v3  }
0x1e0: {  	[tilespmem:s24+$0x50] =	vst v4  }
0x1e1: {  	s30 =	sadd.s32 $0x2800, s23;
	[tilespmem:s24+$0x60] =	vst v5  }
0x1e2: {  	[hbm4b:s30+s13] =	stream.strided.scatter [tilespmem:s18], [sflag:$0x2], $0x800, s14, s13, $0x38;
	[tilespmem:$0x1F900] =	vst v63  }
0x1e3: {  	_ =	swait.ge [sflag:s19], $0x800  }
0x1e4: {  	[sflag:s19] =	ssyncset.done $0x0  }
0x1e5: {  	s31 =	simm.s32 $0x30F0;
	[sflag:s19] =	ssyncadd.s32 $0xFFFFF800  }
0x1e6: {  	v0 =	vld [tilespmem:s31+$0x0]  }
0x1e7: {  	v1 =	vld [tilespmem:s31+$0xFFFFFF20]  }
0x1e8: {  	v2 =	vld [tilespmem:s31+$0xFFFFFF30]  }
0x1e9: {  	v3 =	vld [tilespmem:s31+$0xFFFFFF40]  }
0x1ea: {  	v4 =	vld [tilespmem:s31+$0xFFFFFF50]  }
0x1eb: {  	v5 =	vld [tilespmem:s31+$0xFFFFFF60]  }
0x1ec: {  	v6 =	vld [tilespmem:s31+$0xFFFFFF70]  }
0x1ed: {  	v7 =	vld [tilespmem:s31+$0xFFFFFF80]  }
0x1ee: {  	v8 =	vld [tilespmem:s31+$0xFFFFFF90]  }
0x1ef: {  	v9 =	vld [tilespmem:s31+$0xFFFFFFA0]  }
0x1f0: {  	v10 =	vld [tilespmem:s31+$0xFFFFFFB0]  }
0x1f1: {  	v11 =	vld [tilespmem:s31+$0xFFFFFFC0]  }
0x1f2: {  	v12 =	vld [tilespmem:s31+$0xFFFFFFD0]  }
0x1f3: {  	v13 =	vld [tilespmem:s31+$0xFFFFFFE0]  }
0x1f4: {  	v14 =	vld [tilespmem:s31+$0xFFFFFFF0]  }
0x1f5: {  	v15 =	vld [tilespmem:s31+$0xFFFFFF10]  }
0x1f6: {  	v0 =	vld.idx.msk [tilespmem:v0+s16+$0x0], $0xffff  }
0x1f7: {  	v1 =	vld.idx.msk [tilespmem:v1+s16+$0x0], $0xffff  }
0x1f8: {  	v2 =	vld.idx.msk [tilespmem:v2+s16+$0x0], $0xffff  }
0x1f9: {  	v3 =	vld.idx.msk [tilespmem:v3+s16+$0x0], $0xffff  }
0x1fa: {  	v4 =	vld.idx.msk [tilespmem:v4+s16+$0x0], $0xffff  }
0x1fb: {  	s24 =	simm.s32 $0x1E980;
	v5 =	vld.idx.msk [tilespmem:v5+s16+$0x0], $0xffff  }
0x1fc: {  	v6 =	vld.idx.msk [tilespmem:v6+s16+$0x0], $0xffff;
	[tilespmem:s24+$0x70] =	vst v0  }
0x1fd: {  	v7 =	vld.idx.msk [tilespmem:v7+s16+$0x0], $0xffff;
	[tilespmem:s24+$0xFFFFFF90] =	vst v1  }
0x1fe: {  	v15 =	vld.idx.msk [tilespmem:v15+s16+$0x0], $0xffff;
	[tilespmem:s24+$0xFFFFFFA0] =	vst v2  }
0x1ff: {  	v8 =	vld.idx.msk [tilespmem:v8+s16+$0x0], $0xffff;
	[tilespmem:s24+$0xFFFFFFB0] =	vst v3  }
0x200: {  	[tilespmem:s24+$0xFFFFFFC0] =	vst v4;
	v0 =	vld.idx.msk [tilespmem:v9+s16+$0x0], $0xffff  }
0x201: {  	[tilespmem:s24+$0xFFFFFFD0] =	vst v5;
	v1 =	vld.idx.msk [tilespmem:v10+s16+$0x0], $0xffff  }
0x202: {  	[tilespmem:s24+$0xFFFFFFE0] =	vst v6;
	v2 =	vld.idx.msk [tilespmem:v11+s16+$0x0], $0xffff  }
0x203: {  	[tilespmem:s24+$0xFFFFFFF0] =	vst v7;
	v3 =	vld.idx.msk [tilespmem:v12+s16+$0x0], $0xffff  }
0x204: {  	[tilespmem:s24+$0xFFFFFF80] =	vst v15;
	v4 =	vld.idx.msk [tilespmem:v13+s16+$0x0], $0xffff  }
0x205: {  	s25 =	simm.s32 $0x0;
	s26 =	simm.s32 $0x31F0;
	[tilespmem:s24+$0x0] =	vst v8;
	v5 =	vld.idx.msk [tilespmem:v14+s16+$0x0], $0xffff  }
.LBB2_15:
0x206: {  	v6 =	vld [tilespmem:s26+$0x0];
	s25 =	sadd.s32 $0x10, s25;
	[tilespmem:s24+$0x10] =	vst v0  }
0x207: {  	v0 =	vld [tilespmem:s26+$0xFFFFFF20];
	p2 =	slt.u32 s25, $0x70;
	[tilespmem:s24+$0x20] =	vst v1  }
0x208: {  	v1 =	vld [tilespmem:s26+$0xFFFFFF30];
	[tilespmem:s24+$0x30] =	vst v2  }
0x209: {  	v2 =	vld [tilespmem:s26+$0xFFFFFF40];
	[tilespmem:s24+$0x40] =	vst v3  }
0x20a: {  	v3 =	vld [tilespmem:s26+$0xFFFFFF50];
	[tilespmem:s24+$0x50] =	vst v4  }
0x20b: {  	v4 =	vld [tilespmem:s26+$0xFFFFFF60];
	[tilespmem:s24+$0x60] =	vst v5  }
0x20c: {  	v5 =	vld [tilespmem:s26+$0xFFFFFF70]  }
0x20d: {  	v7 =	vld [tilespmem:s26+$0xFFFFFF80]  }
0x20e: {  	v6 =	vld.idx.msk [tilespmem:v6+s16+$0x0], $0xffff  }
0x20f: {  	v8 =	vld [tilespmem:s26+$0xFFFFFF90]  }
0x210: {  	v9 =	vld [tilespmem:s26+$0xFFFFFFA0]  }
0x211: {  	v10 =	vld [tilespmem:s26+$0xFFFFFFB0]  }
0x212: {  	v11 =	vld [tilespmem:s26+$0xFFFFFFC0]  }
0x213: {  	s24 =	sadd.s32 $0x100, s24;
	v12 =	vld [tilespmem:s26+$0xFFFFFFD0]  }
0x214: {  	v13 =	vld [tilespmem:s26+$0xFFFFFFE0];
	[tilespmem:s24+$0x70] =	vst v6  }
0x215: {  	v6 =	vld [tilespmem:s26+$0xFFFFFFF0]  }
0x216: {  	v14 =	vld [tilespmem:s26+$0xFFFFFF10]  }
0x217: {  	v0 =	vld.idx.msk [tilespmem:v0+s16+$0x0], $0xffff  }
0x218: {  	v1 =	vld.idx.msk [tilespmem:v1+s16+$0x0], $0xffff  }
0x219: {  	v2 =	vld.idx.msk [tilespmem:v2+s16+$0x0], $0xffff  }
0x21a: {  	v3 =	vld.idx.msk [tilespmem:v3+s16+$0x0], $0xffff  }
0x21b: {  	v4 =	vld.idx.msk [tilespmem:v4+s16+$0x0], $0xffff  }
0x21c: {  	v5 =	vld.idx.msk [tilespmem:v5+s16+$0x0], $0xffff  }
0x21d: {  	[tilespmem:s24+$0xFFFFFF90] =	vst v0;
	v7 =	vld.idx.msk [tilespmem:v7+s16+$0x0], $0xffff  }
0x21e: {  	v14 =	vld.idx.msk [tilespmem:v14+s16+$0x0], $0xffff;
	[tilespmem:s24+$0xFFFFFFA0] =	vst v1  }
0x21f: {  	[tilespmem:s24+$0xFFFFFFB0] =	vst v2;
	v8 =	vld.idx.msk [tilespmem:v8+s16+$0x0], $0xffff  }
0x220: {  	[tilespmem:s24+$0xFFFFFFC0] =	vst v3;
	v0 =	vld.idx.msk [tilespmem:v9+s16+$0x0], $0xffff  }
.Ltmp8:
0x221: {  	[tilespmem:s24+$0xFFFFFFD0] =	vst v4;
	v1 =	vld.idx.msk [tilespmem:v10+s16+$0x0], $0xffff;
	(pc) =	sbr.rel @p2 .LBB2_15-.Ltmp8, $4  }
0x222: {  	[tilespmem:s24+$0xFFFFFFE0] =	vst v5;
	v2 =	vld.idx.msk [tilespmem:v11+s16+$0x0], $0xffff  }
0x223: {  	[tilespmem:s24+$0xFFFFFFF0] =	vst v7;
	v3 =	vld.idx.msk [tilespmem:v12+s16+$0x0], $0xffff  }
0x224: {  	[tilespmem:s24+$0xFFFFFF80] =	vst v14;
	v4 =	vld.idx.msk [tilespmem:v13+s16+$0x0], $0xffff  }
0x225: {  	s26 =	sadd.s32 $0x100, s26;
	[tilespmem:s24+$0x0] =	vst v8;
	v5 =	vld.idx.msk [tilespmem:v6+s16+$0x0], $0xffff  }
0x226: {  	[tilespmem:s24+$0x10] =	vst v0  }
0x227: {  	[tilespmem:s24+$0x20] =	vst v1  }
0x228: {  	[tilespmem:s24+$0x30] =	vst v2  }
0x229: {  	[tilespmem:s24+$0x40] =	vst v3  }
0x22a: {  	[tilespmem:s24+$0x50] =	vst v4  }
0x22b: {  	s30 =	sadd.s32 $0x3000, s23;
	[tilespmem:s24+$0x60] =	vst v5  }
0x22c: {  	[hbm4b:s30+s13] =	stream.strided.scatter [tilespmem:s17], [sflag:$0x1], $0x800, s14, s13, $0x38;
	[tilespmem:$0x1F900] =	vst v63  }
0x22d: {  	_ =	swait.ge [sflag:s20], $0x800  }
0x22e: {  	[sflag:s20] =	ssyncset.done $0x0  }
0x22f: {  	s31 =	simm.s32 $0x38F0;
	[sflag:s20] =	ssyncadd.s32 $0xFFFFF800  }
0x230: {  	v0 =	vld [tilespmem:s31+$0x0]  }
0x231: {  	v1 =	vld [tilespmem:s31+$0xFFFFFF20]  }
0x232: {  	v2 =	vld [tilespmem:s31+$0xFFFFFF30]  }
0x233: {  	v3 =	vld [tilespmem:s31+$0xFFFFFF40]  }
0x234: {  	v4 =	vld [tilespmem:s31+$0xFFFFFF50]  }
0x235: {  	v5 =	vld [tilespmem:s31+$0xFFFFFF60]  }
0x236: {  	v6 =	vld [tilespmem:s31+$0xFFFFFF70]  }
0x237: {  	v7 =	vld [tilespmem:s31+$0xFFFFFF80]  }
0x238: {  	v8 =	vld [tilespmem:s31+$0xFFFFFF90]  }
0x239: {  	v9 =	vld [tilespmem:s31+$0xFFFFFFA0]  }
0x23a: {  	v10 =	vld [tilespmem:s31+$0xFFFFFFB0]  }
0x23b: {  	v11 =	vld [tilespmem:s31+$0xFFFFFFC0]  }
0x23c: {  	v12 =	vld [tilespmem:s31+$0xFFFFFFD0]  }
0x23d: {  	v13 =	vld [tilespmem:s31+$0xFFFFFFE0]  }
0x23e: {  	v14 =	vld [tilespmem:s31+$0xFFFFFFF0]  }
0x23f: {  	v15 =	vld [tilespmem:s31+$0xFFFFFF10]  }
0x240: {  	v0 =	vld.idx.msk [tilespmem:v0+s16+$0x0], $0xffff  }
0x241: {  	v1 =	vld.idx.msk [tilespmem:v1+s16+$0x0], $0xffff  }
0x242: {  	v2 =	vld.idx.msk [tilespmem:v2+s16+$0x0], $0xffff  }
0x243: {  	v3 =	vld.idx.msk [tilespmem:v3+s16+$0x0], $0xffff  }
0x244: {  	v4 =	vld.idx.msk [tilespmem:v4+s16+$0x0], $0xffff  }
0x245: {  	s24 =	simm.s32 $0x1F180;
	v5 =	vld.idx.msk [tilespmem:v5+s16+$0x0], $0xffff  }
0x246: {  	v6 =	vld.idx.msk [tilespmem:v6+s16+$0x0], $0xffff;
	[tilespmem:s24+$0x70] =	vst v0  }
0x247: {  	v7 =	vld.idx.msk [tilespmem:v7+s16+$0x0], $0xffff;
	[tilespmem:s24+$0xFFFFFF90] =	vst v1  }
0x248: {  	v15 =	vld.idx.msk [tilespmem:v15+s16+$0x0], $0xffff;
	[tilespmem:s24+$0xFFFFFFA0] =	vst v2  }
0x249: {  	v8 =	vld.idx.msk [tilespmem:v8+s16+$0x0], $0xffff;
	[tilespmem:s24+$0xFFFFFFB0] =	vst v3  }
0x24a: {  	[tilespmem:s24+$0xFFFFFFC0] =	vst v4;
	v0 =	vld.idx.msk [tilespmem:v9+s16+$0x0], $0xffff  }
0x24b: {  	[tilespmem:s24+$0xFFFFFFD0] =	vst v5;
	v1 =	vld.idx.msk [tilespmem:v10+s16+$0x0], $0xffff  }
0x24c: {  	[tilespmem:s24+$0xFFFFFFE0] =	vst v6;
	v2 =	vld.idx.msk [tilespmem:v11+s16+$0x0], $0xffff  }
0x24d: {  	[tilespmem:s24+$0xFFFFFFF0] =	vst v7;
	v3 =	vld.idx.msk [tilespmem:v12+s16+$0x0], $0xffff  }
0x24e: {  	[tilespmem:s24+$0xFFFFFF80] =	vst v15;
	v4 =	vld.idx.msk [tilespmem:v13+s16+$0x0], $0xffff  }
0x24f: {  	s25 =	simm.s32 $0x0;
	s26 =	simm.s32 $0x39F0;
	[tilespmem:s24+$0x0] =	vst v8;
	v5 =	vld.idx.msk [tilespmem:v14+s16+$0x0], $0xffff  }
.LBB2_17:
0x250: {  	v6 =	vld [tilespmem:s26+$0x0];
	s25 =	sadd.s32 $0x10, s25;
	[tilespmem:s24+$0x10] =	vst v0  }
0x251: {  	v0 =	vld [tilespmem:s26+$0xFFFFFF20];
	p2 =	slt.u32 s25, $0x70;
	[tilespmem:s24+$0x20] =	vst v1  }
0x252: {  	v1 =	vld [tilespmem:s26+$0xFFFFFF30];
	[tilespmem:s24+$0x30] =	vst v2  }
0x253: {  	v2 =	vld [tilespmem:s26+$0xFFFFFF40];
	[tilespmem:s24+$0x40] =	vst v3  }
0x254: {  	v3 =	vld [tilespmem:s26+$0xFFFFFF50];
	[tilespmem:s24+$0x50] =	vst v4  }
0x255: {  	v4 =	vld [tilespmem:s26+$0xFFFFFF60];
	[tilespmem:s24+$0x60] =	vst v5  }
0x256: {  	v5 =	vld [tilespmem:s26+$0xFFFFFF70]  }
0x257: {  	v7 =	vld [tilespmem:s26+$0xFFFFFF80]  }
0x258: {  	v6 =	vld.idx.msk [tilespmem:v6+s16+$0x0], $0xffff  }
0x259: {  	v8 =	vld [tilespmem:s26+$0xFFFFFF90]  }
0x25a: {  	v9 =	vld [tilespmem:s26+$0xFFFFFFA0]  }
0x25b: {  	v10 =	vld [tilespmem:s26+$0xFFFFFFB0]  }
0x25c: {  	v11 =	vld [tilespmem:s26+$0xFFFFFFC0]  }
0x25d: {  	s24 =	sadd.s32 $0x100, s24;
	v12 =	vld [tilespmem:s26+$0xFFFFFFD0]  }
0x25e: {  	v13 =	vld [tilespmem:s26+$0xFFFFFFE0];
	[tilespmem:s24+$0x70] =	vst v6  }
0x25f: {  	v6 =	vld [tilespmem:s26+$0xFFFFFFF0]  }
0x260: {  	v14 =	vld [tilespmem:s26+$0xFFFFFF10]  }
0x261: {  	v0 =	vld.idx.msk [tilespmem:v0+s16+$0x0], $0xffff  }
0x262: {  	v1 =	vld.idx.msk [tilespmem:v1+s16+$0x0], $0xffff  }
0x263: {  	v2 =	vld.idx.msk [tilespmem:v2+s16+$0x0], $0xffff  }
0x264: {  	v3 =	vld.idx.msk [tilespmem:v3+s16+$0x0], $0xffff  }
0x265: {  	v4 =	vld.idx.msk [tilespmem:v4+s16+$0x0], $0xffff  }
0x266: {  	v5 =	vld.idx.msk [tilespmem:v5+s16+$0x0], $0xffff  }
0x267: {  	[tilespmem:s24+$0xFFFFFF90] =	vst v0;
	v7 =	vld.idx.msk [tilespmem:v7+s16+$0x0], $0xffff  }
0x268: {  	v14 =	vld.idx.msk [tilespmem:v14+s16+$0x0], $0xffff;
	[tilespmem:s24+$0xFFFFFFA0] =	vst v1  }
0x269: {  	[tilespmem:s24+$0xFFFFFFB0] =	vst v2;
	v8 =	vld.idx.msk [tilespmem:v8+s16+$0x0], $0xffff  }
0x26a: {  	[tilespmem:s24+$0xFFFFFFC0] =	vst v3;
	v0 =	vld.idx.msk [tilespmem:v9+s16+$0x0], $0xffff  }
.Ltmp9:
0x26b: {  	[tilespmem:s24+$0xFFFFFFD0] =	vst v4;
	v1 =	vld.idx.msk [tilespmem:v10+s16+$0x0], $0xffff;
	(pc) =	sbr.rel @p2 .LBB2_17-.Ltmp9, $4  }
0x26c: {  	[tilespmem:s24+$0xFFFFFFE0] =	vst v5;
	v2 =	vld.idx.msk [tilespmem:v11+s16+$0x0], $0xffff  }
0x26d: {  	[tilespmem:s24+$0xFFFFFFF0] =	vst v7;
	v3 =	vld.idx.msk [tilespmem:v12+s16+$0x0], $0xffff  }
0x26e: {  	[tilespmem:s24+$0xFFFFFF80] =	vst v14;
	v4 =	vld.idx.msk [tilespmem:v13+s16+$0x0], $0xffff  }
0x26f: {  	s26 =	sadd.s32 $0x100, s26;
	[tilespmem:s24+$0x0] =	vst v8;
	v5 =	vld.idx.msk [tilespmem:v6+s16+$0x0], $0xffff  }
0x270: {  	[tilespmem:s24+$0x10] =	vst v0  }
0x271: {  	[tilespmem:s24+$0x20] =	vst v1  }
0x272: {  	[tilespmem:s24+$0x30] =	vst v2  }
0x273: {  	[tilespmem:s24+$0x40] =	vst v3  }
0x274: {  	[tilespmem:s24+$0x50] =	vst v4  }
0x275: {  	s31 =	sadd.s32 $0x3800, s23;
	[tilespmem:s24+$0x60] =	vst v5  }
0x276: {  	[hbm4b:s31+s13] =	stream.strided.scatter [tilespmem:s18], [sflag:$0x2], $0x800, s14, s13, $0x38;
	[tilespmem:$0x1F900] =	vst v63  }
0x277: {  	_ =	swait.ge [sflag:s19], $0x800  }
0x278: {  	[sflag:s19] =	ssyncset.done $0x0  }
0x279: {  	s24 =	simm.s32 $0x0;
	[sflag:s19] =	ssyncadd.s32 $0xFFFFF800  }
0x27a: {  	v0 =	vld [tilespmem:s24+$0x40F0]  }
0x27b: {  	v1 =	vld [tilespmem:s24+$0x4000]  }
0x27c: {  	v2 =	vld [tilespmem:s24+$0x4010]  }
0x27d: {  	v3 =	vld [tilespmem:s24+$0x4020]  }
0x27e: {  	v4 =	vld [tilespmem:s24+$0x4030]  }
0x27f: {  	v5 =	vld [tilespmem:s24+$0x4040]  }
0x280: {  	v6 =	vld [tilespmem:s24+$0x4050]  }
0x281: {  	v7 =	vld [tilespmem:s24+$0x4060]  }
0x282: {  	v9 =	vld [tilespmem:s24+$0x4070]  }
0x283: {  	v10 =	vld [tilespmem:s24+$0x4080]  }
0x284: {  	v11 =	vld [tilespmem:s24+$0x4090]  }
0x285: {  	v12 =	vld [tilespmem:s24+$0x40A0]  }
0x286: {  	v13 =	vld [tilespmem:s24+$0x40B0]  }
0x287: {  	v14 =	vld [tilespmem:s24+$0x40C0]  }
0x288: {  	v15 =	vld [tilespmem:s24+$0x40D0]  }
0x289: {  	v8 =	vld.idx.msk [tilespmem:v0+s16+$0x0], $0xffff  }
0x28a: {  	v0 =	vld [tilespmem:s24+$0x40E0]  }
0x28b: {  	v1 =	vld.idx.msk [tilespmem:v1+s16+$0x0], $0xffff  }
0x28c: {  	v2 =	vld.idx.msk [tilespmem:v2+s16+$0x0], $0xffff  }
0x28d: {  	v3 =	vld.idx.msk [tilespmem:v3+s16+$0x0], $0xffff  }
0x28e: {  	v4 =	vld.idx.msk [tilespmem:v4+s16+$0x0], $0xffff  }
0x28f: {  	v5 =	vld.idx.msk [tilespmem:v5+s16+$0x0], $0xffff  }
0x290: {  	v6 =	vld.idx.msk [tilespmem:v6+s16+$0x0], $0xffff;
	[tilespmem:s24+$0x1E9F0] =	vst v8  }
0x291: {  	v7 =	vld.idx.msk [tilespmem:v7+s16+$0x0], $0xffff;
	[tilespmem:s24+$0x1E900] =	vst v1  }
0x292: {  	[tilespmem:s24+$0x1E910] =	vst v2;
	v8 =	vld.idx.msk [tilespmem:v9+s16+$0x0], $0xffff  }
0x293: {  	[tilespmem:s24+$0x1E920] =	vst v3;
	v3 =	vld.idx.msk [tilespmem:v10+s16+$0x0], $0xffff  }
0x294: {  	[tilespmem:s24+$0x1E930] =	vst v4;
	v1 =	vld.idx.msk [tilespmem:v11+s16+$0x0], $0xffff  }
0x295: {  	[tilespmem:s24+$0x1E940] =	vst v5;
	v2 =	vld.idx.msk [tilespmem:v12+s16+$0x0], $0xffff  }
0x296: {  	[tilespmem:s24+$0x1E950] =	vst v6;
	v4 =	vld.idx.msk [tilespmem:v13+s16+$0x0], $0xffff  }
0x297: {  	[tilespmem:s24+$0x1E960] =	vst v7;
	v5 =	vld.idx.msk [tilespmem:v14+s16+$0x0], $0xffff  }
0x298: {  	s25 =	simm.s32 $0x0;
	s26 =	simm.s32 $0x400;
	v6 =	vld.idx.msk [tilespmem:v15+s16+$0x0], $0xffff;
	[tilespmem:s24+$0x1E970] =	vst v8  }
.LBB2_19:
0x299: {  	s28 =	sshra.s32 s26, $0x2;
	s25 =	sadd.s32 $0x10, s25;
	[tilespmem:s24+$0x1E980] =	vst v3;
	v0 =	vld.idx.msk [tilespmem:v0+s16+$0x0], $0xffff  }
0x29a: {  	v3 =	vld [tilespmem:s28+$0x40F0];
	p2 =	slt.u32 s25, $0x70;
	[tilespmem:s24+$0x1E990] =	vst v1  }
0x29b: {  	v1 =	vld [tilespmem:s28+$0x4000];
	[tilespmem:s24+$0x1E9A0] =	vst v2  }
0x29c: {  	v2 =	vld [tilespmem:s28+$0x4010];
	[tilespmem:s24+$0x1E9B0] =	vst v4  }
0x29d: {  	v4 =	vld [tilespmem:s28+$0x4020];
	[tilespmem:s24+$0x1E9C0] =	vst v5  }
0x29e: {  	v5 =	vld [tilespmem:s28+$0x4030];
	[tilespmem:s24+$0x1E9D0] =	vst v6  }
0x29f: {  	v6 =	vld [tilespmem:s28+$0x4040];
	[tilespmem:s24+$0x1E9E0] =	vst v0;
	s24 =	smov.u32 s28  }
0x2a0: {  	v7 =	vld [tilespmem:s24+$0x4050]  }
0x2a1: {  	v8 =	vld [tilespmem:s24+$0x4060]  }
0x2a2: {  	v0 =	vld.idx.msk [tilespmem:v3+s16+$0x0], $0xffff  }
0x2a3: {  	v3 =	vld [tilespmem:s24+$0x4070]  }
0x2a4: {  	v9 =	vld [tilespmem:s24+$0x4080]  }
0x2a5: {  	v10 =	vld [tilespmem:s24+$0x4090]  }
0x2a6: {  	v11 =	vld [tilespmem:s24+$0x40A0]  }
0x2a7: {  	v12 =	vld [tilespmem:s24+$0x40B0]  }
0x2a8: {  	v13 =	vld [tilespmem:s24+$0x40C0];
	[tilespmem:s24+$0x1E9F0] =	vst v0  }
0x2a9: {  	v14 =	vld [tilespmem:s24+$0x40D0]  }
0x2aa: {  	v0 =	vld [tilespmem:s24+$0x40E0]  }
0x2ab: {  	v1 =	vld.idx.msk [tilespmem:v1+s16+$0x0], $0xffff  }
0x2ac: {  	v2 =	vld.idx.msk [tilespmem:v2+s16+$0x0], $0xffff  }
0x2ad: {  	v4 =	vld.idx.msk [tilespmem:v4+s16+$0x0], $0xffff  }
0x2ae: {  	v5 =	vld.idx.msk [tilespmem:v5+s16+$0x0], $0xffff  }
0x2af: {  	v6 =	vld.idx.msk [tilespmem:v6+s16+$0x0], $0xffff  }
0x2b0: {  	v7 =	vld.idx.msk [tilespmem:v7+s16+$0x0], $0xffff  }
0x2b1: {  	[tilespmem:s24+$0x1E900] =	vst v1;
	v8 =	vld.idx.msk [tilespmem:v8+s16+$0x0], $0xffff  }
0x2b2: {  	[tilespmem:s24+$0x1E910] =	vst v2;
	v15 =	vld.idx.msk [tilespmem:v3+s16+$0x0], $0xffff  }
0x2b3: {  	[tilespmem:s24+$0x1E920] =	vst v4;
	v3 =	vld.idx.msk [tilespmem:v9+s16+$0x0], $0xffff  }
.Ltmp10:
0x2b4: {  	[tilespmem:s24+$0x1E930] =	vst v5;
	v1 =	vld.idx.msk [tilespmem:v10+s16+$0x0], $0xffff;
	(pc) =	sbr.rel @p2 .LBB2_19-.Ltmp10, $4  }
0x2b5: {  	[tilespmem:s24+$0x1E940] =	vst v6;
	v2 =	vld.idx.msk [tilespmem:v11+s16+$0x0], $0xffff  }
0x2b6: {  	[tilespmem:s24+$0x1E950] =	vst v7;
	v4 =	vld.idx.msk [tilespmem:v12+s16+$0x0], $0xffff  }
0x2b7: {  	[tilespmem:s24+$0x1E960] =	vst v8;
	v5 =	vld.idx.msk [tilespmem:v13+s16+$0x0], $0xffff  }
0x2b8: {  	s26 =	sadd.s32 $0x400, s26;
	[tilespmem:s24+$0x1E970] =	vst v15;
	v6 =	vld.idx.msk [tilespmem:v14+s16+$0x0], $0xffff  }
0x2b9: {  	_ =	sdelay $0x2  }
0x2ba: {  	[tilespmem:s24+$0x1E980] =	vst v3  }
0x2bb: {  	v0 =	vld.idx.msk [tilespmem:v0+s16+$0x0], $0xffff;
	[tilespmem:s24+$0x1E990] =	vst v1  }
0x2bc: {  	[tilespmem:s24+$0x1E9A0] =	vst v2  }
0x2bd: {  	[tilespmem:s24+$0x1E9B0] =	vst v4  }
0x2be: {  	[tilespmem:s24+$0x1E9C0] =	vst v5  }
0x2bf: {  	[tilespmem:s24+$0x1E9D0] =	vst v6  }
0x2c0: {  	s31 =	sadd.s32 $0x4000, s23;
	[tilespmem:s24+$0x1E9E0] =	vst v0  }
0x2c1: {  	[hbm4b:s31+s13] =	stream.strided.scatter [tilespmem:s17], [sflag:$0x1], $0x800, s14, s13, $0x38;
	[tilespmem:$0x1F900] =	vst v63  }
0x2c2: {  	_ =	swait.ge [sflag:s20], $0x800  }
0x2c3: {  	[sflag:s20] =	ssyncset.done $0x0  }
0x2c4: {  	s24 =	simm.s32 $0x0;
	[sflag:s20] =	ssyncadd.s32 $0xFFFFF800  }
0x2c5: {  	v0 =	vld [tilespmem:s24+$0x48F0]  }
0x2c6: {  	v1 =	vld [tilespmem:s24+$0x4800]  }
0x2c7: {  	v2 =	vld [tilespmem:s24+$0x4810]  }
0x2c8: {  	v3 =	vld [tilespmem:s24+$0x4820]  }
0x2c9: {  	v4 =	vld [tilespmem:s24+$0x4830]  }
0x2ca: {  	v5 =	vld [tilespmem:s24+$0x4840]  }
0x2cb: {  	v6 =	vld [tilespmem:s24+$0x4850]  }
0x2cc: {  	v7 =	vld [tilespmem:s24+$0x4860]  }
0x2cd: {  	v9 =	vld [tilespmem:s24+$0x4870]  }
0x2ce: {  	v10 =	vld [tilespmem:s24+$0x4880]  }
0x2cf: {  	v11 =	vld [tilespmem:s24+$0x4890]  }
0x2d0: {  	v12 =	vld [tilespmem:s24+$0x48A0]  }
0x2d1: {  	v13 =	vld [tilespmem:s24+$0x48B0]  }
0x2d2: {  	v14 =	vld [tilespmem:s24+$0x48C0]  }
0x2d3: {  	v15 =	vld [tilespmem:s24+$0x48D0]  }
0x2d4: {  	v8 =	vld.idx.msk [tilespmem:v0+s16+$0x0], $0xffff  }
0x2d5: {  	v0 =	vld [tilespmem:s24+$0x48E0]  }
0x2d6: {  	v1 =	vld.idx.msk [tilespmem:v1+s16+$0x0], $0xffff  }
0x2d7: {  	v2 =	vld.idx.msk [tilespmem:v2+s16+$0x0], $0xffff  }
0x2d8: {  	v3 =	vld.idx.msk [tilespmem:v3+s16+$0x0], $0xffff  }
0x2d9: {  	v4 =	vld.idx.msk [tilespmem:v4+s16+$0x0], $0xffff  }
0x2da: {  	v5 =	vld.idx.msk [tilespmem:v5+s16+$0x0], $0xffff  }
0x2db: {  	v6 =	vld.idx.msk [tilespmem:v6+s16+$0x0], $0xffff;
	[tilespmem:s24+$0x1F1F0] =	vst v8  }
0x2dc: {  	v7 =	vld.idx.msk [tilespmem:v7+s16+$0x0], $0xffff;
	[tilespmem:s24+$0x1F100] =	vst v1  }
0x2dd: {  	[tilespmem:s24+$0x1F110] =	vst v2;
	v8 =	vld.idx.msk [tilespmem:v9+s16+$0x0], $0xffff  }
0x2de: {  	[tilespmem:s24+$0x1F120] =	vst v3;
	v3 =	vld.idx.msk [tilespmem:v10+s16+$0x0], $0xffff  }
0x2df: {  	[tilespmem:s24+$0x1F130] =	vst v4;
	v1 =	vld.idx.msk [tilespmem:v11+s16+$0x0], $0xffff  }
0x2e0: {  	[tilespmem:s24+$0x1F140] =	vst v5;
	v2 =	vld.idx.msk [tilespmem:v12+s16+$0x0], $0xffff  }
0x2e1: {  	[tilespmem:s24+$0x1F150] =	vst v6;
	v4 =	vld.idx.msk [tilespmem:v13+s16+$0x0], $0xffff  }
0x2e2: {  	[tilespmem:s24+$0x1F160] =	vst v7;
	v5 =	vld.idx.msk [tilespmem:v14+s16+$0x0], $0xffff  }
0x2e3: {  	s25 =	simm.s32 $0x0;
	s26 =	simm.s32 $0x400;
	v6 =	vld.idx.msk [tilespmem:v15+s16+$0x0], $0xffff;
	[tilespmem:s24+$0x1F170] =	vst v8  }
.LBB2_21:
0x2e4: {  	s28 =	sshra.s32 s26, $0x2;
	s25 =	sadd.s32 $0x10, s25;
	[tilespmem:s24+$0x1F180] =	vst v3;
	v0 =	vld.idx.msk [tilespmem:v0+s16+$0x0], $0xffff  }
0x2e5: {  	v3 =	vld [tilespmem:s28+$0x48F0];
	p2 =	slt.u32 s25, $0x70;
	[tilespmem:s24+$0x1F190] =	vst v1  }
0x2e6: {  	v1 =	vld [tilespmem:s28+$0x4800];
	[tilespmem:s24+$0x1F1A0] =	vst v2  }
0x2e7: {  	v2 =	vld [tilespmem:s28+$0x4810];
	[tilespmem:s24+$0x1F1B0] =	vst v4  }
0x2e8: {  	v4 =	vld [tilespmem:s28+$0x4820];
	[tilespmem:s24+$0x1F1C0] =	vst v5  }
0x2e9: {  	v5 =	vld [tilespmem:s28+$0x4830];
	[tilespmem:s24+$0x1F1D0] =	vst v6  }
0x2ea: {  	v6 =	vld [tilespmem:s28+$0x4840];
	[tilespmem:s24+$0x1F1E0] =	vst v0;
	s24 =	smov.u32 s28  }
0x2eb: {  	v7 =	vld [tilespmem:s24+$0x4850]  }
0x2ec: {  	v8 =	vld [tilespmem:s24+$0x4860]  }
0x2ed: {  	v0 =	vld.idx.msk [tilespmem:v3+s16+$0x0], $0xffff  }
0x2ee: {  	v3 =	vld [tilespmem:s24+$0x4870]  }
0x2ef: {  	v9 =	vld [tilespmem:s24+$0x4880]  }
0x2f0: {  	v10 =	vld [tilespmem:s24+$0x4890]  }
0x2f1: {  	v11 =	vld [tilespmem:s24+$0x48A0]  }
0x2f2: {  	v12 =	vld [tilespmem:s24+$0x48B0]  }
0x2f3: {  	v13 =	vld [tilespmem:s24+$0x48C0];
	[tilespmem:s24+$0x1F1F0] =	vst v0  }
0x2f4: {  	v14 =	vld [tilespmem:s24+$0x48D0]  }
0x2f5: {  	v0 =	vld [tilespmem:s24+$0x48E0]  }
0x2f6: {  	v1 =	vld.idx.msk [tilespmem:v1+s16+$0x0], $0xffff  }
0x2f7: {  	v2 =	vld.idx.msk [tilespmem:v2+s16+$0x0], $0xffff  }
0x2f8: {  	v4 =	vld.idx.msk [tilespmem:v4+s16+$0x0], $0xffff  }
0x2f9: {  	v5 =	vld.idx.msk [tilespmem:v5+s16+$0x0], $0xffff  }
0x2fa: {  	v6 =	vld.idx.msk [tilespmem:v6+s16+$0x0], $0xffff  }
0x2fb: {  	v7 =	vld.idx.msk [tilespmem:v7+s16+$0x0], $0xffff  }
0x2fc: {  	[tilespmem:s24+$0x1F100] =	vst v1;
	v8 =	vld.idx.msk [tilespmem:v8+s16+$0x0], $0xffff  }
0x2fd: {  	[tilespmem:s24+$0x1F110] =	vst v2;
	v15 =	vld.idx.msk [tilespmem:v3+s16+$0x0], $0xffff  }
0x2fe: {  	[tilespmem:s24+$0x1F120] =	vst v4;
	v3 =	vld.idx.msk [tilespmem:v9+s16+$0x0], $0xffff  }
.Ltmp11:
0x2ff: {  	[tilespmem:s24+$0x1F130] =	vst v5;
	v1 =	vld.idx.msk [tilespmem:v10+s16+$0x0], $0xffff;
	(pc) =	sbr.rel @p2 .LBB2_21-.Ltmp11, $4  }
0x300: {  	[tilespmem:s24+$0x1F140] =	vst v6;
	v2 =	vld.idx.msk [tilespmem:v11+s16+$0x0], $0xffff  }
0x301: {  	[tilespmem:s24+$0x1F150] =	vst v7;
	v4 =	vld.idx.msk [tilespmem:v12+s16+$0x0], $0xffff  }
0x302: {  	[tilespmem:s24+$0x1F160] =	vst v8;
	v5 =	vld.idx.msk [tilespmem:v13+s16+$0x0], $0xffff  }
0x303: {  	s26 =	sadd.s32 $0x400, s26;
	[tilespmem:s24+$0x1F170] =	vst v15;
	v6 =	vld.idx.msk [tilespmem:v14+s16+$0x0], $0xffff  }
0x304: {  	_ =	sdelay $0x2  }
0x305: {  	[tilespmem:s24+$0x1F180] =	vst v3  }
0x306: {  	v0 =	vld.idx.msk [tilespmem:v0+s16+$0x0], $0xffff;
	[tilespmem:s24+$0x1F190] =	vst v1  }
0x307: {  	[tilespmem:s24+$0x1F1A0] =	vst v2  }
0x308: {  	[tilespmem:s24+$0x1F1B0] =	vst v4  }
0x309: {  	[tilespmem:s24+$0x1F1C0] =	vst v5  }
0x30a: {  	[tilespmem:s24+$0x1F1D0] =	vst v6  }
0x30b: {  	s31 =	sadd.s32 $0x4800, s23;
	[tilespmem:s24+$0x1F1E0] =	vst v0  }
0x30c: {  	[hbm4b:s31+s13] =	stream.strided.scatter [tilespmem:s18], [sflag:$0x2], $0x800, s14, s13, $0x38;
	[tilespmem:$0x1F900] =	vst v63  }
0x30d: {  	_ =	swait.ge [sflag:s19], $0x800  }
0x30e: {  	[sflag:s19] =	ssyncset.done $0x0  }
0x30f: {  	s24 =	simm.s32 $0x0;
	[sflag:s19] =	ssyncadd.s32 $0xFFFFF800  }
0x310: {  	v0 =	vld [tilespmem:s24+$0x50F0]  }
0x311: {  	v1 =	vld [tilespmem:s24+$0x5000]  }
0x312: {  	v2 =	vld [tilespmem:s24+$0x5010]  }
0x313: {  	v3 =	vld [tilespmem:s24+$0x5020]  }
0x314: {  	v4 =	vld [tilespmem:s24+$0x5030]  }
0x315: {  	v5 =	vld [tilespmem:s24+$0x5040]  }
0x316: {  	v6 =	vld [tilespmem:s24+$0x5050]  }
0x317: {  	v7 =	vld [tilespmem:s24+$0x5060]  }
0x318: {  	v9 =	vld [tilespmem:s24+$0x5070]  }
0x319: {  	v10 =	vld [tilespmem:s24+$0x5080]  }
0x31a: {  	v11 =	vld [tilespmem:s24+$0x5090]  }
0x31b: {  	v12 =	vld [tilespmem:s24+$0x50A0]  }
0x31c: {  	v13 =	vld [tilespmem:s24+$0x50B0]  }
0x31d: {  	v14 =	vld [tilespmem:s24+$0x50C0]  }
0x31e: {  	v15 =	vld [tilespmem:s24+$0x50D0]  }
0x31f: {  	v8 =	vld.idx.msk [tilespmem:v0+s16+$0x0], $0xffff  }
0x320: {  	v0 =	vld [tilespmem:s24+$0x50E0]  }
0x321: {  	v1 =	vld.idx.msk [tilespmem:v1+s16+$0x0], $0xffff  }
0x322: {  	v2 =	vld.idx.msk [tilespmem:v2+s16+$0x0], $0xffff  }
0x323: {  	v3 =	vld.idx.msk [tilespmem:v3+s16+$0x0], $0xffff  }
0x324: {  	v4 =	vld.idx.msk [tilespmem:v4+s16+$0x0], $0xffff  }
0x325: {  	v5 =	vld.idx.msk [tilespmem:v5+s16+$0x0], $0xffff  }
0x326: {  	v6 =	vld.idx.msk [tilespmem:v6+s16+$0x0], $0xffff;
	[tilespmem:s24+$0x1E9F0] =	vst v8  }
0x327: {  	v7 =	vld.idx.msk [tilespmem:v7+s16+$0x0], $0xffff;
	[tilespmem:s24+$0x1E900] =	vst v1  }
0x328: {  	[tilespmem:s24+$0x1E910] =	vst v2;
	v8 =	vld.idx.msk [tilespmem:v9+s16+$0x0], $0xffff  }
0x329: {  	[tilespmem:s24+$0x1E920] =	vst v3;
	v3 =	vld.idx.msk [tilespmem:v10+s16+$0x0], $0xffff  }
0x32a: {  	[tilespmem:s24+$0x1E930] =	vst v4;
	v1 =	vld.idx.msk [tilespmem:v11+s16+$0x0], $0xffff  }
0x32b: {  	[tilespmem:s24+$0x1E940] =	vst v5;
	v2 =	vld.idx.msk [tilespmem:v12+s16+$0x0], $0xffff  }
0x32c: {  	[tilespmem:s24+$0x1E950] =	vst v6;
	v4 =	vld.idx.msk [tilespmem:v13+s16+$0x0], $0xffff  }
0x32d: {  	[tilespmem:s24+$0x1E960] =	vst v7;
	v5 =	vld.idx.msk [tilespmem:v14+s16+$0x0], $0xffff  }
0x32e: {  	s25 =	simm.s32 $0x0;
	s26 =	simm.s32 $0x400;
	v6 =	vld.idx.msk [tilespmem:v15+s16+$0x0], $0xffff;
	[tilespmem:s24+$0x1E970] =	vst v8  }
.LBB2_23:
0x32f: {  	s28 =	sshra.s32 s26, $0x2;
	s25 =	sadd.s32 $0x10, s25;
	[tilespmem:s24+$0x1E980] =	vst v3;
	v0 =	vld.idx.msk [tilespmem:v0+s16+$0x0], $0xffff  }
0x330: {  	v3 =	vld [tilespmem:s28+$0x50F0];
	p2 =	slt.u32 s25, $0x70;
	[tilespmem:s24+$0x1E990] =	vst v1  }
0x331: {  	v1 =	vld [tilespmem:s28+$0x5000];
	[tilespmem:s24+$0x1E9A0] =	vst v2  }
0x332: {  	v2 =	vld [tilespmem:s28+$0x5010];
	[tilespmem:s24+$0x1E9B0] =	vst v4  }
0x333: {  	v4 =	vld [tilespmem:s28+$0x5020];
	[tilespmem:s24+$0x1E9C0] =	vst v5  }
0x334: {  	v5 =	vld [tilespmem:s28+$0x5030];
	[tilespmem:s24+$0x1E9D0] =	vst v6  }
0x335: {  	v6 =	vld [tilespmem:s28+$0x5040];
	[tilespmem:s24+$0x1E9E0] =	vst v0;
	s24 =	smov.u32 s28  }
0x336: {  	v7 =	vld [tilespmem:s24+$0x5050]  }
0x337: {  	v8 =	vld [tilespmem:s24+$0x5060]  }
0x338: {  	v0 =	vld.idx.msk [tilespmem:v3+s16+$0x0], $0xffff  }
0x339: {  	v3 =	vld [tilespmem:s24+$0x5070]  }
0x33a: {  	v9 =	vld [tilespmem:s24+$0x5080]  }
0x33b: {  	v10 =	vld [tilespmem:s24+$0x5090]  }
0x33c: {  	v11 =	vld [tilespmem:s24+$0x50A0]  }
0x33d: {  	v12 =	vld [tilespmem:s24+$0x50B0]  }
0x33e: {  	v13 =	vld [tilespmem:s24+$0x50C0];
	[tilespmem:s24+$0x1E9F0] =	vst v0  }
0x33f: {  	v14 =	vld [tilespmem:s24+$0x50D0]  }
0x340: {  	v0 =	vld [tilespmem:s24+$0x50E0]  }
0x341: {  	v1 =	vld.idx.msk [tilespmem:v1+s16+$0x0], $0xffff  }
0x342: {  	v2 =	vld.idx.msk [tilespmem:v2+s16+$0x0], $0xffff  }
0x343: {  	v4 =	vld.idx.msk [tilespmem:v4+s16+$0x0], $0xffff  }
0x344: {  	v5 =	vld.idx.msk [tilespmem:v5+s16+$0x0], $0xffff  }
0x345: {  	v6 =	vld.idx.msk [tilespmem:v6+s16+$0x0], $0xffff  }
0x346: {  	v7 =	vld.idx.msk [tilespmem:v7+s16+$0x0], $0xffff  }
0x347: {  	[tilespmem:s24+$0x1E900] =	vst v1;
	v8 =	vld.idx.msk [tilespmem:v8+s16+$0x0], $0xffff  }
0x348: {  	[tilespmem:s24+$0x1E910] =	vst v2;
	v15 =	vld.idx.msk [tilespmem:v3+s16+$0x0], $0xffff  }
0x349: {  	[tilespmem:s24+$0x1E920] =	vst v4;
	v3 =	vld.idx.msk [tilespmem:v9+s16+$0x0], $0xffff  }
.Ltmp12:
0x34a: {  	[tilespmem:s24+$0x1E930] =	vst v5;
	v1 =	vld.idx.msk [tilespmem:v10+s16+$0x0], $0xffff;
	(pc) =	sbr.rel @p2 .LBB2_23-.Ltmp12, $4  }
0x34b: {  	[tilespmem:s24+$0x1E940] =	vst v6;
	v2 =	vld.idx.msk [tilespmem:v11+s16+$0x0], $0xffff  }
0x34c: {  	[tilespmem:s24+$0x1E950] =	vst v7;
	v4 =	vld.idx.msk [tilespmem:v12+s16+$0x0], $0xffff  }
0x34d: {  	[tilespmem:s24+$0x1E960] =	vst v8;
	v5 =	vld.idx.msk [tilespmem:v13+s16+$0x0], $0xffff  }
0x34e: {  	s26 =	sadd.s32 $0x400, s26;
	[tilespmem:s24+$0x1E970] =	vst v15;
	v6 =	vld.idx.msk [tilespmem:v14+s16+$0x0], $0xffff  }
0x34f: {  	_ =	sdelay $0x2  }
0x350: {  	[tilespmem:s24+$0x1E980] =	vst v3  }
0x351: {  	v0 =	vld.idx.msk [tilespmem:v0+s16+$0x0], $0xffff;
	[tilespmem:s24+$0x1E990] =	vst v1  }
0x352: {  	[tilespmem:s24+$0x1E9A0] =	vst v2  }
0x353: {  	[tilespmem:s24+$0x1E9B0] =	vst v4  }
0x354: {  	[tilespmem:s24+$0x1E9C0] =	vst v5  }
0x355: {  	[tilespmem:s24+$0x1E9D0] =	vst v6  }
0x356: {  	s31 =	sadd.s32 $0x5000, s23;
	[tilespmem:s24+$0x1E9E0] =	vst v0  }
0x357: {  	[hbm4b:s31+s13] =	stream.strided.scatter [tilespmem:s17], [sflag:$0x1], $0x800, s14, s13, $0x38;
	[tilespmem:$0x1F900] =	vst v63  }
0x358: {  	_ =	swait.ge [sflag:s20], $0x800  }
0x359: {  	[sflag:s20] =	ssyncset.done $0x0  }
0x35a: {  	s24 =	simm.s32 $0x0;
	[sflag:s20] =	ssyncadd.s32 $0xFFFFF800  }
0x35b: {  	v0 =	vld [tilespmem:s24+$0x58F0]  }
0x35c: {  	v1 =	vld [tilespmem:s24+$0x5800]  }
0x35d: {  	v2 =	vld [tilespmem:s24+$0x5810]  }
0x35e: {  	v3 =	vld [tilespmem:s24+$0x5820]  }
0x35f: {  	v4 =	vld [tilespmem:s24+$0x5830]  }
0x360: {  	v5 =	vld [tilespmem:s24+$0x5840]  }
0x361: {  	v6 =	vld [tilespmem:s24+$0x5850]  }
0x362: {  	v7 =	vld [tilespmem:s24+$0x5860]  }
0x363: {  	v9 =	vld [tilespmem:s24+$0x5870]  }
0x364: {  	v10 =	vld [tilespmem:s24+$0x5880]  }
0x365: {  	v11 =	vld [tilespmem:s24+$0x5890]  }
0x366: {  	v12 =	vld [tilespmem:s24+$0x58A0]  }
0x367: {  	v13 =	vld [tilespmem:s24+$0x58B0]  }
0x368: {  	v14 =	vld [tilespmem:s24+$0x58C0]  }
0x369: {  	v15 =	vld [tilespmem:s24+$0x58D0]  }
0x36a: {  	v8 =	vld.idx.msk [tilespmem:v0+s16+$0x0], $0xffff  }
0x36b: {  	v0 =	vld [tilespmem:s24+$0x58E0]  }
0x36c: {  	v1 =	vld.idx.msk [tilespmem:v1+s16+$0x0], $0xffff  }
0x36d: {  	v2 =	vld.idx.msk [tilespmem:v2+s16+$0x0], $0xffff  }
0x36e: {  	v3 =	vld.idx.msk [tilespmem:v3+s16+$0x0], $0xffff  }
0x36f: {  	v4 =	vld.idx.msk [tilespmem:v4+s16+$0x0], $0xffff  }
0x370: {  	v5 =	vld.idx.msk [tilespmem:v5+s16+$0x0], $0xffff  }
0x371: {  	v6 =	vld.idx.msk [tilespmem:v6+s16+$0x0], $0xffff;
	[tilespmem:s24+$0x1F1F0] =	vst v8  }
0x372: {  	v7 =	vld.idx.msk [tilespmem:v7+s16+$0x0], $0xffff;
	[tilespmem:s24+$0x1F100] =	vst v1  }
0x373: {  	[tilespmem:s24+$0x1F110] =	vst v2;
	v8 =	vld.idx.msk [tilespmem:v9+s16+$0x0], $0xffff  }
0x374: {  	[tilespmem:s24+$0x1F120] =	vst v3;
	v3 =	vld.idx.msk [tilespmem:v10+s16+$0x0], $0xffff  }
0x375: {  	[tilespmem:s24+$0x1F130] =	vst v4;
	v1 =	vld.idx.msk [tilespmem:v11+s16+$0x0], $0xffff  }
0x376: {  	[tilespmem:s24+$0x1F140] =	vst v5;
	v2 =	vld.idx.msk [tilespmem:v12+s16+$0x0], $0xffff  }
0x377: {  	[tilespmem:s24+$0x1F150] =	vst v6;
	v4 =	vld.idx.msk [tilespmem:v13+s16+$0x0], $0xffff  }
0x378: {  	[tilespmem:s24+$0x1F160] =	vst v7;
	v5 =	vld.idx.msk [tilespmem:v14+s16+$0x0], $0xffff  }
0x379: {  	s25 =	simm.s32 $0x0;
	s26 =	simm.s32 $0x400;
	v6 =	vld.idx.msk [tilespmem:v15+s16+$0x0], $0xffff;
	[tilespmem:s24+$0x1F170] =	vst v8  }
.LBB2_25:
0x37a: {  	s28 =	sshra.s32 s26, $0x2;
	s25 =	sadd.s32 $0x10, s25;
	[tilespmem:s24+$0x1F180] =	vst v3;
	v0 =	vld.idx.msk [tilespmem:v0+s16+$0x0], $0xffff  }
0x37b: {  	v3 =	vld [tilespmem:s28+$0x58F0];
	p2 =	slt.u32 s25, $0x70;
	[tilespmem:s24+$0x1F190] =	vst v1  }
0x37c: {  	v1 =	vld [tilespmem:s28+$0x5800];
	[tilespmem:s24+$0x1F1A0] =	vst v2  }
0x37d: {  	v2 =	vld [tilespmem:s28+$0x5810];
	[tilespmem:s24+$0x1F1B0] =	vst v4  }
0x37e: {  	v4 =	vld [tilespmem:s28+$0x5820];
	[tilespmem:s24+$0x1F1C0] =	vst v5  }
0x37f: {  	v5 =	vld [tilespmem:s28+$0x5830];
	[tilespmem:s24+$0x1F1D0] =	vst v6  }
0x380: {  	v6 =	vld [tilespmem:s28+$0x5840];
	[tilespmem:s24+$0x1F1E0] =	vst v0;
	s24 =	smov.u32 s28  }
0x381: {  	v7 =	vld [tilespmem:s24+$0x5850]  }
0x382: {  	v8 =	vld [tilespmem:s24+$0x5860]  }
0x383: {  	v0 =	vld.idx.msk [tilespmem:v3+s16+$0x0], $0xffff  }
0x384: {  	v3 =	vld [tilespmem:s24+$0x5870]  }
0x385: {  	v9 =	vld [tilespmem:s24+$0x5880]  }
0x386: {  	v10 =	vld [tilespmem:s24+$0x5890]  }
0x387: {  	v11 =	vld [tilespmem:s24+$0x58A0]  }
0x388: {  	v12 =	vld [tilespmem:s24+$0x58B0]  }
0x389: {  	v13 =	vld [tilespmem:s24+$0x58C0];
	[tilespmem:s24+$0x1F1F0] =	vst v0  }
0x38a: {  	v14 =	vld [tilespmem:s24+$0x58D0]  }
0x38b: {  	v0 =	vld [tilespmem:s24+$0x58E0]  }
0x38c: {  	v1 =	vld.idx.msk [tilespmem:v1+s16+$0x0], $0xffff  }
0x38d: {  	v2 =	vld.idx.msk [tilespmem:v2+s16+$0x0], $0xffff  }
0x38e: {  	v4 =	vld.idx.msk [tilespmem:v4+s16+$0x0], $0xffff  }
0x38f: {  	v5 =	vld.idx.msk [tilespmem:v5+s16+$0x0], $0xffff  }
0x390: {  	v6 =	vld.idx.msk [tilespmem:v6+s16+$0x0], $0xffff  }
0x391: {  	v7 =	vld.idx.msk [tilespmem:v7+s16+$0x0], $0xffff  }
0x392: {  	[tilespmem:s24+$0x1F100] =	vst v1;
	v8 =	vld.idx.msk [tilespmem:v8+s16+$0x0], $0xffff  }
0x393: {  	[tilespmem:s24+$0x1F110] =	vst v2;
	v15 =	vld.idx.msk [tilespmem:v3+s16+$0x0], $0xffff  }
0x394: {  	[tilespmem:s24+$0x1F120] =	vst v4;
	v3 =	vld.idx.msk [tilespmem:v9+s16+$0x0], $0xffff  }
.Ltmp13:
0x395: {  	[tilespmem:s24+$0x1F130] =	vst v5;
	v1 =	vld.idx.msk [tilespmem:v10+s16+$0x0], $0xffff;
	(pc) =	sbr.rel @p2 .LBB2_25-.Ltmp13, $4  }
0x396: {  	[tilespmem:s24+$0x1F140] =	vst v6;
	v2 =	vld.idx.msk [tilespmem:v11+s16+$0x0], $0xffff  }
0x397: {  	[tilespmem:s24+$0x1F150] =	vst v7;
	v4 =	vld.idx.msk [tilespmem:v12+s16+$0x0], $0xffff  }
0x398: {  	[tilespmem:s24+$0x1F160] =	vst v8;
	v5 =	vld.idx.msk [tilespmem:v13+s16+$0x0], $0xffff  }
0x399: {  	s26 =	sadd.s32 $0x400, s26;
	[tilespmem:s24+$0x1F170] =	vst v15;
	v6 =	vld.idx.msk [tilespmem:v14+s16+$0x0], $0xffff  }
0x39a: {  	_ =	sdelay $0x2  }
0x39b: {  	[tilespmem:s24+$0x1F180] =	vst v3  }
0x39c: {  	v0 =	vld.idx.msk [tilespmem:v0+s16+$0x0], $0xffff;
	[tilespmem:s24+$0x1F190] =	vst v1  }
0x39d: {  	[tilespmem:s24+$0x1F1A0] =	vst v2  }
0x39e: {  	[tilespmem:s24+$0x1F1B0] =	vst v4  }
0x39f: {  	[tilespmem:s24+$0x1F1C0] =	vst v5  }
0x3a0: {  	[tilespmem:s24+$0x1F1D0] =	vst v6  }
0x3a1: {  	s31 =	sadd.s32 $0x5800, s23;
	[tilespmem:s24+$0x1F1E0] =	vst v0  }
0x3a2: {  	[hbm4b:s31+s13] =	stream.strided.scatter [tilespmem:s18], [sflag:$0x2], $0x800, s14, s13, $0x38;
	[tilespmem:$0x1F900] =	vst v63  }
0x3a3: {  	_ =	swait.ge [sflag:s19], $0x800  }
0x3a4: {  	[sflag:s19] =	ssyncset.done $0x0  }
0x3a5: {  	p2 =	por $0x1, $0x1;
	s24 =	simm.s32 $0x0;
	[sflag:s19] =	ssyncadd.s32 $0xFFFFF800  }
.LBB2_27:
0x3a6: {  	v0 =	vld [tilespmem:s24+$0x6000]  }
0x3a7: {  	v1 =	vld [tilespmem:s24+$0x6010]  }
0x3a8: {  	v2 =	vld [tilespmem:s24+$0x6020]  }
0x3a9: {  	v3 =	vld [tilespmem:s24+$0x6030]  }
0x3aa: {  	v4 =	vld [tilespmem:s24+$0x6040]  }
0x3ab: {  	v5 =	vld [tilespmem:s24+$0x6050]  }
0x3ac: {  	v6 =	vld [tilespmem:s24+$0x6060]  }
0x3ad: {  	v7 =	vld [tilespmem:s24+$0x6070]  }
0x3ae: {  	v8 =	vld [tilespmem:s24+$0x6080]  }
0x3af: {  	v9 =	vld [tilespmem:s24+$0x6090]  }
0x3b0: {  	v10 =	vld [tilespmem:s24+$0x60A0]  }
0x3b1: {  	v11 =	vld [tilespmem:s24+$0x60B0]  }
0x3b2: {  	v12 =	vld [tilespmem:s24+$0x60C0]  }
0x3b3: {  	v56 =	vld [tilespmem:s24+$0x60D0]  }
0x3b4: {  	v57 =	vld [tilespmem:s24+$0x60E0]  }
0x3b5: {  	v58 =	vld [tilespmem:s24+$0x60F0]  }
0x3b6: {  	v0 =	vld.idx.msk [tilespmem:v0+s16+$0x0], $0xffff  }
0x3b7: {  	v1 =	vld.idx.msk [tilespmem:v1+s16+$0x0], $0xffff  }
0x3b8: {  	v2 =	vld.idx.msk [tilespmem:v2+s16+$0x0], $0xffff  }
0x3b9: {  	v3 =	vld.idx.msk [tilespmem:v3+s16+$0x0], $0xffff  }
0x3ba: {  	v4 =	vld.idx.msk [tilespmem:v4+s16+$0x0], $0xffff  }
0x3bb: {  	v5 =	vld.idx.msk [tilespmem:v5+s16+$0x0], $0xffff;
	[tilespmem:s24+$0x1E900] =	vst v0  }
0x3bc: {  	v6 =	vld.idx.msk [tilespmem:v6+s16+$0x0], $0xffff;
	[tilespmem:s24+$0x1E910] =	vst v1  }
0x3bd: {  	v7 =	vld.idx.msk [tilespmem:v7+s16+$0x0], $0xffff;
	[tilespmem:s24+$0x1E920] =	vst v2  }
0x3be: {  	v59 =	vld.idx.msk [tilespmem:v8+s16+$0x0], $0xffff;
	[tilespmem:s24+$0x1E930] =	vst v3  }
0x3bf: {  	v60 =	vld.idx.msk [tilespmem:v9+s16+$0x0], $0xffff;
	[tilespmem:s24+$0x1E940] =	vst v4  }
0x3c0: {  	v61 =	vld.idx.msk [tilespmem:v10+s16+$0x0], $0xffff;
	[tilespmem:s24+$0x1E950] =	vst v5  }
0x3c1: {  	v62 =	vld.idx.msk [tilespmem:v11+s16+$0x0], $0xffff;
	[tilespmem:s24+$0x1E960] =	vst v6  }
0x3c2: {  	v63 =	vld.idx.msk [tilespmem:v12+s16+$0x0], $0xffff;
	[tilespmem:s24+$0x1E970] =	vst v7  }
0x3c3: {  	[tilespmem:s24+$0x1E980] =	vst v59;
	v0 =	vld.idx.msk [tilespmem:v56+s16+$0x0], $0xffff  }
0x3c4: {  	[tilespmem:s24+$0x1E990] =	vst v60;
	v1 =	vld.idx.msk [tilespmem:v57+s16+$0x0], $0xffff  }
0x3c5: {  	p3 =	por p2, p2;
	[tilespmem:s24+$0x1E9A0] =	vst v61;
	v2 =	vld.idx.msk [tilespmem:v58+s16+$0x0], $0xffff  }
.Ltmp14:
0x3c6: {  	[tilespmem:s24+$0x1E9B0] =	vst v62;
	(pc) =	sbr.rel @p3 .LBB2_27-.Ltmp14, $4  }
0x3c7: {  	[tilespmem:s24+$0x1E9C0] =	vst v63  }
0x3c8: {  	[tilespmem:s24+$0x1E9D0] =	vst v0  }
0x3c9: {  	[tilespmem:s24+$0x1E9E0] =	vst v1  }
0x3ca: {  	p2 =	por $0x0, $0x0;
	[tilespmem:s24+$0x1E9F0] =	vst v2;
	s24 =	simm.s32 $0x100  }
0x3cb: {  	s23 =	sadd.s32 $0x6000, s23;
	s22 =	sadd.s32 $0x1, s22  }
0x3cc: {  	[hbm4b:s23+s13] =	stream.strided.scatter [tilespmem:s17], [sflag:$0x1], $0x200, s14, s13, $0x38;
	[tilespmem:$0x1F900] =	vst v63  }
0x3cd: {  	p2 =	sne.s32 s22, $0x10;
	_ =	swait.ge [sflag:s20], $0x800  }
.Ltmp15:
0x3ce: {  	[sflag:s20] =	ssyncset.done $0x0;
	(pc) =	sbr.rel @p2 .LBB2_2-.Ltmp15, $4  }
0x3cf: {  	[sflag:s20] =	ssyncadd.s32 $0xFFFFF800  }
0x3d0: {  	_ =	swait.ge [sflag:s19], $0x200  }
0x3d1: {  	[sflag:s19] =	ssyncset.done $0x0  }
0x3d2: {  	[sflag:s19] =	ssyncadd.s32 $0xFFFFFE00  }
.Ltmp16:
0x3d3: {  	(pc) =	sbr.rel @p1 .LBB2_57-.Ltmp16, $1  }
0x3d4: {  	_ =	sdelay $0x3  }
0x3d5: {  	s22 =	simm.s32 $0x80  }
0x3d6: {  	[tilespmem:s16], [sflag:$0x3] =	stream.strided.gather [hbm4b:s10+s22], $0x18700, s14, s22, $0x38;
	[tilespmem:$0x1F900] =	vst v63  }
0x3d7: {  	_ =	swait.ge [sflag:s15], $0x18700  }
0x3d8: {  	[sflag:s15] =	ssyncset.done $0x0  }
0x3d9: {  	[sflag:s15] =	ssyncadd.s32 $0xFFFE7900  }
0x3da: {  	v0 =	vld [tilespmem:s22+$0x70]  }
0x3db: {  	v1 =	vld [tilespmem:s22+$0xFFFFFF90]  }
0x3dc: {  	v2 =	vld [tilespmem:s22+$0xFFFFFFA0]  }
0x3dd: {  	v3 =	vld [tilespmem:s22+$0xFFFFFFB0]  }
0x3de: {  	v4 =	vld [tilespmem:s22+$0xFFFFFFC0]  }
0x3df: {  	v5 =	vld [tilespmem:s22+$0xFFFFFFD0]  }
0x3e0: {  	v6 =	vld [tilespmem:s22+$0xFFFFFFE0]  }
0x3e1: {  	v7 =	vld [tilespmem:s22+$0xFFFFFFF0]  }
0x3e2: {  	v8 =	vld [tilespmem:s22+$0x0]  }
0x3e3: {  	v9 =	vld [tilespmem:s22+$0x10]  }
0x3e4: {  	v10 =	vld [tilespmem:s22+$0x20]  }
0x3e5: {  	v11 =	vld [tilespmem:s22+$0x30]  }
0x3e6: {  	v12 =	vld [tilespmem:s22+$0x40]  }
0x3e7: {  	v13 =	vld [tilespmem:s22+$0x50]  }
0x3e8: {  	v14 =	vld [tilespmem:s22+$0x60]  }
0x3e9: {  	v15 =	vld [tilespmem:s22+$0xFFFFFF80]  }
0x3ea: {  	v0 =	vld.idx.msk [tilespmem:v0+s16+$0x0], $0xffff  }
0x3eb: {  	v1 =	vld.idx.msk [tilespmem:v1+s16+$0x0], $0xffff  }
0x3ec: {  	v2 =	vld.idx.msk [tilespmem:v2+s16+$0x0], $0xffff  }
0x3ed: {  	v3 =	vld.idx.msk [tilespmem:v3+s16+$0x0], $0xffff  }
0x3ee: {  	v4 =	vld.idx.msk [tilespmem:v4+s16+$0x0], $0xffff  }
0x3ef: {  	s22 =	simm.s32 $0x1E980;
	v5 =	vld.idx.msk [tilespmem:v5+s16+$0x0], $0xffff  }
0x3f0: {  	v6 =	vld.idx.msk [tilespmem:v6+s16+$0x0], $0xffff;
	[tilespmem:s22+$0x70] =	vst v0  }
0x3f1: {  	v7 =	vld.idx.msk [tilespmem:v7+s16+$0x0], $0xffff;
	[tilespmem:s22+$0xFFFFFF90] =	vst v1  }
0x3f2: {  	v15 =	vld.idx.msk [tilespmem:v15+s16+$0x0], $0xffff;
	[tilespmem:s22+$0xFFFFFFA0] =	vst v2  }
0x3f3: {  	v8 =	vld.idx.msk [tilespmem:v8+s16+$0x0], $0xffff;
	[tilespmem:s22+$0xFFFFFFB0] =	vst v3  }
0x3f4: {  	[tilespmem:s22+$0xFFFFFFC0] =	vst v4;
	v0 =	vld.idx.msk [tilespmem:v9+s16+$0x0], $0xffff  }
0x3f5: {  	[tilespmem:s22+$0xFFFFFFD0] =	vst v5;
	v1 =	vld.idx.msk [tilespmem:v10+s16+$0x0], $0xffff  }
0x3f6: {  	[tilespmem:s22+$0xFFFFFFE0] =	vst v6;
	v2 =	vld.idx.msk [tilespmem:v11+s16+$0x0], $0xffff  }
0x3f7: {  	[tilespmem:s22+$0xFFFFFFF0] =	vst v7;
	v3 =	vld.idx.msk [tilespmem:v12+s16+$0x0], $0xffff  }
0x3f8: {  	[tilespmem:s22+$0xFFFFFF80] =	vst v15;
	v4 =	vld.idx.msk [tilespmem:v13+s16+$0x0], $0xffff  }
0x3f9: {  	s23 =	simm.s32 $0x0;
	s24 =	simm.s32 $0x180;
	[tilespmem:s22+$0x0] =	vst v8;
	v5 =	vld.idx.msk [tilespmem:v14+s16+$0x0], $0xffff  }
.LBB2_31:
0x3fa: {  	v6 =	vld [tilespmem:s24+$0x70];
	s23 =	sadd.s32 $0x10, s23;
	[tilespmem:s22+$0x10] =	vst v0  }
0x3fb: {  	v0 =	vld [tilespmem:s24+$0xFFFFFF90];
	p2 =	slt.u32 s23, $0x70;
	[tilespmem:s22+$0x20] =	vst v1  }
0x3fc: {  	v1 =	vld [tilespmem:s24+$0xFFFFFFA0];
	[tilespmem:s22+$0x30] =	vst v2  }
0x3fd: {  	v2 =	vld [tilespmem:s24+$0xFFFFFFB0];
	[tilespmem:s22+$0x40] =	vst v3  }
0x3fe: {  	v3 =	vld [tilespmem:s24+$0xFFFFFFC0];
	[tilespmem:s22+$0x50] =	vst v4  }
0x3ff: {  	v4 =	vld [tilespmem:s24+$0xFFFFFFD0];
	[tilespmem:s22+$0x60] =	vst v5  }
0x400: {  	v5 =	vld [tilespmem:s24+$0xFFFFFFE0]  }
0x401: {  	v7 =	vld [tilespmem:s24+$0xFFFFFFF0]  }
0x402: {  	v6 =	vld.idx.msk [tilespmem:v6+s16+$0x0], $0xffff  }
0x403: {  	v8 =	vld [tilespmem:s24+$0x0]  }
0x404: {  	v9 =	vld [tilespmem:s24+$0x10]  }
0x405: {  	v10 =	vld [tilespmem:s24+$0x20]  }
0x406: {  	v11 =	vld [tilespmem:s24+$0x30]  }
0x407: {  	s22 =	sadd.s32 $0x100, s22;
	v12 =	vld [tilespmem:s24+$0x40]  }
0x408: {  	v13 =	vld [tilespmem:s24+$0x50];
	[tilespmem:s22+$0x70] =	vst v6  }
0x409: {  	v6 =	vld [tilespmem:s24+$0x60]  }
0x40a: {  	v14 =	vld [tilespmem:s24+$0xFFFFFF80]  }
0x40b: {  	v0 =	vld.idx.msk [tilespmem:v0+s16+$0x0], $0xffff  }
0x40c: {  	v1 =	vld.idx.msk [tilespmem:v1+s16+$0x0], $0xffff  }
0x40d: {  	v2 =	vld.idx.msk [tilespmem:v2+s16+$0x0], $0xffff  }
0x40e: {  	v3 =	vld.idx.msk [tilespmem:v3+s16+$0x0], $0xffff  }
0x40f: {  	v4 =	vld.idx.msk [tilespmem:v4+s16+$0x0], $0xffff  }
0x410: {  	v5 =	vld.idx.msk [tilespmem:v5+s16+$0x0], $0xffff  }
0x411: {  	[tilespmem:s22+$0xFFFFFF90] =	vst v0;
	v7 =	vld.idx.msk [tilespmem:v7+s16+$0x0], $0xffff  }
0x412: {  	v14 =	vld.idx.msk [tilespmem:v14+s16+$0x0], $0xffff;
	[tilespmem:s22+$0xFFFFFFA0] =	vst v1  }
0x413: {  	[tilespmem:s22+$0xFFFFFFB0] =	vst v2;
	v8 =	vld.idx.msk [tilespmem:v8+s16+$0x0], $0xffff  }
0x414: {  	[tilespmem:s22+$0xFFFFFFC0] =	vst v3;
	v0 =	vld.idx.msk [tilespmem:v9+s16+$0x0], $0xffff  }
.Ltmp17:
0x415: {  	[tilespmem:s22+$0xFFFFFFD0] =	vst v4;
	v1 =	vld.idx.msk [tilespmem:v10+s16+$0x0], $0xffff;
	(pc) =	sbr.rel @p2 .LBB2_31-.Ltmp17, $4  }
0x416: {  	[tilespmem:s22+$0xFFFFFFE0] =	vst v5;
	v2 =	vld.idx.msk [tilespmem:v11+s16+$0x0], $0xffff  }
0x417: {  	[tilespmem:s22+$0xFFFFFFF0] =	vst v7;
	v3 =	vld.idx.msk [tilespmem:v12+s16+$0x0], $0xffff  }
0x418: {  	[tilespmem:s22+$0xFFFFFF80] =	vst v14;
	v4 =	vld.idx.msk [tilespmem:v13+s16+$0x0], $0xffff  }
0x419: {  	s24 =	sadd.s32 $0x100, s24;
	[tilespmem:s22+$0x0] =	vst v8;
	v5 =	vld.idx.msk [tilespmem:v6+s16+$0x0], $0xffff  }
0x41a: {  	[tilespmem:s22+$0x10] =	vst v0  }
0x41b: {  	[tilespmem:s22+$0x20] =	vst v1  }
0x41c: {  	[tilespmem:s22+$0x30] =	vst v2  }
0x41d: {  	[tilespmem:s22+$0x40] =	vst v3  }
0x41e: {  	[tilespmem:s22+$0x50] =	vst v4  }
0x41f: {  	s31 =	simm.s32 $0x8F0;
	[tilespmem:s22+$0x60] =	vst v5  }
0x420: {  	[hbm4b:s11+s13] =	stream.strided.scatter [tilespmem:s17], [sflag:$0x1], $0x800, s14, s13, $0x38;
	[tilespmem:$0x1F900] =	vst v63  }
0x421: {  	v0 =	vld [tilespmem:s31+$0x0]  }
0x422: {  	v1 =	vld [tilespmem:s31+$0xFFFFFF20]  }
0x423: {  	v2 =	vld [tilespmem:s31+$0xFFFFFF30]  }
0x424: {  	v3 =	vld [tilespmem:s31+$0xFFFFFF40]  }
0x425: {  	v4 =	vld [tilespmem:s31+$0xFFFFFF50]  }
0x426: {  	v5 =	vld [tilespmem:s31+$0xFFFFFF60]  }
0x427: {  	v6 =	vld [tilespmem:s31+$0xFFFFFF70]  }
0x428: {  	v7 =	vld [tilespmem:s31+$0xFFFFFF80]  }
0x429: {  	v8 =	vld [tilespmem:s31+$0xFFFFFF90]  }
0x42a: {  	v9 =	vld [tilespmem:s31+$0xFFFFFFA0]  }
0x42b: {  	v10 =	vld [tilespmem:s31+$0xFFFFFFB0]  }
0x42c: {  	v11 =	vld [tilespmem:s31+$0xFFFFFFC0]  }
0x42d: {  	v12 =	vld [tilespmem:s31+$0xFFFFFFD0]  }
0x42e: {  	v13 =	vld [tilespmem:s31+$0xFFFFFFE0]  }
0x42f: {  	v14 =	vld [tilespmem:s31+$0xFFFFFFF0]  }
0x430: {  	v15 =	vld [tilespmem:s31+$0xFFFFFF10]  }
0x431: {  	v0 =	vld.idx.msk [tilespmem:v0+s16+$0x0], $0xffff  }
0x432: {  	v1 =	vld.idx.msk [tilespmem:v1+s16+$0x0], $0xffff  }
0x433: {  	v2 =	vld.idx.msk [tilespmem:v2+s16+$0x0], $0xffff  }
0x434: {  	v3 =	vld.idx.msk [tilespmem:v3+s16+$0x0], $0xffff  }
0x435: {  	v4 =	vld.idx.msk [tilespmem:v4+s16+$0x0], $0xffff  }
0x436: {  	s22 =	simm.s32 $0x1F180;
	v5 =	vld.idx.msk [tilespmem:v5+s16+$0x0], $0xffff  }
0x437: {  	v6 =	vld.idx.msk [tilespmem:v6+s16+$0x0], $0xffff;
	[tilespmem:s22+$0x70] =	vst v0  }
0x438: {  	v7 =	vld.idx.msk [tilespmem:v7+s16+$0x0], $0xffff;
	[tilespmem:s22+$0xFFFFFF90] =	vst v1  }
0x439: {  	v15 =	vld.idx.msk [tilespmem:v15+s16+$0x0], $0xffff;
	[tilespmem:s22+$0xFFFFFFA0] =	vst v2  }
0x43a: {  	v8 =	vld.idx.msk [tilespmem:v8+s16+$0x0], $0xffff;
	[tilespmem:s22+$0xFFFFFFB0] =	vst v3  }
0x43b: {  	[tilespmem:s22+$0xFFFFFFC0] =	vst v4;
	v0 =	vld.idx.msk [tilespmem:v9+s16+$0x0], $0xffff  }
0x43c: {  	[tilespmem:s22+$0xFFFFFFD0] =	vst v5;
	v1 =	vld.idx.msk [tilespmem:v10+s16+$0x0], $0xffff  }
0x43d: {  	[tilespmem:s22+$0xFFFFFFE0] =	vst v6;
	v2 =	vld.idx.msk [tilespmem:v11+s16+$0x0], $0xffff  }
0x43e: {  	[tilespmem:s22+$0xFFFFFFF0] =	vst v7;
	v3 =	vld.idx.msk [tilespmem:v12+s16+$0x0], $0xffff  }
0x43f: {  	[tilespmem:s22+$0xFFFFFF80] =	vst v15;
	v4 =	vld.idx.msk [tilespmem:v13+s16+$0x0], $0xffff  }
0x440: {  	s23 =	simm.s32 $0x0;
	s24 =	simm.s32 $0x9F0;
	[tilespmem:s22+$0x0] =	vst v8;
	v5 =	vld.idx.msk [tilespmem:v14+s16+$0x0], $0xffff  }
.LBB2_33:
0x441: {  	v6 =	vld [tilespmem:s24+$0x0];
	s23 =	sadd.s32 $0x10, s23;
	[tilespmem:s22+$0x10] =	vst v0  }
0x442: {  	v0 =	vld [tilespmem:s24+$0xFFFFFF20];
	p2 =	slt.u32 s23, $0x70;
	[tilespmem:s22+$0x20] =	vst v1  }
0x443: {  	v1 =	vld [tilespmem:s24+$0xFFFFFF30];
	[tilespmem:s22+$0x30] =	vst v2  }
0x444: {  	v2 =	vld [tilespmem:s24+$0xFFFFFF40];
	[tilespmem:s22+$0x40] =	vst v3  }
0x445: {  	v3 =	vld [tilespmem:s24+$0xFFFFFF50];
	[tilespmem:s22+$0x50] =	vst v4  }
0x446: {  	v4 =	vld [tilespmem:s24+$0xFFFFFF60];
	[tilespmem:s22+$0x60] =	vst v5  }
0x447: {  	v5 =	vld [tilespmem:s24+$0xFFFFFF70]  }
0x448: {  	v7 =	vld [tilespmem:s24+$0xFFFFFF80]  }
0x449: {  	v6 =	vld.idx.msk [tilespmem:v6+s16+$0x0], $0xffff  }
0x44a: {  	v8 =	vld [tilespmem:s24+$0xFFFFFF90]  }
0x44b: {  	v9 =	vld [tilespmem:s24+$0xFFFFFFA0]  }
0x44c: {  	v10 =	vld [tilespmem:s24+$0xFFFFFFB0]  }
0x44d: {  	v11 =	vld [tilespmem:s24+$0xFFFFFFC0]  }
0x44e: {  	s22 =	sadd.s32 $0x100, s22;
	v12 =	vld [tilespmem:s24+$0xFFFFFFD0]  }
0x44f: {  	v13 =	vld [tilespmem:s24+$0xFFFFFFE0];
	[tilespmem:s22+$0x70] =	vst v6  }
0x450: {  	v6 =	vld [tilespmem:s24+$0xFFFFFFF0]  }
0x451: {  	v14 =	vld [tilespmem:s24+$0xFFFFFF10]  }
0x452: {  	v0 =	vld.idx.msk [tilespmem:v0+s16+$0x0], $0xffff  }
0x453: {  	v1 =	vld.idx.msk [tilespmem:v1+s16+$0x0], $0xffff  }
0x454: {  	v2 =	vld.idx.msk [tilespmem:v2+s16+$0x0], $0xffff  }
0x455: {  	v3 =	vld.idx.msk [tilespmem:v3+s16+$0x0], $0xffff  }
0x456: {  	v4 =	vld.idx.msk [tilespmem:v4+s16+$0x0], $0xffff  }
0x457: {  	v5 =	vld.idx.msk [tilespmem:v5+s16+$0x0], $0xffff  }
0x458: {  	[tilespmem:s22+$0xFFFFFF90] =	vst v0;
	v7 =	vld.idx.msk [tilespmem:v7+s16+$0x0], $0xffff  }
0x459: {  	v14 =	vld.idx.msk [tilespmem:v14+s16+$0x0], $0xffff;
	[tilespmem:s22+$0xFFFFFFA0] =	vst v1  }
0x45a: {  	[tilespmem:s22+$0xFFFFFFB0] =	vst v2;
	v8 =	vld.idx.msk [tilespmem:v8+s16+$0x0], $0xffff  }
0x45b: {  	[tilespmem:s22+$0xFFFFFFC0] =	vst v3;
	v0 =	vld.idx.msk [tilespmem:v9+s16+$0x0], $0xffff  }
.Ltmp18:
0x45c: {  	[tilespmem:s22+$0xFFFFFFD0] =	vst v4;
	v1 =	vld.idx.msk [tilespmem:v10+s16+$0x0], $0xffff;
	(pc) =	sbr.rel @p2 .LBB2_33-.Ltmp18, $4  }
0x45d: {  	[tilespmem:s22+$0xFFFFFFE0] =	vst v5;
	v2 =	vld.idx.msk [tilespmem:v11+s16+$0x0], $0xffff  }
0x45e: {  	[tilespmem:s22+$0xFFFFFFF0] =	vst v7;
	v3 =	vld.idx.msk [tilespmem:v12+s16+$0x0], $0xffff  }
0x45f: {  	[tilespmem:s22+$0xFFFFFF80] =	vst v14;
	v4 =	vld.idx.msk [tilespmem:v13+s16+$0x0], $0xffff  }
0x460: {  	s24 =	sadd.s32 $0x100, s24;
	[tilespmem:s22+$0x0] =	vst v8;
	v5 =	vld.idx.msk [tilespmem:v6+s16+$0x0], $0xffff  }
0x461: {  	[tilespmem:s22+$0x10] =	vst v0  }
0x462: {  	[tilespmem:s22+$0x20] =	vst v1  }
0x463: {  	[tilespmem:s22+$0x30] =	vst v2  }
0x464: {  	[tilespmem:s22+$0x40] =	vst v3  }
0x465: {  	[tilespmem:s22+$0x50] =	vst v4  }
0x466: {  	s30 =	sadd.s32 $0x800, s11;
	[tilespmem:s22+$0x60] =	vst v5  }
0x467: {  	[hbm4b:s30+s13] =	stream.strided.scatter [tilespmem:s18], [sflag:$0x2], $0x800, s14, s13, $0x38;
	[tilespmem:$0x1F900] =	vst v63  }
0x468: {  	_ =	swait.ge [sflag:s19], $0x800  }
0x469: {  	[sflag:s19] =	ssyncset.done $0x0  }
0x46a: {  	s31 =	simm.s32 $0x10F0;
	[sflag:s19] =	ssyncadd.s32 $0xFFFFF800  }
0x46b: {  	v0 =	vld [tilespmem:s31+$0x0]  }
0x46c: {  	v1 =	vld [tilespmem:s31+$0xFFFFFF20]  }
0x46d: {  	v2 =	vld [tilespmem:s31+$0xFFFFFF30]  }
0x46e: {  	v3 =	vld [tilespmem:s31+$0xFFFFFF40]  }
0x46f: {  	v4 =	vld [tilespmem:s31+$0xFFFFFF50]  }
0x470: {  	v5 =	vld [tilespmem:s31+$0xFFFFFF60]  }
0x471: {  	v6 =	vld [tilespmem:s31+$0xFFFFFF70]  }
0x472: {  	v7 =	vld [tilespmem:s31+$0xFFFFFF80]  }
0x473: {  	v8 =	vld [tilespmem:s31+$0xFFFFFF90]  }
0x474: {  	v9 =	vld [tilespmem:s31+$0xFFFFFFA0]  }
0x475: {  	v10 =	vld [tilespmem:s31+$0xFFFFFFB0]  }
0x476: {  	v11 =	vld [tilespmem:s31+$0xFFFFFFC0]  }
0x477: {  	v12 =	vld [tilespmem:s31+$0xFFFFFFD0]  }
0x478: {  	v13 =	vld [tilespmem:s31+$0xFFFFFFE0]  }
0x479: {  	v14 =	vld [tilespmem:s31+$0xFFFFFFF0]  }
0x47a: {  	v15 =	vld [tilespmem:s31+$0xFFFFFF10]  }
0x47b: {  	v0 =	vld.idx.msk [tilespmem:v0+s16+$0x0], $0xffff  }
0x47c: {  	v1 =	vld.idx.msk [tilespmem:v1+s16+$0x0], $0xffff  }
0x47d: {  	v2 =	vld.idx.msk [tilespmem:v2+s16+$0x0], $0xffff  }
0x47e: {  	v3 =	vld.idx.msk [tilespmem:v3+s16+$0x0], $0xffff  }
0x47f: {  	v4 =	vld.idx.msk [tilespmem:v4+s16+$0x0], $0xffff  }
0x480: {  	s22 =	simm.s32 $0x1E980;
	v5 =	vld.idx.msk [tilespmem:v5+s16+$0x0], $0xffff  }
0x481: {  	v6 =	vld.idx.msk [tilespmem:v6+s16+$0x0], $0xffff;
	[tilespmem:s22+$0x70] =	vst v0  }
0x482: {  	v7 =	vld.idx.msk [tilespmem:v7+s16+$0x0], $0xffff;
	[tilespmem:s22+$0xFFFFFF90] =	vst v1  }
0x483: {  	v15 =	vld.idx.msk [tilespmem:v15+s16+$0x0], $0xffff;
	[tilespmem:s22+$0xFFFFFFA0] =	vst v2  }
0x484: {  	v8 =	vld.idx.msk [tilespmem:v8+s16+$0x0], $0xffff;
	[tilespmem:s22+$0xFFFFFFB0] =	vst v3  }
0x485: {  	[tilespmem:s22+$0xFFFFFFC0] =	vst v4;
	v0 =	vld.idx.msk [tilespmem:v9+s16+$0x0], $0xffff  }
0x486: {  	[tilespmem:s22+$0xFFFFFFD0] =	vst v5;
	v1 =	vld.idx.msk [tilespmem:v10+s16+$0x0], $0xffff  }
0x487: {  	[tilespmem:s22+$0xFFFFFFE0] =	vst v6;
	v2 =	vld.idx.msk [tilespmem:v11+s16+$0x0], $0xffff  }
0x488: {  	[tilespmem:s22+$0xFFFFFFF0] =	vst v7;
	v3 =	vld.idx.msk [tilespmem:v12+s16+$0x0], $0xffff  }
0x489: {  	[tilespmem:s22+$0xFFFFFF80] =	vst v15;
	v4 =	vld.idx.msk [tilespmem:v13+s16+$0x0], $0xffff  }
0x48a: {  	s23 =	simm.s32 $0x0;
	s24 =	simm.s32 $0x11F0;
	[tilespmem:s22+$0x0] =	vst v8;
	v5 =	vld.idx.msk [tilespmem:v14+s16+$0x0], $0xffff  }
.LBB2_35:
0x48b: {  	v6 =	vld [tilespmem:s24+$0x0];
	s23 =	sadd.s32 $0x10, s23;
	[tilespmem:s22+$0x10] =	vst v0  }
0x48c: {  	v0 =	vld [tilespmem:s24+$0xFFFFFF20];
	p2 =	slt.u32 s23, $0x70;
	[tilespmem:s22+$0x20] =	vst v1  }
0x48d: {  	v1 =	vld [tilespmem:s24+$0xFFFFFF30];
	[tilespmem:s22+$0x30] =	vst v2  }
0x48e: {  	v2 =	vld [tilespmem:s24+$0xFFFFFF40];
	[tilespmem:s22+$0x40] =	vst v3  }
0x48f: {  	v3 =	vld [tilespmem:s24+$0xFFFFFF50];
	[tilespmem:s22+$0x50] =	vst v4  }
0x490: {  	v4 =	vld [tilespmem:s24+$0xFFFFFF60];
	[tilespmem:s22+$0x60] =	vst v5  }
0x491: {  	v5 =	vld [tilespmem:s24+$0xFFFFFF70]  }
0x492: {  	v7 =	vld [tilespmem:s24+$0xFFFFFF80]  }
0x493: {  	v6 =	vld.idx.msk [tilespmem:v6+s16+$0x0], $0xffff  }
0x494: {  	v8 =	vld [tilespmem:s24+$0xFFFFFF90]  }
0x495: {  	v9 =	vld [tilespmem:s24+$0xFFFFFFA0]  }
0x496: {  	v10 =	vld [tilespmem:s24+$0xFFFFFFB0]  }
0x497: {  	v11 =	vld [tilespmem:s24+$0xFFFFFFC0]  }
0x498: {  	s22 =	sadd.s32 $0x100, s22;
	v12 =	vld [tilespmem:s24+$0xFFFFFFD0]  }
0x499: {  	v13 =	vld [tilespmem:s24+$0xFFFFFFE0];
	[tilespmem:s22+$0x70] =	vst v6  }
0x49a: {  	v6 =	vld [tilespmem:s24+$0xFFFFFFF0]  }
0x49b: {  	v14 =	vld [tilespmem:s24+$0xFFFFFF10]  }
0x49c: {  	v0 =	vld.idx.msk [tilespmem:v0+s16+$0x0], $0xffff  }
0x49d: {  	v1 =	vld.idx.msk [tilespmem:v1+s16+$0x0], $0xffff  }
0x49e: {  	v2 =	vld.idx.msk [tilespmem:v2+s16+$0x0], $0xffff  }
0x49f: {  	v3 =	vld.idx.msk [tilespmem:v3+s16+$0x0], $0xffff  }
0x4a0: {  	v4 =	vld.idx.msk [tilespmem:v4+s16+$0x0], $0xffff  }
0x4a1: {  	v5 =	vld.idx.msk [tilespmem:v5+s16+$0x0], $0xffff  }
0x4a2: {  	[tilespmem:s22+$0xFFFFFF90] =	vst v0;
	v7 =	vld.idx.msk [tilespmem:v7+s16+$0x0], $0xffff  }
0x4a3: {  	v14 =	vld.idx.msk [tilespmem:v14+s16+$0x0], $0xffff;
	[tilespmem:s22+$0xFFFFFFA0] =	vst v1  }
0x4a4: {  	[tilespmem:s22+$0xFFFFFFB0] =	vst v2;
	v8 =	vld.idx.msk [tilespmem:v8+s16+$0x0], $0xffff  }
0x4a5: {  	[tilespmem:s22+$0xFFFFFFC0] =	vst v3;
	v0 =	vld.idx.msk [tilespmem:v9+s16+$0x0], $0xffff  }
.Ltmp19:
0x4a6: {  	[tilespmem:s22+$0xFFFFFFD0] =	vst v4;
	v1 =	vld.idx.msk [tilespmem:v10+s16+$0x0], $0xffff;
	(pc) =	sbr.rel @p2 .LBB2_35-.Ltmp19, $4  }
0x4a7: {  	[tilespmem:s22+$0xFFFFFFE0] =	vst v5;
	v2 =	vld.idx.msk [tilespmem:v11+s16+$0x0], $0xffff  }
0x4a8: {  	[tilespmem:s22+$0xFFFFFFF0] =	vst v7;
	v3 =	vld.idx.msk [tilespmem:v12+s16+$0x0], $0xffff  }
0x4a9: {  	[tilespmem:s22+$0xFFFFFF80] =	vst v14;
	v4 =	vld.idx.msk [tilespmem:v13+s16+$0x0], $0xffff  }
0x4aa: {  	s24 =	sadd.s32 $0x100, s24;
	[tilespmem:s22+$0x0] =	vst v8;
	v5 =	vld.idx.msk [tilespmem:v6+s16+$0x0], $0xffff  }
0x4ab: {  	[tilespmem:s22+$0x10] =	vst v0  }
0x4ac: {  	[tilespmem:s22+$0x20] =	vst v1  }
0x4ad: {  	[tilespmem:s22+$0x30] =	vst v2  }
0x4ae: {  	[tilespmem:s22+$0x40] =	vst v3  }
0x4af: {  	[tilespmem:s22+$0x50] =	vst v4  }
0x4b0: {  	s30 =	sadd.s32 $0x1000, s11;
	[tilespmem:s22+$0x60] =	vst v5  }
0x4b1: {  	[hbm4b:s30+s13] =	stream.strided.scatter [tilespmem:s17], [sflag:$0x1], $0x800, s14, s13, $0x38;
	[tilespmem:$0x1F900] =	vst v63  }
0x4b2: {  	_ =	swait.ge [sflag:s20], $0x800  }
0x4b3: {  	[sflag:s20] =	ssyncset.done $0x0  }
0x4b4: {  	s31 =	simm.s32 $0x18F0;
	[sflag:s20] =	ssyncadd.s32 $0xFFFFF800  }
0x4b5: {  	v0 =	vld [tilespmem:s31+$0x0]  }
0x4b6: {  	v1 =	vld [tilespmem:s31+$0xFFFFFF20]  }
0x4b7: {  	v2 =	vld [tilespmem:s31+$0xFFFFFF30]  }
0x4b8: {  	v3 =	vld [tilespmem:s31+$0xFFFFFF40]  }
0x4b9: {  	v4 =	vld [tilespmem:s31+$0xFFFFFF50]  }
0x4ba: {  	v5 =	vld [tilespmem:s31+$0xFFFFFF60]  }
0x4bb: {  	v6 =	vld [tilespmem:s31+$0xFFFFFF70]  }
0x4bc: {  	v7 =	vld [tilespmem:s31+$0xFFFFFF80]  }
0x4bd: {  	v8 =	vld [tilespmem:s31+$0xFFFFFF90]  }
0x4be: {  	v9 =	vld [tilespmem:s31+$0xFFFFFFA0]  }
0x4bf: {  	v10 =	vld [tilespmem:s31+$0xFFFFFFB0]  }
0x4c0: {  	v11 =	vld [tilespmem:s31+$0xFFFFFFC0]  }
0x4c1: {  	v12 =	vld [tilespmem:s31+$0xFFFFFFD0]  }
0x4c2: {  	v13 =	vld [tilespmem:s31+$0xFFFFFFE0]  }
0x4c3: {  	v14 =	vld [tilespmem:s31+$0xFFFFFFF0]  }
0x4c4: {  	v15 =	vld [tilespmem:s31+$0xFFFFFF10]  }
0x4c5: {  	v0 =	vld.idx.msk [tilespmem:v0+s16+$0x0], $0xffff  }
0x4c6: {  	v1 =	vld.idx.msk [tilespmem:v1+s16+$0x0], $0xffff  }
0x4c7: {  	v2 =	vld.idx.msk [tilespmem:v2+s16+$0x0], $0xffff  }
0x4c8: {  	v3 =	vld.idx.msk [tilespmem:v3+s16+$0x0], $0xffff  }
0x4c9: {  	v4 =	vld.idx.msk [tilespmem:v4+s16+$0x0], $0xffff  }
0x4ca: {  	s22 =	simm.s32 $0x1F180;
	v5 =	vld.idx.msk [tilespmem:v5+s16+$0x0], $0xffff  }
0x4cb: {  	v6 =	vld.idx.msk [tilespmem:v6+s16+$0x0], $0xffff;
	[tilespmem:s22+$0x70] =	vst v0  }
0x4cc: {  	v7 =	vld.idx.msk [tilespmem:v7+s16+$0x0], $0xffff;
	[tilespmem:s22+$0xFFFFFF90] =	vst v1  }
0x4cd: {  	v15 =	vld.idx.msk [tilespmem:v15+s16+$0x0], $0xffff;
	[tilespmem:s22+$0xFFFFFFA0] =	vst v2  }
0x4ce: {  	v8 =	vld.idx.msk [tilespmem:v8+s16+$0x0], $0xffff;
	[tilespmem:s22+$0xFFFFFFB0] =	vst v3  }
0x4cf: {  	[tilespmem:s22+$0xFFFFFFC0] =	vst v4;
	v0 =	vld.idx.msk [tilespmem:v9+s16+$0x0], $0xffff  }
0x4d0: {  	[tilespmem:s22+$0xFFFFFFD0] =	vst v5;
	v1 =	vld.idx.msk [tilespmem:v10+s16+$0x0], $0xffff  }
0x4d1: {  	[tilespmem:s22+$0xFFFFFFE0] =	vst v6;
	v2 =	vld.idx.msk [tilespmem:v11+s16+$0x0], $0xffff  }
0x4d2: {  	[tilespmem:s22+$0xFFFFFFF0] =	vst v7;
	v3 =	vld.idx.msk [tilespmem:v12+s16+$0x0], $0xffff  }
0x4d3: {  	[tilespmem:s22+$0xFFFFFF80] =	vst v15;
	v4 =	vld.idx.msk [tilespmem:v13+s16+$0x0], $0xffff  }
0x4d4: {  	s23 =	simm.s32 $0x0;
	s24 =	simm.s32 $0x19F0;
	[tilespmem:s22+$0x0] =	vst v8;
	v5 =	vld.idx.msk [tilespmem:v14+s16+$0x0], $0xffff  }
.LBB2_37:
0x4d5: {  	v6 =	vld [tilespmem:s24+$0x0];
	s23 =	sadd.s32 $0x10, s23;
	[tilespmem:s22+$0x10] =	vst v0  }
0x4d6: {  	v0 =	vld [tilespmem:s24+$0xFFFFFF20];
	p2 =	slt.u32 s23, $0x70;
	[tilespmem:s22+$0x20] =	vst v1  }
0x4d7: {  	v1 =	vld [tilespmem:s24+$0xFFFFFF30];
	[tilespmem:s22+$0x30] =	vst v2  }
0x4d8: {  	v2 =	vld [tilespmem:s24+$0xFFFFFF40];
	[tilespmem:s22+$0x40] =	vst v3  }
0x4d9: {  	v3 =	vld [tilespmem:s24+$0xFFFFFF50];
	[tilespmem:s22+$0x50] =	vst v4  }
0x4da: {  	v4 =	vld [tilespmem:s24+$0xFFFFFF60];
	[tilespmem:s22+$0x60] =	vst v5  }
0x4db: {  	v5 =	vld [tilespmem:s24+$0xFFFFFF70]  }
0x4dc: {  	v7 =	vld [tilespmem:s24+$0xFFFFFF80]  }
0x4dd: {  	v6 =	vld.idx.msk [tilespmem:v6+s16+$0x0], $0xffff  }
0x4de: {  	v8 =	vld [tilespmem:s24+$0xFFFFFF90]  }
0x4df: {  	v9 =	vld [tilespmem:s24+$0xFFFFFFA0]  }
0x4e0: {  	v10 =	vld [tilespmem:s24+$0xFFFFFFB0]  }
0x4e1: {  	v11 =	vld [tilespmem:s24+$0xFFFFFFC0]  }
0x4e2: {  	s22 =	sadd.s32 $0x100, s22;
	v12 =	vld [tilespmem:s24+$0xFFFFFFD0]  }
0x4e3: {  	v13 =	vld [tilespmem:s24+$0xFFFFFFE0];
	[tilespmem:s22+$0x70] =	vst v6  }
0x4e4: {  	v6 =	vld [tilespmem:s24+$0xFFFFFFF0]  }
0x4e5: {  	v14 =	vld [tilespmem:s24+$0xFFFFFF10]  }
0x4e6: {  	v0 =	vld.idx.msk [tilespmem:v0+s16+$0x0], $0xffff  }
0x4e7: {  	v1 =	vld.idx.msk [tilespmem:v1+s16+$0x0], $0xffff  }
0x4e8: {  	v2 =	vld.idx.msk [tilespmem:v2+s16+$0x0], $0xffff  }
0x4e9: {  	v3 =	vld.idx.msk [tilespmem:v3+s16+$0x0], $0xffff  }
0x4ea: {  	v4 =	vld.idx.msk [tilespmem:v4+s16+$0x0], $0xffff  }
0x4eb: {  	v5 =	vld.idx.msk [tilespmem:v5+s16+$0x0], $0xffff  }
0x4ec: {  	[tilespmem:s22+$0xFFFFFF90] =	vst v0;
	v7 =	vld.idx.msk [tilespmem:v7+s16+$0x0], $0xffff  }
0x4ed: {  	v14 =	vld.idx.msk [tilespmem:v14+s16+$0x0], $0xffff;
	[tilespmem:s22+$0xFFFFFFA0] =	vst v1  }
0x4ee: {  	[tilespmem:s22+$0xFFFFFFB0] =	vst v2;
	v8 =	vld.idx.msk [tilespmem:v8+s16+$0x0], $0xffff  }
0x4ef: {  	[tilespmem:s22+$0xFFFFFFC0] =	vst v3;
	v0 =	vld.idx.msk [tilespmem:v9+s16+$0x0], $0xffff  }
.Ltmp20:
0x4f0: {  	[tilespmem:s22+$0xFFFFFFD0] =	vst v4;
	v1 =	vld.idx.msk [tilespmem:v10+s16+$0x0], $0xffff;
	(pc) =	sbr.rel @p2 .LBB2_37-.Ltmp20, $4  }
0x4f1: {  	[tilespmem:s22+$0xFFFFFFE0] =	vst v5;
	v2 =	vld.idx.msk [tilespmem:v11+s16+$0x0], $0xffff  }
0x4f2: {  	[tilespmem:s22+$0xFFFFFFF0] =	vst v7;
	v3 =	vld.idx.msk [tilespmem:v12+s16+$0x0], $0xffff  }
0x4f3: {  	[tilespmem:s22+$0xFFFFFF80] =	vst v14;
	v4 =	vld.idx.msk [tilespmem:v13+s16+$0x0], $0xffff  }
0x4f4: {  	s24 =	sadd.s32 $0x100, s24;
	[tilespmem:s22+$0x0] =	vst v8;
	v5 =	vld.idx.msk [tilespmem:v6+s16+$0x0], $0xffff  }
0x4f5: {  	[tilespmem:s22+$0x10] =	vst v0  }
0x4f6: {  	[tilespmem:s22+$0x20] =	vst v1  }
0x4f7: {  	[tilespmem:s22+$0x30] =	vst v2  }
0x4f8: {  	[tilespmem:s22+$0x40] =	vst v3  }
0x4f9: {  	[tilespmem:s22+$0x50] =	vst v4  }
0x4fa: {  	s30 =	sadd.s32 $0x1800, s11;
	[tilespmem:s22+$0x60] =	vst v5  }
0x4fb: {  	[hbm4b:s30+s13] =	stream.strided.scatter [tilespmem:s18], [sflag:$0x2], $0x800, s14, s13, $0x38;
	[tilespmem:$0x1F900] =	vst v63  }
0x4fc: {  	_ =	swait.ge [sflag:s19], $0x800  }
0x4fd: {  	[sflag:s19] =	ssyncset.done $0x0  }
0x4fe: {  	s31 =	simm.s32 $0x20F0;
	[sflag:s19] =	ssyncadd.s32 $0xFFFFF800  }
0x4ff: {  	v0 =	vld [tilespmem:s31+$0x0]  }
0x500: {  	v1 =	vld [tilespmem:s31+$0xFFFFFF20]  }
0x501: {  	v2 =	vld [tilespmem:s31+$0xFFFFFF30]  }
0x502: {  	v3 =	vld [tilespmem:s31+$0xFFFFFF40]  }
0x503: {  	v4 =	vld [tilespmem:s31+$0xFFFFFF50]  }
0x504: {  	v5 =	vld [tilespmem:s31+$0xFFFFFF60]  }
0x505: {  	v6 =	vld [tilespmem:s31+$0xFFFFFF70]  }
0x506: {  	v7 =	vld [tilespmem:s31+$0xFFFFFF80]  }
0x507: {  	v8 =	vld [tilespmem:s31+$0xFFFFFF90]  }
0x508: {  	v9 =	vld [tilespmem:s31+$0xFFFFFFA0]  }
0x509: {  	v10 =	vld [tilespmem:s31+$0xFFFFFFB0]  }
0x50a: {  	v11 =	vld [tilespmem:s31+$0xFFFFFFC0]  }
0x50b: {  	v12 =	vld [tilespmem:s31+$0xFFFFFFD0]  }
0x50c: {  	v13 =	vld [tilespmem:s31+$0xFFFFFFE0]  }
0x50d: {  	v14 =	vld [tilespmem:s31+$0xFFFFFFF0]  }
0x50e: {  	v15 =	vld [tilespmem:s31+$0xFFFFFF10]  }
0x50f: {  	v0 =	vld.idx.msk [tilespmem:v0+s16+$0x0], $0xffff  }
0x510: {  	v1 =	vld.idx.msk [tilespmem:v1+s16+$0x0], $0xffff  }
0x511: {  	v2 =	vld.idx.msk [tilespmem:v2+s16+$0x0], $0xffff  }
0x512: {  	v3 =	vld.idx.msk [tilespmem:v3+s16+$0x0], $0xffff  }
0x513: {  	v4 =	vld.idx.msk [tilespmem:v4+s16+$0x0], $0xffff  }
0x514: {  	s22 =	simm.s32 $0x1E980;
	v5 =	vld.idx.msk [tilespmem:v5+s16+$0x0], $0xffff  }
0x515: {  	v6 =	vld.idx.msk [tilespmem:v6+s16+$0x0], $0xffff;
	[tilespmem:s22+$0x70] =	vst v0  }
0x516: {  	v7 =	vld.idx.msk [tilespmem:v7+s16+$0x0], $0xffff;
	[tilespmem:s22+$0xFFFFFF90] =	vst v1  }
0x517: {  	v15 =	vld.idx.msk [tilespmem:v15+s16+$0x0], $0xffff;
	[tilespmem:s22+$0xFFFFFFA0] =	vst v2  }
0x518: {  	v8 =	vld.idx.msk [tilespmem:v8+s16+$0x0], $0xffff;
	[tilespmem:s22+$0xFFFFFFB0] =	vst v3  }
0x519: {  	[tilespmem:s22+$0xFFFFFFC0] =	vst v4;
	v0 =	vld.idx.msk [tilespmem:v9+s16+$0x0], $0xffff  }
0x51a: {  	[tilespmem:s22+$0xFFFFFFD0] =	vst v5;
	v1 =	vld.idx.msk [tilespmem:v10+s16+$0x0], $0xffff  }
0x51b: {  	[tilespmem:s22+$0xFFFFFFE0] =	vst v6;
	v2 =	vld.idx.msk [tilespmem:v11+s16+$0x0], $0xffff  }
0x51c: {  	[tilespmem:s22+$0xFFFFFFF0] =	vst v7;
	v3 =	vld.idx.msk [tilespmem:v12+s16+$0x0], $0xffff  }
0x51d: {  	[tilespmem:s22+$0xFFFFFF80] =	vst v15;
	v4 =	vld.idx.msk [tilespmem:v13+s16+$0x0], $0xffff  }
0x51e: {  	s23 =	simm.s32 $0x0;
	s24 =	simm.s32 $0x21F0;
	[tilespmem:s22+$0x0] =	vst v8;
	v5 =	vld.idx.msk [tilespmem:v14+s16+$0x0], $0xffff  }
.LBB2_39:
0x51f: {  	v6 =	vld [tilespmem:s24+$0x0];
	s23 =	sadd.s32 $0x10, s23;
	[tilespmem:s22+$0x10] =	vst v0  }
0x520: {  	v0 =	vld [tilespmem:s24+$0xFFFFFF20];
	p2 =	slt.u32 s23, $0x70;
	[tilespmem:s22+$0x20] =	vst v1  }
0x521: {  	v1 =	vld [tilespmem:s24+$0xFFFFFF30];
	[tilespmem:s22+$0x30] =	vst v2  }
0x522: {  	v2 =	vld [tilespmem:s24+$0xFFFFFF40];
	[tilespmem:s22+$0x40] =	vst v3  }
0x523: {  	v3 =	vld [tilespmem:s24+$0xFFFFFF50];
	[tilespmem:s22+$0x50] =	vst v4  }
0x524: {  	v4 =	vld [tilespmem:s24+$0xFFFFFF60];
	[tilespmem:s22+$0x60] =	vst v5  }
0x525: {  	v5 =	vld [tilespmem:s24+$0xFFFFFF70]  }
0x526: {  	v7 =	vld [tilespmem:s24+$0xFFFFFF80]  }
0x527: {  	v6 =	vld.idx.msk [tilespmem:v6+s16+$0x0], $0xffff  }
0x528: {  	v8 =	vld [tilespmem:s24+$0xFFFFFF90]  }
0x529: {  	v9 =	vld [tilespmem:s24+$0xFFFFFFA0]  }
0x52a: {  	v10 =	vld [tilespmem:s24+$0xFFFFFFB0]  }
0x52b: {  	v11 =	vld [tilespmem:s24+$0xFFFFFFC0]  }
0x52c: {  	s22 =	sadd.s32 $0x100, s22;
	v12 =	vld [tilespmem:s24+$0xFFFFFFD0]  }
0x52d: {  	v13 =	vld [tilespmem:s24+$0xFFFFFFE0];
	[tilespmem:s22+$0x70] =	vst v6  }
0x52e: {  	v6 =	vld [tilespmem:s24+$0xFFFFFFF0]  }
0x52f: {  	v14 =	vld [tilespmem:s24+$0xFFFFFF10]  }
0x530: {  	v0 =	vld.idx.msk [tilespmem:v0+s16+$0x0], $0xffff  }
0x531: {  	v1 =	vld.idx.msk [tilespmem:v1+s16+$0x0], $0xffff  }
0x532: {  	v2 =	vld.idx.msk [tilespmem:v2+s16+$0x0], $0xffff  }
0x533: {  	v3 =	vld.idx.msk [tilespmem:v3+s16+$0x0], $0xffff  }
0x534: {  	v4 =	vld.idx.msk [tilespmem:v4+s16+$0x0], $0xffff  }
0x535: {  	v5 =	vld.idx.msk [tilespmem:v5+s16+$0x0], $0xffff  }
0x536: {  	[tilespmem:s22+$0xFFFFFF90] =	vst v0;
	v7 =	vld.idx.msk [tilespmem:v7+s16+$0x0], $0xffff  }
0x537: {  	v14 =	vld.idx.msk [tilespmem:v14+s16+$0x0], $0xffff;
	[tilespmem:s22+$0xFFFFFFA0] =	vst v1  }
0x538: {  	[tilespmem:s22+$0xFFFFFFB0] =	vst v2;
	v8 =	vld.idx.msk [tilespmem:v8+s16+$0x0], $0xffff  }
0x539: {  	[tilespmem:s22+$0xFFFFFFC0] =	vst v3;
	v0 =	vld.idx.msk [tilespmem:v9+s16+$0x0], $0xffff  }
.Ltmp21:
0x53a: {  	[tilespmem:s22+$0xFFFFFFD0] =	vst v4;
	v1 =	vld.idx.msk [tilespmem:v10+s16+$0x0], $0xffff;
	(pc) =	sbr.rel @p2 .LBB2_39-.Ltmp21, $4  }
0x53b: {  	[tilespmem:s22+$0xFFFFFFE0] =	vst v5;
	v2 =	vld.idx.msk [tilespmem:v11+s16+$0x0], $0xffff  }
0x53c: {  	[tilespmem:s22+$0xFFFFFFF0] =	vst v7;
	v3 =	vld.idx.msk [tilespmem:v12+s16+$0x0], $0xffff  }
0x53d: {  	[tilespmem:s22+$0xFFFFFF80] =	vst v14;
	v4 =	vld.idx.msk [tilespmem:v13+s16+$0x0], $0xffff  }
0x53e: {  	s24 =	sadd.s32 $0x100, s24;
	[tilespmem:s22+$0x0] =	vst v8;
	v5 =	vld.idx.msk [tilespmem:v6+s16+$0x0], $0xffff  }
0x53f: {  	[tilespmem:s22+$0x10] =	vst v0  }
0x540: {  	[tilespmem:s22+$0x20] =	vst v1  }
0x541: {  	[tilespmem:s22+$0x30] =	vst v2  }
0x542: {  	[tilespmem:s22+$0x40] =	vst v3  }
0x543: {  	[tilespmem:s22+$0x50] =	vst v4  }
0x544: {  	s30 =	sadd.s32 $0x2000, s11;
	[tilespmem:s22+$0x60] =	vst v5  }
0x545: {  	[hbm4b:s30+s13] =	stream.strided.scatter [tilespmem:s17], [sflag:$0x1], $0x800, s14, s13, $0x38;
	[tilespmem:$0x1F900] =	vst v63  }
0x546: {  	_ =	swait.ge [sflag:s20], $0x800  }
0x547: {  	[sflag:s20] =	ssyncset.done $0x0  }
0x548: {  	s31 =	simm.s32 $0x28F0;
	[sflag:s20] =	ssyncadd.s32 $0xFFFFF800  }
0x549: {  	v0 =	vld [tilespmem:s31+$0x0]  }
0x54a: {  	v1 =	vld [tilespmem:s31+$0xFFFFFF20]  }
0x54b: {  	v2 =	vld [tilespmem:s31+$0xFFFFFF30]  }
0x54c: {  	v3 =	vld [tilespmem:s31+$0xFFFFFF40]  }
0x54d: {  	v4 =	vld [tilespmem:s31+$0xFFFFFF50]  }
0x54e: {  	v5 =	vld [tilespmem:s31+$0xFFFFFF60]  }
0x54f: {  	v6 =	vld [tilespmem:s31+$0xFFFFFF70]  }
0x550: {  	v7 =	vld [tilespmem:s31+$0xFFFFFF80]  }
0x551: {  	v8 =	vld [tilespmem:s31+$0xFFFFFF90]  }
0x552: {  	v9 =	vld [tilespmem:s31+$0xFFFFFFA0]  }
0x553: {  	v10 =	vld [tilespmem:s31+$0xFFFFFFB0]  }
0x554: {  	v11 =	vld [tilespmem:s31+$0xFFFFFFC0]  }
0x555: {  	v12 =	vld [tilespmem:s31+$0xFFFFFFD0]  }
0x556: {  	v13 =	vld [tilespmem:s31+$0xFFFFFFE0]  }
0x557: {  	v14 =	vld [tilespmem:s31+$0xFFFFFFF0]  }
0x558: {  	v15 =	vld [tilespmem:s31+$0xFFFFFF10]  }
0x559: {  	v0 =	vld.idx.msk [tilespmem:v0+s16+$0x0], $0xffff  }
0x55a: {  	v1 =	vld.idx.msk [tilespmem:v1+s16+$0x0], $0xffff  }
0x55b: {  	v2 =	vld.idx.msk [tilespmem:v2+s16+$0x0], $0xffff  }
0x55c: {  	v3 =	vld.idx.msk [tilespmem:v3+s16+$0x0], $0xffff  }
0x55d: {  	v4 =	vld.idx.msk [tilespmem:v4+s16+$0x0], $0xffff  }
0x55e: {  	s22 =	simm.s32 $0x1F180;
	v5 =	vld.idx.msk [tilespmem:v5+s16+$0x0], $0xffff  }
0x55f: {  	v6 =	vld.idx.msk [tilespmem:v6+s16+$0x0], $0xffff;
	[tilespmem:s22+$0x70] =	vst v0  }
0x560: {  	v7 =	vld.idx.msk [tilespmem:v7+s16+$0x0], $0xffff;
	[tilespmem:s22+$0xFFFFFF90] =	vst v1  }
0x561: {  	v15 =	vld.idx.msk [tilespmem:v15+s16+$0x0], $0xffff;
	[tilespmem:s22+$0xFFFFFFA0] =	vst v2  }
0x562: {  	v8 =	vld.idx.msk [tilespmem:v8+s16+$0x0], $0xffff;
	[tilespmem:s22+$0xFFFFFFB0] =	vst v3  }
0x563: {  	[tilespmem:s22+$0xFFFFFFC0] =	vst v4;
	v0 =	vld.idx.msk [tilespmem:v9+s16+$0x0], $0xffff  }
0x564: {  	[tilespmem:s22+$0xFFFFFFD0] =	vst v5;
	v1 =	vld.idx.msk [tilespmem:v10+s16+$0x0], $0xffff  }
0x565: {  	[tilespmem:s22+$0xFFFFFFE0] =	vst v6;
	v2 =	vld.idx.msk [tilespmem:v11+s16+$0x0], $0xffff  }
0x566: {  	[tilespmem:s22+$0xFFFFFFF0] =	vst v7;
	v3 =	vld.idx.msk [tilespmem:v12+s16+$0x0], $0xffff  }
0x567: {  	[tilespmem:s22+$0xFFFFFF80] =	vst v15;
	v4 =	vld.idx.msk [tilespmem:v13+s16+$0x0], $0xffff  }
0x568: {  	s23 =	simm.s32 $0x0;
	s24 =	simm.s32 $0x29F0;
	[tilespmem:s22+$0x0] =	vst v8;
	v5 =	vld.idx.msk [tilespmem:v14+s16+$0x0], $0xffff  }
.LBB2_41:
0x569: {  	v6 =	vld [tilespmem:s24+$0x0];
	s23 =	sadd.s32 $0x10, s23;
	[tilespmem:s22+$0x10] =	vst v0  }
0x56a: {  	v0 =	vld [tilespmem:s24+$0xFFFFFF20];
	p2 =	slt.u32 s23, $0x70;
	[tilespmem:s22+$0x20] =	vst v1  }
0x56b: {  	v1 =	vld [tilespmem:s24+$0xFFFFFF30];
	[tilespmem:s22+$0x30] =	vst v2  }
0x56c: {  	v2 =	vld [tilespmem:s24+$0xFFFFFF40];
	[tilespmem:s22+$0x40] =	vst v3  }
0x56d: {  	v3 =	vld [tilespmem:s24+$0xFFFFFF50];
	[tilespmem:s22+$0x50] =	vst v4  }
0x56e: {  	v4 =	vld [tilespmem:s24+$0xFFFFFF60];
	[tilespmem:s22+$0x60] =	vst v5  }
0x56f: {  	v5 =	vld [tilespmem:s24+$0xFFFFFF70]  }
0x570: {  	v7 =	vld [tilespmem:s24+$0xFFFFFF80]  }
0x571: {  	v6 =	vld.idx.msk [tilespmem:v6+s16+$0x0], $0xffff  }
0x572: {  	v8 =	vld [tilespmem:s24+$0xFFFFFF90]  }
0x573: {  	v9 =	vld [tilespmem:s24+$0xFFFFFFA0]  }
0x574: {  	v10 =	vld [tilespmem:s24+$0xFFFFFFB0]  }
0x575: {  	v11 =	vld [tilespmem:s24+$0xFFFFFFC0]  }
0x576: {  	s22 =	sadd.s32 $0x100, s22;
	v12 =	vld [tilespmem:s24+$0xFFFFFFD0]  }
0x577: {  	v13 =	vld [tilespmem:s24+$0xFFFFFFE0];
	[tilespmem:s22+$0x70] =	vst v6  }
0x578: {  	v6 =	vld [tilespmem:s24+$0xFFFFFFF0]  }
0x579: {  	v14 =	vld [tilespmem:s24+$0xFFFFFF10]  }
0x57a: {  	v0 =	vld.idx.msk [tilespmem:v0+s16+$0x0], $0xffff  }
0x57b: {  	v1 =	vld.idx.msk [tilespmem:v1+s16+$0x0], $0xffff  }
0x57c: {  	v2 =	vld.idx.msk [tilespmem:v2+s16+$0x0], $0xffff  }
0x57d: {  	v3 =	vld.idx.msk [tilespmem:v3+s16+$0x0], $0xffff  }
0x57e: {  	v4 =	vld.idx.msk [tilespmem:v4+s16+$0x0], $0xffff  }
0x57f: {  	v5 =	vld.idx.msk [tilespmem:v5+s16+$0x0], $0xffff  }
0x580: {  	[tilespmem:s22+$0xFFFFFF90] =	vst v0;
	v7 =	vld.idx.msk [tilespmem:v7+s16+$0x0], $0xffff  }
0x581: {  	v14 =	vld.idx.msk [tilespmem:v14+s16+$0x0], $0xffff;
	[tilespmem:s22+$0xFFFFFFA0] =	vst v1  }
0x582: {  	[tilespmem:s22+$0xFFFFFFB0] =	vst v2;
	v8 =	vld.idx.msk [tilespmem:v8+s16+$0x0], $0xffff  }
0x583: {  	[tilespmem:s22+$0xFFFFFFC0] =	vst v3;
	v0 =	vld.idx.msk [tilespmem:v9+s16+$0x0], $0xffff  }
.Ltmp22:
0x584: {  	[tilespmem:s22+$0xFFFFFFD0] =	vst v4;
	v1 =	vld.idx.msk [tilespmem:v10+s16+$0x0], $0xffff;
	(pc) =	sbr.rel @p2 .LBB2_41-.Ltmp22, $4  }
0x585: {  	[tilespmem:s22+$0xFFFFFFE0] =	vst v5;
	v2 =	vld.idx.msk [tilespmem:v11+s16+$0x0], $0xffff  }
0x586: {  	[tilespmem:s22+$0xFFFFFFF0] =	vst v7;
	v3 =	vld.idx.msk [tilespmem:v12+s16+$0x0], $0xffff  }
0x587: {  	[tilespmem:s22+$0xFFFFFF80] =	vst v14;
	v4 =	vld.idx.msk [tilespmem:v13+s16+$0x0], $0xffff  }
0x588: {  	s24 =	sadd.s32 $0x100, s24;
	[tilespmem:s22+$0x0] =	vst v8;
	v5 =	vld.idx.msk [tilespmem:v6+s16+$0x0], $0xffff  }
0x589: {  	[tilespmem:s22+$0x10] =	vst v0  }
0x58a: {  	[tilespmem:s22+$0x20] =	vst v1  }
0x58b: {  	[tilespmem:s22+$0x30] =	vst v2  }
0x58c: {  	[tilespmem:s22+$0x40] =	vst v3  }
0x58d: {  	[tilespmem:s22+$0x50] =	vst v4  }
0x58e: {  	s30 =	sadd.s32 $0x2800, s11;
	[tilespmem:s22+$0x60] =	vst v5  }
0x58f: {  	[hbm4b:s30+s13] =	stream.strided.scatter [tilespmem:s18], [sflag:$0x2], $0x800, s14, s13, $0x38;
	[tilespmem:$0x1F900] =	vst v63  }
0x590: {  	_ =	swait.ge [sflag:s19], $0x800  }
0x591: {  	[sflag:s19] =	ssyncset.done $0x0  }
0x592: {  	s31 =	simm.s32 $0x30F0;
	[sflag:s19] =	ssyncadd.s32 $0xFFFFF800  }
0x593: {  	v0 =	vld [tilespmem:s31+$0x0]  }
0x594: {  	v1 =	vld [tilespmem:s31+$0xFFFFFF20]  }
0x595: {  	v2 =	vld [tilespmem:s31+$0xFFFFFF30]  }
0x596: {  	v3 =	vld [tilespmem:s31+$0xFFFFFF40]  }
0x597: {  	v4 =	vld [tilespmem:s31+$0xFFFFFF50]  }
0x598: {  	v5 =	vld [tilespmem:s31+$0xFFFFFF60]  }
0x599: {  	v6 =	vld [tilespmem:s31+$0xFFFFFF70]  }
0x59a: {  	v7 =	vld [tilespmem:s31+$0xFFFFFF80]  }
0x59b: {  	v8 =	vld [tilespmem:s31+$0xFFFFFF90]  }
0x59c: {  	v9 =	vld [tilespmem:s31+$0xFFFFFFA0]  }
0x59d: {  	v10 =	vld [tilespmem:s31+$0xFFFFFFB0]  }
0x59e: {  	v11 =	vld [tilespmem:s31+$0xFFFFFFC0]  }
0x59f: {  	v12 =	vld [tilespmem:s31+$0xFFFFFFD0]  }
0x5a0: {  	v13 =	vld [tilespmem:s31+$0xFFFFFFE0]  }
0x5a1: {  	v14 =	vld [tilespmem:s31+$0xFFFFFFF0]  }
0x5a2: {  	v15 =	vld [tilespmem:s31+$0xFFFFFF10]  }
0x5a3: {  	v0 =	vld.idx.msk [tilespmem:v0+s16+$0x0], $0xffff  }
0x5a4: {  	v1 =	vld.idx.msk [tilespmem:v1+s16+$0x0], $0xffff  }
0x5a5: {  	v2 =	vld.idx.msk [tilespmem:v2+s16+$0x0], $0xffff  }
0x5a6: {  	v3 =	vld.idx.msk [tilespmem:v3+s16+$0x0], $0xffff  }
0x5a7: {  	v4 =	vld.idx.msk [tilespmem:v4+s16+$0x0], $0xffff  }
0x5a8: {  	s22 =	simm.s32 $0x1E980;
	v5 =	vld.idx.msk [tilespmem:v5+s16+$0x0], $0xffff  }
0x5a9: {  	v6 =	vld.idx.msk [tilespmem:v6+s16+$0x0], $0xffff;
	[tilespmem:s22+$0x70] =	vst v0  }
0x5aa: {  	v7 =	vld.idx.msk [tilespmem:v7+s16+$0x0], $0xffff;
	[tilespmem:s22+$0xFFFFFF90] =	vst v1  }
0x5ab: {  	v15 =	vld.idx.msk [tilespmem:v15+s16+$0x0], $0xffff;
	[tilespmem:s22+$0xFFFFFFA0] =	vst v2  }
0x5ac: {  	v8 =	vld.idx.msk [tilespmem:v8+s16+$0x0], $0xffff;
	[tilespmem:s22+$0xFFFFFFB0] =	vst v3  }
0x5ad: {  	[tilespmem:s22+$0xFFFFFFC0] =	vst v4;
	v0 =	vld.idx.msk [tilespmem:v9+s16+$0x0], $0xffff  }
0x5ae: {  	[tilespmem:s22+$0xFFFFFFD0] =	vst v5;
	v1 =	vld.idx.msk [tilespmem:v10+s16+$0x0], $0xffff  }
0x5af: {  	[tilespmem:s22+$0xFFFFFFE0] =	vst v6;
	v2 =	vld.idx.msk [tilespmem:v11+s16+$0x0], $0xffff  }
0x5b0: {  	[tilespmem:s22+$0xFFFFFFF0] =	vst v7;
	v3 =	vld.idx.msk [tilespmem:v12+s16+$0x0], $0xffff  }
0x5b1: {  	[tilespmem:s22+$0xFFFFFF80] =	vst v15;
	v4 =	vld.idx.msk [tilespmem:v13+s16+$0x0], $0xffff  }
0x5b2: {  	s23 =	simm.s32 $0x0;
	s24 =	simm.s32 $0x31F0;
	[tilespmem:s22+$0x0] =	vst v8;
	v5 =	vld.idx.msk [tilespmem:v14+s16+$0x0], $0xffff  }
.LBB2_43:
0x5b3: {  	v6 =	vld [tilespmem:s24+$0x0];
	s23 =	sadd.s32 $0x10, s23;
	[tilespmem:s22+$0x10] =	vst v0  }
0x5b4: {  	v0 =	vld [tilespmem:s24+$0xFFFFFF20];
	p2 =	slt.u32 s23, $0x70;
	[tilespmem:s22+$0x20] =	vst v1  }
0x5b5: {  	v1 =	vld [tilespmem:s24+$0xFFFFFF30];
	[tilespmem:s22+$0x30] =	vst v2  }
0x5b6: {  	v2 =	vld [tilespmem:s24+$0xFFFFFF40];
	[tilespmem:s22+$0x40] =	vst v3  }
0x5b7: {  	v3 =	vld [tilespmem:s24+$0xFFFFFF50];
	[tilespmem:s22+$0x50] =	vst v4  }
0x5b8: {  	v4 =	vld [tilespmem:s24+$0xFFFFFF60];
	[tilespmem:s22+$0x60] =	vst v5  }
0x5b9: {  	v5 =	vld [tilespmem:s24+$0xFFFFFF70]  }
0x5ba: {  	v7 =	vld [tilespmem:s24+$0xFFFFFF80]  }
0x5bb: {  	v6 =	vld.idx.msk [tilespmem:v6+s16+$0x0], $0xffff  }
0x5bc: {  	v8 =	vld [tilespmem:s24+$0xFFFFFF90]  }
0x5bd: {  	v9 =	vld [tilespmem:s24+$0xFFFFFFA0]  }
0x5be: {  	v10 =	vld [tilespmem:s24+$0xFFFFFFB0]  }
0x5bf: {  	v11 =	vld [tilespmem:s24+$0xFFFFFFC0]  }
0x5c0: {  	s22 =	sadd.s32 $0x100, s22;
	v12 =	vld [tilespmem:s24+$0xFFFFFFD0]  }
0x5c1: {  	v13 =	vld [tilespmem:s24+$0xFFFFFFE0];
	[tilespmem:s22+$0x70] =	vst v6  }
0x5c2: {  	v6 =	vld [tilespmem:s24+$0xFFFFFFF0]  }
0x5c3: {  	v14 =	vld [tilespmem:s24+$0xFFFFFF10]  }
0x5c4: {  	v0 =	vld.idx.msk [tilespmem:v0+s16+$0x0], $0xffff  }
0x5c5: {  	v1 =	vld.idx.msk [tilespmem:v1+s16+$0x0], $0xffff  }
0x5c6: {  	v2 =	vld.idx.msk [tilespmem:v2+s16+$0x0], $0xffff  }
0x5c7: {  	v3 =	vld.idx.msk [tilespmem:v3+s16+$0x0], $0xffff  }
0x5c8: {  	v4 =	vld.idx.msk [tilespmem:v4+s16+$0x0], $0xffff  }
0x5c9: {  	v5 =	vld.idx.msk [tilespmem:v5+s16+$0x0], $0xffff  }
0x5ca: {  	[tilespmem:s22+$0xFFFFFF90] =	vst v0;
	v7 =	vld.idx.msk [tilespmem:v7+s16+$0x0], $0xffff  }
0x5cb: {  	v14 =	vld.idx.msk [tilespmem:v14+s16+$0x0], $0xffff;
	[tilespmem:s22+$0xFFFFFFA0] =	vst v1  }
0x5cc: {  	[tilespmem:s22+$0xFFFFFFB0] =	vst v2;
	v8 =	vld.idx.msk [tilespmem:v8+s16+$0x0], $0xffff  }
0x5cd: {  	[tilespmem:s22+$0xFFFFFFC0] =	vst v3;
	v0 =	vld.idx.msk [tilespmem:v9+s16+$0x0], $0xffff  }
.Ltmp23:
0x5ce: {  	[tilespmem:s22+$0xFFFFFFD0] =	vst v4;
	v1 =	vld.idx.msk [tilespmem:v10+s16+$0x0], $0xffff;
	(pc) =	sbr.rel @p2 .LBB2_43-.Ltmp23, $4  }
0x5cf: {  	[tilespmem:s22+$0xFFFFFFE0] =	vst v5;
	v2 =	vld.idx.msk [tilespmem:v11+s16+$0x0], $0xffff  }
0x5d0: {  	[tilespmem:s22+$0xFFFFFFF0] =	vst v7;
	v3 =	vld.idx.msk [tilespmem:v12+s16+$0x0], $0xffff  }
0x5d1: {  	[tilespmem:s22+$0xFFFFFF80] =	vst v14;
	v4 =	vld.idx.msk [tilespmem:v13+s16+$0x0], $0xffff  }
0x5d2: {  	s24 =	sadd.s32 $0x100, s24;
	[tilespmem:s22+$0x0] =	vst v8;
	v5 =	vld.idx.msk [tilespmem:v6+s16+$0x0], $0xffff  }
0x5d3: {  	[tilespmem:s22+$0x10] =	vst v0  }
0x5d4: {  	[tilespmem:s22+$0x20] =	vst v1  }
0x5d5: {  	[tilespmem:s22+$0x30] =	vst v2  }
0x5d6: {  	[tilespmem:s22+$0x40] =	vst v3  }
0x5d7: {  	[tilespmem:s22+$0x50] =	vst v4  }
0x5d8: {  	s30 =	sadd.s32 $0x3000, s11;
	[tilespmem:s22+$0x60] =	vst v5  }
0x5d9: {  	[hbm4b:s30+s13] =	stream.strided.scatter [tilespmem:s17], [sflag:$0x1], $0x800, s14, s13, $0x38;
	[tilespmem:$0x1F900] =	vst v63  }
0x5da: {  	_ =	swait.ge [sflag:s20], $0x800  }
0x5db: {  	[sflag:s20] =	ssyncset.done $0x0  }
0x5dc: {  	s31 =	simm.s32 $0x38F0;
	[sflag:s20] =	ssyncadd.s32 $0xFFFFF800  }
0x5dd: {  	v0 =	vld [tilespmem:s31+$0x0]  }
0x5de: {  	v1 =	vld [tilespmem:s31+$0xFFFFFF20]  }
0x5df: {  	v2 =	vld [tilespmem:s31+$0xFFFFFF30]  }
0x5e0: {  	v3 =	vld [tilespmem:s31+$0xFFFFFF40]  }
0x5e1: {  	v4 =	vld [tilespmem:s31+$0xFFFFFF50]  }
0x5e2: {  	v5 =	vld [tilespmem:s31+$0xFFFFFF60]  }
0x5e3: {  	v6 =	vld [tilespmem:s31+$0xFFFFFF70]  }
0x5e4: {  	v7 =	vld [tilespmem:s31+$0xFFFFFF80]  }
0x5e5: {  	v8 =	vld [tilespmem:s31+$0xFFFFFF90]  }
0x5e6: {  	v9 =	vld [tilespmem:s31+$0xFFFFFFA0]  }
0x5e7: {  	v10 =	vld [tilespmem:s31+$0xFFFFFFB0]  }
0x5e8: {  	v11 =	vld [tilespmem:s31+$0xFFFFFFC0]  }
0x5e9: {  	v12 =	vld [tilespmem:s31+$0xFFFFFFD0]  }
0x5ea: {  	v13 =	vld [tilespmem:s31+$0xFFFFFFE0]  }
0x5eb: {  	v14 =	vld [tilespmem:s31+$0xFFFFFFF0]  }
0x5ec: {  	v15 =	vld [tilespmem:s31+$0xFFFFFF10]  }
0x5ed: {  	v0 =	vld.idx.msk [tilespmem:v0+s16+$0x0], $0xffff  }
0x5ee: {  	v1 =	vld.idx.msk [tilespmem:v1+s16+$0x0], $0xffff  }
0x5ef: {  	v2 =	vld.idx.msk [tilespmem:v2+s16+$0x0], $0xffff  }
0x5f0: {  	v3 =	vld.idx.msk [tilespmem:v3+s16+$0x0], $0xffff  }
0x5f1: {  	v4 =	vld.idx.msk [tilespmem:v4+s16+$0x0], $0xffff  }
0x5f2: {  	s22 =	simm.s32 $0x1F180;
	v5 =	vld.idx.msk [tilespmem:v5+s16+$0x0], $0xffff  }
0x5f3: {  	v6 =	vld.idx.msk [tilespmem:v6+s16+$0x0], $0xffff;
	[tilespmem:s22+$0x70] =	vst v0  }
0x5f4: {  	v7 =	vld.idx.msk [tilespmem:v7+s16+$0x0], $0xffff;
	[tilespmem:s22+$0xFFFFFF90] =	vst v1  }
0x5f5: {  	v15 =	vld.idx.msk [tilespmem:v15+s16+$0x0], $0xffff;
	[tilespmem:s22+$0xFFFFFFA0] =	vst v2  }
0x5f6: {  	v8 =	vld.idx.msk [tilespmem:v8+s16+$0x0], $0xffff;
	[tilespmem:s22+$0xFFFFFFB0] =	vst v3  }
0x5f7: {  	[tilespmem:s22+$0xFFFFFFC0] =	vst v4;
	v0 =	vld.idx.msk [tilespmem:v9+s16+$0x0], $0xffff  }
0x5f8: {  	[tilespmem:s22+$0xFFFFFFD0] =	vst v5;
	v1 =	vld.idx.msk [tilespmem:v10+s16+$0x0], $0xffff  }
0x5f9: {  	[tilespmem:s22+$0xFFFFFFE0] =	vst v6;
	v2 =	vld.idx.msk [tilespmem:v11+s16+$0x0], $0xffff  }
0x5fa: {  	[tilespmem:s22+$0xFFFFFFF0] =	vst v7;
	v3 =	vld.idx.msk [tilespmem:v12+s16+$0x0], $0xffff  }
0x5fb: {  	[tilespmem:s22+$0xFFFFFF80] =	vst v15;
	v4 =	vld.idx.msk [tilespmem:v13+s16+$0x0], $0xffff  }
0x5fc: {  	s23 =	simm.s32 $0x0;
	s24 =	simm.s32 $0x39F0;
	[tilespmem:s22+$0x0] =	vst v8;
	v5 =	vld.idx.msk [tilespmem:v14+s16+$0x0], $0xffff  }
.LBB2_45:
0x5fd: {  	v6 =	vld [tilespmem:s24+$0x0];
	s23 =	sadd.s32 $0x10, s23;
	[tilespmem:s22+$0x10] =	vst v0  }
0x5fe: {  	v0 =	vld [tilespmem:s24+$0xFFFFFF20];
	p2 =	slt.u32 s23, $0x70;
	[tilespmem:s22+$0x20] =	vst v1  }
0x5ff: {  	v1 =	vld [tilespmem:s24+$0xFFFFFF30];
	[tilespmem:s22+$0x30] =	vst v2  }
0x600: {  	v2 =	vld [tilespmem:s24+$0xFFFFFF40];
	[tilespmem:s22+$0x40] =	vst v3  }
0x601: {  	v3 =	vld [tilespmem:s24+$0xFFFFFF50];
	[tilespmem:s22+$0x50] =	vst v4  }
0x602: {  	v4 =	vld [tilespmem:s24+$0xFFFFFF60];
	[tilespmem:s22+$0x60] =	vst v5  }
0x603: {  	v5 =	vld [tilespmem:s24+$0xFFFFFF70]  }
0x604: {  	v7 =	vld [tilespmem:s24+$0xFFFFFF80]  }
0x605: {  	v6 =	vld.idx.msk [tilespmem:v6+s16+$0x0], $0xffff  }
0x606: {  	v8 =	vld [tilespmem:s24+$0xFFFFFF90]  }
0x607: {  	v9 =	vld [tilespmem:s24+$0xFFFFFFA0]  }
0x608: {  	v10 =	vld [tilespmem:s24+$0xFFFFFFB0]  }
0x609: {  	v11 =	vld [tilespmem:s24+$0xFFFFFFC0]  }
0x60a: {  	s22 =	sadd.s32 $0x100, s22;
	v12 =	vld [tilespmem:s24+$0xFFFFFFD0]  }
0x60b: {  	v13 =	vld [tilespmem:s24+$0xFFFFFFE0];
	[tilespmem:s22+$0x70] =	vst v6  }
0x60c: {  	v6 =	vld [tilespmem:s24+$0xFFFFFFF0]  }
0x60d: {  	v14 =	vld [tilespmem:s24+$0xFFFFFF10]  }
0x60e: {  	v0 =	vld.idx.msk [tilespmem:v0+s16+$0x0], $0xffff  }
0x60f: {  	v1 =	vld.idx.msk [tilespmem:v1+s16+$0x0], $0xffff  }
0x610: {  	v2 =	vld.idx.msk [tilespmem:v2+s16+$0x0], $0xffff  }
0x611: {  	v3 =	vld.idx.msk [tilespmem:v3+s16+$0x0], $0xffff  }
0x612: {  	v4 =	vld.idx.msk [tilespmem:v4+s16+$0x0], $0xffff  }
0x613: {  	v5 =	vld.idx.msk [tilespmem:v5+s16+$0x0], $0xffff  }
0x614: {  	[tilespmem:s22+$0xFFFFFF90] =	vst v0;
	v7 =	vld.idx.msk [tilespmem:v7+s16+$0x0], $0xffff  }
0x615: {  	v14 =	vld.idx.msk [tilespmem:v14+s16+$0x0], $0xffff;
	[tilespmem:s22+$0xFFFFFFA0] =	vst v1  }
0x616: {  	[tilespmem:s22+$0xFFFFFFB0] =	vst v2;
	v8 =	vld.idx.msk [tilespmem:v8+s16+$0x0], $0xffff  }
0x617: {  	[tilespmem:s22+$0xFFFFFFC0] =	vst v3;
	v0 =	vld.idx.msk [tilespmem:v9+s16+$0x0], $0xffff  }
.Ltmp24:
0x618: {  	[tilespmem:s22+$0xFFFFFFD0] =	vst v4;
	v1 =	vld.idx.msk [tilespmem:v10+s16+$0x0], $0xffff;
	(pc) =	sbr.rel @p2 .LBB2_45-.Ltmp24, $4  }
0x619: {  	[tilespmem:s22+$0xFFFFFFE0] =	vst v5;
	v2 =	vld.idx.msk [tilespmem:v11+s16+$0x0], $0xffff  }
0x61a: {  	[tilespmem:s22+$0xFFFFFFF0] =	vst v7;
	v3 =	vld.idx.msk [tilespmem:v12+s16+$0x0], $0xffff  }
0x61b: {  	[tilespmem:s22+$0xFFFFFF80] =	vst v14;
	v4 =	vld.idx.msk [tilespmem:v13+s16+$0x0], $0xffff  }
0x61c: {  	s24 =	sadd.s32 $0x100, s24;
	[tilespmem:s22+$0x0] =	vst v8;
	v5 =	vld.idx.msk [tilespmem:v6+s16+$0x0], $0xffff  }
0x61d: {  	[tilespmem:s22+$0x10] =	vst v0  }
0x61e: {  	[tilespmem:s22+$0x20] =	vst v1  }
0x61f: {  	[tilespmem:s22+$0x30] =	vst v2  }
0x620: {  	[tilespmem:s22+$0x40] =	vst v3  }
0x621: {  	[tilespmem:s22+$0x50] =	vst v4  }
0x622: {  	s31 =	sadd.s32 $0x3800, s11;
	[tilespmem:s22+$0x60] =	vst v5  }
0x623: {  	[hbm4b:s31+s13] =	stream.strided.scatter [tilespmem:s18], [sflag:$0x2], $0x800, s14, s13, $0x38;
	[tilespmem:$0x1F900] =	vst v63  }
0x624: {  	_ =	swait.ge [sflag:s19], $0x800  }
0x625: {  	[sflag:s19] =	ssyncset.done $0x0  }
0x626: {  	s22 =	simm.s32 $0x0;
	[sflag:s19] =	ssyncadd.s32 $0xFFFFF800  }
0x627: {  	v0 =	vld [tilespmem:s22+$0x40F0]  }
0x628: {  	v1 =	vld [tilespmem:s22+$0x4000]  }
0x629: {  	v2 =	vld [tilespmem:s22+$0x4010]  }
0x62a: {  	v3 =	vld [tilespmem:s22+$0x4020]  }
0x62b: {  	v4 =	vld [tilespmem:s22+$0x4030]  }
0x62c: {  	v5 =	vld [tilespmem:s22+$0x4040]  }
0x62d: {  	v6 =	vld [tilespmem:s22+$0x4050]  }
0x62e: {  	v7 =	vld [tilespmem:s22+$0x4060]  }
0x62f: {  	v9 =	vld [tilespmem:s22+$0x4070]  }
0x630: {  	v10 =	vld [tilespmem:s22+$0x4080]  }
0x631: {  	v11 =	vld [tilespmem:s22+$0x4090]  }
0x632: {  	v12 =	vld [tilespmem:s22+$0x40A0]  }
0x633: {  	v13 =	vld [tilespmem:s22+$0x40B0]  }
0x634: {  	v14 =	vld [tilespmem:s22+$0x40C0]  }
0x635: {  	v15 =	vld [tilespmem:s22+$0x40D0]  }
0x636: {  	v8 =	vld.idx.msk [tilespmem:v0+s16+$0x0], $0xffff  }
0x637: {  	v0 =	vld [tilespmem:s22+$0x40E0]  }
0x638: {  	v1 =	vld.idx.msk [tilespmem:v1+s16+$0x0], $0xffff  }
0x639: {  	v2 =	vld.idx.msk [tilespmem:v2+s16+$0x0], $0xffff  }
0x63a: {  	v3 =	vld.idx.msk [tilespmem:v3+s16+$0x0], $0xffff  }
0x63b: {  	v4 =	vld.idx.msk [tilespmem:v4+s16+$0x0], $0xffff  }
0x63c: {  	v5 =	vld.idx.msk [tilespmem:v5+s16+$0x0], $0xffff  }
0x63d: {  	v6 =	vld.idx.msk [tilespmem:v6+s16+$0x0], $0xffff;
	[tilespmem:s22+$0x1E9F0] =	vst v8  }
0x63e: {  	v7 =	vld.idx.msk [tilespmem:v7+s16+$0x0], $0xffff;
	[tilespmem:s22+$0x1E900] =	vst v1  }
0x63f: {  	[tilespmem:s22+$0x1E910] =	vst v2;
	v8 =	vld.idx.msk [tilespmem:v9+s16+$0x0], $0xffff  }
0x640: {  	[tilespmem:s22+$0x1E920] =	vst v3;
	v3 =	vld.idx.msk [tilespmem:v10+s16+$0x0], $0xffff  }
0x641: {  	[tilespmem:s22+$0x1E930] =	vst v4;
	v1 =	vld.idx.msk [tilespmem:v11+s16+$0x0], $0xffff  }
0x642: {  	[tilespmem:s22+$0x1E940] =	vst v5;
	v2 =	vld.idx.msk [tilespmem:v12+s16+$0x0], $0xffff  }
0x643: {  	[tilespmem:s22+$0x1E950] =	vst v6;
	v4 =	vld.idx.msk [tilespmem:v13+s16+$0x0], $0xffff  }
0x644: {  	[tilespmem:s22+$0x1E960] =	vst v7;
	v5 =	vld.idx.msk [tilespmem:v14+s16+$0x0], $0xffff  }
0x645: {  	s23 =	simm.s32 $0x0;
	s24 =	simm.s32 $0x400;
	v6 =	vld.idx.msk [tilespmem:v15+s16+$0x0], $0xffff;
	[tilespmem:s22+$0x1E970] =	vst v8  }
.LBB2_47:
0x646: {  	s25 =	sshra.s32 s24, $0x2;
	s23 =	sadd.s32 $0x10, s23;
	[tilespmem:s22+$0x1E980] =	vst v3;
	v0 =	vld.idx.msk [tilespmem:v0+s16+$0x0], $0xffff  }
0x647: {  	v3 =	vld [tilespmem:s25+$0x40F0];
	p2 =	slt.u32 s23, $0x70;
	[tilespmem:s22+$0x1E990] =	vst v1  }
0x648: {  	v1 =	vld [tilespmem:s25+$0x4000];
	[tilespmem:s22+$0x1E9A0] =	vst v2  }
0x649: {  	v2 =	vld [tilespmem:s25+$0x4010];
	[tilespmem:s22+$0x1E9B0] =	vst v4  }
0x64a: {  	v4 =	vld [tilespmem:s25+$0x4020];
	[tilespmem:s22+$0x1E9C0] =	vst v5  }
0x64b: {  	v5 =	vld [tilespmem:s25+$0x4030];
	[tilespmem:s22+$0x1E9D0] =	vst v6  }
0x64c: {  	v6 =	vld [tilespmem:s25+$0x4040];
	[tilespmem:s22+$0x1E9E0] =	vst v0;
	s22 =	smov.u32 s25  }
0x64d: {  	v7 =	vld [tilespmem:s22+$0x4050]  }
0x64e: {  	v8 =	vld [tilespmem:s22+$0x4060]  }
0x64f: {  	v0 =	vld.idx.msk [tilespmem:v3+s16+$0x0], $0xffff  }
0x650: {  	v3 =	vld [tilespmem:s22+$0x4070]  }
0x651: {  	v9 =	vld [tilespmem:s22+$0x4080]  }
0x652: {  	v10 =	vld [tilespmem:s22+$0x4090]  }
0x653: {  	v11 =	vld [tilespmem:s22+$0x40A0]  }
0x654: {  	v12 =	vld [tilespmem:s22+$0x40B0]  }
0x655: {  	v13 =	vld [tilespmem:s22+$0x40C0];
	[tilespmem:s22+$0x1E9F0] =	vst v0  }
0x656: {  	v14 =	vld [tilespmem:s22+$0x40D0]  }
0x657: {  	v0 =	vld [tilespmem:s22+$0x40E0]  }
0x658: {  	v1 =	vld.idx.msk [tilespmem:v1+s16+$0x0], $0xffff  }
0x659: {  	v2 =	vld.idx.msk [tilespmem:v2+s16+$0x0], $0xffff  }
0x65a: {  	v4 =	vld.idx.msk [tilespmem:v4+s16+$0x0], $0xffff  }
0x65b: {  	v5 =	vld.idx.msk [tilespmem:v5+s16+$0x0], $0xffff  }
0x65c: {  	v6 =	vld.idx.msk [tilespmem:v6+s16+$0x0], $0xffff  }
0x65d: {  	v7 =	vld.idx.msk [tilespmem:v7+s16+$0x0], $0xffff  }
0x65e: {  	[tilespmem:s22+$0x1E900] =	vst v1;
	v8 =	vld.idx.msk [tilespmem:v8+s16+$0x0], $0xffff  }
0x65f: {  	[tilespmem:s22+$0x1E910] =	vst v2;
	v15 =	vld.idx.msk [tilespmem:v3+s16+$0x0], $0xffff  }
0x660: {  	[tilespmem:s22+$0x1E920] =	vst v4;
	v3 =	vld.idx.msk [tilespmem:v9+s16+$0x0], $0xffff  }
.Ltmp25:
0x661: {  	[tilespmem:s22+$0x1E930] =	vst v5;
	v1 =	vld.idx.msk [tilespmem:v10+s16+$0x0], $0xffff;
	(pc) =	sbr.rel @p2 .LBB2_47-.Ltmp25, $4  }
0x662: {  	[tilespmem:s22+$0x1E940] =	vst v6;
	v2 =	vld.idx.msk [tilespmem:v11+s16+$0x0], $0xffff  }
0x663: {  	[tilespmem:s22+$0x1E950] =	vst v7;
	v4 =	vld.idx.msk [tilespmem:v12+s16+$0x0], $0xffff  }
0x664: {  	[tilespmem:s22+$0x1E960] =	vst v8;
	v5 =	vld.idx.msk [tilespmem:v13+s16+$0x0], $0xffff  }
0x665: {  	s24 =	sadd.s32 $0x400, s24;
	[tilespmem:s22+$0x1E970] =	vst v15;
	v6 =	vld.idx.msk [tilespmem:v14+s16+$0x0], $0xffff  }
0x666: {  	_ =	sdelay $0x2  }
0x667: {  	[tilespmem:s22+$0x1E980] =	vst v3  }
0x668: {  	v0 =	vld.idx.msk [tilespmem:v0+s16+$0x0], $0xffff;
	[tilespmem:s22+$0x1E990] =	vst v1  }
0x669: {  	[tilespmem:s22+$0x1E9A0] =	vst v2  }
0x66a: {  	[tilespmem:s22+$0x1E9B0] =	vst v4  }
0x66b: {  	[tilespmem:s22+$0x1E9C0] =	vst v5  }
0x66c: {  	[tilespmem:s22+$0x1E9D0] =	vst v6  }
0x66d: {  	s31 =	sadd.s32 $0x4000, s11;
	[tilespmem:s22+$0x1E9E0] =	vst v0  }
0x66e: {  	[hbm4b:s31+s13] =	stream.strided.scatter [tilespmem:s17], [sflag:$0x1], $0x800, s14, s13, $0x38;
	[tilespmem:$0x1F900] =	vst v63  }
0x66f: {  	_ =	swait.ge [sflag:s20], $0x800  }
0x670: {  	[sflag:s20] =	ssyncset.done $0x0  }
0x671: {  	s22 =	simm.s32 $0x0;
	[sflag:s20] =	ssyncadd.s32 $0xFFFFF800  }
0x672: {  	v0 =	vld [tilespmem:s22+$0x48F0]  }
0x673: {  	v1 =	vld [tilespmem:s22+$0x4800]  }
0x674: {  	v2 =	vld [tilespmem:s22+$0x4810]  }
0x675: {  	v3 =	vld [tilespmem:s22+$0x4820]  }
0x676: {  	v4 =	vld [tilespmem:s22+$0x4830]  }
0x677: {  	v5 =	vld [tilespmem:s22+$0x4840]  }
0x678: {  	v6 =	vld [tilespmem:s22+$0x4850]  }
0x679: {  	v7 =	vld [tilespmem:s22+$0x4860]  }
0x67a: {  	v9 =	vld [tilespmem:s22+$0x4870]  }
0x67b: {  	v10 =	vld [tilespmem:s22+$0x4880]  }
0x67c: {  	v11 =	vld [tilespmem:s22+$0x4890]  }
0x67d: {  	v12 =	vld [tilespmem:s22+$0x48A0]  }
0x67e: {  	v13 =	vld [tilespmem:s22+$0x48B0]  }
0x67f: {  	v14 =	vld [tilespmem:s22+$0x48C0]  }
0x680: {  	v15 =	vld [tilespmem:s22+$0x48D0]  }
0x681: {  	v8 =	vld.idx.msk [tilespmem:v0+s16+$0x0], $0xffff  }
0x682: {  	v0 =	vld [tilespmem:s22+$0x48E0]  }
0x683: {  	v1 =	vld.idx.msk [tilespmem:v1+s16+$0x0], $0xffff  }
0x684: {  	v2 =	vld.idx.msk [tilespmem:v2+s16+$0x0], $0xffff  }
0x685: {  	v3 =	vld.idx.msk [tilespmem:v3+s16+$0x0], $0xffff  }
0x686: {  	v4 =	vld.idx.msk [tilespmem:v4+s16+$0x0], $0xffff  }
0x687: {  	v5 =	vld.idx.msk [tilespmem:v5+s16+$0x0], $0xffff  }
0x688: {  	v6 =	vld.idx.msk [tilespmem:v6+s16+$0x0], $0xffff;
	[tilespmem:s22+$0x1F1F0] =	vst v8  }
0x689: {  	v7 =	vld.idx.msk [tilespmem:v7+s16+$0x0], $0xffff;
	[tilespmem:s22+$0x1F100] =	vst v1  }
0x68a: {  	[tilespmem:s22+$0x1F110] =	vst v2;
	v8 =	vld.idx.msk [tilespmem:v9+s16+$0x0], $0xffff  }
0x68b: {  	[tilespmem:s22+$0x1F120] =	vst v3;
	v3 =	vld.idx.msk [tilespmem:v10+s16+$0x0], $0xffff  }
0x68c: {  	[tilespmem:s22+$0x1F130] =	vst v4;
	v1 =	vld.idx.msk [tilespmem:v11+s16+$0x0], $0xffff  }
0x68d: {  	[tilespmem:s22+$0x1F140] =	vst v5;
	v2 =	vld.idx.msk [tilespmem:v12+s16+$0x0], $0xffff  }
0x68e: {  	[tilespmem:s22+$0x1F150] =	vst v6;
	v4 =	vld.idx.msk [tilespmem:v13+s16+$0x0], $0xffff  }
0x68f: {  	[tilespmem:s22+$0x1F160] =	vst v7;
	v5 =	vld.idx.msk [tilespmem:v14+s16+$0x0], $0xffff  }
0x690: {  	s23 =	simm.s32 $0x0;
	s24 =	simm.s32 $0x400;
	v6 =	vld.idx.msk [tilespmem:v15+s16+$0x0], $0xffff;
	[tilespmem:s22+$0x1F170] =	vst v8  }
.LBB2_49:
0x691: {  	s25 =	sshra.s32 s24, $0x2;
	s23 =	sadd.s32 $0x10, s23;
	[tilespmem:s22+$0x1F180] =	vst v3;
	v0 =	vld.idx.msk [tilespmem:v0+s16+$0x0], $0xffff  }
0x692: {  	v3 =	vld [tilespmem:s25+$0x48F0];
	p2 =	slt.u32 s23, $0x70;
	[tilespmem:s22+$0x1F190] =	vst v1  }
0x693: {  	v1 =	vld [tilespmem:s25+$0x4800];
	[tilespmem:s22+$0x1F1A0] =	vst v2  }
0x694: {  	v2 =	vld [tilespmem:s25+$0x4810];
	[tilespmem:s22+$0x1F1B0] =	vst v4  }
0x695: {  	v4 =	vld [tilespmem:s25+$0x4820];
	[tilespmem:s22+$0x1F1C0] =	vst v5  }
0x696: {  	v5 =	vld [tilespmem:s25+$0x4830];
	[tilespmem:s22+$0x1F1D0] =	vst v6  }
0x697: {  	v6 =	vld [tilespmem:s25+$0x4840];
	[tilespmem:s22+$0x1F1E0] =	vst v0;
	s22 =	smov.u32 s25  }
0x698: {  	v7 =	vld [tilespmem:s22+$0x4850]  }
0x699: {  	v8 =	vld [tilespmem:s22+$0x4860]  }
0x69a: {  	v0 =	vld.idx.msk [tilespmem:v3+s16+$0x0], $0xffff  }
0x69b: {  	v3 =	vld [tilespmem:s22+$0x4870]  }
0x69c: {  	v9 =	vld [tilespmem:s22+$0x4880]  }
0x69d: {  	v10 =	vld [tilespmem:s22+$0x4890]  }
0x69e: {  	v11 =	vld [tilespmem:s22+$0x48A0]  }
0x69f: {  	v12 =	vld [tilespmem:s22+$0x48B0]  }
0x6a0: {  	v13 =	vld [tilespmem:s22+$0x48C0];
	[tilespmem:s22+$0x1F1F0] =	vst v0  }
0x6a1: {  	v14 =	vld [tilespmem:s22+$0x48D0]  }
0x6a2: {  	v0 =	vld [tilespmem:s22+$0x48E0]  }
0x6a3: {  	v1 =	vld.idx.msk [tilespmem:v1+s16+$0x0], $0xffff  }
0x6a4: {  	v2 =	vld.idx.msk [tilespmem:v2+s16+$0x0], $0xffff  }
0x6a5: {  	v4 =	vld.idx.msk [tilespmem:v4+s16+$0x0], $0xffff  }
0x6a6: {  	v5 =	vld.idx.msk [tilespmem:v5+s16+$0x0], $0xffff  }
0x6a7: {  	v6 =	vld.idx.msk [tilespmem:v6+s16+$0x0], $0xffff  }
0x6a8: {  	v7 =	vld.idx.msk [tilespmem:v7+s16+$0x0], $0xffff  }
0x6a9: {  	[tilespmem:s22+$0x1F100] =	vst v1;
	v8 =	vld.idx.msk [tilespmem:v8+s16+$0x0], $0xffff  }
0x6aa: {  	[tilespmem:s22+$0x1F110] =	vst v2;
	v15 =	vld.idx.msk [tilespmem:v3+s16+$0x0], $0xffff  }
0x6ab: {  	[tilespmem:s22+$0x1F120] =	vst v4;
	v3 =	vld.idx.msk [tilespmem:v9+s16+$0x0], $0xffff  }
.Ltmp26:
0x6ac: {  	[tilespmem:s22+$0x1F130] =	vst v5;
	v1 =	vld.idx.msk [tilespmem:v10+s16+$0x0], $0xffff;
	(pc) =	sbr.rel @p2 .LBB2_49-.Ltmp26, $4  }
0x6ad: {  	[tilespmem:s22+$0x1F140] =	vst v6;
	v2 =	vld.idx.msk [tilespmem:v11+s16+$0x0], $0xffff  }
0x6ae: {  	[tilespmem:s22+$0x1F150] =	vst v7;
	v4 =	vld.idx.msk [tilespmem:v12+s16+$0x0], $0xffff  }
0x6af: {  	[tilespmem:s22+$0x1F160] =	vst v8;
	v5 =	vld.idx.msk [tilespmem:v13+s16+$0x0], $0xffff  }
0x6b0: {  	s24 =	sadd.s32 $0x400, s24;
	[tilespmem:s22+$0x1F170] =	vst v15;
	v6 =	vld.idx.msk [tilespmem:v14+s16+$0x0], $0xffff  }
0x6b1: {  	_ =	sdelay $0x2  }
0x6b2: {  	[tilespmem:s22+$0x1F180] =	vst v3  }
0x6b3: {  	v0 =	vld.idx.msk [tilespmem:v0+s16+$0x0], $0xffff;
	[tilespmem:s22+$0x1F190] =	vst v1  }
0x6b4: {  	[tilespmem:s22+$0x1F1A0] =	vst v2  }
0x6b5: {  	[tilespmem:s22+$0x1F1B0] =	vst v4  }
0x6b6: {  	[tilespmem:s22+$0x1F1C0] =	vst v5  }
0x6b7: {  	[tilespmem:s22+$0x1F1D0] =	vst v6  }
0x6b8: {  	s31 =	sadd.s32 $0x4800, s11;
	[tilespmem:s22+$0x1F1E0] =	vst v0  }
0x6b9: {  	[hbm4b:s31+s13] =	stream.strided.scatter [tilespmem:s18], [sflag:$0x2], $0x800, s14, s13, $0x38;
	[tilespmem:$0x1F900] =	vst v63  }
0x6ba: {  	_ =	swait.ge [sflag:s19], $0x800  }
0x6bb: {  	[sflag:s19] =	ssyncset.done $0x0  }
0x6bc: {  	s22 =	simm.s32 $0x0;
	[sflag:s19] =	ssyncadd.s32 $0xFFFFF800  }
0x6bd: {  	v0 =	vld [tilespmem:s22+$0x50F0]  }
0x6be: {  	v1 =	vld [tilespmem:s22+$0x5000]  }
0x6bf: {  	v2 =	vld [tilespmem:s22+$0x5010]  }
0x6c0: {  	v3 =	vld [tilespmem:s22+$0x5020]  }
0x6c1: {  	v4 =	vld [tilespmem:s22+$0x5030]  }
0x6c2: {  	v5 =	vld [tilespmem:s22+$0x5040]  }
0x6c3: {  	v6 =	vld [tilespmem:s22+$0x5050]  }
0x6c4: {  	v7 =	vld [tilespmem:s22+$0x5060]  }
0x6c5: {  	v9 =	vld [tilespmem:s22+$0x5070]  }
0x6c6: {  	v10 =	vld [tilespmem:s22+$0x5080]  }
0x6c7: {  	v11 =	vld [tilespmem:s22+$0x5090]  }
0x6c8: {  	v12 =	vld [tilespmem:s22+$0x50A0]  }
0x6c9: {  	v13 =	vld [tilespmem:s22+$0x50B0]  }
0x6ca: {  	v14 =	vld [tilespmem:s22+$0x50C0]  }
0x6cb: {  	v15 =	vld [tilespmem:s22+$0x50D0]  }
0x6cc: {  	v8 =	vld.idx.msk [tilespmem:v0+s16+$0x0], $0xffff  }
0x6cd: {  	v0 =	vld [tilespmem:s22+$0x50E0]  }
0x6ce: {  	v1 =	vld.idx.msk [tilespmem:v1+s16+$0x0], $0xffff  }
0x6cf: {  	v2 =	vld.idx.msk [tilespmem:v2+s16+$0x0], $0xffff  }
0x6d0: {  	v3 =	vld.idx.msk [tilespmem:v3+s16+$0x0], $0xffff  }
0x6d1: {  	v4 =	vld.idx.msk [tilespmem:v4+s16+$0x0], $0xffff  }
0x6d2: {  	v5 =	vld.idx.msk [tilespmem:v5+s16+$0x0], $0xffff  }
0x6d3: {  	v6 =	vld.idx.msk [tilespmem:v6+s16+$0x0], $0xffff;
	[tilespmem:s22+$0x1E9F0] =	vst v8  }
0x6d4: {  	v7 =	vld.idx.msk [tilespmem:v7+s16+$0x0], $0xffff;
	[tilespmem:s22+$0x1E900] =	vst v1  }
0x6d5: {  	[tilespmem:s22+$0x1E910] =	vst v2;
	v8 =	vld.idx.msk [tilespmem:v9+s16+$0x0], $0xffff  }
0x6d6: {  	[tilespmem:s22+$0x1E920] =	vst v3;
	v3 =	vld.idx.msk [tilespmem:v10+s16+$0x0], $0xffff  }
0x6d7: {  	[tilespmem:s22+$0x1E930] =	vst v4;
	v1 =	vld.idx.msk [tilespmem:v11+s16+$0x0], $0xffff  }
0x6d8: {  	[tilespmem:s22+$0x1E940] =	vst v5;
	v2 =	vld.idx.msk [tilespmem:v12+s16+$0x0], $0xffff  }
0x6d9: {  	[tilespmem:s22+$0x1E950] =	vst v6;
	v4 =	vld.idx.msk [tilespmem:v13+s16+$0x0], $0xffff  }
0x6da: {  	[tilespmem:s22+$0x1E960] =	vst v7;
	v5 =	vld.idx.msk [tilespmem:v14+s16+$0x0], $0xffff  }
0x6db: {  	s23 =	simm.s32 $0x0;
	s24 =	simm.s32 $0x400;
	v6 =	vld.idx.msk [tilespmem:v15+s16+$0x0], $0xffff;
	[tilespmem:s22+$0x1E970] =	vst v8  }
.LBB2_51:
0x6dc: {  	s25 =	sshra.s32 s24, $0x2;
	s23 =	sadd.s32 $0x10, s23;
	[tilespmem:s22+$0x1E980] =	vst v3;
	v0 =	vld.idx.msk [tilespmem:v0+s16+$0x0], $0xffff  }
0x6dd: {  	v3 =	vld [tilespmem:s25+$0x50F0];
	p2 =	slt.u32 s23, $0x70;
	[tilespmem:s22+$0x1E990] =	vst v1  }
0x6de: {  	v1 =	vld [tilespmem:s25+$0x5000];
	[tilespmem:s22+$0x1E9A0] =	vst v2  }
0x6df: {  	v2 =	vld [tilespmem:s25+$0x5010];
	[tilespmem:s22+$0x1E9B0] =	vst v4  }
0x6e0: {  	v4 =	vld [tilespmem:s25+$0x5020];
	[tilespmem:s22+$0x1E9C0] =	vst v5  }
0x6e1: {  	v5 =	vld [tilespmem:s25+$0x5030];
	[tilespmem:s22+$0x1E9D0] =	vst v6  }
0x6e2: {  	v6 =	vld [tilespmem:s25+$0x5040];
	[tilespmem:s22+$0x1E9E0] =	vst v0;
	s22 =	smov.u32 s25  }
0x6e3: {  	v7 =	vld [tilespmem:s22+$0x5050]  }
0x6e4: {  	v8 =	vld [tilespmem:s22+$0x5060]  }
0x6e5: {  	v0 =	vld.idx.msk [tilespmem:v3+s16+$0x0], $0xffff  }
0x6e6: {  	v3 =	vld [tilespmem:s22+$0x5070]  }
0x6e7: {  	v9 =	vld [tilespmem:s22+$0x5080]  }
0x6e8: {  	v10 =	vld [tilespmem:s22+$0x5090]  }
0x6e9: {  	v11 =	vld [tilespmem:s22+$0x50A0]  }
0x6ea: {  	v12 =	vld [tilespmem:s22+$0x50B0]  }
0x6eb: {  	v13 =	vld [tilespmem:s22+$0x50C0];
	[tilespmem:s22+$0x1E9F0] =	vst v0  }
0x6ec: {  	v14 =	vld [tilespmem:s22+$0x50D0]  }
0x6ed: {  	v0 =	vld [tilespmem:s22+$0x50E0]  }
0x6ee: {  	v1 =	vld.idx.msk [tilespmem:v1+s16+$0x0], $0xffff  }
0x6ef: {  	v2 =	vld.idx.msk [tilespmem:v2+s16+$0x0], $0xffff  }
0x6f0: {  	v4 =	vld.idx.msk [tilespmem:v4+s16+$0x0], $0xffff  }
0x6f1: {  	v5 =	vld.idx.msk [tilespmem:v5+s16+$0x0], $0xffff  }
0x6f2: {  	v6 =	vld.idx.msk [tilespmem:v6+s16+$0x0], $0xffff  }
0x6f3: {  	v7 =	vld.idx.msk [tilespmem:v7+s16+$0x0], $0xffff  }
0x6f4: {  	[tilespmem:s22+$0x1E900] =	vst v1;
	v8 =	vld.idx.msk [tilespmem:v8+s16+$0x0], $0xffff  }
0x6f5: {  	[tilespmem:s22+$0x1E910] =	vst v2;
	v15 =	vld.idx.msk [tilespmem:v3+s16+$0x0], $0xffff  }
0x6f6: {  	[tilespmem:s22+$0x1E920] =	vst v4;
	v3 =	vld.idx.msk [tilespmem:v9+s16+$0x0], $0xffff  }
.Ltmp27:
0x6f7: {  	[tilespmem:s22+$0x1E930] =	vst v5;
	v1 =	vld.idx.msk [tilespmem:v10+s16+$0x0], $0xffff;
	(pc) =	sbr.rel @p2 .LBB2_51-.Ltmp27, $4  }
0x6f8: {  	[tilespmem:s22+$0x1E940] =	vst v6;
	v2 =	vld.idx.msk [tilespmem:v11+s16+$0x0], $0xffff  }
0x6f9: {  	[tilespmem:s22+$0x1E950] =	vst v7;
	v4 =	vld.idx.msk [tilespmem:v12+s16+$0x0], $0xffff  }
0x6fa: {  	[tilespmem:s22+$0x1E960] =	vst v8;
	v5 =	vld.idx.msk [tilespmem:v13+s16+$0x0], $0xffff  }
0x6fb: {  	s24 =	sadd.s32 $0x400, s24;
	[tilespmem:s22+$0x1E970] =	vst v15;
	v6 =	vld.idx.msk [tilespmem:v14+s16+$0x0], $0xffff  }
0x6fc: {  	_ =	sdelay $0x2  }
0x6fd: {  	[tilespmem:s22+$0x1E980] =	vst v3  }
0x6fe: {  	v0 =	vld.idx.msk [tilespmem:v0+s16+$0x0], $0xffff;
	[tilespmem:s22+$0x1E990] =	vst v1  }
0x6ff: {  	[tilespmem:s22+$0x1E9A0] =	vst v2  }
0x700: {  	[tilespmem:s22+$0x1E9B0] =	vst v4  }
0x701: {  	[tilespmem:s22+$0x1E9C0] =	vst v5  }
0x702: {  	[tilespmem:s22+$0x1E9D0] =	vst v6  }
0x703: {  	s31 =	sadd.s32 $0x5000, s11;
	[tilespmem:s22+$0x1E9E0] =	vst v0  }
0x704: {  	[hbm4b:s31+s13] =	stream.strided.scatter [tilespmem:s17], [sflag:$0x1], $0x800, s14, s13, $0x38;
	[tilespmem:$0x1F900] =	vst v63  }
0x705: {  	_ =	swait.ge [sflag:s20], $0x800  }
0x706: {  	[sflag:s20] =	ssyncset.done $0x0  }
0x707: {  	s22 =	simm.s32 $0x0;
	[sflag:s20] =	ssyncadd.s32 $0xFFFFF800  }
0x708: {  	v0 =	vld [tilespmem:s22+$0x58F0]  }
0x709: {  	v1 =	vld [tilespmem:s22+$0x5800]  }
0x70a: {  	v2 =	vld [tilespmem:s22+$0x5810]  }
0x70b: {  	v3 =	vld [tilespmem:s22+$0x5820]  }
0x70c: {  	v4 =	vld [tilespmem:s22+$0x5830]  }
0x70d: {  	v5 =	vld [tilespmem:s22+$0x5840]  }
0x70e: {  	v6 =	vld [tilespmem:s22+$0x5850]  }
0x70f: {  	v7 =	vld [tilespmem:s22+$0x5860]  }
0x710: {  	v9 =	vld [tilespmem:s22+$0x5870]  }
0x711: {  	v10 =	vld [tilespmem:s22+$0x5880]  }
0x712: {  	v11 =	vld [tilespmem:s22+$0x5890]  }
0x713: {  	v12 =	vld [tilespmem:s22+$0x58A0]  }
0x714: {  	v13 =	vld [tilespmem:s22+$0x58B0]  }
0x715: {  	v14 =	vld [tilespmem:s22+$0x58C0]  }
0x716: {  	v15 =	vld [tilespmem:s22+$0x58D0]  }
0x717: {  	v8 =	vld.idx.msk [tilespmem:v0+s16+$0x0], $0xffff  }
0x718: {  	v0 =	vld [tilespmem:s22+$0x58E0]  }
0x719: {  	v1 =	vld.idx.msk [tilespmem:v1+s16+$0x0], $0xffff  }
0x71a: {  	v2 =	vld.idx.msk [tilespmem:v2+s16+$0x0], $0xffff  }
0x71b: {  	v3 =	vld.idx.msk [tilespmem:v3+s16+$0x0], $0xffff  }
0x71c: {  	v4 =	vld.idx.msk [tilespmem:v4+s16+$0x0], $0xffff  }
0x71d: {  	v5 =	vld.idx.msk [tilespmem:v5+s16+$0x0], $0xffff  }
0x71e: {  	v6 =	vld.idx.msk [tilespmem:v6+s16+$0x0], $0xffff;
	[tilespmem:s22+$0x1F1F0] =	vst v8  }
0x71f: {  	v7 =	vld.idx.msk [tilespmem:v7+s16+$0x0], $0xffff;
	[tilespmem:s22+$0x1F100] =	vst v1  }
0x720: {  	[tilespmem:s22+$0x1F110] =	vst v2;
	v8 =	vld.idx.msk [tilespmem:v9+s16+$0x0], $0xffff  }
0x721: {  	[tilespmem:s22+$0x1F120] =	vst v3;
	v3 =	vld.idx.msk [tilespmem:v10+s16+$0x0], $0xffff  }
0x722: {  	[tilespmem:s22+$0x1F130] =	vst v4;
	v1 =	vld.idx.msk [tilespmem:v11+s16+$0x0], $0xffff  }
0x723: {  	[tilespmem:s22+$0x1F140] =	vst v5;
	v2 =	vld.idx.msk [tilespmem:v12+s16+$0x0], $0xffff  }
0x724: {  	[tilespmem:s22+$0x1F150] =	vst v6;
	v4 =	vld.idx.msk [tilespmem:v13+s16+$0x0], $0xffff  }
0x725: {  	[tilespmem:s22+$0x1F160] =	vst v7;
	v5 =	vld.idx.msk [tilespmem:v14+s16+$0x0], $0xffff  }
0x726: {  	s23 =	simm.s32 $0x0;
	s24 =	simm.s32 $0x400;
	v6 =	vld.idx.msk [tilespmem:v15+s16+$0x0], $0xffff;
	[tilespmem:s22+$0x1F170] =	vst v8  }
.LBB2_53:
0x727: {  	s25 =	sshra.s32 s24, $0x2;
	s23 =	sadd.s32 $0x10, s23;
	[tilespmem:s22+$0x1F180] =	vst v3;
	v0 =	vld.idx.msk [tilespmem:v0+s16+$0x0], $0xffff  }
0x728: {  	v3 =	vld [tilespmem:s25+$0x58F0];
	p2 =	slt.u32 s23, $0x70;
	[tilespmem:s22+$0x1F190] =	vst v1  }
0x729: {  	v1 =	vld [tilespmem:s25+$0x5800];
	[tilespmem:s22+$0x1F1A0] =	vst v2  }
0x72a: {  	v2 =	vld [tilespmem:s25+$0x5810];
	[tilespmem:s22+$0x1F1B0] =	vst v4  }
0x72b: {  	v4 =	vld [tilespmem:s25+$0x5820];
	[tilespmem:s22+$0x1F1C0] =	vst v5  }
0x72c: {  	v5 =	vld [tilespmem:s25+$0x5830];
	[tilespmem:s22+$0x1F1D0] =	vst v6  }
0x72d: {  	v6 =	vld [tilespmem:s25+$0x5840];
	[tilespmem:s22+$0x1F1E0] =	vst v0;
	s22 =	smov.u32 s25  }
0x72e: {  	v7 =	vld [tilespmem:s22+$0x5850]  }
0x72f: {  	v8 =	vld [tilespmem:s22+$0x5860]  }
0x730: {  	v0 =	vld.idx.msk [tilespmem:v3+s16+$0x0], $0xffff  }
0x731: {  	v3 =	vld [tilespmem:s22+$0x5870]  }
0x732: {  	v9 =	vld [tilespmem:s22+$0x5880]  }
0x733: {  	v10 =	vld [tilespmem:s22+$0x5890]  }
0x734: {  	v11 =	vld [tilespmem:s22+$0x58A0]  }
0x735: {  	v12 =	vld [tilespmem:s22+$0x58B0]  }
0x736: {  	v13 =	vld [tilespmem:s22+$0x58C0];
	[tilespmem:s22+$0x1F1F0] =	vst v0  }
0x737: {  	v14 =	vld [tilespmem:s22+$0x58D0]  }
0x738: {  	v0 =	vld [tilespmem:s22+$0x58E0]  }
0x739: {  	v1 =	vld.idx.msk [tilespmem:v1+s16+$0x0], $0xffff  }
0x73a: {  	v2 =	vld.idx.msk [tilespmem:v2+s16+$0x0], $0xffff  }
0x73b: {  	v4 =	vld.idx.msk [tilespmem:v4+s16+$0x0], $0xffff  }
0x73c: {  	v5 =	vld.idx.msk [tilespmem:v5+s16+$0x0], $0xffff  }
0x73d: {  	v6 =	vld.idx.msk [tilespmem:v6+s16+$0x0], $0xffff  }
0x73e: {  	v7 =	vld.idx.msk [tilespmem:v7+s16+$0x0], $0xffff  }
0x73f: {  	[tilespmem:s22+$0x1F100] =	vst v1;
	v8 =	vld.idx.msk [tilespmem:v8+s16+$0x0], $0xffff  }
0x740: {  	[tilespmem:s22+$0x1F110] =	vst v2;
	v15 =	vld.idx.msk [tilespmem:v3+s16+$0x0], $0xffff  }
0x741: {  	[tilespmem:s22+$0x1F120] =	vst v4;
	v3 =	vld.idx.msk [tilespmem:v9+s16+$0x0], $0xffff  }
.Ltmp28:
0x742: {  	[tilespmem:s22+$0x1F130] =	vst v5;
	v1 =	vld.idx.msk [tilespmem:v10+s16+$0x0], $0xffff;
	(pc) =	sbr.rel @p2 .LBB2_53-.Ltmp28, $4  }
0x743: {  	[tilespmem:s22+$0x1F140] =	vst v6;
	v2 =	vld.idx.msk [tilespmem:v11+s16+$0x0], $0xffff  }
0x744: {  	[tilespmem:s22+$0x1F150] =	vst v7;
	v4 =	vld.idx.msk [tilespmem:v12+s16+$0x0], $0xffff  }
0x745: {  	[tilespmem:s22+$0x1F160] =	vst v8;
	v5 =	vld.idx.msk [tilespmem:v13+s16+$0x0], $0xffff  }
0x746: {  	s24 =	sadd.s32 $0x400, s24;
	[tilespmem:s22+$0x1F170] =	vst v15;
	v6 =	vld.idx.msk [tilespmem:v14+s16+$0x0], $0xffff  }
0x747: {  	_ =	sdelay $0x2  }
0x748: {  	[tilespmem:s22+$0x1F180] =	vst v3  }
0x749: {  	v0 =	vld.idx.msk [tilespmem:v0+s16+$0x0], $0xffff;
	[tilespmem:s22+$0x1F190] =	vst v1  }
0x74a: {  	[tilespmem:s22+$0x1F1A0] =	vst v2  }
0x74b: {  	[tilespmem:s22+$0x1F1B0] =	vst v4  }
0x74c: {  	[tilespmem:s22+$0x1F1C0] =	vst v5  }
0x74d: {  	[tilespmem:s22+$0x1F1D0] =	vst v6  }
0x74e: {  	s31 =	sadd.s32 $0x5800, s11;
	[tilespmem:s22+$0x1F1E0] =	vst v0  }
0x74f: {  	[hbm4b:s31+s13] =	stream.strided.scatter [tilespmem:s18], [sflag:$0x2], $0x800, s14, s13, $0x38;
	[tilespmem:$0x1F900] =	vst v63  }
0x750: {  	_ =	swait.ge [sflag:s19], $0x800  }
0x751: {  	[sflag:s19] =	ssyncset.done $0x0  }
0x752: {  	p2 =	por $0x1, $0x1;
	s22 =	simm.s32 $0x0;
	[sflag:s19] =	ssyncadd.s32 $0xFFFFF800  }
.LBB2_55:
0x753: {  	v0 =	vld [tilespmem:s22+$0x6000]  }
0x754: {  	v1 =	vld [tilespmem:s22+$0x6010]  }
0x755: {  	v2 =	vld [tilespmem:s22+$0x6020]  }
0x756: {  	v3 =	vld [tilespmem:s22+$0x6030]  }
0x757: {  	v4 =	vld [tilespmem:s22+$0x6040]  }
0x758: {  	v5 =	vld [tilespmem:s22+$0x6050]  }
0x759: {  	v6 =	vld [tilespmem:s22+$0x6060]  }
0x75a: {  	v7 =	vld [tilespmem:s22+$0x6070]  }
0x75b: {  	v8 =	vld [tilespmem:s22+$0x6080]  }
0x75c: {  	v9 =	vld [tilespmem:s22+$0x6090]  }
0x75d: {  	v10 =	vld [tilespmem:s22+$0x60A0]  }
0x75e: {  	v11 =	vld [tilespmem:s22+$0x60B0]  }
0x75f: {  	v12 =	vld [tilespmem:s22+$0x60C0]  }
0x760: {  	v56 =	vld [tilespmem:s22+$0x60D0]  }
0x761: {  	v57 =	vld [tilespmem:s22+$0x60E0]  }
0x762: {  	v58 =	vld [tilespmem:s22+$0x60F0]  }
0x763: {  	v0 =	vld.idx.msk [tilespmem:v0+s16+$0x0], $0xffff  }
0x764: {  	v1 =	vld.idx.msk [tilespmem:v1+s16+$0x0], $0xffff  }
0x765: {  	v2 =	vld.idx.msk [tilespmem:v2+s16+$0x0], $0xffff  }
0x766: {  	v3 =	vld.idx.msk [tilespmem:v3+s16+$0x0], $0xffff  }
0x767: {  	v4 =	vld.idx.msk [tilespmem:v4+s16+$0x0], $0xffff  }
0x768: {  	v5 =	vld.idx.msk [tilespmem:v5+s16+$0x0], $0xffff;
	[tilespmem:s22+$0x1E900] =	vst v0  }
0x769: {  	v6 =	vld.idx.msk [tilespmem:v6+s16+$0x0], $0xffff;
	[tilespmem:s22+$0x1E910] =	vst v1  }
0x76a: {  	v7 =	vld.idx.msk [tilespmem:v7+s16+$0x0], $0xffff;
	[tilespmem:s22+$0x1E920] =	vst v2  }
0x76b: {  	v59 =	vld.idx.msk [tilespmem:v8+s16+$0x0], $0xffff;
	[tilespmem:s22+$0x1E930] =	vst v3  }
0x76c: {  	v60 =	vld.idx.msk [tilespmem:v9+s16+$0x0], $0xffff;
	[tilespmem:s22+$0x1E940] =	vst v4  }
0x76d: {  	v61 =	vld.idx.msk [tilespmem:v10+s16+$0x0], $0xffff;
	[tilespmem:s22+$0x1E950] =	vst v5  }
0x76e: {  	v62 =	vld.idx.msk [tilespmem:v11+s16+$0x0], $0xffff;
	[tilespmem:s22+$0x1E960] =	vst v6  }
0x76f: {  	v63 =	vld.idx.msk [tilespmem:v12+s16+$0x0], $0xffff;
	[tilespmem:s22+$0x1E970] =	vst v7  }
0x770: {  	[tilespmem:s22+$0x1E980] =	vst v59;
	v0 =	vld.idx.msk [tilespmem:v56+s16+$0x0], $0xffff  }
0x771: {  	[tilespmem:s22+$0x1E990] =	vst v60;
	v1 =	vld.idx.msk [tilespmem:v57+s16+$0x0], $0xffff  }
0x772: {  	p3 =	por p2, p2;
	[tilespmem:s22+$0x1E9A0] =	vst v61;
	v2 =	vld.idx.msk [tilespmem:v58+s16+$0x0], $0xffff  }
.Ltmp29:
0x773: {  	[tilespmem:s22+$0x1E9B0] =	vst v62;
	(pc) =	sbr.rel @p3 .LBB2_55-.Ltmp29, $4  }
0x774: {  	[tilespmem:s22+$0x1E9C0] =	vst v63  }
0x775: {  	[tilespmem:s22+$0x1E9D0] =	vst v0  }
0x776: {  	[tilespmem:s22+$0x1E9E0] =	vst v1  }
0x777: {  	p2 =	por $0x0, $0x0;
	[tilespmem:s22+$0x1E9F0] =	vst v2;
	s22 =	simm.s32 $0x100  }
0x778: {  	s22 =	sadd.s32 $0x6000, s11  }
0x779: {  	[hbm4b:s22+s13] =	stream.strided.scatter [tilespmem:s17], [sflag:$0x1], $0x200, s14, s13, $0x38;
	[tilespmem:$0x1F900] =	vst v63  }
0x77a: {  	_ =	swait.ge [sflag:s20], $0x800  }
.Ltmp30:
0x77b: {  	[sflag:s20] =	ssyncset.done $0x0;
	(pc) =	sbr.rel .LBB2_57-.Ltmp30, $4  }
0x77c: {  	[sflag:s20] =	ssyncadd.s32 $0xFFFFF800  }
0x77d: {  	_ =	swait.ge [sflag:s19], $0x200  }
0x77e: {  	[sflag:s19] =	ssyncset.done $0x0  }
0x77f: {  	[sflag:s19] =	ssyncadd.s32 $0xFFFFFE00  }
.LBB2_58:
0x780: {  	_ =	sfence.sel $0x180000  }
0x781: {  	[bflag:$0x0] =	sbarrier.arrive $0xFFFF  }
0x782: {  	p0 =	sne.s32 s2, $0x0;
	_ =	strace $0x90000047  }
0x783: {  	s0 =	sadd.s32 @!p0 $0x100000, s0;
	[bflag:$0x2] =	sbarrier.arrive $0xFFFF  }
0x784: {  	[sflag:s0] =	ssyncadd.tile.s32 @!p0 $0x1;
	_ =	shalt  }
.Lfunc_end2:
_tile_overlayer_lowered:
.L_overlay_start_2:
0x785: {  	(tag) =	ssettag $0x2  }
0x786: {  	s0 =	rddreg [dreg:$0x0];
	s2 =	stileid.u32  }
0x787: {  	s1 =	rddreg [dreg:$0x1];
	p0 =	sne.s32 s2, $0x0  }
0x788: {  	s3 =	rddreg [dreg:$0x2];
	[bflag:$0x3] =	sbarrier.arrive $0xFFFF;
	s2 =	simm.s32 @!p0 $0x1C03  }
0x789: {  	[timem:s3], [sflag:s2] =	dma.local @!p0 [hbm:s0], s1  }
0x78a: {  	s0 =	simm.s32 @!p0 $0x3  }
0x78b: {  	_ =	swait.ge @!p0 [sflag:s0], s1  }
0x78c: {  	s1 =	ssub.s32 @!p0 $0x0, s1;
	[sflag:s0] =	ssyncset.done @!p0 $0x0  }
0x78d: {  	[sflag:s0] =	ssyncadd.s32 @!p0 s1  }
0x78e: {  	[bflag:$0x3] =	sbarrier.arrive $0xFFFF  }
0x78f: {  	_ =	shalt  }

</sc_bundles>
